<compile_context>
chip_gen: v7x
topology: tpu7x:2x2x1
jax: 0.10.2.dev20260603
libtpu: 0.0.44.dev20260713+nightly
codegen_flags: <defaults>
</compile_context>

<pallas_src>
import functools

import jax
import jax.numpy as jnp
from jax import lax
from jax.experimental import pallas as pl
from jax.experimental.pallas import tpu as pltpu
from jax.experimental.pallas import tpu_sc as plsc

N_NODES = 10000
NODE_DIM = 128
HALF = NODE_DIM // 2
LBL_DIM = 16
Z_DIM = 128
N_EDGES = 320000

NC = 2
NS = 16
ROW = 128
EP = 327680
NROWS = EP // ROW
RPT = NROWS // (NC * NS)
RPT1 = NROWS // NS
G = 4
LG = 2
NACC = 10240
NPT = NACC // NS
NTAB = N_NODES + 1
NB = 327680
BPT = NB // NS
SENT = NB - 1


def _fill2d(ref, rows, cols, val, dtype):
  v = jnp.full((16,), val, dtype)

  def body(i, _):
    for j in range(cols // 16):
      ref[i, pl.ds(j * 16, 16)] = v
    return 0

  lax.fori_loop(0, rows, body, 0)


def _fill1d(ref, n, val, dtype):
  v = jnp.full((16,), val, dtype)

  def body(i, _):
    ref[pl.ds(i * 16, 16)] = v
    return 0

  lax.fori_loop(0, n // 16, body, 0)


def _agg_body(h2_hbm, srci_hbm, dsti_hbm, lbl_hbm,
              ph_hbm, plb_hbm,
              idxb, hbuf, lbuf, sems,
              agg_h, agg_l):
  c = lax.axis_index("c")
  s = lax.axis_index("s")
  w = c * NS + s
  off = c * NTAB

  _fill2d(hbuf, ROW, HALF, 0.0, jnp.float32)
  _fill2d(lbuf, ROW, LBL_DIM, 0.0, jnp.float32)

  nb = s * NPT
  for k in range(NPT // ROW):
    sl = pl.ds(nb + k * ROW, ROW)
    pltpu.sync_copy(hbuf.at[pl.ds(0, ROW)], agg_h.at[sl])
    pltpu.sync_copy(lbuf.at[pl.ds(0, ROW)], agg_l.at[sl])
  plsc.subcore_barrier()

  def load_batch(r0, half):
    pltpu.sync_copy(srci_hbm.at[pl.ds(r0, G)], idxb.at[pl.ds(half * 2 * G, G)])
    pltpu.sync_copy(dsti_hbm.at[pl.ds(r0, G)],
                    idxb.at[pl.ds(half * 2 * G + G, G)])

    def fix(i, _):
      for jj in range(ROW // 16):
        sl = pl.ds(jj * 16, 16)
        row = half * 2 * G + i
        idxb[row, sl] = idxb[row, sl] + off
      return 0

    lax.fori_loop(0, G, fix, 0)

  def fire_gathers(half, sem):
    ds_ = []
    for k in range(G):
      ds_.append(pltpu.async_copy(
          h2_hbm.at[idxb.at[half * 2 * G + k]],
          hbuf.at[pl.ds((half * G + k) * ROW, ROW)], sem))
    return ds_

  def scatter_batch(half):
    for k in range(G):
      pltpu.sync_copy(hbuf.at[pl.ds((half * G + k) * ROW, ROW)],
                      agg_h.at[idxb.at[half * 2 * G + G + k]], add=True)

  def h_pair(q, _):
    r0 = s * RPT1 + q * 2 * G
    load_batch(r0, 0)
    da = fire_gathers(0, sems.at[0])
    load_batch(r0 + G, 1)
    db = fire_gathers(1, sems.at[1])
    for d in da:
      d.wait()
    scatter_batch(0)
    for d in db:
      d.wait()
    scatter_batch(1)
    return 0

  lax.fori_loop(0, RPT1 // (2 * G), h_pair, 0)

  def l_pair(q, _):
    r0 = w * RPT + q * 2 * LG
    ds_ = []
    for half in range(2):
      rh = r0 + half * LG
      pltpu.sync_copy(dsti_hbm.at[pl.ds(rh, LG)],
                      idxb.at[pl.ds(half * LG, LG)])
      ds_.append(pltpu.async_copy(
          lbl_hbm.at[pl.ds(rh * ROW, LG * ROW)],
          lbuf.at[pl.ds(half * LG * ROW, LG * ROW)], sems.at[half]))
    for half in range(2):
      ds_[half].wait()
      for k in range(LG):
        pltpu.sync_copy(lbuf.at[pl.ds((half * LG + k) * ROW, ROW)],
                        agg_l.at[idxb.at[half * LG + k]], add=True)
    return 0

  lax.fori_loop(0, RPT // (2 * LG), l_pair, 0)
  plsc.subcore_barrier()

  for k in range(NPT // ROW):
    sl = pl.ds(nb + k * ROW, ROW)
    pltpu.sync_copy(agg_h.at[sl], ph_hbm.at[c, sl])
    pltpu.sync_copy(agg_l.at[sl], plb_hbm.at[c, sl])


_agg = pl.kernel(
    _agg_body,
    out_type=[
        jax.ShapeDtypeStruct((NC, NACC, HALF), jnp.float32),
        jax.ShapeDtypeStruct((NC, NACC, LBL_DIM), jnp.float32),
    ],
    mesh=plsc.VectorSubcoreMesh(core_axis_name="c", subcore_axis_name="s"),
    compiler_params=pltpu.CompilerParams(use_tc_tiling_on_sc=False),
    scratch_types=[
        pltpu.VMEM((4 * G, ROW), jnp.int32),
        pltpu.VMEM((2 * G * ROW, HALF), jnp.float32),
        pltpu.VMEM((2 * LG * ROW, LBL_DIM), jnp.float32),
        pltpu.SemaphoreType.DMA((2,)),
        pltpu.VMEM_SHARED((NACC, HALF), jnp.float32),
        pltpu.VMEM_SHARED((NACC, LBL_DIM), jnp.float32),
    ],
)


def _denom_body(dsti_hbm, inv_hbm, bkt_hbm,
                dst_all, ones_v, zb, dvbuf, degi, dbuf, invbuf, sem,
                bucket_sp, deg_sp):
  s = lax.axis_index("s")

  _fill1d(zb, 2048, 0.0, jnp.float32)
  _fill1d(ones_v, ROW, 1.0, jnp.float32)
  for k in range(BPT // 2048):
    pltpu.sync_copy(zb, bucket_sp.at[pl.ds(s * BPT + k * 2048, 2048)])
  pltpu.sync_copy(zb.at[pl.ds(0, NPT)], deg_sp.at[pl.ds(s * NPT, NPT)])
  pltpu.sync_copy(dsti_hbm.at[pl.ds(s * RPT1, RPT1)], dst_all)
  plsc.subcore_barrier()

  def deg_batch(q, _):
    ds_ = []
    for k in range(8):
      ds_.append(pltpu.async_copy(
          ones_v, deg_sp.at[dst_all.at[q * 8 + k]], sem, add=True))
    for d in ds_:
      d.wait()
    return 0

  lax.fori_loop(0, RPT1 // 8, deg_batch, 0)
  plsc.subcore_barrier()

  n0 = s * NPT
  pltpu.sync_copy(deg_sp.at[pl.ds(n0, NPT)], dvbuf)
  for i in range(NPT // 16):
    x = dvbuf[pl.ds(i * 16, 16)]
    n = n0 + i * 16 + lax.iota(jnp.int32, 16)
    idx = jnp.where(n < N_NODES, x.astype(jnp.int32), SENT)
    degi[i // 8, pl.ds((i % 8) * 16, 16)] = idx

  ds_ = []
  for k in range(NPT // ROW):
    ds_.append(pltpu.async_copy(ones_v, bucket_sp.at[degi.at[k]], sem,
                                add=True))
  for d in ds_:
    d.wait()
  plsc.subcore_barrier()

  pltpu.sync_copy(bucket_sp.at[pl.ds(s * BPT, BPT)], bkt_hbm.at[pl.ds(s * BPT, BPT)])
  plsc.subcore_barrier()

  ds_ = []
  for k in range(NPT // ROW):
    ds_.append(pltpu.async_copy(bkt_hbm.at[degi.at[k]],
                                dbuf.at[pl.ds(k * ROW, ROW)], sem))
  for d in ds_:
    d.wait()
  for i in range(NPT // 16):
    d = dbuf[pl.ds(i * 16, 16)]
    invbuf[pl.ds(i * 16, 16)] = 1.0 / d
  pltpu.sync_copy(invbuf, inv_hbm.at[pl.ds(n0, NPT)])


_denom = pl.kernel(
    _denom_body,
    out_type=[
        jax.ShapeDtypeStruct((NACC,), jnp.float32),
        jax.ShapeDtypeStruct((NB,), jnp.float32),
    ],
    mesh=plsc.VectorSubcoreMesh(core_axis_name="c", subcore_axis_name="s"),
    scratch_types=[
        pltpu.VMEM((RPT1, ROW), jnp.int32),
        pltpu.VMEM((ROW,), jnp.float32),
        pltpu.VMEM((2048,), jnp.float32),
        pltpu.VMEM((NPT,), jnp.float32),
        pltpu.VMEM((NPT // ROW, ROW), jnp.int32),
        pltpu.VMEM((NPT,), jnp.float32),
        pltpu.VMEM((NPT,), jnp.float32),
        pltpu.SemaphoreType.DMA,
        pltpu.VMEM_SHARED((NB,), jnp.float32),
        pltpu.VMEM_SHARED((NACC,), jnp.float32),
    ],
)


def _linear_body(ph, plb, inv, w1, w2, o):
  b = plb[0] + plb[1]
  acc = lax.dot_general(ph[0], w1[:, :HALF], (((1,), (1,)), ((), ())),
                        preferred_element_type=jnp.float32,
                        precision=lax.Precision.HIGHEST)
  acc = acc + lax.dot_general(ph[1], w1[:, HALF:], (((1,), (1,)), ((), ())),
                              preferred_element_type=jnp.float32,
                              precision=lax.Precision.HIGHEST)
  acc = acc + lax.dot_general(b, w2[...], (((1,), (1,)), ((), ())),
                              preferred_element_type=jnp.float32,
                              precision=lax.Precision.HIGHEST)
  acc = acc * inv[...]
  o[...] = jnp.where(acc > 0, acc, jnp.exp(jnp.minimum(acc, 0.0)) - 1.0)


_TC_BLK = 1024


def _linear(ph, plb, inv, w1, w2):
  grid = (NACC // _TC_BLK,)
  return pl.pallas_call(
      _linear_body,
      grid=grid,
      in_specs=[
          pl.BlockSpec((NC, _TC_BLK, HALF), lambda i: (0, i, 0)),
          pl.BlockSpec((NC, _TC_BLK, LBL_DIM), lambda i: (0, i, 0)),
          pl.BlockSpec((_TC_BLK, 1), lambda i: (i, 0)),
          pl.BlockSpec((Z_DIM, NODE_DIM), lambda i: (0, 0)),
          pl.BlockSpec((Z_DIM, LBL_DIM), lambda i: (0, 0)),
      ],
      out_specs=pl.BlockSpec((_TC_BLK, Z_DIM), lambda i: (i, 0)),
      out_shape=jax.ShapeDtypeStruct((NACC, Z_DIM), jnp.float32),
  )(ph, plb, inv, w1, w2)


@jax.jit
def kernel(h, edge_index, edge_lbl, W):
  pad = EP - N_EDGES
  src = edge_index[0]
  dst = edge_index[1]
  fill = jnp.full((pad,), N_NODES, jnp.int32)
  srcp = jnp.concatenate([src, fill]).reshape(NROWS, ROW)
  dstp = jnp.concatenate([dst, fill]).reshape(NROWS, ROW)
  lblp = jnp.concatenate(
      [edge_lbl, jnp.zeros((pad, LBL_DIM), jnp.float32)], axis=0)
  hp = jnp.concatenate([h, jnp.zeros((1, NODE_DIM), jnp.float32)], axis=0)
  h2 = jnp.concatenate([hp[:, :HALF], hp[:, HALF:]], axis=0)

  ph, plb = _agg(h2, srcp, dstp, lblp)
  inv, _ = _denom(dstp)

  z = _linear(ph, plb, inv.reshape(NACC, 1), W[:, :NODE_DIM], W[:, NODE_DIM:])
  return z[:N_NODES]

# --- scband reference (transcript-rebuilt; emitter-appended) ---
"""Pipeline reference for scband-weighted-agg-edge-concat-node-67439576482328 (READ-ONLY COPY).

The authoritative reference and input builder live on the scoring server;
editing this copy changes nothing except your own understanding.
"""

import jax, jax.numpy as jnp
import numpy as np

N_NODES = 10000
N_EDGES = 320000
NODE_DIM = 128
EDGE_LBL_DIM = 16
Z_DIM = 128


def setup_inputs(seed: int = 0) -> dict:
    key = jax.random.key(seed)
    k1, k2, k3, k4 = jax.random.split(key, 4)
    h = jax.random.normal(k1, (N_NODES, NODE_DIM), dtype=jnp.float32)
    edge_index = jax.random.randint(k2, (2, N_EDGES), 0, N_NODES, dtype=jnp.int64 if jax.config.jax_enable_x64 else jnp.int32).astype(jnp.int32)
    edge_lbl = jax.random.normal(k3, (N_EDGES, EDGE_LBL_DIM), dtype=jnp.float32)
    # Linear(node_dim + edge_ft_out_dim -> z_concat_edges_dim, bias=False)
    in_dim = NODE_DIM + EDGE_LBL_DIM
    W = jax.random.normal(k4, (Z_DIM, in_dim), dtype=jnp.float32) * (1.0 / np.sqrt(in_dim))
    return {"h": h, "edge_index": edge_index, "edge_lbl": edge_lbl, "W": W}


def reference(h, edge_index, edge_lbl, W):
    N = h.shape[0]
    E = edge_lbl.shape[0]
    src = edge_index[0]
    dst = edge_index[1]
    # gnn_msg: per-edge message = concat(src node feat, edge label)
    msg = jnp.concatenate([h[src], edge_lbl], axis=1)  # [E, node_dim + edge_lbl_dim]
    # gnn_reduce: DGL buckets destination nodes by in-degree; within a bucket,
    # accum = sum(mailbox, axis=1) / len(nodes_in_bucket).
    agg = jax.ops.segment_sum(msg, dst, num_segments=N)  # [N, in_dim]
    deg = jnp.bincount(dst, length=N)  # in-degree per node
    bucket_count = jnp.bincount(deg, length=E + 1)  # nodes per degree bucket
    denom = bucket_count[deg].astype(jnp.float32)  # per-node bucket size (>=1)
    accum = agg / denom[:, None]  # zero-degree nodes have agg==0 -> stay 0
    # node_update: linear (no bias) + ELU, applied to all nodes
    z = jax.nn.elu(accum @ W.T)
    return z

if __name__ == "__main__":
    import jax
    _d = setup_inputs()
    print(jax.jit(kernel)(*tuple(_d.values())))

</pallas_src>

<mosaic_0001>
#map = affine_map<(d0, d1) -> (0, 0)>
#map1 = affine_map<(d0, d1) -> (0)>
module attributes {stable_mosaic.version = 14 : i64} {
  func.func @_denom_body(%arg0: i32, %arg1: i32, %arg2: memref<2560x128xi32, #tpu.memory_space<hbm>>, %arg3: memref<10240xf32, #tpu.memory_space<hbm>>, %arg4: memref<327680xf32, #tpu.memory_space<hbm>>, %arg5: memref<160x128xi32, #tpu.memory_space<vmem>>, %arg6: memref<128xf32, #tpu.memory_space<vmem>>, %arg7: memref<2048xf32, #tpu.memory_space<vmem>>, %arg8: memref<640xf32, #tpu.memory_space<vmem>>, %arg9: memref<5x128xi32, #tpu.memory_space<vmem>>, %arg10: memref<640xf32, #tpu.memory_space<vmem>>, %arg11: memref<640xf32, #tpu.memory_space<vmem>>, %arg12: memref<!tpu.dma_semaphore, #tpu.memory_space<semaphore_mem>>, %arg13: memref<327680xf32, #tpu.memory_space<vmem_shared>>, %arg14: memref<10240xf32, #tpu.memory_space<vmem_shared>>) attributes {dimension_semantics = [#tpu.dimension_semantics<core_parallel>, #tpu.dimension_semantics<subcore_parallel>], iteration_bounds = array<i64: 2, 16>, scalar_prefetch = 0 : i64, scratch_operands = 10 : i64, tpu.core_type = #tpu.core_type<sc_vector_subcore>, window_params = [{transform_indices = #map}, {transform_indices = #map1}, {transform_indices = #map1}]} {
    %broadcast_in_dim3A = arith.constant 0.000000e+00 : f32
    %broadcast_in_dim3A_0 = vector.broadcast %broadcast_in_dim3A : f32 to vector<16xf32>
    %scan3A = arith.constant 0 : i32
    %scan3A_1 = arith.constant 0 : i32
    %scan3A_2 = arith.constant 128 : i32
    %scan3A_3 = arith.addi %scan3A_1, %scan3A_2 : i32
    %scan3A_4 = arith.constant 1 : i32
    %scan3A_5 = scf.for %scan3A_1444 = %scan3A_1 to %scan3A_3 step %scan3A_4 iter_args(%scan3A_1445 = %scan3A) -> (i32)  : i32 {
      %mul3A_1446 = arith.constant 16 : i32
      %mul3A_1447 = arith.muli %scan3A_1444, %mul3A_1446 : i32
      %swap3A_1448 = arith.index_cast %mul3A_1447 : i32 to index
      %swap3A_1449 = tpu.vector_load %arg7[%swap3A_1448] {strides = array<i32>} : memref<2048xf32, #tpu.memory_space<vmem>>, vector<16xf32>,
      %swap3A_1450 = vector.shape_cast %swap3A_1449 : vector<16xf32> to vector<16xf32>
      %swap3A_1451 = vector.shape_cast %broadcast_in_dim3A_0 : vector<16xf32> to vector<16xf32>
      tpu.vector_store %arg7[%swap3A_1448], %swap3A_1451 {strides = array<i32>} : memref<2048xf32, #tpu.memory_space<vmem>>, vector<16xf32>,
      %scan3A_1452 = arith.constant 0 : i32
      scf.yield %scan3A_1452 : i32
    }
    %scan3A_6 = arith.constant 128 : i32
    %broadcast_in_dim3A_7 = arith.constant 1.000000e+00 : f32
    %broadcast_in_dim3A_8 = vector.broadcast %broadcast_in_dim3A_7 : f32 to vector<16xf32>
    %scan3A_9 = arith.constant 0 : i32
    %scan3A_10 = arith.constant 0 : i32
    %scan3A_11 = arith.constant 8 : i32
    %scan3A_12 = arith.addi %scan3A_10, %scan3A_11 : i32
    %scan3A_13 = arith.constant 1 : i32
    %scan3A_14 = scf.for %scan3A_1444 = %scan3A_10 to %scan3A_12 step %scan3A_13 iter_args(%scan3A_1445 = %scan3A_9) -> (i32)  : i32 {
      %mul3A_1446 = arith.constant 16 : i32
      %mul3A_1447 = arith.muli %scan3A_1444, %mul3A_1446 : i32
      %swap3A_1448 = arith.index_cast %mul3A_1447 : i32 to index
      %swap3A_1449 = tpu.vector_load %arg6[%swap3A_1448] {strides = array<i32>} : memref<128xf32, #tpu.memory_space<vmem>>, vector<16xf32>,
      %swap3A_1450 = vector.shape_cast %swap3A_1449 : vector<16xf32> to vector<16xf32>
      %swap3A_1451 = vector.shape_cast %broadcast_in_dim3A_8 : vector<16xf32> to vector<16xf32>
      tpu.vector_store %arg6[%swap3A_1448], %swap3A_1451 {strides = array<i32>} : memref<128xf32, #tpu.memory_space<vmem>>, vector<16xf32>,
      %scan3A_1452 = arith.constant 0 : i32
      scf.yield %scan3A_1452 : i32
    }
    %scan3A_15 = arith.constant 8 : i32
    %mul3A = arith.constant 20480 : i32
    %mul3A_16 = arith.muli %arg1, %mul3A : i32
    %add3A = arith.constant 0 : i32
    %add3A_17 = arith.addi %mul3A_16, %add3A : i32
    "tpu.region"() ({
      %run_scoped3A = tpu.sem_alloc : memref<!tpu.dma_semaphore, #tpu.memory_space<semaphore_mem>>
      %dma_start3A_1444 = tpu.memref_slice %arg13[%add3A_17] : memref<327680xf32, #tpu.memory_space<vmem_shared>> -> memref<2048xf32, #tpu.memory_space<vmem_shared>>
      %dma_start3A_1445 = tpu.memref_slice %arg13[%add3A_17] : memref<327680xf32, #tpu.memory_space<vmem_shared>> -> memref<2048xf32, #tpu.memory_space<vmem_shared>>
      tpu.enqueue_dma source(%arg7 : memref<2048xf32, #tpu.memory_space<vmem>>) target(%dma_start3A_1445 : memref<2048xf32, #tpu.memory_space<vmem_shared>>) target_semaphore(%run_scoped3A : memref<!tpu.dma_semaphore, #tpu.memory_space<semaphore_mem>>)
      %dma_wait3A_1446 = tpu.memref_slice %arg13[%add3A_17] : memref<327680xf32, #tpu.memory_space<vmem_shared>> -> memref<2048xf32, #tpu.memory_space<vmem_shared>>
      %dma_wait3A_1447 = tpu.memref_slice %arg13[%add3A_17] : memref<327680xf32, #tpu.memory_space<vmem_shared>> -> memref<2048xf32, #tpu.memory_space<vmem_shared>>
      tpu.wait_dma2 semaphore(%run_scoped3A : memref<!tpu.dma_semaphore, #tpu.memory_space<semaphore_mem>>) src(%arg7 : memref<2048xf32, #tpu.memory_space<vmem>>) dst(%dma_wait3A_1447 : memref<2048xf32, #tpu.memory_space<vmem_shared>>)
      tpu.yield
    }) : () -> ()
    %mul3A_18 = arith.constant 20480 : i32
    %mul3A_19 = arith.muli %arg1, %mul3A_18 : i32
    %add3A_20 = arith.constant 2048 : i32
    %add3A_21 = arith.addi %mul3A_19, %add3A_20 : i32
    "tpu.region"() ({
      %run_scoped3A = tpu.sem_alloc : memref<!tpu.dma_semaphore, #tpu.memory_space<semaphore_mem>>
      %dma_start3A_1444 = tpu.memref_slice %arg13[%add3A_21] : memref<327680xf32, #tpu.memory_space<vmem_shared>> -> memref<2048xf32, #tpu.memory_space<vmem_shared>>
      %dma_start3A_1445 = tpu.memref_slice %arg13[%add3A_21] : memref<327680xf32, #tpu.memory_space<vmem_shared>> -> memref<2048xf32, #tpu.memory_space<vmem_shared>>
      tpu.enqueue_dma source(%arg7 : memref<2048xf32, #tpu.memory_space<vmem>>) target(%dma_start3A_1445 : memref<2048xf32, #tpu.memory_space<vmem_shared>>) target_semaphore(%run_scoped3A : memref<!tpu.dma_semaphore, #tpu.memory_space<semaphore_mem>>)
      %dma_wait3A_1446 = tpu.memref_slice %arg13[%add3A_21] : memref<327680xf32, #tpu.memory_space<vmem_shared>> -> memref<2048xf32, #tpu.memory_space<vmem_shared>>
      %dma_wait3A_1447 = tpu.memref_slice %arg13[%add3A_21] : memref<327680xf32, #tpu.memory_space<vmem_shared>> -> memref<2048xf32, #tpu.memory_space<vmem_shared>>
      tpu.wait_dma2 semaphore(%run_scoped3A : memref<!tpu.dma_semaphore, #tpu.memory_space<semaphore_mem>>) src(%arg7 : memref<2048xf32, #tpu.memory_space<vmem>>) dst(%dma_wait3A_1447 : memref<2048xf32, #tpu.memory_space<vmem_shared>>)
      tpu.yield
    }) : () -> ()
    %mul3A_22 = arith.constant 20480 : i32
    %mul3A_23 = arith.muli %arg1, %mul3A_22 : i32
    %add3A_24 = arith.constant 4096 : i32
    %add3A_25 = arith.addi %mul3A_23, %add3A_24 : i32
    "tpu.region"() ({
      %run_scoped3A = tpu.sem_alloc : memref<!tpu.dma_semaphore, #tpu.memory_space<semaphore_mem>>
      %dma_start3A_1444 = tpu.memref_slice %arg13[%add3A_25] : memref<327680xf32, #tpu.memory_space<vmem_shared>> -> memref<2048xf32, #tpu.memory_space<vmem_shared>>
      %dma_start3A_1445 = tpu.memref_slice %arg13[%add3A_25] : memref<327680xf32, #tpu.memory_space<vmem_shared>> -> memref<2048xf32, #tpu.memory_space<vmem_shared>>
      tpu.enqueue_dma source(%arg7 : memref<2048xf32, #tpu.memory_space<vmem>>) target(%dma_start3A_1445 : memref<2048xf32, #tpu.memory_space<vmem_shared>>) target_semaphore(%run_scoped3A : memref<!tpu.dma_semaphore, #tpu.memory_space<semaphore_mem>>)
      %dma_wait3A_1446 = tpu.memref_slice %arg13[%add3A_25] : memref<327680xf32, #tpu.memory_space<vmem_shared>> -> memref<2048xf32, #tpu.memory_space<vmem_shared>>
      %dma_wait3A_1447 = tpu.memref_slice %arg13[%add3A_25] : memref<327680xf32, #tpu.memory_space<vmem_shared>> -> memref<2048xf32, #tpu.memory_space<vmem_shared>>
      tpu.wait_dma2 semaphore(%run_scoped3A : memref<!tpu.dma_semaphore, #tpu.memory_space<semaphore_mem>>) src(%arg7 : memref<2048xf32, #tpu.memory_space<vmem>>) dst(%dma_wait3A_1447 : memref<2048xf32, #tpu.memory_space<vmem_shared>>)
      tpu.yield
    }) : () -> ()
    %mul3A_26 = arith.constant 20480 : i32
    %mul3A_27 = arith.muli %arg1, %mul3A_26 : i32
    %add3A_28 = arith.constant 6144 : i32
    %add3A_29 = arith.addi %mul3A_27, %add3A_28 : i32
    "tpu.region"() ({
      %run_scoped3A = tpu.sem_alloc : memref<!tpu.dma_semaphore, #tpu.memory_space<semaphore_mem>>
      %dma_start3A_1444 = tpu.memref_slice %arg13[%add3A_29] : memref<327680xf32, #tpu.memory_space<vmem_shared>> -> memref<2048xf32, #tpu.memory_space<vmem_shared>>
      %dma_start3A_1445 = tpu.memref_slice %arg13[%add3A_29] : memref<327680xf32, #tpu.memory_space<vmem_shared>> -> memref<2048xf32, #tpu.memory_space<vmem_shared>>
      tpu.enqueue_dma source(%arg7 : memref<2048xf32, #tpu.memory_space<vmem>>) target(%dma_start3A_1445 : memref<2048xf32, #tpu.memory_space<vmem_shared>>) target_semaphore(%run_scoped3A : memref<!tpu.dma_semaphore, #tpu.memory_space<semaphore_mem>>)
      %dma_wait3A_1446 = tpu.memref_slice %arg13[%add3A_29] : memref<327680xf32, #tpu.memory_space<vmem_shared>> -> memref<2048xf32, #tpu.memory_space<vmem_shared>>
      %dma_wait3A_1447 = tpu.memref_slice %arg13[%add3A_29] : memref<327680xf32, #tpu.memory_space<vmem_shared>> -> memref<2048xf32, #tpu.memory_space<vmem_shared>>
      tpu.wait_dma2 semaphore(%run_scoped3A : memref<!tpu.dma_semaphore, #tpu.memory_space<semaphore_mem>>) src(%arg7 : memref<2048xf32, #tpu.memory_space<vmem>>) dst(%dma_wait3A_1447 : memref<2048xf32, #tpu.memory_space<vmem_shared>>)
      tpu.yield
    }) : () -> ()
    %mul3A_30 = arith.constant 20480 : i32
    %mul3A_31 = arith.muli %arg1, %mul3A_30 : i32
    %add3A_32 = arith.constant 8192 : i32
    %add3A_33 = arith.addi %mul3A_31, %add3A_32 : i32
    "tpu.region"() ({
      %run_scoped3A = tpu.sem_alloc : memref<!tpu.dma_semaphore, #tpu.memory_space<semaphore_mem>>
      %dma_start3A_1444 = tpu.memref_slice %arg13[%add3A_33] : memref<327680xf32, #tpu.memory_space<vmem_shared>> -> memref<2048xf32, #tpu.memory_space<vmem_shared>>
      %dma_start3A_1445 = tpu.memref_slice %arg13[%add3A_33] : memref<327680xf32, #tpu.memory_space<vmem_shared>> -> memref<2048xf32, #tpu.memory_space<vmem_shared>>
      tpu.enqueue_dma source(%arg7 : memref<2048xf32, #tpu.memory_space<vmem>>) target(%dma_start3A_1445 : memref<2048xf32, #tpu.memory_space<vmem_shared>>) target_semaphore(%run_scoped3A : memref<!tpu.dma_semaphore, #tpu.memory_space<semaphore_mem>>)
      %dma_wait3A_1446 = tpu.memref_slice %arg13[%add3A_33] : memref<327680xf32, #tpu.memory_space<vmem_shared>> -> memref<2048xf32, #tpu.memory_space<vmem_shared>>
      %dma_wait3A_1447 = tpu.memref_slice %arg13[%add3A_33] : memref<327680xf32, #tpu.memory_space<vmem_shared>> -> memref<2048xf32, #tpu.memory_space<vmem_shared>>
      tpu.wait_dma2 semaphore(%run_scoped3A : memref<!tpu.dma_semaphore, #tpu.memory_space<semaphore_mem>>) src(%arg7 : memref<2048xf32, #tpu.memory_space<vmem>>) dst(%dma_wait3A_1447 : memref<2048xf32, #tpu.memory_space<vmem_shared>>)
      tpu.yield
    }) : () -> ()
    %mul3A_34 = arith.constant 20480 : i32
    %mul3A_35 = arith.muli %arg1, %mul3A_34 : i32
    %add3A_36 = arith.constant 10240 : i32
    %add3A_37 = arith.addi %mul3A_35, %add3A_36 : i32
    "tpu.region"() ({
      %run_scoped3A = tpu.sem_alloc : memref<!tpu.dma_semaphore, #tpu.memory_space<semaphore_mem>>
      %dma_start3A_1444 = tpu.memref_slice %arg13[%add3A_37] : memref<327680xf32, #tpu.memory_space<vmem_shared>> -> memref<2048xf32, #tpu.memory_space<vmem_shared>>
      %dma_start3A_1445 = tpu.memref_slice %arg13[%add3A_37] : memref<327680xf32, #tpu.memory_space<vmem_shared>> -> memref<2048xf32, #tpu.memory_space<vmem_shared>>
      tpu.enqueue_dma source(%arg7 : memref<2048xf32, #tpu.memory_space<vmem>>) target(%dma_start3A_1445 : memref<2048xf32, #tpu.memory_space<vmem_shared>>) target_semaphore(%run_scoped3A : memref<!tpu.dma_semaphore, #tpu.memory_space<semaphore_mem>>)
      %dma_wait3A_1446 = tpu.memref_slice %arg13[%add3A_37] : memref<327680xf32, #tpu.memory_space<vmem_shared>> -> memref<2048xf32, #tpu.memory_space<vmem_shared>>
      %dma_wait3A_1447 = tpu.memref_slice %arg13[%add3A_37] : memref<327680xf32, #tpu.memory_space<vmem_shared>> -> memref<2048xf32, #tpu.memory_space<vmem_shared>>
      tpu.wait_dma2 semaphore(%run_scoped3A : memref<!tpu.dma_semaphore, #tpu.memory_space<semaphore_mem>>) src(%arg7 : memref<2048xf32, #tpu.memory_space<vmem>>) dst(%dma_wait3A_1447 : memref<2048xf32, #tpu.memory_space<vmem_shared>>)
      tpu.yield
    }) : () -> ()
    %mul3A_38 = arith.constant 20480 : i32
    %mul3A_39 = arith.muli %arg1, %mul3A_38 : i32
    %add3A_40 = arith.constant 12288 : i32
    %add3A_41 = arith.addi %mul3A_39, %add3A_40 : i32
    "tpu.region"() ({
      %run_scoped3A = tpu.sem_alloc : memref<!tpu.dma_semaphore, #tpu.memory_space<semaphore_mem>>
      %dma_start3A_1444 = tpu.memref_slice %arg13[%add3A_41] : memref<327680xf32, #tpu.memory_space<vmem_shared>> -> memref<2048xf32, #tpu.memory_space<vmem_shared>>
      %dma_start3A_1445 = tpu.memref_slice %arg13[%add3A_41] : memref<327680xf32, #tpu.memory_space<vmem_shared>> -> memref<2048xf32, #tpu.memory_space<vmem_shared>>
      tpu.enqueue_dma source(%arg7 : memref<2048xf32, #tpu.memory_space<vmem>>) target(%dma_start3A_1445 : memref<2048xf32, #tpu.memory_space<vmem_shared>>) target_semaphore(%run_scoped3A : memref<!tpu.dma_semaphore, #tpu.memory_space<semaphore_mem>>)
      %dma_wait3A_1446 = tpu.memref_slice %arg13[%add3A_41] : memref<327680xf32, #tpu.memory_space<vmem_shared>> -> memref<2048xf32, #tpu.memory_space<vmem_shared>>
      %dma_wait3A_1447 = tpu.memref_slice %arg13[%add3A_41] : memref<327680xf32, #tpu.memory_space<vmem_shared>> -> memref<2048xf32, #tpu.memory_space<vmem_shared>>
      tpu.wait_dma2 semaphore(%run_scoped3A : memref<!tpu.dma_semaphore, #tpu.memory_space<semaphore_mem>>) src(%arg7 : memref<2048xf32, #tpu.memory_space<vmem>>) dst(%dma_wait3A_1447 : memref<2048xf32, #tpu.memory_space<vmem_shared>>)
      tpu.yield
    }) : () -> ()
    %mul3A_42 = arith.constant 20480 : i32
    %mul3A_43 = arith.muli %arg1, %mul3A_42 : i32
    %add3A_44 = arith.constant 14336 : i32
    %add3A_45 = arith.addi %mul3A_43, %add3A_44 : i32
    "tpu.region"() ({
      %run_scoped3A = tpu.sem_alloc : memref<!tpu.dma_semaphore, #tpu.memory_space<semaphore_mem>>
      %dma_start3A_1444 = tpu.memref_slice %arg13[%add3A_45] : memref<327680xf32, #tpu.memory_space<vmem_shared>> -> memref<2048xf32, #tpu.memory_space<vmem_shared>>
      %dma_start3A_1445 = tpu.memref_slice %arg13[%add3A_45] : memref<327680xf32, #tpu.memory_space<vmem_shared>> -> memref<2048xf32, #tpu.memory_space<vmem_shared>>
      tpu.enqueue_dma source(%arg7 : memref<2048xf32, #tpu.memory_space<vmem>>) target(%dma_start3A_1445 : memref<2048xf32, #tpu.memory_space<vmem_shared>>) target_semaphore(%run_scoped3A : memref<!tpu.dma_semaphore, #tpu.memory_space<semaphore_mem>>)
      %dma_wait3A_1446 = tpu.memref_slice %arg13[%add3A_45] : memref<327680xf32, #tpu.memory_space<vmem_shared>> -> memref<2048xf32, #tpu.memory_space<vmem_shared>>
      %dma_wait3A_1447 = tpu.memref_slice %arg13[%add3A_45] : memref<327680xf32, #tpu.memory_space<vmem_shared>> -> memref<2048xf32, #tpu.memory_space<vmem_shared>>
      tpu.wait_dma2 semaphore(%run_scoped3A : memref<!tpu.dma_semaphore, #tpu.memory_space<semaphore_mem>>) src(%arg7 : memref<2048xf32, #tpu.memory_space<vmem>>) dst(%dma_wait3A_1447 : memref<2048xf32, #tpu.memory_space<vmem_shared>>)
      tpu.yield
    }) : () -> ()
    %mul3A_46 = arith.constant 20480 : i32
    %mul3A_47 = arith.muli %arg1, %mul3A_46 : i32
    %add3A_48 = arith.constant 16384 : i32
    %add3A_49 = arith.addi %mul3A_47, %add3A_48 : i32
    "tpu.region"() ({
      %run_scoped3A = tpu.sem_alloc : memref<!tpu.dma_semaphore, #tpu.memory_space<semaphore_mem>>
      %dma_start3A_1444 = tpu.memref_slice %arg13[%add3A_49] : memref<327680xf32, #tpu.memory_space<vmem_shared>> -> memref<2048xf32, #tpu.memory_space<vmem_shared>>
      %dma_start3A_1445 = tpu.memref_slice %arg13[%add3A_49] : memref<327680xf32, #tpu.memory_space<vmem_shared>> -> memref<2048xf32, #tpu.memory_space<vmem_shared>>
      tpu.enqueue_dma source(%arg7 : memref<2048xf32, #tpu.memory_space<vmem>>) target(%dma_start3A_1445 : memref<2048xf32, #tpu.memory_space<vmem_shared>>) target_semaphore(%run_scoped3A : memref<!tpu.dma_semaphore, #tpu.memory_space<semaphore_mem>>)
      %dma_wait3A_1446 = tpu.memref_slice %arg13[%add3A_49] : memref<327680xf32, #tpu.memory_space<vmem_shared>> -> memref<2048xf32, #tpu.memory_space<vmem_shared>>
      %dma_wait3A_1447 = tpu.memref_slice %arg13[%add3A_49] : memref<327680xf32, #tpu.memory_space<vmem_shared>> -> memref<2048xf32, #tpu.memory_space<vmem_shared>>
      tpu.wait_dma2 semaphore(%run_scoped3A : memref<!tpu.dma_semaphore, #tpu.memory_space<semaphore_mem>>) src(%arg7 : memref<2048xf32, #tpu.memory_space<vmem>>) dst(%dma_wait3A_1447 : memref<2048xf32, #tpu.memory_space<vmem_shared>>)
      tpu.yield
    }) : () -> ()
    %mul3A_50 = arith.constant 20480 : i32
    %mul3A_51 = arith.muli %arg1, %mul3A_50 : i32
    %add3A_52 = arith.constant 18432 : i32
    %add3A_53 = arith.addi %mul3A_51, %add3A_52 : i32
    "tpu.region"() ({
      %run_scoped3A = tpu.sem_alloc : memref<!tpu.dma_semaphore, #tpu.memory_space<semaphore_mem>>
      %dma_start3A_1444 = tpu.memref_slice %arg13[%add3A_53] : memref<327680xf32, #tpu.memory_space<vmem_shared>> -> memref<2048xf32, #tpu.memory_space<vmem_shared>>
      %dma_start3A_1445 = tpu.memref_slice %arg13[%add3A_53] : memref<327680xf32, #tpu.memory_space<vmem_shared>> -> memref<2048xf32, #tpu.memory_space<vmem_shared>>
      tpu.enqueue_dma source(%arg7 : memref<2048xf32, #tpu.memory_space<vmem>>) target(%dma_start3A_1445 : memref<2048xf32, #tpu.memory_space<vmem_shared>>) target_semaphore(%run_scoped3A : memref<!tpu.dma_semaphore, #tpu.memory_space<semaphore_mem>>)
      %dma_wait3A_1446 = tpu.memref_slice %arg13[%add3A_53] : memref<327680xf32, #tpu.memory_space<vmem_shared>> -> memref<2048xf32, #tpu.memory_space<vmem_shared>>
      %dma_wait3A_1447 = tpu.memref_slice %arg13[%add3A_53] : memref<327680xf32, #tpu.memory_space<vmem_shared>> -> memref<2048xf32, #tpu.memory_space<vmem_shared>>
      tpu.wait_dma2 semaphore(%run_scoped3A : memref<!tpu.dma_semaphore, #tpu.memory_space<semaphore_mem>>) src(%arg7 : memref<2048xf32, #tpu.memory_space<vmem>>) dst(%dma_wait3A_1447 : memref<2048xf32, #tpu.memory_space<vmem_shared>>)
      tpu.yield
    }) : () -> ()
    %mul3A_54 = arith.constant 640 : i32
    %mul3A_55 = arith.muli %arg1, %mul3A_54 : i32
    "tpu.region"() ({
      %run_scoped3A = tpu.sem_alloc : memref<!tpu.dma_semaphore, #tpu.memory_space<semaphore_mem>>
      %dma_start3A_1444 = arith.constant 0 : i32
      %dma_start3A_1445 = tpu.memref_slice %arg7[%dma_start3A_1444] : memref<2048xf32, #tpu.memory_space<vmem>> -> memref<640xf32, #tpu.memory_space<vmem>>
      %dma_start3A_1446 = tpu.memref_slice %arg14[%mul3A_55] : memref<10240xf32, #tpu.memory_space<vmem_shared>> -> memref<640xf32, #tpu.memory_space<vmem_shared>>
      %dma_start3A_1447 = tpu.memref_slice %arg14[%mul3A_55] : memref<10240xf32, #tpu.memory_space<vmem_shared>> -> memref<640xf32, #tpu.memory_space<vmem_shared>>
      %dma_start3A_1448 = arith.constant 0 : i32
      %dma_start3A_1449 = tpu.memref_slice %arg7[%dma_start3A_1448] : memref<2048xf32, #tpu.memory_space<vmem>> -> memref<640xf32, #tpu.memory_space<vmem>>
      tpu.enqueue_dma source(%dma_start3A_1449 : memref<640xf32, #tpu.memory_space<vmem>>) target(%dma_start3A_1447 : memref<640xf32, #tpu.memory_space<vmem_shared>>) target_semaphore(%run_scoped3A : memref<!tpu.dma_semaphore, #tpu.memory_space<semaphore_mem>>)
      %dma_wait3A_1450 = arith.constant 0 : i32
      %dma_wait3A_1451 = tpu.memref_slice %arg7[%dma_wait3A_1450] : memref<2048xf32, #tpu.memory_space<vmem>> -> memref<640xf32, #tpu.memory_space<vmem>>
      %dma_wait3A_1452 = tpu.memref_slice %arg14[%mul3A_55] : memref<10240xf32, #tpu.memory_space<vmem_shared>> -> memref<640xf32, #tpu.memory_space<vmem_shared>>
      %dma_wait3A_1453 = tpu.memref_slice %arg14[%mul3A_55] : memref<10240xf32, #tpu.memory_space<vmem_shared>> -> memref<640xf32, #tpu.memory_space<vmem_shared>>
      %dma_wait3A_1454 = arith.constant 0 : i32
      %dma_wait3A_1455 = tpu.memref_slice %arg7[%dma_wait3A_1454] : memref<2048xf32, #tpu.memory_space<vmem>> -> memref<640xf32, #tpu.memory_space<vmem>>
      tpu.wait_dma2 semaphore(%run_scoped3A : memref<!tpu.dma_semaphore, #tpu.memory_space<semaphore_mem>>) src(%dma_wait3A_1455 : memref<640xf32, #tpu.memory_space<vmem>>) dst(%dma_wait3A_1453 : memref<640xf32, #tpu.memory_space<vmem_shared>>)
      tpu.yield
    }) : () -> ()
    %mul3A_56 = arith.constant 160 : i32
    %mul3A_57 = arith.muli %arg1, %mul3A_56 : i32
    "tpu.region"() ({
      %run_scoped3A = tpu.sem_alloc : memref<!tpu.dma_semaphore, #tpu.memory_space<semaphore_mem>>
      %dma_start3A_1444 = arith.constant 0 : i32
      %dma_start3A_1445 = tpu.memref_slice %arg2[%mul3A_57, %dma_start3A_1444] : memref<2560x128xi32, #tpu.memory_space<hbm>> -> memref<160x128xi32, #tpu.memory_space<hbm>>
      %dma_start3A_1446 = arith.constant 0 : i32
      %dma_start3A_1447 = tpu.memref_slice %arg2[%mul3A_57, %dma_start3A_1446] : memref<2560x128xi32, #tpu.memory_space<hbm>> -> memref<160x128xi32, #tpu.memory_space<hbm>>
      tpu.enqueue_dma source(%dma_start3A_1447 : memref<160x128xi32, #tpu.memory_space<hbm>>) target(%arg5 : memref<160x128xi32, #tpu.memory_space<vmem>>) target_semaphore(%run_scoped3A : memref<!tpu.dma_semaphore, #tpu.memory_space<semaphore_mem>>)
      %dma_wait3A_1448 = arith.constant 0 : i32
      %dma_wait3A_1449 = tpu.memref_slice %arg2[%mul3A_57, %dma_wait3A_1448] : memref<2560x128xi32, #tpu.memory_space<hbm>> -> memref<160x128xi32, #tpu.memory_space<hbm>>
      %dma_wait3A_1450 = arith.constant 0 : i32
      %dma_wait3A_1451 = tpu.memref_slice %arg2[%mul3A_57, %dma_wait3A_1450] : memref<2560x128xi32, #tpu.memory_space<hbm>> -> memref<160x128xi32, #tpu.memory_space<hbm>>
      tpu.wait_dma2 semaphore(%run_scoped3A : memref<!tpu.dma_semaphore, #tpu.memory_space<semaphore_mem>>) src(%dma_wait3A_1451 : memref<160x128xi32, #tpu.memory_space<hbm>>) dst(%arg5 : memref<160x128xi32, #tpu.memory_space<vmem>>)
      tpu.yield
    }) : () -> ()
    %barrier3A = arith.constant 0 : index
    tpu.barrier barrier_id(%barrier3A)
    %scan3A_58 = arith.constant 0 : i32
    %scan3A_59 = arith.constant 0 : i32
    %scan3A_60 = arith.constant 20 : i32
    %scan3A_61 = arith.addi %scan3A_59, %scan3A_60 : i32
    %scan3A_62 = arith.constant 1 : i32
    %scan3A_63 = scf.for %scan3A_1444 = %scan3A_59 to %scan3A_61 step %scan3A_62 iter_args(%scan3A_1445 = %scan3A_58) -> (i32)  : i32 {
      %mul3A_1446 = arith.constant 8 : i32
      %mul3A_1447 = arith.muli %scan3A_1444, %mul3A_1446 : i32
      %add3A_1448 = arith.constant 0 : i32
      %add3A_1449 = arith.addi %mul3A_1447, %add3A_1448 : i32
      %dma_start3A_1450 = arith.constant 0 : i32
      %dma_start3A_1451 = tpu.memref_slice %arg5[%add3A_1449, %dma_start3A_1450] : memref<160x128xi32, #tpu.memory_space<vmem>> -> memref<1x128xi32, #tpu.memory_space<vmem>>
      %dma_start3A_1452 = tpu.memref_squeeze %dma_start3A_1451 : memref<1x128xi32, #tpu.memory_space<vmem>> -> memref<128xi32, #tpu.memory_space<vmem>>
      %dma_start3A_1453 = arith.constant 0 : i32
      %dma_start3A_1454 = tpu.memref_slice %arg14[%dma_start3A_1453] : memref<10240xf32, #tpu.memory_space<vmem_shared>> -> memref<10240xf32, #tpu.memory_space<vmem_shared>>
      tpu.enqueue_indirect_dma source(%arg6 : memref<128xf32, #tpu.memory_space<vmem>>) target(%dma_start3A_1454 : memref<10240xf32, #tpu.memory_space<vmem_shared>>) offsets(%dma_start3A_1452 : memref<128xi32, #tpu.memory_space<vmem>>) semaphore(%arg12 : memref<!tpu.dma_semaphore, #tpu.memory_space<semaphore_mem>>) {add = true}
      %mul3A_1455 = arith.constant 8 : i32
      %mul3A_1456 = arith.muli %scan3A_1444, %mul3A_1455 : i32
      %add3A_1457 = arith.constant 1 : i32
      %add3A_1458 = arith.addi %mul3A_1456, %add3A_1457 : i32
      %dma_start3A_1459 = arith.constant 0 : i32
      %dma_start3A_1460 = tpu.memref_slice %arg5[%add3A_1458, %dma_start3A_1459] : memref<160x128xi32, #tpu.memory_space<vmem>> -> memref<1x128xi32, #tpu.memory_space<vmem>>
      %dma_start3A_1461 = tpu.memref_squeeze %dma_start3A_1460 : memref<1x128xi32, #tpu.memory_space<vmem>> -> memref<128xi32, #tpu.memory_space<vmem>>
      %dma_start3A_1462 = arith.constant 0 : i32
      %dma_start3A_1463 = tpu.memref_slice %arg14[%dma_start3A_1462] : memref<10240xf32, #tpu.memory_space<vmem_shared>> -> memref<10240xf32, #tpu.memory_space<vmem_shared>>
      tpu.enqueue_indirect_dma source(%arg6 : memref<128xf32, #tpu.memory_space<vmem>>) target(%dma_start3A_1463 : memref<10240xf32, #tpu.memory_space<vmem_shared>>) offsets(%dma_start3A_1461 : memref<128xi32, #tpu.memory_space<vmem>>) semaphore(%arg12 : memref<!tpu.dma_semaphore, #tpu.memory_space<semaphore_mem>>) {add = true}
      %mul3A_1464 = arith.constant 8 : i32
      %mul3A_1465 = arith.muli %scan3A_1444, %mul3A_1464 : i32
      %add3A_1466 = arith.constant 2 : i32
      %add3A_1467 = arith.addi %mul3A_1465, %add3A_1466 : i32
      %dma_start3A_1468 = arith.constant 0 : i32
      %dma_start3A_1469 = tpu.memref_slice %arg5[%add3A_1467, %dma_start3A_1468] : memref<160x128xi32, #tpu.memory_space<vmem>> -> memref<1x128xi32, #tpu.memory_space<vmem>>
      %dma_start3A_1470 = tpu.memref_squeeze %dma_start3A_1469 : memref<1x128xi32, #tpu.memory_space<vmem>> -> memref<128xi32, #tpu.memory_space<vmem>>
      %dma_start3A_1471 = arith.constant 0 : i32
      %dma_start3A_1472 = tpu.memref_slice %arg14[%dma_start3A_1471] : memref<10240xf32, #tpu.memory_space<vmem_shared>> -> memref<10240xf32, #tpu.memory_space<vmem_shared>>
      tpu.enqueue_indirect_dma source(%arg6 : memref<128xf32, #tpu.memory_space<vmem>>) target(%dma_start3A_1472 : memref<10240xf32, #tpu.memory_space<vmem_shared>>) offsets(%dma_start3A_1470 : memref<128xi32, #tpu.memory_space<vmem>>) semaphore(%arg12 : memref<!tpu.dma_semaphore, #tpu.memory_space<semaphore_mem>>) {add = true}
      %mul3A_1473 = arith.constant 8 : i32
      %mul3A_1474 = arith.muli %scan3A_1444, %mul3A_1473 : i32
      %add3A_1475 = arith.constant 3 : i32
      %add3A_1476 = arith.addi %mul3A_1474, %add3A_1475 : i32
      %dma_start3A_1477 = arith.constant 0 : i32
      %dma_start3A_1478 = tpu.memref_slice %arg5[%add3A_1476, %dma_start3A_1477] : memref<160x128xi32, #tpu.memory_space<vmem>> -> memref<1x128xi32, #tpu.memory_space<vmem>>
      %dma_start3A_1479 = tpu.memref_squeeze %dma_start3A_1478 : memref<1x128xi32, #tpu.memory_space<vmem>> -> memref<128xi32, #tpu.memory_space<vmem>>
      %dma_start3A_1480 = arith.constant 0 : i32
      %dma_start3A_1481 = tpu.memref_slice %arg14[%dma_start3A_1480] : memref<10240xf32, #tpu.memory_space<vmem_shared>> -> memref<10240xf32, #tpu.memory_space<vmem_shared>>
      tpu.enqueue_indirect_dma source(%arg6 : memref<128xf32, #tpu.memory_space<vmem>>) target(%dma_start3A_1481 : memref<10240xf32, #tpu.memory_space<vmem_shared>>) offsets(%dma_start3A_1479 : memref<128xi32, #tpu.memory_space<vmem>>) semaphore(%arg12 : memref<!tpu.dma_semaphore, #tpu.memory_space<semaphore_mem>>) {add = true}
      %mul3A_1482 = arith.constant 8 : i32
      %mul3A_1483 = arith.muli %scan3A_1444, %mul3A_1482 : i32
      %add3A_1484 = arith.constant 4 : i32
      %add3A_1485 = arith.addi %mul3A_1483, %add3A_1484 : i32
      %dma_start3A_1486 = arith.constant 0 : i32
      %dma_start3A_1487 = tpu.memref_slice %arg5[%add3A_1485, %dma_start3A_1486] : memref<160x128xi32, #tpu.memory_space<vmem>> -> memref<1x128xi32, #tpu.memory_space<vmem>>
      %dma_start3A_1488 = tpu.memref_squeeze %dma_start3A_1487 : memref<1x128xi32, #tpu.memory_space<vmem>> -> memref<128xi32, #tpu.memory_space<vmem>>
      %dma_start3A_1489 = arith.constant 0 : i32
      %dma_start3A_1490 = tpu.memref_slice %arg14[%dma_start3A_1489] : memref<10240xf32, #tpu.memory_space<vmem_shared>> -> memref<10240xf32, #tpu.memory_space<vmem_shared>>
      tpu.enqueue_indirect_dma source(%arg6 : memref<128xf32, #tpu.memory_space<vmem>>) target(%dma_start3A_1490 : memref<10240xf32, #tpu.memory_space<vmem_shared>>) offsets(%dma_start3A_1488 : memref<128xi32, #tpu.memory_space<vmem>>) semaphore(%arg12 : memref<!tpu.dma_semaphore, #tpu.memory_space<semaphore_mem>>) {add = true}
      %mul3A_1491 = arith.constant 8 : i32
      %mul3A_1492 = arith.muli %scan3A_1444, %mul3A_1491 : i32
      %add3A_1493 = arith.constant 5 : i32
      %add3A_1494 = arith.addi %mul3A_1492, %add3A_1493 : i32
      %dma_start3A_1495 = arith.constant 0 : i32
      %dma_start3A_1496 = tpu.memref_slice %arg5[%add3A_1494, %dma_start3A_1495] : memref<160x128xi32, #tpu.memory_space<vmem>> -> memref<1x128xi32, #tpu.memory_space<vmem>>
      %dma_start3A_1497 = tpu.memref_squeeze %dma_start3A_1496 : memref<1x128xi32, #tpu.memory_space<vmem>> -> memref<128xi32, #tpu.memory_space<vmem>>
      %dma_start3A_1498 = arith.constant 0 : i32
      %dma_start3A_1499 = tpu.memref_slice %arg14[%dma_start3A_1498] : memref<10240xf32, #tpu.memory_space<vmem_shared>> -> memref<10240xf32, #tpu.memory_space<vmem_shared>>
      tpu.enqueue_indirect_dma source(%arg6 : memref<128xf32, #tpu.memory_space<vmem>>) target(%dma_start3A_1499 : memref<10240xf32, #tpu.memory_space<vmem_shared>>) offsets(%dma_start3A_1497 : memref<128xi32, #tpu.memory_space<vmem>>) semaphore(%arg12 : memref<!tpu.dma_semaphore, #tpu.memory_space<semaphore_mem>>) {add = true}
      %mul3A_1500 = arith.constant 8 : i32
      %mul3A_1501 = arith.muli %scan3A_1444, %mul3A_1500 : i32
      %add3A_1502 = arith.constant 6 : i32
      %add3A_1503 = arith.addi %mul3A_1501, %add3A_1502 : i32
      %dma_start3A_1504 = arith.constant 0 : i32
      %dma_start3A_1505 = tpu.memref_slice %arg5[%add3A_1503, %dma_start3A_1504] : memref<160x128xi32, #tpu.memory_space<vmem>> -> memref<1x128xi32, #tpu.memory_space<vmem>>
      %dma_start3A_1506 = tpu.memref_squeeze %dma_start3A_1505 : memref<1x128xi32, #tpu.memory_space<vmem>> -> memref<128xi32, #tpu.memory_space<vmem>>
      %dma_start3A_1507 = arith.constant 0 : i32
      %dma_start3A_1508 = tpu.memref_slice %arg14[%dma_start3A_1507] : memref<10240xf32, #tpu.memory_space<vmem_shared>> -> memref<10240xf32, #tpu.memory_space<vmem_shared>>
      tpu.enqueue_indirect_dma source(%arg6 : memref<128xf32, #tpu.memory_space<vmem>>) target(%dma_start3A_1508 : memref<10240xf32, #tpu.memory_space<vmem_shared>>) offsets(%dma_start3A_1506 : memref<128xi32, #tpu.memory_space<vmem>>) semaphore(%arg12 : memref<!tpu.dma_semaphore, #tpu.memory_space<semaphore_mem>>) {add = true}
      %mul3A_1509 = arith.constant 8 : i32
      %mul3A_1510 = arith.muli %scan3A_1444, %mul3A_1509 : i32
      %add3A_1511 = arith.constant 7 : i32
      %add3A_1512 = arith.addi %mul3A_1510, %add3A_1511 : i32
      %dma_start3A_1513 = arith.constant 0 : i32
      %dma_start3A_1514 = tpu.memref_slice %arg5[%add3A_1512, %dma_start3A_1513] : memref<160x128xi32, #tpu.memory_space<vmem>> -> memref<1x128xi32, #tpu.memory_space<vmem>>
      %dma_start3A_1515 = tpu.memref_squeeze %dma_start3A_1514 : memref<1x128xi32, #tpu.memory_space<vmem>> -> memref<128xi32, #tpu.memory_space<vmem>>
      %dma_start3A_1516 = arith.constant 0 : i32
      %dma_start3A_1517 = tpu.memref_slice %arg14[%dma_start3A_1516] : memref<10240xf32, #tpu.memory_space<vmem_shared>> -> memref<10240xf32, #tpu.memory_space<vmem_shared>>
      tpu.enqueue_indirect_dma source(%arg6 : memref<128xf32, #tpu.memory_space<vmem>>) target(%dma_start3A_1517 : memref<10240xf32, #tpu.memory_space<vmem_shared>>) offsets(%dma_start3A_1515 : memref<128xi32, #tpu.memory_space<vmem>>) semaphore(%arg12 : memref<!tpu.dma_semaphore, #tpu.memory_space<semaphore_mem>>) {add = true}
      %dma_wait3A_1518 = arith.constant 0 : i32
      %dma_wait3A_1519 = tpu.memref_slice %arg5[%add3A_1449, %dma_wait3A_1518] : memref<160x128xi32, #tpu.memory_space<vmem>> -> memref<1x128xi32, #tpu.memory_space<vmem>>
      %dma_wait3A_1520 = tpu.memref_squeeze %dma_wait3A_1519 : memref<1x128xi32, #tpu.memory_space<vmem>> -> memref<128xi32, #tpu.memory_space<vmem>>
      %dma_wait3A_1521 = arith.constant 0 : i32
      %dma_wait3A_1522 = tpu.memref_slice %arg14[%dma_wait3A_1521] : memref<10240xf32, #tpu.memory_space<vmem_shared>> -> memref<10240xf32, #tpu.memory_space<vmem_shared>>
      tpu.wait_indirect_dma semaphore(%arg12 : memref<!tpu.dma_semaphore, #tpu.memory_space<semaphore_mem>>) src(%arg6 : memref<128xf32, #tpu.memory_space<vmem>>) dst(%dma_wait3A_1522 : memref<10240xf32, #tpu.memory_space<vmem_shared>>)
      %dma_wait3A_1523 = arith.constant 0 : i32
      %dma_wait3A_1524 = tpu.memref_slice %arg5[%add3A_1458, %dma_wait3A_1523] : memref<160x128xi32, #tpu.memory_space<vmem>> -> memref<1x128xi32, #tpu.memory_space<vmem>>
      %dma_wait3A_1525 = tpu.memref_squeeze %dma_wait3A_1524 : memref<1x128xi32, #tpu.memory_space<vmem>> -> memref<128xi32, #tpu.memory_space<vmem>>
      %dma_wait3A_1526 = arith.constant 0 : i32
      %dma_wait3A_1527 = tpu.memref_slice %arg14[%dma_wait3A_1526] : memref<10240xf32, #tpu.memory_space<vmem_shared>> -> memref<10240xf32, #tpu.memory_space<vmem_shared>>
      tpu.wait_indirect_dma semaphore(%arg12 : memref<!tpu.dma_semaphore, #tpu.memory_space<semaphore_mem>>) src(%arg6 : memref<128xf32, #tpu.memory_space<vmem>>) dst(%dma_wait3A_1527 : memref<10240xf32, #tpu.memory_space<vmem_shared>>)
      %dma_wait3A_1528 = arith.constant 0 : i32
      %dma_wait3A_1529 = tpu.memref_slice %arg5[%add3A_1467, %dma_wait3A_1528] : memref<160x128xi32, #tpu.memory_space<vmem>> -> memref<1x128xi32, #tpu.memory_space<vmem>>
      %dma_wait3A_1530 = tpu.memref_squeeze %dma_wait3A_1529 : memref<1x128xi32, #tpu.memory_space<vmem>> -> memref<128xi32, #tpu.memory_space<vmem>>
      %dma_wait3A_1531 = arith.constant 0 : i32
      %dma_wait3A_1532 = tpu.memref_slice %arg14[%dma_wait3A_1531] : memref<10240xf32, #tpu.memory_space<vmem_shared>> -> memref<10240xf32, #tpu.memory_space<vmem_shared>>
      tpu.wait_indirect_dma semaphore(%arg12 : memref<!tpu.dma_semaphore, #tpu.memory_space<semaphore_mem>>) src(%arg6 : memref<128xf32, #tpu.memory_space<vmem>>) dst(%dma_wait3A_1532 : memref<10240xf32, #tpu.memory_space<vmem_shared>>)
      %dma_wait3A_1533 = arith.constant 0 : i32
      %dma_wait3A_1534 = tpu.memref_slice %arg5[%add3A_1476, %dma_wait3A_1533] : memref<160x128xi32, #tpu.memory_space<vmem>> -> memref<1x128xi32, #tpu.memory_space<vmem>>
      %dma_wait3A_1535 = tpu.memref_squeeze %dma_wait3A_1534 : memref<1x128xi32, #tpu.memory_space<vmem>> -> memref<128xi32, #tpu.memory_space<vmem>>
      %dma_wait3A_1536 = arith.constant 0 : i32
      %dma_wait3A_1537 = tpu.memref_slice %arg14[%dma_wait3A_1536] : memref<10240xf32, #tpu.memory_space<vmem_shared>> -> memref<10240xf32, #tpu.memory_space<vmem_shared>>
      tpu.wait_indirect_dma semaphore(%arg12 : memref<!tpu.dma_semaphore, #tpu.memory_space<semaphore_mem>>) src(%arg6 : memref<128xf32, #tpu.memory_space<vmem>>) dst(%dma_wait3A_1537 : memref<10240xf32, #tpu.memory_space<vmem_shared>>)
      %dma_wait3A_1538 = arith.constant 0 : i32
      %dma_wait3A_1539 = tpu.memref_slice %arg5[%add3A_1485, %dma_wait3A_1538] : memref<160x128xi32, #tpu.memory_space<vmem>> -> memref<1x128xi32, #tpu.memory_space<vmem>>
      %dma_wait3A_1540 = tpu.memref_squeeze %dma_wait3A_1539 : memref<1x128xi32, #tpu.memory_space<vmem>> -> memref<128xi32, #tpu.memory_space<vmem>>
      %dma_wait3A_1541 = arith.constant 0 : i32
      %dma_wait3A_1542 = tpu.memref_slice %arg14[%dma_wait3A_1541] : memref<10240xf32, #tpu.memory_space<vmem_shared>> -> memref<10240xf32, #tpu.memory_space<vmem_shared>>
      tpu.wait_indirect_dma semaphore(%arg12 : memref<!tpu.dma_semaphore, #tpu.memory_space<semaphore_mem>>) src(%arg6 : memref<128xf32, #tpu.memory_space<vmem>>) dst(%dma_wait3A_1542 : memref<10240xf32, #tpu.memory_space<vmem_shared>>)
      %dma_wait3A_1543 = arith.constant 0 : i32
      %dma_wait3A_1544 = tpu.memref_slice %arg5[%add3A_1494, %dma_wait3A_1543] : memref<160x128xi32, #tpu.memory_space<vmem>> -> memref<1x128xi32, #tpu.memory_space<vmem>>
      %dma_wait3A_1545 = tpu.memref_squeeze %dma_wait3A_1544 : memref<1x128xi32, #tpu.memory_space<vmem>> -> memref<128xi32, #tpu.memory_space<vmem>>
      %dma_wait3A_1546 = arith.constant 0 : i32
      %dma_wait3A_1547 = tpu.memref_slice %arg14[%dma_wait3A_1546] : memref<10240xf32, #tpu.memory_space<vmem_shared>> -> memref<10240xf32, #tpu.memory_space<vmem_shared>>
      tpu.wait_indirect_dma semaphore(%arg12 : memref<!tpu.dma_semaphore, #tpu.memory_space<semaphore_mem>>) src(%arg6 : memref<128xf32, #tpu.memory_space<vmem>>) dst(%dma_wait3A_1547 : memref<10240xf32, #tpu.memory_space<vmem_shared>>)
      %dma_wait3A_1548 = arith.constant 0 : i32
      %dma_wait3A_1549 = tpu.memref_slice %arg5[%add3A_1503, %dma_wait3A_1548] : memref<160x128xi32, #tpu.memory_space<vmem>> -> memref<1x128xi32, #tpu.memory_space<vmem>>
      %dma_wait3A_1550 = tpu.memref_squeeze %dma_wait3A_1549 : memref<1x128xi32, #tpu.memory_space<vmem>> -> memref<128xi32, #tpu.memory_space<vmem>>
      %dma_wait3A_1551 = arith.constant 0 : i32
      %dma_wait3A_1552 = tpu.memref_slice %arg14[%dma_wait3A_1551] : memref<10240xf32, #tpu.memory_space<vmem_shared>> -> memref<10240xf32, #tpu.memory_space<vmem_shared>>
      tpu.wait_indirect_dma semaphore(%arg12 : memref<!tpu.dma_semaphore, #tpu.memory_space<semaphore_mem>>) src(%arg6 : memref<128xf32, #tpu.memory_space<vmem>>) dst(%dma_wait3A_1552 : memref<10240xf32, #tpu.memory_space<vmem_shared>>)
      %dma_wait3A_1553 = arith.constant 0 : i32
      %dma_wait3A_1554 = tpu.memref_slice %arg5[%add3A_1512, %dma_wait3A_1553] : memref<160x128xi32, #tpu.memory_space<vmem>> -> memref<1x128xi32, #tpu.memory_space<vmem>>
      %dma_wait3A_1555 = tpu.memref_squeeze %dma_wait3A_1554 : memref<1x128xi32, #tpu.memory_space<vmem>> -> memref<128xi32, #tpu.memory_space<vmem>>
      %dma_wait3A_1556 = arith.constant 0 : i32
      %dma_wait3A_1557 = tpu.memref_slice %arg14[%dma_wait3A_1556] : memref<10240xf32, #tpu.memory_space<vmem_shared>> -> memref<10240xf32, #tpu.memory_space<vmem_shared>>
      tpu.wait_indirect_dma semaphore(%arg12 : memref<!tpu.dma_semaphore, #tpu.memory_space<semaphore_mem>>) src(%arg6 : memref<128xf32, #tpu.memory_space<vmem>>) dst(%dma_wait3A_1557 : memref<10240xf32, #tpu.memory_space<vmem_shared>>)
      %scan3A_1558 = arith.constant 0 : i32
      scf.yield %scan3A_1558 : i32
    }
    %scan3A_64 = arith.constant 20 : i32
    %barrier3A_65 = arith.constant 0 : index
    tpu.barrier barrier_id(%barrier3A_65)
    %mul3A_66 = arith.constant 640 : i32
    %mul3A_67 = arith.muli %arg1, %mul3A_66 : i32
    "tpu.region"() ({
      %run_scoped3A = tpu.sem_alloc : memref<!tpu.dma_semaphore, #tpu.memory_space<semaphore_mem>>
      %dma_start3A_1444 = tpu.memref_slice %arg14[%mul3A_67] : memref<10240xf32, #tpu.memory_space<vmem_shared>> -> memref<640xf32, #tpu.memory_space<vmem_shared>>
      %dma_start3A_1445 = tpu.memref_slice %arg14[%mul3A_67] : memref<10240xf32, #tpu.memory_space<vmem_shared>> -> memref<640xf32, #tpu.memory_space<vmem_shared>>
      tpu.enqueue_dma source(%dma_start3A_1445 : memref<640xf32, #tpu.memory_space<vmem_shared>>) target(%arg8 : memref<640xf32, #tpu.memory_space<vmem>>) target_semaphore(%run_scoped3A : memref<!tpu.dma_semaphore, #tpu.memory_space<semaphore_mem>>)
      %dma_wait3A_1446 = tpu.memref_slice %arg14[%mul3A_67] : memref<10240xf32, #tpu.memory_space<vmem_shared>> -> memref<640xf32, #tpu.memory_space<vmem_shared>>
      %dma_wait3A_1447 = tpu.memref_slice %arg14[%mul3A_67] : memref<10240xf32, #tpu.memory_space<vmem_shared>> -> memref<640xf32, #tpu.memory_space<vmem_shared>>
      tpu.wait_dma2 semaphore(%run_scoped3A : memref<!tpu.dma_semaphore, #tpu.memory_space<semaphore_mem>>) src(%dma_wait3A_1447 : memref<640xf32, #tpu.memory_space<vmem_shared>>) dst(%arg8 : memref<640xf32, #tpu.memory_space<vmem>>)
      tpu.yield
    }) : () -> ()
    %get3A = arith.constant 0 : index
    %get3A_68 = tpu.vector_load %arg8[%get3A] {strides = array<i32>} : memref<640xf32, #tpu.memory_space<vmem>>, vector<16xf32>,
    %get3A_69 = vector.shape_cast %get3A_68 : vector<16xf32> to vector<16xf32>
    %add3A_70 = arith.constant 0 : i32
    %add3A_71 = arith.addi %mul3A_67, %add3A_70 : i32
    %iota3A = tpu.iota {dimensions = array<i32: 0>} : vector<16xi32>
    %add3A_72 = vector.broadcast %add3A_71 : i32 to vector<16xi32>
    %add3A_73 = arith.addi %add3A_72, %iota3A : vector<16xi32>
    %lt3A = arith.constant 10000 : i32
    %lt3A_74 = vector.broadcast %lt3A : i32 to vector<16xi32>
    %lt3A_75 = arith.cmpi slt, %add3A_73, %lt3A_74 : vector<16xi32>
    %convert_element_type3A = arith.fptosi %get3A_69 : vector<16xf32> to vector<16xi32>
    %jit3A = arith.constant 327679 : i32
    %broadcast_in_dim3A_76 = vector.broadcast %jit3A : i32 to vector<16xi32>
    %select_n3A = arith.select %lt3A_75, %convert_element_type3A, %broadcast_in_dim3A_76 : vector<16xi1>, vector<16xi32>
    %swap3A = arith.constant 0 : i32
    %swap3A_77 = arith.index_cast %swap3A : i32 to index
    %swap3A_78 = arith.constant 0 : index
    %swap3A_79 = tpu.vector_load %arg9[%swap3A_77, %swap3A_78] {strides = array<i32>} : memref<5x128xi32, #tpu.memory_space<vmem>>, vector<1x16xi32>,
    %swap3A_80 = vector.shape_cast %swap3A_79 : vector<1x16xi32> to vector<16xi32>
    %swap3A_81 = vector.shape_cast %select_n3A : vector<16xi32> to vector<1x16xi32>
    tpu.vector_store %arg9[%swap3A_77, %swap3A_78], %swap3A_81 {strides = array<i32>} : memref<5x128xi32, #tpu.memory_space<vmem>>, vector<1x16xi32>,
    %get3A_82 = arith.constant 16 : index
    %get3A_83 = tpu.vector_load %arg8[%get3A_82] {strides = array<i32>} : memref<640xf32, #tpu.memory_space<vmem>>, vector<16xf32>,
    %get3A_84 = vector.shape_cast %get3A_83 : vector<16xf32> to vector<16xf32>
    %add3A_85 = arith.constant 16 : i32
    %add3A_86 = arith.addi %mul3A_67, %add3A_85 : i32
    %iota3A_87 = tpu.iota {dimensions = array<i32: 0>} : vector<16xi32>
    %add3A_88 = vector.broadcast %add3A_86 : i32 to vector<16xi32>
    %add3A_89 = arith.addi %add3A_88, %iota3A_87 : vector<16xi32>
    %lt3A_90 = arith.constant 10000 : i32
    %lt3A_91 = vector.broadcast %lt3A_90 : i32 to vector<16xi32>
    %lt3A_92 = arith.cmpi slt, %add3A_89, %lt3A_91 : vector<16xi32>
    %convert_element_type3A_93 = arith.fptosi %get3A_84 : vector<16xf32> to vector<16xi32>
    %jit3A_94 = arith.constant 327679 : i32
    %broadcast_in_dim3A_95 = vector.broadcast %jit3A_94 : i32 to vector<16xi32>
    %select_n3A_96 = arith.select %lt3A_92, %convert_element_type3A_93, %broadcast_in_dim3A_95 : vector<16xi1>, vector<16xi32>
    %swap3A_97 = arith.constant 0 : i32
    %swap3A_98 = arith.index_cast %swap3A_97 : i32 to index
    %swap3A_99 = arith.constant 16 : index
    %swap3A_100 = tpu.vector_load %arg9[%swap3A_98, %swap3A_99] {strides = array<i32>} : memref<5x128xi32, #tpu.memory_space<vmem>>, vector<1x16xi32>,
    %swap3A_101 = vector.shape_cast %swap3A_100 : vector<1x16xi32> to vector<16xi32>
    %swap3A_102 = vector.shape_cast %select_n3A_96 : vector<16xi32> to vector<1x16xi32>
    tpu.vector_store %arg9[%swap3A_98, %swap3A_99], %swap3A_102 {strides = array<i32>} : memref<5x128xi32, #tpu.memory_space<vmem>>, vector<1x16xi32>,
    %get3A_103 = arith.constant 32 : index
    %get3A_104 = tpu.vector_load %arg8[%get3A_103] {strides = array<i32>} : memref<640xf32, #tpu.memory_space<vmem>>, vector<16xf32>,
    %get3A_105 = vector.shape_cast %get3A_104 : vector<16xf32> to vector<16xf32>
    %add3A_106 = arith.constant 32 : i32
    %add3A_107 = arith.addi %mul3A_67, %add3A_106 : i32
    %iota3A_108 = tpu.iota {dimensions = array<i32: 0>} : vector<16xi32>
    %add3A_109 = vector.broadcast %add3A_107 : i32 to vector<16xi32>
    %add3A_110 = arith.addi %add3A_109, %iota3A_108 : vector<16xi32>
    %lt3A_111 = arith.constant 10000 : i32
    %lt3A_112 = vector.broadcast %lt3A_111 : i32 to vector<16xi32>
    %lt3A_113 = arith.cmpi slt, %add3A_110, %lt3A_112 : vector<16xi32>
    %convert_element_type3A_114 = arith.fptosi %get3A_105 : vector<16xf32> to vector<16xi32>
    %jit3A_115 = arith.constant 327679 : i32
    %broadcast_in_dim3A_116 = vector.broadcast %jit3A_115 : i32 to vector<16xi32>
    %select_n3A_117 = arith.select %lt3A_113, %convert_element_type3A_114, %broadcast_in_dim3A_116 : vector<16xi1>, vector<16xi32>
    %swap3A_118 = arith.constant 0 : i32
    %swap3A_119 = arith.index_cast %swap3A_118 : i32 to index
    %swap3A_120 = arith.constant 32 : index
    %swap3A_121 = tpu.vector_load %arg9[%swap3A_119, %swap3A_120] {strides = array<i32>} : memref<5x128xi32, #tpu.memory_space<vmem>>, vector<1x16xi32>,
    %swap3A_122 = vector.shape_cast %swap3A_121 : vector<1x16xi32> to vector<16xi32>
    %swap3A_123 = vector.shape_cast %select_n3A_117 : vector<16xi32> to vector<1x16xi32>
    tpu.vector_store %arg9[%swap3A_119, %swap3A_120], %swap3A_123 {strides = array<i32>} : memref<5x128xi32, #tpu.memory_space<vmem>>, vector<1x16xi32>,
    %get3A_124 = arith.constant 48 : index
    %get3A_125 = tpu.vector_load %arg8[%get3A_124] {strides = array<i32>} : memref<640xf32, #tpu.memory_space<vmem>>, vector<16xf32>,
    %get3A_126 = vector.shape_cast %get3A_125 : vector<16xf32> to vector<16xf32>
    %add3A_127 = arith.constant 48 : i32
    %add3A_128 = arith.addi %mul3A_67, %add3A_127 : i32
    %iota3A_129 = tpu.iota {dimensions = array<i32: 0>} : vector<16xi32>
    %add3A_130 = vector.broadcast %add3A_128 : i32 to vector<16xi32>
    %add3A_131 = arith.addi %add3A_130, %iota3A_129 : vector<16xi32>
    %lt3A_132 = arith.constant 10000 : i32
    %lt3A_133 = vector.broadcast %lt3A_132 : i32 to vector<16xi32>
    %lt3A_134 = arith.cmpi slt, %add3A_131, %lt3A_133 : vector<16xi32>
    %convert_element_type3A_135 = arith.fptosi %get3A_126 : vector<16xf32> to vector<16xi32>
    %jit3A_136 = arith.constant 327679 : i32
    %broadcast_in_dim3A_137 = vector.broadcast %jit3A_136 : i32 to vector<16xi32>
    %select_n3A_138 = arith.select %lt3A_134, %convert_element_type3A_135, %broadcast_in_dim3A_137 : vector<16xi1>, vector<16xi32>
    %swap3A_139 = arith.constant 0 : i32
    %swap3A_140 = arith.index_cast %swap3A_139 : i32 to index
    %swap3A_141 = arith.constant 48 : index
    %swap3A_142 = tpu.vector_load %arg9[%swap3A_140, %swap3A_141] {strides = array<i32>} : memref<5x128xi32, #tpu.memory_space<vmem>>, vector<1x16xi32>,
    %swap3A_143 = vector.shape_cast %swap3A_142 : vector<1x16xi32> to vector<16xi32>
    %swap3A_144 = vector.shape_cast %select_n3A_138 : vector<16xi32> to vector<1x16xi32>
    tpu.vector_store %arg9[%swap3A_140, %swap3A_141], %swap3A_144 {strides = array<i32>} : memref<5x128xi32, #tpu.memory_space<vmem>>, vector<1x16xi32>,
    %get3A_145 = arith.constant 64 : index
    %get3A_146 = tpu.vector_load %arg8[%get3A_145] {strides = array<i32>} : memref<640xf32, #tpu.memory_space<vmem>>, vector<16xf32>,
    %get3A_147 = vector.shape_cast %get3A_146 : vector<16xf32> to vector<16xf32>
    %add3A_148 = arith.constant 64 : i32
    %add3A_149 = arith.addi %mul3A_67, %add3A_148 : i32
    %iota3A_150 = tpu.iota {dimensions = array<i32: 0>} : vector<16xi32>
    %add3A_151 = vector.broadcast %add3A_149 : i32 to vector<16xi32>
    %add3A_152 = arith.addi %add3A_151, %iota3A_150 : vector<16xi32>
    %lt3A_153 = arith.constant 10000 : i32
    %lt3A_154 = vector.broadcast %lt3A_153 : i32 to vector<16xi32>
    %lt3A_155 = arith.cmpi slt, %add3A_152, %lt3A_154 : vector<16xi32>
    %convert_element_type3A_156 = arith.fptosi %get3A_147 : vector<16xf32> to vector<16xi32>
    %jit3A_157 = arith.constant 327679 : i32
    %broadcast_in_dim3A_158 = vector.broadcast %jit3A_157 : i32 to vector<16xi32>
    %select_n3A_159 = arith.select %lt3A_155, %convert_element_type3A_156, %broadcast_in_dim3A_158 : vector<16xi1>, vector<16xi32>
    %swap3A_160 = arith.constant 0 : i32
    %swap3A_161 = arith.index_cast %swap3A_160 : i32 to index
    %swap3A_162 = arith.constant 64 : index
    %swap3A_163 = tpu.vector_load %arg9[%swap3A_161, %swap3A_162] {strides = array<i32>} : memref<5x128xi32, #tpu.memory_space<vmem>>, vector<1x16xi32>,
    %swap3A_164 = vector.shape_cast %swap3A_163 : vector<1x16xi32> to vector<16xi32>
    %swap3A_165 = vector.shape_cast %select_n3A_159 : vector<16xi32> to vector<1x16xi32>
    tpu.vector_store %arg9[%swap3A_161, %swap3A_162], %swap3A_165 {strides = array<i32>} : memref<5x128xi32, #tpu.memory_space<vmem>>, vector<1x16xi32>,
    %get3A_166 = arith.constant 80 : index
    %get3A_167 = tpu.vector_load %arg8[%get3A_166] {strides = array<i32>} : memref<640xf32, #tpu.memory_space<vmem>>, vector<16xf32>,
    %get3A_168 = vector.shape_cast %get3A_167 : vector<16xf32> to vector<16xf32>
    %add3A_169 = arith.constant 80 : i32
    %add3A_170 = arith.addi %mul3A_67, %add3A_169 : i32
    %iota3A_171 = tpu.iota {dimensions = array<i32: 0>} : vector<16xi32>
    %add3A_172 = vector.broadcast %add3A_170 : i32 to vector<16xi32>
    %add3A_173 = arith.addi %add3A_172, %iota3A_171 : vector<16xi32>
    %lt3A_174 = arith.constant 10000 : i32
    %lt3A_175 = vector.broadcast %lt3A_174 : i32 to vector<16xi32>
    %lt3A_176 = arith.cmpi slt, %add3A_173, %lt3A_175 : vector<16xi32>
    %convert_element_type3A_177 = arith.fptosi %get3A_168 : vector<16xf32> to vector<16xi32>
    %jit3A_178 = arith.constant 327679 : i32
    %broadcast_in_dim3A_179 = vector.broadcast %jit3A_178 : i32 to vector<16xi32>
    %select_n3A_180 = arith.select %lt3A_176, %convert_element_type3A_177, %broadcast_in_dim3A_179 : vector<16xi1>, vector<16xi32>
    %swap3A_181 = arith.constant 0 : i32
    %swap3A_182 = arith.index_cast %swap3A_181 : i32 to index
    %swap3A_183 = arith.constant 80 : index
    %swap3A_184 = tpu.vector_load %arg9[%swap3A_182, %swap3A_183] {strides = array<i32>} : memref<5x128xi32, #tpu.memory_space<vmem>>, vector<1x16xi32>,
    %swap3A_185 = vector.shape_cast %swap3A_184 : vector<1x16xi32> to vector<16xi32>
    %swap3A_186 = vector.shape_cast %select_n3A_180 : vector<16xi32> to vector<1x16xi32>
    tpu.vector_store %arg9[%swap3A_182, %swap3A_183], %swap3A_186 {strides = array<i32>} : memref<5x128xi32, #tpu.memory_space<vmem>>, vector<1x16xi32>,
    %get3A_187 = arith.constant 96 : index
    %get3A_188 = tpu.vector_load %arg8[%get3A_187] {strides = array<i32>} : memref<640xf32, #tpu.memory_space<vmem>>, vector<16xf32>,
    %get3A_189 = vector.shape_cast %get3A_188 : vector<16xf32> to vector<16xf32>
    %add3A_190 = arith.constant 96 : i32
    %add3A_191 = arith.addi %mul3A_67, %add3A_190 : i32
    %iota3A_192 = tpu.iota {dimensions = array<i32: 0>} : vector<16xi32>
    %add3A_193 = vector.broadcast %add3A_191 : i32 to vector<16xi32>
    %add3A_194 = arith.addi %add3A_193, %iota3A_192 : vector<16xi32>
    %lt3A_195 = arith.constant 10000 : i32
    %lt3A_196 = vector.broadcast %lt3A_195 : i32 to vector<16xi32>
    %lt3A_197 = arith.cmpi slt, %add3A_194, %lt3A_196 : vector<16xi32>
    %convert_element_type3A_198 = arith.fptosi %get3A_189 : vector<16xf32> to vector<16xi32>
    %jit3A_199 = arith.constant 327679 : i32
    %broadcast_in_dim3A_200 = vector.broadcast %jit3A_199 : i32 to vector<16xi32>
    %select_n3A_201 = arith.select %lt3A_197, %convert_element_type3A_198, %broadcast_in_dim3A_200 : vector<16xi1>, vector<16xi32>
    %swap3A_202 = arith.constant 0 : i32
    %swap3A_203 = arith.index_cast %swap3A_202 : i32 to index
    %swap3A_204 = arith.constant 96 : index
    %swap3A_205 = tpu.vector_load %arg9[%swap3A_203, %swap3A_204] {strides = array<i32>} : memref<5x128xi32, #tpu.memory_space<vmem>>, vector<1x16xi32>,
    %swap3A_206 = vector.shape_cast %swap3A_205 : vector<1x16xi32> to vector<16xi32>
    %swap3A_207 = vector.shape_cast %select_n3A_201 : vector<16xi32> to vector<1x16xi32>
    tpu.vector_store %arg9[%swap3A_203, %swap3A_204], %swap3A_207 {strides = array<i32>} : memref<5x128xi32, #tpu.memory_space<vmem>>, vector<1x16xi32>,
    %get3A_208 = arith.constant 112 : index
    %get3A_209 = tpu.vector_load %arg8[%get3A_208] {strides = array<i32>} : memref<640xf32, #tpu.memory_space<vmem>>, vector<16xf32>,
    %get3A_210 = vector.shape_cast %get3A_209 : vector<16xf32> to vector<16xf32>
    %add3A_211 = arith.constant 112 : i32
    %add3A_212 = arith.addi %mul3A_67, %add3A_211 : i32
    %iota3A_213 = tpu.iota {dimensions = array<i32: 0>} : vector<16xi32>
    %add3A_214 = vector.broadcast %add3A_212 : i32 to vector<16xi32>
    %add3A_215 = arith.addi %add3A_214, %iota3A_213 : vector<16xi32>
    %lt3A_216 = arith.constant 10000 : i32
    %lt3A_217 = vector.broadcast %lt3A_216 : i32 to vector<16xi32>
    %lt3A_218 = arith.cmpi slt, %add3A_215, %lt3A_217 : vector<16xi32>
    %convert_element_type3A_219 = arith.fptosi %get3A_210 : vector<16xf32> to vector<16xi32>
    %jit3A_220 = arith.constant 327679 : i32
    %broadcast_in_dim3A_221 = vector.broadcast %jit3A_220 : i32 to vector<16xi32>
    %select_n3A_222 = arith.select %lt3A_218, %convert_element_type3A_219, %broadcast_in_dim3A_221 : vector<16xi1>, vector<16xi32>
    %swap3A_223 = arith.constant 0 : i32
    %swap3A_224 = arith.index_cast %swap3A_223 : i32 to index
    %swap3A_225 = arith.constant 112 : index
    %swap3A_226 = tpu.vector_load %arg9[%swap3A_224, %swap3A_225] {strides = array<i32>} : memref<5x128xi32, #tpu.memory_space<vmem>>, vector<1x16xi32>,
    %swap3A_227 = vector.shape_cast %swap3A_226 : vector<1x16xi32> to vector<16xi32>
    %swap3A_228 = vector.shape_cast %select_n3A_222 : vector<16xi32> to vector<1x16xi32>
    tpu.vector_store %arg9[%swap3A_224, %swap3A_225], %swap3A_228 {strides = array<i32>} : memref<5x128xi32, #tpu.memory_space<vmem>>, vector<1x16xi32>,
    %get3A_229 = arith.constant 128 : index
    %get3A_230 = tpu.vector_load %arg8[%get3A_229] {strides = array<i32>} : memref<640xf32, #tpu.memory_space<vmem>>, vector<16xf32>,
    %get3A_231 = vector.shape_cast %get3A_230 : vector<16xf32> to vector<16xf32>
    %add3A_232 = arith.constant 128 : i32
    %add3A_233 = arith.addi %mul3A_67, %add3A_232 : i32
    %iota3A_234 = tpu.iota {dimensions = array<i32: 0>} : vector<16xi32>
    %add3A_235 = vector.broadcast %add3A_233 : i32 to vector<16xi32>
    %add3A_236 = arith.addi %add3A_235, %iota3A_234 : vector<16xi32>
    %lt3A_237 = arith.constant 10000 : i32
    %lt3A_238 = vector.broadcast %lt3A_237 : i32 to vector<16xi32>
    %lt3A_239 = arith.cmpi slt, %add3A_236, %lt3A_238 : vector<16xi32>
    %convert_element_type3A_240 = arith.fptosi %get3A_231 : vector<16xf32> to vector<16xi32>
    %jit3A_241 = arith.constant 327679 : i32
    %broadcast_in_dim3A_242 = vector.broadcast %jit3A_241 : i32 to vector<16xi32>
    %select_n3A_243 = arith.select %lt3A_239, %convert_element_type3A_240, %broadcast_in_dim3A_242 : vector<16xi1>, vector<16xi32>
    %swap3A_244 = arith.constant 1 : i32
    %swap3A_245 = arith.index_cast %swap3A_244 : i32 to index
    %swap3A_246 = arith.constant 0 : index
    %swap3A_247 = tpu.vector_load %arg9[%swap3A_245, %swap3A_246] {strides = array<i32>} : memref<5x128xi32, #tpu.memory_space<vmem>>, vector<1x16xi32>,
    %swap3A_248 = vector.shape_cast %swap3A_247 : vector<1x16xi32> to vector<16xi32>
    %swap3A_249 = vector.shape_cast %select_n3A_243 : vector<16xi32> to vector<1x16xi32>
    tpu.vector_store %arg9[%swap3A_245, %swap3A_246], %swap3A_249 {strides = array<i32>} : memref<5x128xi32, #tpu.memory_space<vmem>>, vector<1x16xi32>,
    %get3A_250 = arith.constant 144 : index
    %get3A_251 = tpu.vector_load %arg8[%get3A_250] {strides = array<i32>} : memref<640xf32, #tpu.memory_space<vmem>>, vector<16xf32>,
    %get3A_252 = vector.shape_cast %get3A_251 : vector<16xf32> to vector<16xf32>
    %add3A_253 = arith.constant 144 : i32
    %add3A_254 = arith.addi %mul3A_67, %add3A_253 : i32
    %iota3A_255 = tpu.iota {dimensions = array<i32: 0>} : vector<16xi32>
    %add3A_256 = vector.broadcast %add3A_254 : i32 to vector<16xi32>
    %add3A_257 = arith.addi %add3A_256, %iota3A_255 : vector<16xi32>
    %lt3A_258 = arith.constant 10000 : i32
    %lt3A_259 = vector.broadcast %lt3A_258 : i32 to vector<16xi32>
    %lt3A_260 = arith.cmpi slt, %add3A_257, %lt3A_259 : vector<16xi32>
    %convert_element_type3A_261 = arith.fptosi %get3A_252 : vector<16xf32> to vector<16xi32>
    %jit3A_262 = arith.constant 327679 : i32
    %broadcast_in_dim3A_263 = vector.broadcast %jit3A_262 : i32 to vector<16xi32>
    %select_n3A_264 = arith.select %lt3A_260, %convert_element_type3A_261, %broadcast_in_dim3A_263 : vector<16xi1>, vector<16xi32>
    %swap3A_265 = arith.constant 1 : i32
    %swap3A_266 = arith.index_cast %swap3A_265 : i32 to index
    %swap3A_267 = arith.constant 16 : index
    %swap3A_268 = tpu.vector_load %arg9[%swap3A_266, %swap3A_267] {strides = array<i32>} : memref<5x128xi32, #tpu.memory_space<vmem>>, vector<1x16xi32>,
    %swap3A_269 = vector.shape_cast %swap3A_268 : vector<1x16xi32> to vector<16xi32>
    %swap3A_270 = vector.shape_cast %select_n3A_264 : vector<16xi32> to vector<1x16xi32>
    tpu.vector_store %arg9[%swap3A_266, %swap3A_267], %swap3A_270 {strides = array<i32>} : memref<5x128xi32, #tpu.memory_space<vmem>>, vector<1x16xi32>,
    %get3A_271 = arith.constant 160 : index
    %get3A_272 = tpu.vector_load %arg8[%get3A_271] {strides = array<i32>} : memref<640xf32, #tpu.memory_space<vmem>>, vector<16xf32>,
    %get3A_273 = vector.shape_cast %get3A_272 : vector<16xf32> to vector<16xf32>
    %add3A_274 = arith.constant 160 : i32
    %add3A_275 = arith.addi %mul3A_67, %add3A_274 : i32
    %iota3A_276 = tpu.iota {dimensions = array<i32: 0>} : vector<16xi32>
    %add3A_277 = vector.broadcast %add3A_275 : i32 to vector<16xi32>
    %add3A_278 = arith.addi %add3A_277, %iota3A_276 : vector<16xi32>
    %lt3A_279 = arith.constant 10000 : i32
    %lt3A_280 = vector.broadcast %lt3A_279 : i32 to vector<16xi32>
    %lt3A_281 = arith.cmpi slt, %add3A_278, %lt3A_280 : vector<16xi32>
    %convert_element_type3A_282 = arith.fptosi %get3A_273 : vector<16xf32> to vector<16xi32>
    %jit3A_283 = arith.constant 327679 : i32
    %broadcast_in_dim3A_284 = vector.broadcast %jit3A_283 : i32 to vector<16xi32>
    %select_n3A_285 = arith.select %lt3A_281, %convert_element_type3A_282, %broadcast_in_dim3A_284 : vector<16xi1>, vector<16xi32>
    %swap3A_286 = arith.constant 1 : i32
    %swap3A_287 = arith.index_cast %swap3A_286 : i32 to index
    %swap3A_288 = arith.constant 32 : index
    %swap3A_289 = tpu.vector_load %arg9[%swap3A_287, %swap3A_288] {strides = array<i32>} : memref<5x128xi32, #tpu.memory_space<vmem>>, vector<1x16xi32>,
    %swap3A_290 = vector.shape_cast %swap3A_289 : vector<1x16xi32> to vector<16xi32>
    %swap3A_291 = vector.shape_cast %select_n3A_285 : vector<16xi32> to vector<1x16xi32>
    tpu.vector_store %arg9[%swap3A_287, %swap3A_288], %swap3A_291 {strides = array<i32>} : memref<5x128xi32, #tpu.memory_space<vmem>>, vector<1x16xi32>,
    %get3A_292 = arith.constant 176 : index
    %get3A_293 = tpu.vector_load %arg8[%get3A_292] {strides = array<i32>} : memref<640xf32, #tpu.memory_space<vmem>>, vector<16xf32>,
    %get3A_294 = vector.shape_cast %get3A_293 : vector<16xf32> to vector<16xf32>
    %add3A_295 = arith.constant 176 : i32
    %add3A_296 = arith.addi %mul3A_67, %add3A_295 : i32
    %iota3A_297 = tpu.iota {dimensions = array<i32: 0>} : vector<16xi32>
    %add3A_298 = vector.broadcast %add3A_296 : i32 to vector<16xi32>
    %add3A_299 = arith.addi %add3A_298, %iota3A_297 : vector<16xi32>
    %lt3A_300 = arith.constant 10000 : i32
    %lt3A_301 = vector.broadcast %lt3A_300 : i32 to vector<16xi32>
    %lt3A_302 = arith.cmpi slt, %add3A_299, %lt3A_301 : vector<16xi32>
    %convert_element_type3A_303 = arith.fptosi %get3A_294 : vector<16xf32> to vector<16xi32>
    %jit3A_304 = arith.constant 327679 : i32
    %broadcast_in_dim3A_305 = vector.broadcast %jit3A_304 : i32 to vector<16xi32>
    %select_n3A_306 = arith.select %lt3A_302, %convert_element_type3A_303, %broadcast_in_dim3A_305 : vector<16xi1>, vector<16xi32>
    %swap3A_307 = arith.constant 1 : i32
    %swap3A_308 = arith.index_cast %swap3A_307 : i32 to index
    %swap3A_309 = arith.constant 48 : index
    %swap3A_310 = tpu.vector_load %arg9[%swap3A_308, %swap3A_309] {strides = array<i32>} : memref<5x128xi32, #tpu.memory_space<vmem>>, vector<1x16xi32>,
    %swap3A_311 = vector.shape_cast %swap3A_310 : vector<1x16xi32> to vector<16xi32>
    %swap3A_312 = vector.shape_cast %select_n3A_306 : vector<16xi32> to vector<1x16xi32>
    tpu.vector_store %arg9[%swap3A_308, %swap3A_309], %swap3A_312 {strides = array<i32>} : memref<5x128xi32, #tpu.memory_space<vmem>>, vector<1x16xi32>,
    %get3A_313 = arith.constant 192 : index
    %get3A_314 = tpu.vector_load %arg8[%get3A_313] {strides = array<i32>} : memref<640xf32, #tpu.memory_space<vmem>>, vector<16xf32>,
    %get3A_315 = vector.shape_cast %get3A_314 : vector<16xf32> to vector<16xf32>
    %add3A_316 = arith.constant 192 : i32
    %add3A_317 = arith.addi %mul3A_67, %add3A_316 : i32
    %iota3A_318 = tpu.iota {dimensions = array<i32: 0>} : vector<16xi32>
    %add3A_319 = vector.broadcast %add3A_317 : i32 to vector<16xi32>
    %add3A_320 = arith.addi %add3A_319, %iota3A_318 : vector<16xi32>
    %lt3A_321 = arith.constant 10000 : i32
    %lt3A_322 = vector.broadcast %lt3A_321 : i32 to vector<16xi32>
    %lt3A_323 = arith.cmpi slt, %add3A_320, %lt3A_322 : vector<16xi32>
    %convert_element_type3A_324 = arith.fptosi %get3A_315 : vector<16xf32> to vector<16xi32>
    %jit3A_325 = arith.constant 327679 : i32
    %broadcast_in_dim3A_326 = vector.broadcast %jit3A_325 : i32 to vector<16xi32>
    %select_n3A_327 = arith.select %lt3A_323, %convert_element_type3A_324, %broadcast_in_dim3A_326 : vector<16xi1>, vector<16xi32>
    %swap3A_328 = arith.constant 1 : i32
    %swap3A_329 = arith.index_cast %swap3A_328 : i32 to index
    %swap3A_330 = arith.constant 64 : index
    %swap3A_331 = tpu.vector_load %arg9[%swap3A_329, %swap3A_330] {strides = array<i32>} : memref<5x128xi32, #tpu.memory_space<vmem>>, vector<1x16xi32>,
    %swap3A_332 = vector.shape_cast %swap3A_331 : vector<1x16xi32> to vector<16xi32>
    %swap3A_333 = vector.shape_cast %select_n3A_327 : vector<16xi32> to vector<1x16xi32>
    tpu.vector_store %arg9[%swap3A_329, %swap3A_330], %swap3A_333 {strides = array<i32>} : memref<5x128xi32, #tpu.memory_space<vmem>>, vector<1x16xi32>,
    %get3A_334 = arith.constant 208 : index
    %get3A_335 = tpu.vector_load %arg8[%get3A_334] {strides = array<i32>} : memref<640xf32, #tpu.memory_space<vmem>>, vector<16xf32>,
    %get3A_336 = vector.shape_cast %get3A_335 : vector<16xf32> to vector<16xf32>
    %add3A_337 = arith.constant 208 : i32
    %add3A_338 = arith.addi %mul3A_67, %add3A_337 : i32
    %iota3A_339 = tpu.iota {dimensions = array<i32: 0>} : vector<16xi32>
    %add3A_340 = vector.broadcast %add3A_338 : i32 to vector<16xi32>
    %add3A_341 = arith.addi %add3A_340, %iota3A_339 : vector<16xi32>
    %lt3A_342 = arith.constant 10000 : i32
    %lt3A_343 = vector.broadcast %lt3A_342 : i32 to vector<16xi32>
    %lt3A_344 = arith.cmpi slt, %add3A_341, %lt3A_343 : vector<16xi32>
    %convert_element_type3A_345 = arith.fptosi %get3A_336 : vector<16xf32> to vector<16xi32>
    %jit3A_346 = arith.constant 327679 : i32
    %broadcast_in_dim3A_347 = vector.broadcast %jit3A_346 : i32 to vector<16xi32>
    %select_n3A_348 = arith.select %lt3A_344, %convert_element_type3A_345, %broadcast_in_dim3A_347 : vector<16xi1>, vector<16xi32>
    %swap3A_349 = arith.constant 1 : i32
    %swap3A_350 = arith.index_cast %swap3A_349 : i32 to index
    %swap3A_351 = arith.constant 80 : index
    %swap3A_352 = tpu.vector_load %arg9[%swap3A_350, %swap3A_351] {strides = array<i32>} : memref<5x128xi32, #tpu.memory_space<vmem>>, vector<1x16xi32>,
    %swap3A_353 = vector.shape_cast %swap3A_352 : vector<1x16xi32> to vector<16xi32>
    %swap3A_354 = vector.shape_cast %select_n3A_348 : vector<16xi32> to vector<1x16xi32>
    tpu.vector_store %arg9[%swap3A_350, %swap3A_351], %swap3A_354 {strides = array<i32>} : memref<5x128xi32, #tpu.memory_space<vmem>>, vector<1x16xi32>,
    %get3A_355 = arith.constant 224 : index
    %get3A_356 = tpu.vector_load %arg8[%get3A_355] {strides = array<i32>} : memref<640xf32, #tpu.memory_space<vmem>>, vector<16xf32>,
    %get3A_357 = vector.shape_cast %get3A_356 : vector<16xf32> to vector<16xf32>
    %add3A_358 = arith.constant 224 : i32
    %add3A_359 = arith.addi %mul3A_67, %add3A_358 : i32
    %iota3A_360 = tpu.iota {dimensions = array<i32: 0>} : vector<16xi32>
    %add3A_361 = vector.broadcast %add3A_359 : i32 to vector<16xi32>
    %add3A_362 = arith.addi %add3A_361, %iota3A_360 : vector<16xi32>
    %lt3A_363 = arith.constant 10000 : i32
    %lt3A_364 = vector.broadcast %lt3A_363 : i32 to vector<16xi32>
    %lt3A_365 = arith.cmpi slt, %add3A_362, %lt3A_364 : vector<16xi32>
    %convert_element_type3A_366 = arith.fptosi %get3A_357 : vector<16xf32> to vector<16xi32>
    %jit3A_367 = arith.constant 327679 : i32
    %broadcast_in_dim3A_368 = vector.broadcast %jit3A_367 : i32 to vector<16xi32>
    %select_n3A_369 = arith.select %lt3A_365, %convert_element_type3A_366, %broadcast_in_dim3A_368 : vector<16xi1>, vector<16xi32>
    %swap3A_370 = arith.constant 1 : i32
    %swap3A_371 = arith.index_cast %swap3A_370 : i32 to index
    %swap3A_372 = arith.constant 96 : index
    %swap3A_373 = tpu.vector_load %arg9[%swap3A_371, %swap3A_372] {strides = array<i32>} : memref<5x128xi32, #tpu.memory_space<vmem>>, vector<1x16xi32>,
    %swap3A_374 = vector.shape_cast %swap3A_373 : vector<1x16xi32> to vector<16xi32>
    %swap3A_375 = vector.shape_cast %select_n3A_369 : vector<16xi32> to vector<1x16xi32>
    tpu.vector_store %arg9[%swap3A_371, %swap3A_372], %swap3A_375 {strides = array<i32>} : memref<5x128xi32, #tpu.memory_space<vmem>>, vector<1x16xi32>,
    %get3A_376 = arith.constant 240 : index
    %get3A_377 = tpu.vector_load %arg8[%get3A_376] {strides = array<i32>} : memref<640xf32, #tpu.memory_space<vmem>>, vector<16xf32>,
    %get3A_378 = vector.shape_cast %get3A_377 : vector<16xf32> to vector<16xf32>
    %add3A_379 = arith.constant 240 : i32
    %add3A_380 = arith.addi %mul3A_67, %add3A_379 : i32
    %iota3A_381 = tpu.iota {dimensions = array<i32: 0>} : vector<16xi32>
    %add3A_382 = vector.broadcast %add3A_380 : i32 to vector<16xi32>
    %add3A_383 = arith.addi %add3A_382, %iota3A_381 : vector<16xi32>
    %lt3A_384 = arith.constant 10000 : i32
    %lt3A_385 = vector.broadcast %lt3A_384 : i32 to vector<16xi32>
    %lt3A_386 = arith.cmpi slt, %add3A_383, %lt3A_385 : vector<16xi32>
    %convert_element_type3A_387 = arith.fptosi %get3A_378 : vector<16xf32> to vector<16xi32>
    %jit3A_388 = arith.constant 327679 : i32
    %broadcast_in_dim3A_389 = vector.broadcast %jit3A_388 : i32 to vector<16xi32>
    %select_n3A_390 = arith.select %lt3A_386, %convert_element_type3A_387, %broadcast_in_dim3A_389 : vector<16xi1>, vector<16xi32>
    %swap3A_391 = arith.constant 1 : i32
    %swap3A_392 = arith.index_cast %swap3A_391 : i32 to index
    %swap3A_393 = arith.constant 112 : index
    %swap3A_394 = tpu.vector_load %arg9[%swap3A_392, %swap3A_393] {strides = array<i32>} : memref<5x128xi32, #tpu.memory_space<vmem>>, vector<1x16xi32>,
    %swap3A_395 = vector.shape_cast %swap3A_394 : vector<1x16xi32> to vector<16xi32>
    %swap3A_396 = vector.shape_cast %select_n3A_390 : vector<16xi32> to vector<1x16xi32>
    tpu.vector_store %arg9[%swap3A_392, %swap3A_393], %swap3A_396 {strides = array<i32>} : memref<5x128xi32, #tpu.memory_space<vmem>>, vector<1x16xi32>,
    %get3A_397 = arith.constant 256 : index
    %get3A_398 = tpu.vector_load %arg8[%get3A_397] {strides = array<i32>} : memref<640xf32, #tpu.memory_space<vmem>>, vector<16xf32>,
    %get3A_399 = vector.shape_cast %get3A_398 : vector<16xf32> to vector<16xf32>
    %add3A_400 = arith.constant 256 : i32
    %add3A_401 = arith.addi %mul3A_67, %add3A_400 : i32
    %iota3A_402 = tpu.iota {dimensions = array<i32: 0>} : vector<16xi32>
    %add3A_403 = vector.broadcast %add3A_401 : i32 to vector<16xi32>
    %add3A_404 = arith.addi %add3A_403, %iota3A_402 : vector<16xi32>
    %lt3A_405 = arith.constant 10000 : i32
    %lt3A_406 = vector.broadcast %lt3A_405 : i32 to vector<16xi32>
    %lt3A_407 = arith.cmpi slt, %add3A_404, %lt3A_406 : vector<16xi32>
    %convert_element_type3A_408 = arith.fptosi %get3A_399 : vector<16xf32> to vector<16xi32>
    %jit3A_409 = arith.constant 327679 : i32
    %broadcast_in_dim3A_410 = vector.broadcast %jit3A_409 : i32 to vector<16xi32>
    %select_n3A_411 = arith.select %lt3A_407, %convert_element_type3A_408, %broadcast_in_dim3A_410 : vector<16xi1>, vector<16xi32>
    %swap3A_412 = arith.constant 2 : i32
    %swap3A_413 = arith.index_cast %swap3A_412 : i32 to index
    %swap3A_414 = arith.constant 0 : index
    %swap3A_415 = tpu.vector_load %arg9[%swap3A_413, %swap3A_414] {strides = array<i32>} : memref<5x128xi32, #tpu.memory_space<vmem>>, vector<1x16xi32>,
    %swap3A_416 = vector.shape_cast %swap3A_415 : vector<1x16xi32> to vector<16xi32>
    %swap3A_417 = vector.shape_cast %select_n3A_411 : vector<16xi32> to vector<1x16xi32>
    tpu.vector_store %arg9[%swap3A_413, %swap3A_414], %swap3A_417 {strides = array<i32>} : memref<5x128xi32, #tpu.memory_space<vmem>>, vector<1x16xi32>,
    %get3A_418 = arith.constant 272 : index
    %get3A_419 = tpu.vector_load %arg8[%get3A_418] {strides = array<i32>} : memref<640xf32, #tpu.memory_space<vmem>>, vector<16xf32>,
    %get3A_420 = vector.shape_cast %get3A_419 : vector<16xf32> to vector<16xf32>
    %add3A_421 = arith.constant 272 : i32
    %add3A_422 = arith.addi %mul3A_67, %add3A_421 : i32
    %iota3A_423 = tpu.iota {dimensions = array<i32: 0>} : vector<16xi32>
    %add3A_424 = vector.broadcast %add3A_422 : i32 to vector<16xi32>
    %add3A_425 = arith.addi %add3A_424, %iota3A_423 : vector<16xi32>
    %lt3A_426 = arith.constant 10000 : i32
    %lt3A_427 = vector.broadcast %lt3A_426 : i32 to vector<16xi32>
    %lt3A_428 = arith.cmpi slt, %add3A_425, %lt3A_427 : vector<16xi32>
    %convert_element_type3A_429 = arith.fptosi %get3A_420 : vector<16xf32> to vector<16xi32>
    %jit3A_430 = arith.constant 327679 : i32
    %broadcast_in_dim3A_431 = vector.broadcast %jit3A_430 : i32 to vector<16xi32>
    %select_n3A_432 = arith.select %lt3A_428, %convert_element_type3A_429, %broadcast_in_dim3A_431 : vector<16xi1>, vector<16xi32>
    %swap3A_433 = arith.constant 2 : i32
    %swap3A_434 = arith.index_cast %swap3A_433 : i32 to index
    %swap3A_435 = arith.constant 16 : index
    %swap3A_436 = tpu.vector_load %arg9[%swap3A_434, %swap3A_435] {strides = array<i32>} : memref<5x128xi32, #tpu.memory_space<vmem>>, vector<1x16xi32>,
    %swap3A_437 = vector.shape_cast %swap3A_436 : vector<1x16xi32> to vector<16xi32>
    %swap3A_438 = vector.shape_cast %select_n3A_432 : vector<16xi32> to vector<1x16xi32>
    tpu.vector_store %arg9[%swap3A_434, %swap3A_435], %swap3A_438 {strides = array<i32>} : memref<5x128xi32, #tpu.memory_space<vmem>>, vector<1x16xi32>,
    %get3A_439 = arith.constant 288 : index
    %get3A_440 = tpu.vector_load %arg8[%get3A_439] {strides = array<i32>} : memref<640xf32, #tpu.memory_space<vmem>>, vector<16xf32>,
    %get3A_441 = vector.shape_cast %get3A_440 : vector<16xf32> to vector<16xf32>
    %add3A_442 = arith.constant 288 : i32
    %add3A_443 = arith.addi %mul3A_67, %add3A_442 : i32
    %iota3A_444 = tpu.iota {dimensions = array<i32: 0>} : vector<16xi32>
    %add3A_445 = vector.broadcast %add3A_443 : i32 to vector<16xi32>
    %add3A_446 = arith.addi %add3A_445, %iota3A_444 : vector<16xi32>
    %lt3A_447 = arith.constant 10000 : i32
    %lt3A_448 = vector.broadcast %lt3A_447 : i32 to vector<16xi32>
    %lt3A_449 = arith.cmpi slt, %add3A_446, %lt3A_448 : vector<16xi32>
    %convert_element_type3A_450 = arith.fptosi %get3A_441 : vector<16xf32> to vector<16xi32>
    %jit3A_451 = arith.constant 327679 : i32
    %broadcast_in_dim3A_452 = vector.broadcast %jit3A_451 : i32 to vector<16xi32>
    %select_n3A_453 = arith.select %lt3A_449, %convert_element_type3A_450, %broadcast_in_dim3A_452 : vector<16xi1>, vector<16xi32>
    %swap3A_454 = arith.constant 2 : i32
    %swap3A_455 = arith.index_cast %swap3A_454 : i32 to index
    %swap3A_456 = arith.constant 32 : index
    %swap3A_457 = tpu.vector_load %arg9[%swap3A_455, %swap3A_456] {strides = array<i32>} : memref<5x128xi32, #tpu.memory_space<vmem>>, vector<1x16xi32>,
    %swap3A_458 = vector.shape_cast %swap3A_457 : vector<1x16xi32> to vector<16xi32>
    %swap3A_459 = vector.shape_cast %select_n3A_453 : vector<16xi32> to vector<1x16xi32>
    tpu.vector_store %arg9[%swap3A_455, %swap3A_456], %swap3A_459 {strides = array<i32>} : memref<5x128xi32, #tpu.memory_space<vmem>>, vector<1x16xi32>,
    %get3A_460 = arith.constant 304 : index
    %get3A_461 = tpu.vector_load %arg8[%get3A_460] {strides = array<i32>} : memref<640xf32, #tpu.memory_space<vmem>>, vector<16xf32>,
    %get3A_462 = vector.shape_cast %get3A_461 : vector<16xf32> to vector<16xf32>
    %add3A_463 = arith.constant 304 : i32
    %add3A_464 = arith.addi %mul3A_67, %add3A_463 : i32
    %iota3A_465 = tpu.iota {dimensions = array<i32: 0>} : vector<16xi32>
    %add3A_466 = vector.broadcast %add3A_464 : i32 to vector<16xi32>
    %add3A_467 = arith.addi %add3A_466, %iota3A_465 : vector<16xi32>
    %lt3A_468 = arith.constant 10000 : i32
    %lt3A_469 = vector.broadcast %lt3A_468 : i32 to vector<16xi32>
    %lt3A_470 = arith.cmpi slt, %add3A_467, %lt3A_469 : vector<16xi32>
    %convert_element_type3A_471 = arith.fptosi %get3A_462 : vector<16xf32> to vector<16xi32>
    %jit3A_472 = arith.constant 327679 : i32
    %broadcast_in_dim3A_473 = vector.broadcast %jit3A_472 : i32 to vector<16xi32>
    %select_n3A_474 = arith.select %lt3A_470, %convert_element_type3A_471, %broadcast_in_dim3A_473 : vector<16xi1>, vector<16xi32>
    %swap3A_475 = arith.constant 2 : i32
    %swap3A_476 = arith.index_cast %swap3A_475 : i32 to index
    %swap3A_477 = arith.constant 48 : index
    %swap3A_478 = tpu.vector_load %arg9[%swap3A_476, %swap3A_477] {strides = array<i32>} : memref<5x128xi32, #tpu.memory_space<vmem>>, vector<1x16xi32>,
    %swap3A_479 = vector.shape_cast %swap3A_478 : vector<1x16xi32> to vector<16xi32>
    %swap3A_480 = vector.shape_cast %select_n3A_474 : vector<16xi32> to vector<1x16xi32>
    tpu.vector_store %arg9[%swap3A_476, %swap3A_477], %swap3A_480 {strides = array<i32>} : memref<5x128xi32, #tpu.memory_space<vmem>>, vector<1x16xi32>,
    %get3A_481 = arith.constant 320 : index
    %get3A_482 = tpu.vector_load %arg8[%get3A_481] {strides = array<i32>} : memref<640xf32, #tpu.memory_space<vmem>>, vector<16xf32>,
    %get3A_483 = vector.shape_cast %get3A_482 : vector<16xf32> to vector<16xf32>
    %add3A_484 = arith.constant 320 : i32
    %add3A_485 = arith.addi %mul3A_67, %add3A_484 : i32
    %iota3A_486 = tpu.iota {dimensions = array<i32: 0>} : vector<16xi32>
    %add3A_487 = vector.broadcast %add3A_485 : i32 to vector<16xi32>
    %add3A_488 = arith.addi %add3A_487, %iota3A_486 : vector<16xi32>
    %lt3A_489 = arith.constant 10000 : i32
    %lt3A_490 = vector.broadcast %lt3A_489 : i32 to vector<16xi32>
    %lt3A_491 = arith.cmpi slt, %add3A_488, %lt3A_490 : vector<16xi32>
    %convert_element_type3A_492 = arith.fptosi %get3A_483 : vector<16xf32> to vector<16xi32>
    %jit3A_493 = arith.constant 327679 : i32
    %broadcast_in_dim3A_494 = vector.broadcast %jit3A_493 : i32 to vector<16xi32>
    %select_n3A_495 = arith.select %lt3A_491, %convert_element_type3A_492, %broadcast_in_dim3A_494 : vector<16xi1>, vector<16xi32>
    %swap3A_496 = arith.constant 2 : i32
    %swap3A_497 = arith.index_cast %swap3A_496 : i32 to index
    %swap3A_498 = arith.constant 64 : index
    %swap3A_499 = tpu.vector_load %arg9[%swap3A_497, %swap3A_498] {strides = array<i32>} : memref<5x128xi32, #tpu.memory_space<vmem>>, vector<1x16xi32>,
    %swap3A_500 = vector.shape_cast %swap3A_499 : vector<1x16xi32> to vector<16xi32>
    %swap3A_501 = vector.shape_cast %select_n3A_495 : vector<16xi32> to vector<1x16xi32>
    tpu.vector_store %arg9[%swap3A_497, %swap3A_498], %swap3A_501 {strides = array<i32>} : memref<5x128xi32, #tpu.memory_space<vmem>>, vector<1x16xi32>,
    %get3A_502 = arith.constant 336 : index
    %get3A_503 = tpu.vector_load %arg8[%get3A_502] {strides = array<i32>} : memref<640xf32, #tpu.memory_space<vmem>>, vector<16xf32>,
    %get3A_504 = vector.shape_cast %get3A_503 : vector<16xf32> to vector<16xf32>
    %add3A_505 = arith.constant 336 : i32
    %add3A_506 = arith.addi %mul3A_67, %add3A_505 : i32
    %iota3A_507 = tpu.iota {dimensions = array<i32: 0>} : vector<16xi32>
    %add3A_508 = vector.broadcast %add3A_506 : i32 to vector<16xi32>
    %add3A_509 = arith.addi %add3A_508, %iota3A_507 : vector<16xi32>
    %lt3A_510 = arith.constant 10000 : i32
    %lt3A_511 = vector.broadcast %lt3A_510 : i32 to vector<16xi32>
    %lt3A_512 = arith.cmpi slt, %add3A_509, %lt3A_511 : vector<16xi32>
    %convert_element_type3A_513 = arith.fptosi %get3A_504 : vector<16xf32> to vector<16xi32>
    %jit3A_514 = arith.constant 327679 : i32
    %broadcast_in_dim3A_515 = vector.broadcast %jit3A_514 : i32 to vector<16xi32>
    %select_n3A_516 = arith.select %lt3A_512, %convert_element_type3A_513, %broadcast_in_dim3A_515 : vector<16xi1>, vector<16xi32>
    %swap3A_517 = arith.constant 2 : i32
    %swap3A_518 = arith.index_cast %swap3A_517 : i32 to index
    %swap3A_519 = arith.constant 80 : index
    %swap3A_520 = tpu.vector_load %arg9[%swap3A_518, %swap3A_519] {strides = array<i32>} : memref<5x128xi32, #tpu.memory_space<vmem>>, vector<1x16xi32>,
    %swap3A_521 = vector.shape_cast %swap3A_520 : vector<1x16xi32> to vector<16xi32>
    %swap3A_522 = vector.shape_cast %select_n3A_516 : vector<16xi32> to vector<1x16xi32>
    tpu.vector_store %arg9[%swap3A_518, %swap3A_519], %swap3A_522 {strides = array<i32>} : memref<5x128xi32, #tpu.memory_space<vmem>>, vector<1x16xi32>,
    %get3A_523 = arith.constant 352 : index
    %get3A_524 = tpu.vector_load %arg8[%get3A_523] {strides = array<i32>} : memref<640xf32, #tpu.memory_space<vmem>>, vector<16xf32>,
    %get3A_525 = vector.shape_cast %get3A_524 : vector<16xf32> to vector<16xf32>
    %add3A_526 = arith.constant 352 : i32
    %add3A_527 = arith.addi %mul3A_67, %add3A_526 : i32
    %iota3A_528 = tpu.iota {dimensions = array<i32: 0>} : vector<16xi32>
    %add3A_529 = vector.broadcast %add3A_527 : i32 to vector<16xi32>
    %add3A_530 = arith.addi %add3A_529, %iota3A_528 : vector<16xi32>
    %lt3A_531 = arith.constant 10000 : i32
    %lt3A_532 = vector.broadcast %lt3A_531 : i32 to vector<16xi32>
    %lt3A_533 = arith.cmpi slt, %add3A_530, %lt3A_532 : vector<16xi32>
    %convert_element_type3A_534 = arith.fptosi %get3A_525 : vector<16xf32> to vector<16xi32>
    %jit3A_535 = arith.constant 327679 : i32
    %broadcast_in_dim3A_536 = vector.broadcast %jit3A_535 : i32 to vector<16xi32>
    %select_n3A_537 = arith.select %lt3A_533, %convert_element_type3A_534, %broadcast_in_dim3A_536 : vector<16xi1>, vector<16xi32>
    %swap3A_538 = arith.constant 2 : i32
    %swap3A_539 = arith.index_cast %swap3A_538 : i32 to index
    %swap3A_540 = arith.constant 96 : index
    %swap3A_541 = tpu.vector_load %arg9[%swap3A_539, %swap3A_540] {strides = array<i32>} : memref<5x128xi32, #tpu.memory_space<vmem>>, vector<1x16xi32>,
    %swap3A_542 = vector.shape_cast %swap3A_541 : vector<1x16xi32> to vector<16xi32>
    %swap3A_543 = vector.shape_cast %select_n3A_537 : vector<16xi32> to vector<1x16xi32>
    tpu.vector_store %arg9[%swap3A_539, %swap3A_540], %swap3A_543 {strides = array<i32>} : memref<5x128xi32, #tpu.memory_space<vmem>>, vector<1x16xi32>,
    %get3A_544 = arith.constant 368 : index
    %get3A_545 = tpu.vector_load %arg8[%get3A_544] {strides = array<i32>} : memref<640xf32, #tpu.memory_space<vmem>>, vector<16xf32>,
    %get3A_546 = vector.shape_cast %get3A_545 : vector<16xf32> to vector<16xf32>
    %add3A_547 = arith.constant 368 : i32
    %add3A_548 = arith.addi %mul3A_67, %add3A_547 : i32
    %iota3A_549 = tpu.iota {dimensions = array<i32: 0>} : vector<16xi32>
    %add3A_550 = vector.broadcast %add3A_548 : i32 to vector<16xi32>
    %add3A_551 = arith.addi %add3A_550, %iota3A_549 : vector<16xi32>
    %lt3A_552 = arith.constant 10000 : i32
    %lt3A_553 = vector.broadcast %lt3A_552 : i32 to vector<16xi32>
    %lt3A_554 = arith.cmpi slt, %add3A_551, %lt3A_553 : vector<16xi32>
    %convert_element_type3A_555 = arith.fptosi %get3A_546 : vector<16xf32> to vector<16xi32>
    %jit3A_556 = arith.constant 327679 : i32
    %broadcast_in_dim3A_557 = vector.broadcast %jit3A_556 : i32 to vector<16xi32>
    %select_n3A_558 = arith.select %lt3A_554, %convert_element_type3A_555, %broadcast_in_dim3A_557 : vector<16xi1>, vector<16xi32>
    %swap3A_559 = arith.constant 2 : i32
    %swap3A_560 = arith.index_cast %swap3A_559 : i32 to index
    %swap3A_561 = arith.constant 112 : index
    %swap3A_562 = tpu.vector_load %arg9[%swap3A_560, %swap3A_561] {strides = array<i32>} : memref<5x128xi32, #tpu.memory_space<vmem>>, vector<1x16xi32>,
    %swap3A_563 = vector.shape_cast %swap3A_562 : vector<1x16xi32> to vector<16xi32>
    %swap3A_564 = vector.shape_cast %select_n3A_558 : vector<16xi32> to vector<1x16xi32>
    tpu.vector_store %arg9[%swap3A_560, %swap3A_561], %swap3A_564 {strides = array<i32>} : memref<5x128xi32, #tpu.memory_space<vmem>>, vector<1x16xi32>,
    %get3A_565 = arith.constant 384 : index
    %get3A_566 = tpu.vector_load %arg8[%get3A_565] {strides = array<i32>} : memref<640xf32, #tpu.memory_space<vmem>>, vector<16xf32>,
    %get3A_567 = vector.shape_cast %get3A_566 : vector<16xf32> to vector<16xf32>
    %add3A_568 = arith.constant 384 : i32
    %add3A_569 = arith.addi %mul3A_67, %add3A_568 : i32
    %iota3A_570 = tpu.iota {dimensions = array<i32: 0>} : vector<16xi32>
    %add3A_571 = vector.broadcast %add3A_569 : i32 to vector<16xi32>
    %add3A_572 = arith.addi %add3A_571, %iota3A_570 : vector<16xi32>
    %lt3A_573 = arith.constant 10000 : i32
    %lt3A_574 = vector.broadcast %lt3A_573 : i32 to vector<16xi32>
    %lt3A_575 = arith.cmpi slt, %add3A_572, %lt3A_574 : vector<16xi32>
    %convert_element_type3A_576 = arith.fptosi %get3A_567 : vector<16xf32> to vector<16xi32>
    %jit3A_577 = arith.constant 327679 : i32
    %broadcast_in_dim3A_578 = vector.broadcast %jit3A_577 : i32 to vector<16xi32>
    %select_n3A_579 = arith.select %lt3A_575, %convert_element_type3A_576, %broadcast_in_dim3A_578 : vector<16xi1>, vector<16xi32>
    %swap3A_580 = arith.constant 3 : i32
    %swap3A_581 = arith.index_cast %swap3A_580 : i32 to index
    %swap3A_582 = arith.constant 0 : index
    %swap3A_583 = tpu.vector_load %arg9[%swap3A_581, %swap3A_582] {strides = array<i32>} : memref<5x128xi32, #tpu.memory_space<vmem>>, vector<1x16xi32>,
    %swap3A_584 = vector.shape_cast %swap3A_583 : vector<1x16xi32> to vector<16xi32>
    %swap3A_585 = vector.shape_cast %select_n3A_579 : vector<16xi32> to vector<1x16xi32>
    tpu.vector_store %arg9[%swap3A_581, %swap3A_582], %swap3A_585 {strides = array<i32>} : memref<5x128xi32, #tpu.memory_space<vmem>>, vector<1x16xi32>,
    %get3A_586 = arith.constant 400 : index
    %get3A_587 = tpu.vector_load %arg8[%get3A_586] {strides = array<i32>} : memref<640xf32, #tpu.memory_space<vmem>>, vector<16xf32>,
    %get3A_588 = vector.shape_cast %get3A_587 : vector<16xf32> to vector<16xf32>
    %add3A_589 = arith.constant 400 : i32
    %add3A_590 = arith.addi %mul3A_67, %add3A_589 : i32
    %iota3A_591 = tpu.iota {dimensions = array<i32: 0>} : vector<16xi32>
    %add3A_592 = vector.broadcast %add3A_590 : i32 to vector<16xi32>
    %add3A_593 = arith.addi %add3A_592, %iota3A_591 : vector<16xi32>
    %lt3A_594 = arith.constant 10000 : i32
    %lt3A_595 = vector.broadcast %lt3A_594 : i32 to vector<16xi32>
    %lt3A_596 = arith.cmpi slt, %add3A_593, %lt3A_595 : vector<16xi32>
    %convert_element_type3A_597 = arith.fptosi %get3A_588 : vector<16xf32> to vector<16xi32>
    %jit3A_598 = arith.constant 327679 : i32
    %broadcast_in_dim3A_599 = vector.broadcast %jit3A_598 : i32 to vector<16xi32>
    %select_n3A_600 = arith.select %lt3A_596, %convert_element_type3A_597, %broadcast_in_dim3A_599 : vector<16xi1>, vector<16xi32>
    %swap3A_601 = arith.constant 3 : i32
    %swap3A_602 = arith.index_cast %swap3A_601 : i32 to index
    %swap3A_603 = arith.constant 16 : index
    %swap3A_604 = tpu.vector_load %arg9[%swap3A_602, %swap3A_603] {strides = array<i32>} : memref<5x128xi32, #tpu.memory_space<vmem>>, vector<1x16xi32>,
    %swap3A_605 = vector.shape_cast %swap3A_604 : vector<1x16xi32> to vector<16xi32>
    %swap3A_606 = vector.shape_cast %select_n3A_600 : vector<16xi32> to vector<1x16xi32>
    tpu.vector_store %arg9[%swap3A_602, %swap3A_603], %swap3A_606 {strides = array<i32>} : memref<5x128xi32, #tpu.memory_space<vmem>>, vector<1x16xi32>,
    %get3A_607 = arith.constant 416 : index
    %get3A_608 = tpu.vector_load %arg8[%get3A_607] {strides = array<i32>} : memref<640xf32, #tpu.memory_space<vmem>>, vector<16xf32>,
    %get3A_609 = vector.shape_cast %get3A_608 : vector<16xf32> to vector<16xf32>
    %add3A_610 = arith.constant 416 : i32
    %add3A_611 = arith.addi %mul3A_67, %add3A_610 : i32
    %iota3A_612 = tpu.iota {dimensions = array<i32: 0>} : vector<16xi32>
    %add3A_613 = vector.broadcast %add3A_611 : i32 to vector<16xi32>
    %add3A_614 = arith.addi %add3A_613, %iota3A_612 : vector<16xi32>
    %lt3A_615 = arith.constant 10000 : i32
    %lt3A_616 = vector.broadcast %lt3A_615 : i32 to vector<16xi32>
    %lt3A_617 = arith.cmpi slt, %add3A_614, %lt3A_616 : vector<16xi32>
    %convert_element_type3A_618 = arith.fptosi %get3A_609 : vector<16xf32> to vector<16xi32>
    %jit3A_619 = arith.constant 327679 : i32
    %broadcast_in_dim3A_620 = vector.broadcast %jit3A_619 : i32 to vector<16xi32>
    %select_n3A_621 = arith.select %lt3A_617, %convert_element_type3A_618, %broadcast_in_dim3A_620 : vector<16xi1>, vector<16xi32>
    %swap3A_622 = arith.constant 3 : i32
    %swap3A_623 = arith.index_cast %swap3A_622 : i32 to index
    %swap3A_624 = arith.constant 32 : index
    %swap3A_625 = tpu.vector_load %arg9[%swap3A_623, %swap3A_624] {strides = array<i32>} : memref<5x128xi32, #tpu.memory_space<vmem>>, vector<1x16xi32>,
    %swap3A_626 = vector.shape_cast %swap3A_625 : vector<1x16xi32> to vector<16xi32>
    %swap3A_627 = vector.shape_cast %select_n3A_621 : vector<16xi32> to vector<1x16xi32>
    tpu.vector_store %arg9[%swap3A_623, %swap3A_624], %swap3A_627 {strides = array<i32>} : memref<5x128xi32, #tpu.memory_space<vmem>>, vector<1x16xi32>,
    %get3A_628 = arith.constant 432 : index
    %get3A_629 = tpu.vector_load %arg8[%get3A_628] {strides = array<i32>} : memref<640xf32, #tpu.memory_space<vmem>>, vector<16xf32>,
    %get3A_630 = vector.shape_cast %get3A_629 : vector<16xf32> to vector<16xf32>
    %add3A_631 = arith.constant 432 : i32
    %add3A_632 = arith.addi %mul3A_67, %add3A_631 : i32
    %iota3A_633 = tpu.iota {dimensions = array<i32: 0>} : vector<16xi32>
    %add3A_634 = vector.broadcast %add3A_632 : i32 to vector<16xi32>
    %add3A_635 = arith.addi %add3A_634, %iota3A_633 : vector<16xi32>
    %lt3A_636 = arith.constant 10000 : i32
    %lt3A_637 = vector.broadcast %lt3A_636 : i32 to vector<16xi32>
    %lt3A_638 = arith.cmpi slt, %add3A_635, %lt3A_637 : vector<16xi32>
    %convert_element_type3A_639 = arith.fptosi %get3A_630 : vector<16xf32> to vector<16xi32>
    %jit3A_640 = arith.constant 327679 : i32
    %broadcast_in_dim3A_641 = vector.broadcast %jit3A_640 : i32 to vector<16xi32>
    %select_n3A_642 = arith.select %lt3A_638, %convert_element_type3A_639, %broadcast_in_dim3A_641 : vector<16xi1>, vector<16xi32>
    %swap3A_643 = arith.constant 3 : i32
    %swap3A_644 = arith.index_cast %swap3A_643 : i32 to index
    %swap3A_645 = arith.constant 48 : index
    %swap3A_646 = tpu.vector_load %arg9[%swap3A_644, %swap3A_645] {strides = array<i32>} : memref<5x128xi32, #tpu.memory_space<vmem>>, vector<1x16xi32>,
    %swap3A_647 = vector.shape_cast %swap3A_646 : vector<1x16xi32> to vector<16xi32>
    %swap3A_648 = vector.shape_cast %select_n3A_642 : vector<16xi32> to vector<1x16xi32>
    tpu.vector_store %arg9[%swap3A_644, %swap3A_645], %swap3A_648 {strides = array<i32>} : memref<5x128xi32, #tpu.memory_space<vmem>>, vector<1x16xi32>,
    %get3A_649 = arith.constant 448 : index
    %get3A_650 = tpu.vector_load %arg8[%get3A_649] {strides = array<i32>} : memref<640xf32, #tpu.memory_space<vmem>>, vector<16xf32>,
    %get3A_651 = vector.shape_cast %get3A_650 : vector<16xf32> to vector<16xf32>
    %add3A_652 = arith.constant 448 : i32
    %add3A_653 = arith.addi %mul3A_67, %add3A_652 : i32
    %iota3A_654 = tpu.iota {dimensions = array<i32: 0>} : vector<16xi32>
    %add3A_655 = vector.broadcast %add3A_653 : i32 to vector<16xi32>
    %add3A_656 = arith.addi %add3A_655, %iota3A_654 : vector<16xi32>
    %lt3A_657 = arith.constant 10000 : i32
    %lt3A_658 = vector.broadcast %lt3A_657 : i32 to vector<16xi32>
    %lt3A_659 = arith.cmpi slt, %add3A_656, %lt3A_658 : vector<16xi32>
    %convert_element_type3A_660 = arith.fptosi %get3A_651 : vector<16xf32> to vector<16xi32>
    %jit3A_661 = arith.constant 327679 : i32
    %broadcast_in_dim3A_662 = vector.broadcast %jit3A_661 : i32 to vector<16xi32>
    %select_n3A_663 = arith.select %lt3A_659, %convert_element_type3A_660, %broadcast_in_dim3A_662 : vector<16xi1>, vector<16xi32>
    %swap3A_664 = arith.constant 3 : i32
    %swap3A_665 = arith.index_cast %swap3A_664 : i32 to index
    %swap3A_666 = arith.constant 64 : index
    %swap3A_667 = tpu.vector_load %arg9[%swap3A_665, %swap3A_666] {strides = array<i32>} : memref<5x128xi32, #tpu.memory_space<vmem>>, vector<1x16xi32>,
    %swap3A_668 = vector.shape_cast %swap3A_667 : vector<1x16xi32> to vector<16xi32>
    %swap3A_669 = vector.shape_cast %select_n3A_663 : vector<16xi32> to vector<1x16xi32>
    tpu.vector_store %arg9[%swap3A_665, %swap3A_666], %swap3A_669 {strides = array<i32>} : memref<5x128xi32, #tpu.memory_space<vmem>>, vector<1x16xi32>,
    %get3A_670 = arith.constant 464 : index
    %get3A_671 = tpu.vector_load %arg8[%get3A_670] {strides = array<i32>} : memref<640xf32, #tpu.memory_space<vmem>>, vector<16xf32>,
    %get3A_672 = vector.shape_cast %get3A_671 : vector<16xf32> to vector<16xf32>
    %add3A_673 = arith.constant 464 : i32
    %add3A_674 = arith.addi %mul3A_67, %add3A_673 : i32
    %iota3A_675 = tpu.iota {dimensions = array<i32: 0>} : vector<16xi32>
    %add3A_676 = vector.broadcast %add3A_674 : i32 to vector<16xi32>
    %add3A_677 = arith.addi %add3A_676, %iota3A_675 : vector<16xi32>
    %lt3A_678 = arith.constant 10000 : i32
    %lt3A_679 = vector.broadcast %lt3A_678 : i32 to vector<16xi32>
    %lt3A_680 = arith.cmpi slt, %add3A_677, %lt3A_679 : vector<16xi32>
    %convert_element_type3A_681 = arith.fptosi %get3A_672 : vector<16xf32> to vector<16xi32>
    %jit3A_682 = arith.constant 327679 : i32
    %broadcast_in_dim3A_683 = vector.broadcast %jit3A_682 : i32 to vector<16xi32>
    %select_n3A_684 = arith.select %lt3A_680, %convert_element_type3A_681, %broadcast_in_dim3A_683 : vector<16xi1>, vector<16xi32>
    %swap3A_685 = arith.constant 3 : i32
    %swap3A_686 = arith.index_cast %swap3A_685 : i32 to index
    %swap3A_687 = arith.constant 80 : index
    %swap3A_688 = tpu.vector_load %arg9[%swap3A_686, %swap3A_687] {strides = array<i32>} : memref<5x128xi32, #tpu.memory_space<vmem>>, vector<1x16xi32>,
    %swap3A_689 = vector.shape_cast %swap3A_688 : vector<1x16xi32> to vector<16xi32>
    %swap3A_690 = vector.shape_cast %select_n3A_684 : vector<16xi32> to vector<1x16xi32>
    tpu.vector_store %arg9[%swap3A_686, %swap3A_687], %swap3A_690 {strides = array<i32>} : memref<5x128xi32, #tpu.memory_space<vmem>>, vector<1x16xi32>,
    %get3A_691 = arith.constant 480 : index
    %get3A_692 = tpu.vector_load %arg8[%get3A_691] {strides = array<i32>} : memref<640xf32, #tpu.memory_space<vmem>>, vector<16xf32>,
    %get3A_693 = vector.shape_cast %get3A_692 : vector<16xf32> to vector<16xf32>
    %add3A_694 = arith.constant 480 : i32
    %add3A_695 = arith.addi %mul3A_67, %add3A_694 : i32
    %iota3A_696 = tpu.iota {dimensions = array<i32: 0>} : vector<16xi32>
    %add3A_697 = vector.broadcast %add3A_695 : i32 to vector<16xi32>
    %add3A_698 = arith.addi %add3A_697, %iota3A_696 : vector<16xi32>
    %lt3A_699 = arith.constant 10000 : i32
    %lt3A_700 = vector.broadcast %lt3A_699 : i32 to vector<16xi32>
    %lt3A_701 = arith.cmpi slt, %add3A_698, %lt3A_700 : vector<16xi32>
    %convert_element_type3A_702 = arith.fptosi %get3A_693 : vector<16xf32> to vector<16xi32>
    %jit3A_703 = arith.constant 327679 : i32
    %broadcast_in_dim3A_704 = vector.broadcast %jit3A_703 : i32 to vector<16xi32>
    %select_n3A_705 = arith.select %lt3A_701, %convert_element_type3A_702, %broadcast_in_dim3A_704 : vector<16xi1>, vector<16xi32>
    %swap3A_706 = arith.constant 3 : i32
    %swap3A_707 = arith.index_cast %swap3A_706 : i32 to index
    %swap3A_708 = arith.constant 96 : index
    %swap3A_709 = tpu.vector_load %arg9[%swap3A_707, %swap3A_708] {strides = array<i32>} : memref<5x128xi32, #tpu.memory_space<vmem>>, vector<1x16xi32>,
    %swap3A_710 = vector.shape_cast %swap3A_709 : vector<1x16xi32> to vector<16xi32>
    %swap3A_711 = vector.shape_cast %select_n3A_705 : vector<16xi32> to vector<1x16xi32>
    tpu.vector_store %arg9[%swap3A_707, %swap3A_708], %swap3A_711 {strides = array<i32>} : memref<5x128xi32, #tpu.memory_space<vmem>>, vector<1x16xi32>,
    %get3A_712 = arith.constant 496 : index
    %get3A_713 = tpu.vector_load %arg8[%get3A_712] {strides = array<i32>} : memref<640xf32, #tpu.memory_space<vmem>>, vector<16xf32>,
    %get3A_714 = vector.shape_cast %get3A_713 : vector<16xf32> to vector<16xf32>
    %add3A_715 = arith.constant 496 : i32
    %add3A_716 = arith.addi %mul3A_67, %add3A_715 : i32
    %iota3A_717 = tpu.iota {dimensions = array<i32: 0>} : vector<16xi32>
    %add3A_718 = vector.broadcast %add3A_716 : i32 to vector<16xi32>
    %add3A_719 = arith.addi %add3A_718, %iota3A_717 : vector<16xi32>
    %lt3A_720 = arith.constant 10000 : i32
    %lt3A_721 = vector.broadcast %lt3A_720 : i32 to vector<16xi32>
    %lt3A_722 = arith.cmpi slt, %add3A_719, %lt3A_721 : vector<16xi32>
    %convert_element_type3A_723 = arith.fptosi %get3A_714 : vector<16xf32> to vector<16xi32>
    %jit3A_724 = arith.constant 327679 : i32
    %broadcast_in_dim3A_725 = vector.broadcast %jit3A_724 : i32 to vector<16xi32>
    %select_n3A_726 = arith.select %lt3A_722, %convert_element_type3A_723, %broadcast_in_dim3A_725 : vector<16xi1>, vector<16xi32>
    %swap3A_727 = arith.constant 3 : i32
    %swap3A_728 = arith.index_cast %swap3A_727 : i32 to index
    %swap3A_729 = arith.constant 112 : index
    %swap3A_730 = tpu.vector_load %arg9[%swap3A_728, %swap3A_729] {strides = array<i32>} : memref<5x128xi32, #tpu.memory_space<vmem>>, vector<1x16xi32>,
    %swap3A_731 = vector.shape_cast %swap3A_730 : vector<1x16xi32> to vector<16xi32>
    %swap3A_732 = vector.shape_cast %select_n3A_726 : vector<16xi32> to vector<1x16xi32>
    tpu.vector_store %arg9[%swap3A_728, %swap3A_729], %swap3A_732 {strides = array<i32>} : memref<5x128xi32, #tpu.memory_space<vmem>>, vector<1x16xi32>,
    %get3A_733 = arith.constant 512 : index
    %get3A_734 = tpu.vector_load %arg8[%get3A_733] {strides = array<i32>} : memref<640xf32, #tpu.memory_space<vmem>>, vector<16xf32>,
    %get3A_735 = vector.shape_cast %get3A_734 : vector<16xf32> to vector<16xf32>
    %add3A_736 = arith.constant 512 : i32
    %add3A_737 = arith.addi %mul3A_67, %add3A_736 : i32
    %iota3A_738 = tpu.iota {dimensions = array<i32: 0>} : vector<16xi32>
    %add3A_739 = vector.broadcast %add3A_737 : i32 to vector<16xi32>
    %add3A_740 = arith.addi %add3A_739, %iota3A_738 : vector<16xi32>
    %lt3A_741 = arith.constant 10000 : i32
    %lt3A_742 = vector.broadcast %lt3A_741 : i32 to vector<16xi32>
    %lt3A_743 = arith.cmpi slt, %add3A_740, %lt3A_742 : vector<16xi32>
    %convert_element_type3A_744 = arith.fptosi %get3A_735 : vector<16xf32> to vector<16xi32>
    %jit3A_745 = arith.constant 327679 : i32
    %broadcast_in_dim3A_746 = vector.broadcast %jit3A_745 : i32 to vector<16xi32>
    %select_n3A_747 = arith.select %lt3A_743, %convert_element_type3A_744, %broadcast_in_dim3A_746 : vector<16xi1>, vector<16xi32>
    %swap3A_748 = arith.constant 4 : i32
    %swap3A_749 = arith.index_cast %swap3A_748 : i32 to index
    %swap3A_750 = arith.constant 0 : index
    %swap3A_751 = tpu.vector_load %arg9[%swap3A_749, %swap3A_750] {strides = array<i32>} : memref<5x128xi32, #tpu.memory_space<vmem>>, vector<1x16xi32>,
    %swap3A_752 = vector.shape_cast %swap3A_751 : vector<1x16xi32> to vector<16xi32>
    %swap3A_753 = vector.shape_cast %select_n3A_747 : vector<16xi32> to vector<1x16xi32>
    tpu.vector_store %arg9[%swap3A_749, %swap3A_750], %swap3A_753 {strides = array<i32>} : memref<5x128xi32, #tpu.memory_space<vmem>>, vector<1x16xi32>,
    %get3A_754 = arith.constant 528 : index
    %get3A_755 = tpu.vector_load %arg8[%get3A_754] {strides = array<i32>} : memref<640xf32, #tpu.memory_space<vmem>>, vector<16xf32>,
    %get3A_756 = vector.shape_cast %get3A_755 : vector<16xf32> to vector<16xf32>
    %add3A_757 = arith.constant 528 : i32
    %add3A_758 = arith.addi %mul3A_67, %add3A_757 : i32
    %iota3A_759 = tpu.iota {dimensions = array<i32: 0>} : vector<16xi32>
    %add3A_760 = vector.broadcast %add3A_758 : i32 to vector<16xi32>
    %add3A_761 = arith.addi %add3A_760, %iota3A_759 : vector<16xi32>
    %lt3A_762 = arith.constant 10000 : i32
    %lt3A_763 = vector.broadcast %lt3A_762 : i32 to vector<16xi32>
    %lt3A_764 = arith.cmpi slt, %add3A_761, %lt3A_763 : vector<16xi32>
    %convert_element_type3A_765 = arith.fptosi %get3A_756 : vector<16xf32> to vector<16xi32>
    %jit3A_766 = arith.constant 327679 : i32
    %broadcast_in_dim3A_767 = vector.broadcast %jit3A_766 : i32 to vector<16xi32>
    %select_n3A_768 = arith.select %lt3A_764, %convert_element_type3A_765, %broadcast_in_dim3A_767 : vector<16xi1>, vector<16xi32>
    %swap3A_769 = arith.constant 4 : i32
    %swap3A_770 = arith.index_cast %swap3A_769 : i32 to index
    %swap3A_771 = arith.constant 16 : index
    %swap3A_772 = tpu.vector_load %arg9[%swap3A_770, %swap3A_771] {strides = array<i32>} : memref<5x128xi32, #tpu.memory_space<vmem>>, vector<1x16xi32>,
    %swap3A_773 = vector.shape_cast %swap3A_772 : vector<1x16xi32> to vector<16xi32>
    %swap3A_774 = vector.shape_cast %select_n3A_768 : vector<16xi32> to vector<1x16xi32>
    tpu.vector_store %arg9[%swap3A_770, %swap3A_771], %swap3A_774 {strides = array<i32>} : memref<5x128xi32, #tpu.memory_space<vmem>>, vector<1x16xi32>,
    %get3A_775 = arith.constant 544 : index
    %get3A_776 = tpu.vector_load %arg8[%get3A_775] {strides = array<i32>} : memref<640xf32, #tpu.memory_space<vmem>>, vector<16xf32>,
    %get3A_777 = vector.shape_cast %get3A_776 : vector<16xf32> to vector<16xf32>
    %add3A_778 = arith.constant 544 : i32
    %add3A_779 = arith.addi %mul3A_67, %add3A_778 : i32
    %iota3A_780 = tpu.iota {dimensions = array<i32: 0>} : vector<16xi32>
    %add3A_781 = vector.broadcast %add3A_779 : i32 to vector<16xi32>
    %add3A_782 = arith.addi %add3A_781, %iota3A_780 : vector<16xi32>
    %lt3A_783 = arith.constant 10000 : i32
    %lt3A_784 = vector.broadcast %lt3A_783 : i32 to vector<16xi32>
    %lt3A_785 = arith.cmpi slt, %add3A_782, %lt3A_784 : vector<16xi32>
    %convert_element_type3A_786 = arith.fptosi %get3A_777 : vector<16xf32> to vector<16xi32>
    %jit3A_787 = arith.constant 327679 : i32
    %broadcast_in_dim3A_788 = vector.broadcast %jit3A_787 : i32 to vector<16xi32>
    %select_n3A_789 = arith.select %lt3A_785, %convert_element_type3A_786, %broadcast_in_dim3A_788 : vector<16xi1>, vector<16xi32>
    %swap3A_790 = arith.constant 4 : i32
    %swap3A_791 = arith.index_cast %swap3A_790 : i32 to index
    %swap3A_792 = arith.constant 32 : index
    %swap3A_793 = tpu.vector_load %arg9[%swap3A_791, %swap3A_792] {strides = array<i32>} : memref<5x128xi32, #tpu.memory_space<vmem>>, vector<1x16xi32>,
    %swap3A_794 = vector.shape_cast %swap3A_793 : vector<1x16xi32> to vector<16xi32>
    %swap3A_795 = vector.shape_cast %select_n3A_789 : vector<16xi32> to vector<1x16xi32>
    tpu.vector_store %arg9[%swap3A_791, %swap3A_792], %swap3A_795 {strides = array<i32>} : memref<5x128xi32, #tpu.memory_space<vmem>>, vector<1x16xi32>,
    %get3A_796 = arith.constant 560 : index
    %get3A_797 = tpu.vector_load %arg8[%get3A_796] {strides = array<i32>} : memref<640xf32, #tpu.memory_space<vmem>>, vector<16xf32>,
    %get3A_798 = vector.shape_cast %get3A_797 : vector<16xf32> to vector<16xf32>
    %add3A_799 = arith.constant 560 : i32
    %add3A_800 = arith.addi %mul3A_67, %add3A_799 : i32
    %iota3A_801 = tpu.iota {dimensions = array<i32: 0>} : vector<16xi32>
    %add3A_802 = vector.broadcast %add3A_800 : i32 to vector<16xi32>
    %add3A_803 = arith.addi %add3A_802, %iota3A_801 : vector<16xi32>
    %lt3A_804 = arith.constant 10000 : i32
    %lt3A_805 = vector.broadcast %lt3A_804 : i32 to vector<16xi32>
    %lt3A_806 = arith.cmpi slt, %add3A_803, %lt3A_805 : vector<16xi32>
    %convert_element_type3A_807 = arith.fptosi %get3A_798 : vector<16xf32> to vector<16xi32>
    %jit3A_808 = arith.constant 327679 : i32
    %broadcast_in_dim3A_809 = vector.broadcast %jit3A_808 : i32 to vector<16xi32>
    %select_n3A_810 = arith.select %lt3A_806, %convert_element_type3A_807, %broadcast_in_dim3A_809 : vector<16xi1>, vector<16xi32>
    %swap3A_811 = arith.constant 4 : i32
    %swap3A_812 = arith.index_cast %swap3A_811 : i32 to index
    %swap3A_813 = arith.constant 48 : index
    %swap3A_814 = tpu.vector_load %arg9[%swap3A_812, %swap3A_813] {strides = array<i32>} : memref<5x128xi32, #tpu.memory_space<vmem>>, vector<1x16xi32>,
    %swap3A_815 = vector.shape_cast %swap3A_814 : vector<1x16xi32> to vector<16xi32>
    %swap3A_816 = vector.shape_cast %select_n3A_810 : vector<16xi32> to vector<1x16xi32>
    tpu.vector_store %arg9[%swap3A_812, %swap3A_813], %swap3A_816 {strides = array<i32>} : memref<5x128xi32, #tpu.memory_space<vmem>>, vector<1x16xi32>,
    %get3A_817 = arith.constant 576 : index
    %get3A_818 = tpu.vector_load %arg8[%get3A_817] {strides = array<i32>} : memref<640xf32, #tpu.memory_space<vmem>>, vector<16xf32>,
    %get3A_819 = vector.shape_cast %get3A_818 : vector<16xf32> to vector<16xf32>
    %add3A_820 = arith.constant 576 : i32
    %add3A_821 = arith.addi %mul3A_67, %add3A_820 : i32
    %iota3A_822 = tpu.iota {dimensions = array<i32: 0>} : vector<16xi32>
    %add3A_823 = vector.broadcast %add3A_821 : i32 to vector<16xi32>
    %add3A_824 = arith.addi %add3A_823, %iota3A_822 : vector<16xi32>
    %lt3A_825 = arith.constant 10000 : i32
    %lt3A_826 = vector.broadcast %lt3A_825 : i32 to vector<16xi32>
    %lt3A_827 = arith.cmpi slt, %add3A_824, %lt3A_826 : vector<16xi32>
    %convert_element_type3A_828 = arith.fptosi %get3A_819 : vector<16xf32> to vector<16xi32>
    %jit3A_829 = arith.constant 327679 : i32
    %broadcast_in_dim3A_830 = vector.broadcast %jit3A_829 : i32 to vector<16xi32>
    %select_n3A_831 = arith.select %lt3A_827, %convert_element_type3A_828, %broadcast_in_dim3A_830 : vector<16xi1>, vector<16xi32>
    %swap3A_832 = arith.constant 4 : i32
    %swap3A_833 = arith.index_cast %swap3A_832 : i32 to index
    %swap3A_834 = arith.constant 64 : index
    %swap3A_835 = tpu.vector_load %arg9[%swap3A_833, %swap3A_834] {strides = array<i32>} : memref<5x128xi32, #tpu.memory_space<vmem>>, vector<1x16xi32>,
    %swap3A_836 = vector.shape_cast %swap3A_835 : vector<1x16xi32> to vector<16xi32>
    %swap3A_837 = vector.shape_cast %select_n3A_831 : vector<16xi32> to vector<1x16xi32>
    tpu.vector_store %arg9[%swap3A_833, %swap3A_834], %swap3A_837 {strides = array<i32>} : memref<5x128xi32, #tpu.memory_space<vmem>>, vector<1x16xi32>,
    %get3A_838 = arith.constant 592 : index
    %get3A_839 = tpu.vector_load %arg8[%get3A_838] {strides = array<i32>} : memref<640xf32, #tpu.memory_space<vmem>>, vector<16xf32>,
    %get3A_840 = vector.shape_cast %get3A_839 : vector<16xf32> to vector<16xf32>
    %add3A_841 = arith.constant 592 : i32
    %add3A_842 = arith.addi %mul3A_67, %add3A_841 : i32
    %iota3A_843 = tpu.iota {dimensions = array<i32: 0>} : vector<16xi32>
    %add3A_844 = vector.broadcast %add3A_842 : i32 to vector<16xi32>
    %add3A_845 = arith.addi %add3A_844, %iota3A_843 : vector<16xi32>
    %lt3A_846 = arith.constant 10000 : i32
    %lt3A_847 = vector.broadcast %lt3A_846 : i32 to vector<16xi32>
    %lt3A_848 = arith.cmpi slt, %add3A_845, %lt3A_847 : vector<16xi32>
    %convert_element_type3A_849 = arith.fptosi %get3A_840 : vector<16xf32> to vector<16xi32>
    %jit3A_850 = arith.constant 327679 : i32
    %broadcast_in_dim3A_851 = vector.broadcast %jit3A_850 : i32 to vector<16xi32>
    %select_n3A_852 = arith.select %lt3A_848, %convert_element_type3A_849, %broadcast_in_dim3A_851 : vector<16xi1>, vector<16xi32>
    %swap3A_853 = arith.constant 4 : i32
    %swap3A_854 = arith.index_cast %swap3A_853 : i32 to index
    %swap3A_855 = arith.constant 80 : index
    %swap3A_856 = tpu.vector_load %arg9[%swap3A_854, %swap3A_855] {strides = array<i32>} : memref<5x128xi32, #tpu.memory_space<vmem>>, vector<1x16xi32>,
    %swap3A_857 = vector.shape_cast %swap3A_856 : vector<1x16xi32> to vector<16xi32>
    %swap3A_858 = vector.shape_cast %select_n3A_852 : vector<16xi32> to vector<1x16xi32>
    tpu.vector_store %arg9[%swap3A_854, %swap3A_855], %swap3A_858 {strides = array<i32>} : memref<5x128xi32, #tpu.memory_space<vmem>>, vector<1x16xi32>,
    %get3A_859 = arith.constant 608 : index
    %get3A_860 = tpu.vector_load %arg8[%get3A_859] {strides = array<i32>} : memref<640xf32, #tpu.memory_space<vmem>>, vector<16xf32>,
    %get3A_861 = vector.shape_cast %get3A_860 : vector<16xf32> to vector<16xf32>
    %add3A_862 = arith.constant 608 : i32
    %add3A_863 = arith.addi %mul3A_67, %add3A_862 : i32
    %iota3A_864 = tpu.iota {dimensions = array<i32: 0>} : vector<16xi32>
    %add3A_865 = vector.broadcast %add3A_863 : i32 to vector<16xi32>
    %add3A_866 = arith.addi %add3A_865, %iota3A_864 : vector<16xi32>
    %lt3A_867 = arith.constant 10000 : i32
    %lt3A_868 = vector.broadcast %lt3A_867 : i32 to vector<16xi32>
    %lt3A_869 = arith.cmpi slt, %add3A_866, %lt3A_868 : vector<16xi32>
    %convert_element_type3A_870 = arith.fptosi %get3A_861 : vector<16xf32> to vector<16xi32>
    %jit3A_871 = arith.constant 327679 : i32
    %broadcast_in_dim3A_872 = vector.broadcast %jit3A_871 : i32 to vector<16xi32>
    %select_n3A_873 = arith.select %lt3A_869, %convert_element_type3A_870, %broadcast_in_dim3A_872 : vector<16xi1>, vector<16xi32>
    %swap3A_874 = arith.constant 4 : i32
    %swap3A_875 = arith.index_cast %swap3A_874 : i32 to index
    %swap3A_876 = arith.constant 96 : index
    %swap3A_877 = tpu.vector_load %arg9[%swap3A_875, %swap3A_876] {strides = array<i32>} : memref<5x128xi32, #tpu.memory_space<vmem>>, vector<1x16xi32>,
    %swap3A_878 = vector.shape_cast %swap3A_877 : vector<1x16xi32> to vector<16xi32>
    %swap3A_879 = vector.shape_cast %select_n3A_873 : vector<16xi32> to vector<1x16xi32>
    tpu.vector_store %arg9[%swap3A_875, %swap3A_876], %swap3A_879 {strides = array<i32>} : memref<5x128xi32, #tpu.memory_space<vmem>>, vector<1x16xi32>,
    %get3A_880 = arith.constant 624 : index
    %get3A_881 = tpu.vector_load %arg8[%get3A_880] {strides = array<i32>} : memref<640xf32, #tpu.memory_space<vmem>>, vector<16xf32>,
    %get3A_882 = vector.shape_cast %get3A_881 : vector<16xf32> to vector<16xf32>
    %add3A_883 = arith.constant 624 : i32
    %add3A_884 = arith.addi %mul3A_67, %add3A_883 : i32
    %iota3A_885 = tpu.iota {dimensions = array<i32: 0>} : vector<16xi32>
    %add3A_886 = vector.broadcast %add3A_884 : i32 to vector<16xi32>
    %add3A_887 = arith.addi %add3A_886, %iota3A_885 : vector<16xi32>
    %lt3A_888 = arith.constant 10000 : i32
    %lt3A_889 = vector.broadcast %lt3A_888 : i32 to vector<16xi32>
    %lt3A_890 = arith.cmpi slt, %add3A_887, %lt3A_889 : vector<16xi32>
    %convert_element_type3A_891 = arith.fptosi %get3A_882 : vector<16xf32> to vector<16xi32>
    %jit3A_892 = arith.constant 327679 : i32
    %broadcast_in_dim3A_893 = vector.broadcast %jit3A_892 : i32 to vector<16xi32>
    %select_n3A_894 = arith.select %lt3A_890, %convert_element_type3A_891, %broadcast_in_dim3A_893 : vector<16xi1>, vector<16xi32>
    %swap3A_895 = arith.constant 4 : i32
    %swap3A_896 = arith.index_cast %swap3A_895 : i32 to index
    %swap3A_897 = arith.constant 112 : index
    %swap3A_898 = tpu.vector_load %arg9[%swap3A_896, %swap3A_897] {strides = array<i32>} : memref<5x128xi32, #tpu.memory_space<vmem>>, vector<1x16xi32>,
    %swap3A_899 = vector.shape_cast %swap3A_898 : vector<1x16xi32> to vector<16xi32>
    %swap3A_900 = vector.shape_cast %select_n3A_894 : vector<16xi32> to vector<1x16xi32>
    tpu.vector_store %arg9[%swap3A_896, %swap3A_897], %swap3A_900 {strides = array<i32>} : memref<5x128xi32, #tpu.memory_space<vmem>>, vector<1x16xi32>,
    %dma_start3A = arith.constant 0 : i32
    %dma_start3A_901 = arith.constant 0 : i32
    %dma_start3A_902 = tpu.memref_slice %arg9[%dma_start3A, %dma_start3A_901] : memref<5x128xi32, #tpu.memory_space<vmem>> -> memref<1x128xi32, #tpu.memory_space<vmem>>
    %dma_start3A_903 = tpu.memref_squeeze %dma_start3A_902 : memref<1x128xi32, #tpu.memory_space<vmem>> -> memref<128xi32, #tpu.memory_space<vmem>>
    %dma_start3A_904 = arith.constant 0 : i32
    %dma_start3A_905 = tpu.memref_slice %arg13[%dma_start3A_904] : memref<327680xf32, #tpu.memory_space<vmem_shared>> -> memref<327680xf32, #tpu.memory_space<vmem_shared>>
    tpu.enqueue_indirect_dma source(%arg6 : memref<128xf32, #tpu.memory_space<vmem>>) target(%dma_start3A_905 : memref<327680xf32, #tpu.memory_space<vmem_shared>>) offsets(%dma_start3A_903 : memref<128xi32, #tpu.memory_space<vmem>>) semaphore(%arg12 : memref<!tpu.dma_semaphore, #tpu.memory_space<semaphore_mem>>) {add = true}
    %dma_start3A_906 = arith.constant 1 : i32
    %dma_start3A_907 = arith.constant 0 : i32
    %dma_start3A_908 = tpu.memref_slice %arg9[%dma_start3A_906, %dma_start3A_907] : memref<5x128xi32, #tpu.memory_space<vmem>> -> memref<1x128xi32, #tpu.memory_space<vmem>>
    %dma_start3A_909 = tpu.memref_squeeze %dma_start3A_908 : memref<1x128xi32, #tpu.memory_space<vmem>> -> memref<128xi32, #tpu.memory_space<vmem>>
    %dma_start3A_910 = arith.constant 0 : i32
    %dma_start3A_911 = tpu.memref_slice %arg13[%dma_start3A_910] : memref<327680xf32, #tpu.memory_space<vmem_shared>> -> memref<327680xf32, #tpu.memory_space<vmem_shared>>
    tpu.enqueue_indirect_dma source(%arg6 : memref<128xf32, #tpu.memory_space<vmem>>) target(%dma_start3A_911 : memref<327680xf32, #tpu.memory_space<vmem_shared>>) offsets(%dma_start3A_909 : memref<128xi32, #tpu.memory_space<vmem>>) semaphore(%arg12 : memref<!tpu.dma_semaphore, #tpu.memory_space<semaphore_mem>>) {add = true}
    %dma_start3A_912 = arith.constant 2 : i32
    %dma_start3A_913 = arith.constant 0 : i32
    %dma_start3A_914 = tpu.memref_slice %arg9[%dma_start3A_912, %dma_start3A_913] : memref<5x128xi32, #tpu.memory_space<vmem>> -> memref<1x128xi32, #tpu.memory_space<vmem>>
    %dma_start3A_915 = tpu.memref_squeeze %dma_start3A_914 : memref<1x128xi32, #tpu.memory_space<vmem>> -> memref<128xi32, #tpu.memory_space<vmem>>
    %dma_start3A_916 = arith.constant 0 : i32
    %dma_start3A_917 = tpu.memref_slice %arg13[%dma_start3A_916] : memref<327680xf32, #tpu.memory_space<vmem_shared>> -> memref<327680xf32, #tpu.memory_space<vmem_shared>>
    tpu.enqueue_indirect_dma source(%arg6 : memref<128xf32, #tpu.memory_space<vmem>>) target(%dma_start3A_917 : memref<327680xf32, #tpu.memory_space<vmem_shared>>) offsets(%dma_start3A_915 : memref<128xi32, #tpu.memory_space<vmem>>) semaphore(%arg12 : memref<!tpu.dma_semaphore, #tpu.memory_space<semaphore_mem>>) {add = true}
    %dma_start3A_918 = arith.constant 3 : i32
    %dma_start3A_919 = arith.constant 0 : i32
    %dma_start3A_920 = tpu.memref_slice %arg9[%dma_start3A_918, %dma_start3A_919] : memref<5x128xi32, #tpu.memory_space<vmem>> -> memref<1x128xi32, #tpu.memory_space<vmem>>
    %dma_start3A_921 = tpu.memref_squeeze %dma_start3A_920 : memref<1x128xi32, #tpu.memory_space<vmem>> -> memref<128xi32, #tpu.memory_space<vmem>>
    %dma_start3A_922 = arith.constant 0 : i32
    %dma_start3A_923 = tpu.memref_slice %arg13[%dma_start3A_922] : memref<327680xf32, #tpu.memory_space<vmem_shared>> -> memref<327680xf32, #tpu.memory_space<vmem_shared>>
    tpu.enqueue_indirect_dma source(%arg6 : memref<128xf32, #tpu.memory_space<vmem>>) target(%dma_start3A_923 : memref<327680xf32, #tpu.memory_space<vmem_shared>>) offsets(%dma_start3A_921 : memref<128xi32, #tpu.memory_space<vmem>>) semaphore(%arg12 : memref<!tpu.dma_semaphore, #tpu.memory_space<semaphore_mem>>) {add = true}
    %dma_start3A_924 = arith.constant 4 : i32
    %dma_start3A_925 = arith.constant 0 : i32
    %dma_start3A_926 = tpu.memref_slice %arg9[%dma_start3A_924, %dma_start3A_925] : memref<5x128xi32, #tpu.memory_space<vmem>> -> memref<1x128xi32, #tpu.memory_space<vmem>>
    %dma_start3A_927 = tpu.memref_squeeze %dma_start3A_926 : memref<1x128xi32, #tpu.memory_space<vmem>> -> memref<128xi32, #tpu.memory_space<vmem>>
    %dma_start3A_928 = arith.constant 0 : i32
    %dma_start3A_929 = tpu.memref_slice %arg13[%dma_start3A_928] : memref<327680xf32, #tpu.memory_space<vmem_shared>> -> memref<327680xf32, #tpu.memory_space<vmem_shared>>
    tpu.enqueue_indirect_dma source(%arg6 : memref<128xf32, #tpu.memory_space<vmem>>) target(%dma_start3A_929 : memref<327680xf32, #tpu.memory_space<vmem_shared>>) offsets(%dma_start3A_927 : memref<128xi32, #tpu.memory_space<vmem>>) semaphore(%arg12 : memref<!tpu.dma_semaphore, #tpu.memory_space<semaphore_mem>>) {add = true}
    %dma_wait3A = arith.constant 0 : i32
    %dma_wait3A_930 = arith.constant 0 : i32
    %dma_wait3A_931 = tpu.memref_slice %arg9[%dma_wait3A, %dma_wait3A_930] : memref<5x128xi32, #tpu.memory_space<vmem>> -> memref<1x128xi32, #tpu.memory_space<vmem>>
    %dma_wait3A_932 = tpu.memref_squeeze %dma_wait3A_931 : memref<1x128xi32, #tpu.memory_space<vmem>> -> memref<128xi32, #tpu.memory_space<vmem>>
    %dma_wait3A_933 = arith.constant 0 : i32
    %dma_wait3A_934 = tpu.memref_slice %arg13[%dma_wait3A_933] : memref<327680xf32, #tpu.memory_space<vmem_shared>> -> memref<327680xf32, #tpu.memory_space<vmem_shared>>
    tpu.wait_indirect_dma semaphore(%arg12 : memref<!tpu.dma_semaphore, #tpu.memory_space<semaphore_mem>>) src(%arg6 : memref<128xf32, #tpu.memory_space<vmem>>) dst(%dma_wait3A_934 : memref<327680xf32, #tpu.memory_space<vmem_shared>>)
    %dma_wait3A_935 = arith.constant 1 : i32
    %dma_wait3A_936 = arith.constant 0 : i32
    %dma_wait3A_937 = tpu.memref_slice %arg9[%dma_wait3A_935, %dma_wait3A_936] : memref<5x128xi32, #tpu.memory_space<vmem>> -> memref<1x128xi32, #tpu.memory_space<vmem>>
    %dma_wait3A_938 = tpu.memref_squeeze %dma_wait3A_937 : memref<1x128xi32, #tpu.memory_space<vmem>> -> memref<128xi32, #tpu.memory_space<vmem>>
    %dma_wait3A_939 = arith.constant 0 : i32
    %dma_wait3A_940 = tpu.memref_slice %arg13[%dma_wait3A_939] : memref<327680xf32, #tpu.memory_space<vmem_shared>> -> memref<327680xf32, #tpu.memory_space<vmem_shared>>
    tpu.wait_indirect_dma semaphore(%arg12 : memref<!tpu.dma_semaphore, #tpu.memory_space<semaphore_mem>>) src(%arg6 : memref<128xf32, #tpu.memory_space<vmem>>) dst(%dma_wait3A_940 : memref<327680xf32, #tpu.memory_space<vmem_shared>>)
    %dma_wait3A_941 = arith.constant 2 : i32
    %dma_wait3A_942 = arith.constant 0 : i32
    %dma_wait3A_943 = tpu.memref_slice %arg9[%dma_wait3A_941, %dma_wait3A_942] : memref<5x128xi32, #tpu.memory_space<vmem>> -> memref<1x128xi32, #tpu.memory_space<vmem>>
    %dma_wait3A_944 = tpu.memref_squeeze %dma_wait3A_943 : memref<1x128xi32, #tpu.memory_space<vmem>> -> memref<128xi32, #tpu.memory_space<vmem>>
    %dma_wait3A_945 = arith.constant 0 : i32
    %dma_wait3A_946 = tpu.memref_slice %arg13[%dma_wait3A_945] : memref<327680xf32, #tpu.memory_space<vmem_shared>> -> memref<327680xf32, #tpu.memory_space<vmem_shared>>
    tpu.wait_indirect_dma semaphore(%arg12 : memref<!tpu.dma_semaphore, #tpu.memory_space<semaphore_mem>>) src(%arg6 : memref<128xf32, #tpu.memory_space<vmem>>) dst(%dma_wait3A_946 : memref<327680xf32, #tpu.memory_space<vmem_shared>>)
    %dma_wait3A_947 = arith.constant 3 : i32
    %dma_wait3A_948 = arith.constant 0 : i32
    %dma_wait3A_949 = tpu.memref_slice %arg9[%dma_wait3A_947, %dma_wait3A_948] : memref<5x128xi32, #tpu.memory_space<vmem>> -> memref<1x128xi32, #tpu.memory_space<vmem>>
    %dma_wait3A_950 = tpu.memref_squeeze %dma_wait3A_949 : memref<1x128xi32, #tpu.memory_space<vmem>> -> memref<128xi32, #tpu.memory_space<vmem>>
    %dma_wait3A_951 = arith.constant 0 : i32
    %dma_wait3A_952 = tpu.memref_slice %arg13[%dma_wait3A_951] : memref<327680xf32, #tpu.memory_space<vmem_shared>> -> memref<327680xf32, #tpu.memory_space<vmem_shared>>
    tpu.wait_indirect_dma semaphore(%arg12 : memref<!tpu.dma_semaphore, #tpu.memory_space<semaphore_mem>>) src(%arg6 : memref<128xf32, #tpu.memory_space<vmem>>) dst(%dma_wait3A_952 : memref<327680xf32, #tpu.memory_space<vmem_shared>>)
    %dma_wait3A_953 = arith.constant 4 : i32
    %dma_wait3A_954 = arith.constant 0 : i32
    %dma_wait3A_955 = tpu.memref_slice %arg9[%dma_wait3A_953, %dma_wait3A_954] : memref<5x128xi32, #tpu.memory_space<vmem>> -> memref<1x128xi32, #tpu.memory_space<vmem>>
    %dma_wait3A_956 = tpu.memref_squeeze %dma_wait3A_955 : memref<1x128xi32, #tpu.memory_space<vmem>> -> memref<128xi32, #tpu.memory_space<vmem>>
    %dma_wait3A_957 = arith.constant 0 : i32
    %dma_wait3A_958 = tpu.memref_slice %arg13[%dma_wait3A_957] : memref<327680xf32, #tpu.memory_space<vmem_shared>> -> memref<327680xf32, #tpu.memory_space<vmem_shared>>
    tpu.wait_indirect_dma semaphore(%arg12 : memref<!tpu.dma_semaphore, #tpu.memory_space<semaphore_mem>>) src(%arg6 : memref<128xf32, #tpu.memory_space<vmem>>) dst(%dma_wait3A_958 : memref<327680xf32, #tpu.memory_space<vmem_shared>>)
    %barrier3A_959 = arith.constant 0 : index
    tpu.barrier barrier_id(%barrier3A_959)
    %mul3A_960 = arith.constant 20480 : i32
    %mul3A_961 = arith.muli %arg1, %mul3A_960 : i32
    %mul3A_962 = arith.constant 20480 : i32
    %mul3A_963 = arith.muli %arg1, %mul3A_962 : i32
    "tpu.region"() ({
      %run_scoped3A = tpu.sem_alloc : memref<!tpu.dma_semaphore, #tpu.memory_space<semaphore_mem>>
      %dma_start3A_1444 = tpu.memref_slice %arg4[%mul3A_963] : memref<327680xf32, #tpu.memory_space<hbm>> -> memref<20480xf32, #tpu.memory_space<hbm>>
      %dma_start3A_1445 = tpu.memref_slice %arg13[%mul3A_961] : memref<327680xf32, #tpu.memory_space<vmem_shared>> -> memref<20480xf32, #tpu.memory_space<vmem_shared>>
      tpu.enqueue_dma source(%dma_start3A_1445 : memref<20480xf32, #tpu.memory_space<vmem_shared>>) target(%dma_start3A_1444 : memref<20480xf32, #tpu.memory_space<hbm>>) target_semaphore(%run_scoped3A : memref<!tpu.dma_semaphore, #tpu.memory_space<semaphore_mem>>)
      %dma_wait3A_1446 = tpu.memref_slice %arg4[%mul3A_963] : memref<327680xf32, #tpu.memory_space<hbm>> -> memref<20480xf32, #tpu.memory_space<hbm>>
      %dma_wait3A_1447 = tpu.memref_slice %arg13[%mul3A_961] : memref<327680xf32, #tpu.memory_space<vmem_shared>> -> memref<20480xf32, #tpu.memory_space<vmem_shared>>
      tpu.wait_dma2 semaphore(%run_scoped3A : memref<!tpu.dma_semaphore, #tpu.memory_space<semaphore_mem>>) src(%dma_wait3A_1447 : memref<20480xf32, #tpu.memory_space<vmem_shared>>) dst(%dma_wait3A_1446 : memref<20480xf32, #tpu.memory_space<hbm>>)
      tpu.yield
    }) : () -> ()
    %barrier3A_964 = arith.constant 0 : index
    tpu.barrier barrier_id(%barrier3A_964)
    %dma_start3A_965 = arith.constant 0 : i32
    %dma_start3A_966 = arith.constant 0 : i32
    %dma_start3A_967 = tpu.memref_slice %arg10[%dma_start3A_966] : memref<640xf32, #tpu.memory_space<vmem>> -> memref<128xf32, #tpu.memory_space<vmem>>
    %dma_start3A_968 = arith.constant 0 : i32
    %dma_start3A_969 = tpu.memref_slice %arg9[%dma_start3A_965, %dma_start3A_968] : memref<5x128xi32, #tpu.memory_space<vmem>> -> memref<1x128xi32, #tpu.memory_space<vmem>>
    %dma_start3A_970 = tpu.memref_squeeze %dma_start3A_969 : memref<1x128xi32, #tpu.memory_space<vmem>> -> memref<128xi32, #tpu.memory_space<vmem>>
    %dma_start3A_971 = arith.constant 0 : i32
    %dma_start3A_972 = tpu.memref_slice %arg4[%dma_start3A_971] : memref<327680xf32, #tpu.memory_space<hbm>> -> memref<327680xf32, #tpu.memory_space<hbm>>
    tpu.enqueue_indirect_dma source(%dma_start3A_972 : memref<327680xf32, #tpu.memory_space<hbm>>) target(%dma_start3A_967 : memref<128xf32, #tpu.memory_space<vmem>>) offsets(%dma_start3A_970 : memref<128xi32, #tpu.memory_space<vmem>>) semaphore(%arg12 : memref<!tpu.dma_semaphore, #tpu.memory_space<semaphore_mem>>)
    %dma_start3A_973 = arith.constant 1 : i32
    %dma_start3A_974 = arith.constant 128 : i32
    %dma_start3A_975 = tpu.memref_slice %arg10[%dma_start3A_974] : memref<640xf32, #tpu.memory_space<vmem>> -> memref<128xf32, #tpu.memory_space<vmem>>
    %dma_start3A_976 = arith.constant 0 : i32
    %dma_start3A_977 = tpu.memref_slice %arg9[%dma_start3A_973, %dma_start3A_976] : memref<5x128xi32, #tpu.memory_space<vmem>> -> memref<1x128xi32, #tpu.memory_space<vmem>>
    %dma_start3A_978 = tpu.memref_squeeze %dma_start3A_977 : memref<1x128xi32, #tpu.memory_space<vmem>> -> memref<128xi32, #tpu.memory_space<vmem>>
    %dma_start3A_979 = arith.constant 0 : i32
    %dma_start3A_980 = tpu.memref_slice %arg4[%dma_start3A_979] : memref<327680xf32, #tpu.memory_space<hbm>> -> memref<327680xf32, #tpu.memory_space<hbm>>
    tpu.enqueue_indirect_dma source(%dma_start3A_980 : memref<327680xf32, #tpu.memory_space<hbm>>) target(%dma_start3A_975 : memref<128xf32, #tpu.memory_space<vmem>>) offsets(%dma_start3A_978 : memref<128xi32, #tpu.memory_space<vmem>>) semaphore(%arg12 : memref<!tpu.dma_semaphore, #tpu.memory_space<semaphore_mem>>)
    %dma_start3A_981 = arith.constant 2 : i32
    %dma_start3A_982 = arith.constant 256 : i32
    %dma_start3A_983 = tpu.memref_slice %arg10[%dma_start3A_982] : memref<640xf32, #tpu.memory_space<vmem>> -> memref<128xf32, #tpu.memory_space<vmem>>
    %dma_start3A_984 = arith.constant 0 : i32
    %dma_start3A_985 = tpu.memref_slice %arg9[%dma_start3A_981, %dma_start3A_984] : memref<5x128xi32, #tpu.memory_space<vmem>> -> memref<1x128xi32, #tpu.memory_space<vmem>>
    %dma_start3A_986 = tpu.memref_squeeze %dma_start3A_985 : memref<1x128xi32, #tpu.memory_space<vmem>> -> memref<128xi32, #tpu.memory_space<vmem>>
    %dma_start3A_987 = arith.constant 0 : i32
    %dma_start3A_988 = tpu.memref_slice %arg4[%dma_start3A_987] : memref<327680xf32, #tpu.memory_space<hbm>> -> memref<327680xf32, #tpu.memory_space<hbm>>
    tpu.enqueue_indirect_dma source(%dma_start3A_988 : memref<327680xf32, #tpu.memory_space<hbm>>) target(%dma_start3A_983 : memref<128xf32, #tpu.memory_space<vmem>>) offsets(%dma_start3A_986 : memref<128xi32, #tpu.memory_space<vmem>>) semaphore(%arg12 : memref<!tpu.dma_semaphore, #tpu.memory_space<semaphore_mem>>)
    %dma_start3A_989 = arith.constant 3 : i32
    %dma_start3A_990 = arith.constant 384 : i32
    %dma_start3A_991 = tpu.memref_slice %arg10[%dma_start3A_990] : memref<640xf32, #tpu.memory_space<vmem>> -> memref<128xf32, #tpu.memory_space<vmem>>
    %dma_start3A_992 = arith.constant 0 : i32
    %dma_start3A_993 = tpu.memref_slice %arg9[%dma_start3A_989, %dma_start3A_992] : memref<5x128xi32, #tpu.memory_space<vmem>> -> memref<1x128xi32, #tpu.memory_space<vmem>>
    %dma_start3A_994 = tpu.memref_squeeze %dma_start3A_993 : memref<1x128xi32, #tpu.memory_space<vmem>> -> memref<128xi32, #tpu.memory_space<vmem>>
    %dma_start3A_995 = arith.constant 0 : i32
    %dma_start3A_996 = tpu.memref_slice %arg4[%dma_start3A_995] : memref<327680xf32, #tpu.memory_space<hbm>> -> memref<327680xf32, #tpu.memory_space<hbm>>
    tpu.enqueue_indirect_dma source(%dma_start3A_996 : memref<327680xf32, #tpu.memory_space<hbm>>) target(%dma_start3A_991 : memref<128xf32, #tpu.memory_space<vmem>>) offsets(%dma_start3A_994 : memref<128xi32, #tpu.memory_space<vmem>>) semaphore(%arg12 : memref<!tpu.dma_semaphore, #tpu.memory_space<semaphore_mem>>)
    %dma_start3A_997 = arith.constant 4 : i32
    %dma_start3A_998 = arith.constant 512 : i32
    %dma_start3A_999 = tpu.memref_slice %arg10[%dma_start3A_998] : memref<640xf32, #tpu.memory_space<vmem>> -> memref<128xf32, #tpu.memory_space<vmem>>
    %dma_start3A_1000 = arith.constant 0 : i32
    %dma_start3A_1001 = tpu.memref_slice %arg9[%dma_start3A_997, %dma_start3A_1000] : memref<5x128xi32, #tpu.memory_space<vmem>> -> memref<1x128xi32, #tpu.memory_space<vmem>>
    %dma_start3A_1002 = tpu.memref_squeeze %dma_start3A_1001 : memref<1x128xi32, #tpu.memory_space<vmem>> -> memref<128xi32, #tpu.memory_space<vmem>>
    %dma_start3A_1003 = arith.constant 0 : i32
    %dma_start3A_1004 = tpu.memref_slice %arg4[%dma_start3A_1003] : memref<327680xf32, #tpu.memory_space<hbm>> -> memref<327680xf32, #tpu.memory_space<hbm>>
    tpu.enqueue_indirect_dma source(%dma_start3A_1004 : memref<327680xf32, #tpu.memory_space<hbm>>) target(%dma_start3A_999 : memref<128xf32, #tpu.memory_space<vmem>>) offsets(%dma_start3A_1002 : memref<128xi32, #tpu.memory_space<vmem>>) semaphore(%arg12 : memref<!tpu.dma_semaphore, #tpu.memory_space<semaphore_mem>>)
    %dma_wait3A_1005 = arith.constant 0 : i32
    %dma_wait3A_1006 = arith.constant 0 : i32
    %dma_wait3A_1007 = tpu.memref_slice %arg10[%dma_wait3A_1006] : memref<640xf32, #tpu.memory_space<vmem>> -> memref<128xf32, #tpu.memory_space<vmem>>
    %dma_wait3A_1008 = arith.constant 0 : i32
    %dma_wait3A_1009 = tpu.memref_slice %arg9[%dma_wait3A_1005, %dma_wait3A_1008] : memref<5x128xi32, #tpu.memory_space<vmem>> -> memref<1x128xi32, #tpu.memory_space<vmem>>
    %dma_wait3A_1010 = tpu.memref_squeeze %dma_wait3A_1009 : memref<1x128xi32, #tpu.memory_space<vmem>> -> memref<128xi32, #tpu.memory_space<vmem>>
    %dma_wait3A_1011 = arith.constant 0 : i32
    %dma_wait3A_1012 = tpu.memref_slice %arg4[%dma_wait3A_1011] : memref<327680xf32, #tpu.memory_space<hbm>> -> memref<327680xf32, #tpu.memory_space<hbm>>
    tpu.wait_indirect_dma semaphore(%arg12 : memref<!tpu.dma_semaphore, #tpu.memory_space<semaphore_mem>>) src(%dma_wait3A_1012 : memref<327680xf32, #tpu.memory_space<hbm>>) dst(%dma_wait3A_1007 : memref<128xf32, #tpu.memory_space<vmem>>)
    %dma_wait3A_1013 = arith.constant 1 : i32
    %dma_wait3A_1014 = arith.constant 128 : i32
    %dma_wait3A_1015 = tpu.memref_slice %arg10[%dma_wait3A_1014] : memref<640xf32, #tpu.memory_space<vmem>> -> memref<128xf32, #tpu.memory_space<vmem>>
    %dma_wait3A_1016 = arith.constant 0 : i32
    %dma_wait3A_1017 = tpu.memref_slice %arg9[%dma_wait3A_1013, %dma_wait3A_1016] : memref<5x128xi32, #tpu.memory_space<vmem>> -> memref<1x128xi32, #tpu.memory_space<vmem>>
    %dma_wait3A_1018 = tpu.memref_squeeze %dma_wait3A_1017 : memref<1x128xi32, #tpu.memory_space<vmem>> -> memref<128xi32, #tpu.memory_space<vmem>>
    %dma_wait3A_1019 = arith.constant 0 : i32
    %dma_wait3A_1020 = tpu.memref_slice %arg4[%dma_wait3A_1019] : memref<327680xf32, #tpu.memory_space<hbm>> -> memref<327680xf32, #tpu.memory_space<hbm>>
    tpu.wait_indirect_dma semaphore(%arg12 : memref<!tpu.dma_semaphore, #tpu.memory_space<semaphore_mem>>) src(%dma_wait3A_1020 : memref<327680xf32, #tpu.memory_space<hbm>>) dst(%dma_wait3A_1015 : memref<128xf32, #tpu.memory_space<vmem>>)
    %dma_wait3A_1021 = arith.constant 2 : i32
    %dma_wait3A_1022 = arith.constant 256 : i32
    %dma_wait3A_1023 = tpu.memref_slice %arg10[%dma_wait3A_1022] : memref<640xf32, #tpu.memory_space<vmem>> -> memref<128xf32, #tpu.memory_space<vmem>>
    %dma_wait3A_1024 = arith.constant 0 : i32
    %dma_wait3A_1025 = tpu.memref_slice %arg9[%dma_wait3A_1021, %dma_wait3A_1024] : memref<5x128xi32, #tpu.memory_space<vmem>> -> memref<1x128xi32, #tpu.memory_space<vmem>>
    %dma_wait3A_1026 = tpu.memref_squeeze %dma_wait3A_1025 : memref<1x128xi32, #tpu.memory_space<vmem>> -> memref<128xi32, #tpu.memory_space<vmem>>
    %dma_wait3A_1027 = arith.constant 0 : i32
    %dma_wait3A_1028 = tpu.memref_slice %arg4[%dma_wait3A_1027] : memref<327680xf32, #tpu.memory_space<hbm>> -> memref<327680xf32, #tpu.memory_space<hbm>>
    tpu.wait_indirect_dma semaphore(%arg12 : memref<!tpu.dma_semaphore, #tpu.memory_space<semaphore_mem>>) src(%dma_wait3A_1028 : memref<327680xf32, #tpu.memory_space<hbm>>) dst(%dma_wait3A_1023 : memref<128xf32, #tpu.memory_space<vmem>>)
    %dma_wait3A_1029 = arith.constant 3 : i32
    %dma_wait3A_1030 = arith.constant 384 : i32
    %dma_wait3A_1031 = tpu.memref_slice %arg10[%dma_wait3A_1030] : memref<640xf32, #tpu.memory_space<vmem>> -> memref<128xf32, #tpu.memory_space<vmem>>
    %dma_wait3A_1032 = arith.constant 0 : i32
    %dma_wait3A_1033 = tpu.memref_slice %arg9[%dma_wait3A_1029, %dma_wait3A_1032] : memref<5x128xi32, #tpu.memory_space<vmem>> -> memref<1x128xi32, #tpu.memory_space<vmem>>
    %dma_wait3A_1034 = tpu.memref_squeeze %dma_wait3A_1033 : memref<1x128xi32, #tpu.memory_space<vmem>> -> memref<128xi32, #tpu.memory_space<vmem>>
    %dma_wait3A_1035 = arith.constant 0 : i32
    %dma_wait3A_1036 = tpu.memref_slice %arg4[%dma_wait3A_1035] : memref<327680xf32, #tpu.memory_space<hbm>> -> memref<327680xf32, #tpu.memory_space<hbm>>
    tpu.wait_indirect_dma semaphore(%arg12 : memref<!tpu.dma_semaphore, #tpu.memory_space<semaphore_mem>>) src(%dma_wait3A_1036 : memref<327680xf32, #tpu.memory_space<hbm>>) dst(%dma_wait3A_1031 : memref<128xf32, #tpu.memory_space<vmem>>)
    %dma_wait3A_1037 = arith.constant 4 : i32
    %dma_wait3A_1038 = arith.constant 512 : i32
    %dma_wait3A_1039 = tpu.memref_slice %arg10[%dma_wait3A_1038] : memref<640xf32, #tpu.memory_space<vmem>> -> memref<128xf32, #tpu.memory_space<vmem>>
    %dma_wait3A_1040 = arith.constant 0 : i32
    %dma_wait3A_1041 = tpu.memref_slice %arg9[%dma_wait3A_1037, %dma_wait3A_1040] : memref<5x128xi32, #tpu.memory_space<vmem>> -> memref<1x128xi32, #tpu.memory_space<vmem>>
    %dma_wait3A_1042 = tpu.memref_squeeze %dma_wait3A_1041 : memref<1x128xi32, #tpu.memory_space<vmem>> -> memref<128xi32, #tpu.memory_space<vmem>>
    %dma_wait3A_1043 = arith.constant 0 : i32
    %dma_wait3A_1044 = tpu.memref_slice %arg4[%dma_wait3A_1043] : memref<327680xf32, #tpu.memory_space<hbm>> -> memref<327680xf32, #tpu.memory_space<hbm>>
    tpu.wait_indirect_dma semaphore(%arg12 : memref<!tpu.dma_semaphore, #tpu.memory_space<semaphore_mem>>) src(%dma_wait3A_1044 : memref<327680xf32, #tpu.memory_space<hbm>>) dst(%dma_wait3A_1039 : memref<128xf32, #tpu.memory_space<vmem>>)
    %get3A_1045 = arith.constant 0 : index
    %get3A_1046 = tpu.vector_load %arg10[%get3A_1045] {strides = array<i32>} : memref<640xf32, #tpu.memory_space<vmem>>, vector<16xf32>,
    %get3A_1047 = vector.shape_cast %get3A_1046 : vector<16xf32> to vector<16xf32>
    %div3A = arith.constant 1.000000e+00 : f32
    %div3A_1048 = vector.broadcast %div3A : f32 to vector<16xf32>
    %div3A_1049 = arith.divf %div3A_1048, %get3A_1047 : vector<16xf32>
    %swap3A_1050 = arith.constant 0 : index
    %swap3A_1051 = tpu.vector_load %arg11[%swap3A_1050] {strides = array<i32>} : memref<640xf32, #tpu.memory_space<vmem>>, vector<16xf32>,
    %swap3A_1052 = vector.shape_cast %swap3A_1051 : vector<16xf32> to vector<16xf32>
    %swap3A_1053 = vector.shape_cast %div3A_1049 : vector<16xf32> to vector<16xf32>
    tpu.vector_store %arg11[%swap3A_1050], %swap3A_1053 {strides = array<i32>} : memref<640xf32, #tpu.memory_space<vmem>>, vector<16xf32>,
    %get3A_1054 = arith.constant 16 : index
    %get3A_1055 = tpu.vector_load %arg10[%get3A_1054] {strides = array<i32>} : memref<640xf32, #tpu.memory_space<vmem>>, vector<16xf32>,
    %get3A_1056 = vector.shape_cast %get3A_1055 : vector<16xf32> to vector<16xf32>
    %div3A_1057 = arith.constant 1.000000e+00 : f32
    %div3A_1058 = vector.broadcast %div3A_1057 : f32 to vector<16xf32>
    %div3A_1059 = arith.divf %div3A_1058, %get3A_1056 : vector<16xf32>
    %swap3A_1060 = arith.constant 16 : index
    %swap3A_1061 = tpu.vector_load %arg11[%swap3A_1060] {strides = array<i32>} : memref<640xf32, #tpu.memory_space<vmem>>, vector<16xf32>,
    %swap3A_1062 = vector.shape_cast %swap3A_1061 : vector<16xf32> to vector<16xf32>
    %swap3A_1063 = vector.shape_cast %div3A_1059 : vector<16xf32> to vector<16xf32>
    tpu.vector_store %arg11[%swap3A_1060], %swap3A_1063 {strides = array<i32>} : memref<640xf32, #tpu.memory_space<vmem>>, vector<16xf32>,
    %get3A_1064 = arith.constant 32 : index
    %get3A_1065 = tpu.vector_load %arg10[%get3A_1064] {strides = array<i32>} : memref<640xf32, #tpu.memory_space<vmem>>, vector<16xf32>,
    %get3A_1066 = vector.shape_cast %get3A_1065 : vector<16xf32> to vector<16xf32>
    %div3A_1067 = arith.constant 1.000000e+00 : f32
    %div3A_1068 = vector.broadcast %div3A_1067 : f32 to vector<16xf32>
    %div3A_1069 = arith.divf %div3A_1068, %get3A_1066 : vector<16xf32>
    %swap3A_1070 = arith.constant 32 : index
    %swap3A_1071 = tpu.vector_load %arg11[%swap3A_1070] {strides = array<i32>} : memref<640xf32, #tpu.memory_space<vmem>>, vector<16xf32>,
    %swap3A_1072 = vector.shape_cast %swap3A_1071 : vector<16xf32> to vector<16xf32>
    %swap3A_1073 = vector.shape_cast %div3A_1069 : vector<16xf32> to vector<16xf32>
    tpu.vector_store %arg11[%swap3A_1070], %swap3A_1073 {strides = array<i32>} : memref<640xf32, #tpu.memory_space<vmem>>, vector<16xf32>,
    %get3A_1074 = arith.constant 48 : index
    %get3A_1075 = tpu.vector_load %arg10[%get3A_1074] {strides = array<i32>} : memref<640xf32, #tpu.memory_space<vmem>>, vector<16xf32>,
    %get3A_1076 = vector.shape_cast %get3A_1075 : vector<16xf32> to vector<16xf32>
    %div3A_1077 = arith.constant 1.000000e+00 : f32
    %div3A_1078 = vector.broadcast %div3A_1077 : f32 to vector<16xf32>
    %div3A_1079 = arith.divf %div3A_1078, %get3A_1076 : vector<16xf32>
    %swap3A_1080 = arith.constant 48 : index
    %swap3A_1081 = tpu.vector_load %arg11[%swap3A_1080] {strides = array<i32>} : memref<640xf32, #tpu.memory_space<vmem>>, vector<16xf32>,
    %swap3A_1082 = vector.shape_cast %swap3A_1081 : vector<16xf32> to vector<16xf32>
    %swap3A_1083 = vector.shape_cast %div3A_1079 : vector<16xf32> to vector<16xf32>
    tpu.vector_store %arg11[%swap3A_1080], %swap3A_1083 {strides = array<i32>} : memref<640xf32, #tpu.memory_space<vmem>>, vector<16xf32>,
    %get3A_1084 = arith.constant 64 : index
    %get3A_1085 = tpu.vector_load %arg10[%get3A_1084] {strides = array<i32>} : memref<640xf32, #tpu.memory_space<vmem>>, vector<16xf32>,
    %get3A_1086 = vector.shape_cast %get3A_1085 : vector<16xf32> to vector<16xf32>
    %div3A_1087 = arith.constant 1.000000e+00 : f32
    %div3A_1088 = vector.broadcast %div3A_1087 : f32 to vector<16xf32>
    %div3A_1089 = arith.divf %div3A_1088, %get3A_1086 : vector<16xf32>
    %swap3A_1090 = arith.constant 64 : index
    %swap3A_1091 = tpu.vector_load %arg11[%swap3A_1090] {strides = array<i32>} : memref<640xf32, #tpu.memory_space<vmem>>, vector<16xf32>,
    %swap3A_1092 = vector.shape_cast %swap3A_1091 : vector<16xf32> to vector<16xf32>
    %swap3A_1093 = vector.shape_cast %div3A_1089 : vector<16xf32> to vector<16xf32>
    tpu.vector_store %arg11[%swap3A_1090], %swap3A_1093 {strides = array<i32>} : memref<640xf32, #tpu.memory_space<vmem>>, vector<16xf32>,
    %get3A_1094 = arith.constant 80 : index
    %get3A_1095 = tpu.vector_load %arg10[%get3A_1094] {strides = array<i32>} : memref<640xf32, #tpu.memory_space<vmem>>, vector<16xf32>,
    %get3A_1096 = vector.shape_cast %get3A_1095 : vector<16xf32> to vector<16xf32>
    %div3A_1097 = arith.constant 1.000000e+00 : f32
    %div3A_1098 = vector.broadcast %div3A_1097 : f32 to vector<16xf32>
    %div3A_1099 = arith.divf %div3A_1098, %get3A_1096 : vector<16xf32>
    %swap3A_1100 = arith.constant 80 : index
    %swap3A_1101 = tpu.vector_load %arg11[%swap3A_1100] {strides = array<i32>} : memref<640xf32, #tpu.memory_space<vmem>>, vector<16xf32>,
    %swap3A_1102 = vector.shape_cast %swap3A_1101 : vector<16xf32> to vector<16xf32>
    %swap3A_1103 = vector.shape_cast %div3A_1099 : vector<16xf32> to vector<16xf32>
    tpu.vector_store %arg11[%swap3A_1100], %swap3A_1103 {strides = array<i32>} : memref<640xf32, #tpu.memory_space<vmem>>, vector<16xf32>,
    %get3A_1104 = arith.constant 96 : index
    %get3A_1105 = tpu.vector_load %arg10[%get3A_1104] {strides = array<i32>} : memref<640xf32, #tpu.memory_space<vmem>>, vector<16xf32>,
    %get3A_1106 = vector.shape_cast %get3A_1105 : vector<16xf32> to vector<16xf32>
    %div3A_1107 = arith.constant 1.000000e+00 : f32
    %div3A_1108 = vector.broadcast %div3A_1107 : f32 to vector<16xf32>
    %div3A_1109 = arith.divf %div3A_1108, %get3A_1106 : vector<16xf32>
    %swap3A_1110 = arith.constant 96 : index
    %swap3A_1111 = tpu.vector_load %arg11[%swap3A_1110] {strides = array<i32>} : memref<640xf32, #tpu.memory_space<vmem>>, vector<16xf32>,
    %swap3A_1112 = vector.shape_cast %swap3A_1111 : vector<16xf32> to vector<16xf32>
    %swap3A_1113 = vector.shape_cast %div3A_1109 : vector<16xf32> to vector<16xf32>
    tpu.vector_store %arg11[%swap3A_1110], %swap3A_1113 {strides = array<i32>} : memref<640xf32, #tpu.memory_space<vmem>>, vector<16xf32>,
    %get3A_1114 = arith.constant 112 : index
    %get3A_1115 = tpu.vector_load %arg10[%get3A_1114] {strides = array<i32>} : memref<640xf32, #tpu.memory_space<vmem>>, vector<16xf32>,
    %get3A_1116 = vector.shape_cast %get3A_1115 : vector<16xf32> to vector<16xf32>
    %div3A_1117 = arith.constant 1.000000e+00 : f32
    %div3A_1118 = vector.broadcast %div3A_1117 : f32 to vector<16xf32>
    %div3A_1119 = arith.divf %div3A_1118, %get3A_1116 : vector<16xf32>
    %swap3A_1120 = arith.constant 112 : index
    %swap3A_1121 = tpu.vector_load %arg11[%swap3A_1120] {strides = array<i32>} : memref<640xf32, #tpu.memory_space<vmem>>, vector<16xf32>,
    %swap3A_1122 = vector.shape_cast %swap3A_1121 : vector<16xf32> to vector<16xf32>
    %swap3A_1123 = vector.shape_cast %div3A_1119 : vector<16xf32> to vector<16xf32>
    tpu.vector_store %arg11[%swap3A_1120], %swap3A_1123 {strides = array<i32>} : memref<640xf32, #tpu.memory_space<vmem>>, vector<16xf32>,
    %get3A_1124 = arith.constant 128 : index
    %get3A_1125 = tpu.vector_load %arg10[%get3A_1124] {strides = array<i32>} : memref<640xf32, #tpu.memory_space<vmem>>, vector<16xf32>,
    %get3A_1126 = vector.shape_cast %get3A_1125 : vector<16xf32> to vector<16xf32>
    %div3A_1127 = arith.constant 1.000000e+00 : f32
    %div3A_1128 = vector.broadcast %div3A_1127 : f32 to vector<16xf32>
    %div3A_1129 = arith.divf %div3A_1128, %get3A_1126 : vector<16xf32>
    %swap3A_1130 = arith.constant 128 : index
    %swap3A_1131 = tpu.vector_load %arg11[%swap3A_1130] {strides = array<i32>} : memref<640xf32, #tpu.memory_space<vmem>>, vector<16xf32>,
    %swap3A_1132 = vector.shape_cast %swap3A_1131 : vector<16xf32> to vector<16xf32>
    %swap3A_1133 = vector.shape_cast %div3A_1129 : vector<16xf32> to vector<16xf32>
    tpu.vector_store %arg11[%swap3A_1130], %swap3A_1133 {strides = array<i32>} : memref<640xf32, #tpu.memory_space<vmem>>, vector<16xf32>,
    %get3A_1134 = arith.constant 144 : index
    %get3A_1135 = tpu.vector_load %arg10[%get3A_1134] {strides = array<i32>} : memref<640xf32, #tpu.memory_space<vmem>>, vector<16xf32>,
    %get3A_1136 = vector.shape_cast %get3A_1135 : vector<16xf32> to vector<16xf32>
    %div3A_1137 = arith.constant 1.000000e+00 : f32
    %div3A_1138 = vector.broadcast %div3A_1137 : f32 to vector<16xf32>
    %div3A_1139 = arith.divf %div3A_1138, %get3A_1136 : vector<16xf32>
    %swap3A_1140 = arith.constant 144 : index
    %swap3A_1141 = tpu.vector_load %arg11[%swap3A_1140] {strides = array<i32>} : memref<640xf32, #tpu.memory_space<vmem>>, vector<16xf32>,
    %swap3A_1142 = vector.shape_cast %swap3A_1141 : vector<16xf32> to vector<16xf32>
    %swap3A_1143 = vector.shape_cast %div3A_1139 : vector<16xf32> to vector<16xf32>
    tpu.vector_store %arg11[%swap3A_1140], %swap3A_1143 {strides = array<i32>} : memref<640xf32, #tpu.memory_space<vmem>>, vector<16xf32>,
    %get3A_1144 = arith.constant 160 : index
    %get3A_1145 = tpu.vector_load %arg10[%get3A_1144] {strides = array<i32>} : memref<640xf32, #tpu.memory_space<vmem>>, vector<16xf32>,
    %get3A_1146 = vector.shape_cast %get3A_1145 : vector<16xf32> to vector<16xf32>
    %div3A_1147 = arith.constant 1.000000e+00 : f32
    %div3A_1148 = vector.broadcast %div3A_1147 : f32 to vector<16xf32>
    %div3A_1149 = arith.divf %div3A_1148, %get3A_1146 : vector<16xf32>
    %swap3A_1150 = arith.constant 160 : index
    %swap3A_1151 = tpu.vector_load %arg11[%swap3A_1150] {strides = array<i32>} : memref<640xf32, #tpu.memory_space<vmem>>, vector<16xf32>,
    %swap3A_1152 = vector.shape_cast %swap3A_1151 : vector<16xf32> to vector<16xf32>
    %swap3A_1153 = vector.shape_cast %div3A_1149 : vector<16xf32> to vector<16xf32>
    tpu.vector_store %arg11[%swap3A_1150], %swap3A_1153 {strides = array<i32>} : memref<640xf32, #tpu.memory_space<vmem>>, vector<16xf32>,
    %get3A_1154 = arith.constant 176 : index
    %get3A_1155 = tpu.vector_load %arg10[%get3A_1154] {strides = array<i32>} : memref<640xf32, #tpu.memory_space<vmem>>, vector<16xf32>,
    %get3A_1156 = vector.shape_cast %get3A_1155 : vector<16xf32> to vector<16xf32>
    %div3A_1157 = arith.constant 1.000000e+00 : f32
    %div3A_1158 = vector.broadcast %div3A_1157 : f32 to vector<16xf32>
    %div3A_1159 = arith.divf %div3A_1158, %get3A_1156 : vector<16xf32>
    %swap3A_1160 = arith.constant 176 : index
    %swap3A_1161 = tpu.vector_load %arg11[%swap3A_1160] {strides = array<i32>} : memref<640xf32, #tpu.memory_space<vmem>>, vector<16xf32>,
    %swap3A_1162 = vector.shape_cast %swap3A_1161 : vector<16xf32> to vector<16xf32>
    %swap3A_1163 = vector.shape_cast %div3A_1159 : vector<16xf32> to vector<16xf32>
    tpu.vector_store %arg11[%swap3A_1160], %swap3A_1163 {strides = array<i32>} : memref<640xf32, #tpu.memory_space<vmem>>, vector<16xf32>,
    %get3A_1164 = arith.constant 192 : index
    %get3A_1165 = tpu.vector_load %arg10[%get3A_1164] {strides = array<i32>} : memref<640xf32, #tpu.memory_space<vmem>>, vector<16xf32>,
    %get3A_1166 = vector.shape_cast %get3A_1165 : vector<16xf32> to vector<16xf32>
    %div3A_1167 = arith.constant 1.000000e+00 : f32
    %div3A_1168 = vector.broadcast %div3A_1167 : f32 to vector<16xf32>
    %div3A_1169 = arith.divf %div3A_1168, %get3A_1166 : vector<16xf32>
    %swap3A_1170 = arith.constant 192 : index
    %swap3A_1171 = tpu.vector_load %arg11[%swap3A_1170] {strides = array<i32>} : memref<640xf32, #tpu.memory_space<vmem>>, vector<16xf32>,
    %swap3A_1172 = vector.shape_cast %swap3A_1171 : vector<16xf32> to vector<16xf32>
    %swap3A_1173 = vector.shape_cast %div3A_1169 : vector<16xf32> to vector<16xf32>
    tpu.vector_store %arg11[%swap3A_1170], %swap3A_1173 {strides = array<i32>} : memref<640xf32, #tpu.memory_space<vmem>>, vector<16xf32>,
    %get3A_1174 = arith.constant 208 : index
    %get3A_1175 = tpu.vector_load %arg10[%get3A_1174] {strides = array<i32>} : memref<640xf32, #tpu.memory_space<vmem>>, vector<16xf32>,
    %get3A_1176 = vector.shape_cast %get3A_1175 : vector<16xf32> to vector<16xf32>
    %div3A_1177 = arith.constant 1.000000e+00 : f32
    %div3A_1178 = vector.broadcast %div3A_1177 : f32 to vector<16xf32>
    %div3A_1179 = arith.divf %div3A_1178, %get3A_1176 : vector<16xf32>
    %swap3A_1180 = arith.constant 208 : index
    %swap3A_1181 = tpu.vector_load %arg11[%swap3A_1180] {strides = array<i32>} : memref<640xf32, #tpu.memory_space<vmem>>, vector<16xf32>,
    %swap3A_1182 = vector.shape_cast %swap3A_1181 : vector<16xf32> to vector<16xf32>
    %swap3A_1183 = vector.shape_cast %div3A_1179 : vector<16xf32> to vector<16xf32>
    tpu.vector_store %arg11[%swap3A_1180], %swap3A_1183 {strides = array<i32>} : memref<640xf32, #tpu.memory_space<vmem>>, vector<16xf32>,
    %get3A_1184 = arith.constant 224 : index
    %get3A_1185 = tpu.vector_load %arg10[%get3A_1184] {strides = array<i32>} : memref<640xf32, #tpu.memory_space<vmem>>, vector<16xf32>,
    %get3A_1186 = vector.shape_cast %get3A_1185 : vector<16xf32> to vector<16xf32>
    %div3A_1187 = arith.constant 1.000000e+00 : f32
    %div3A_1188 = vector.broadcast %div3A_1187 : f32 to vector<16xf32>
    %div3A_1189 = arith.divf %div3A_1188, %get3A_1186 : vector<16xf32>
    %swap3A_1190 = arith.constant 224 : index
    %swap3A_1191 = tpu.vector_load %arg11[%swap3A_1190] {strides = array<i32>} : memref<640xf32, #tpu.memory_space<vmem>>, vector<16xf32>,
    %swap3A_1192 = vector.shape_cast %swap3A_1191 : vector<16xf32> to vector<16xf32>
    %swap3A_1193 = vector.shape_cast %div3A_1189 : vector<16xf32> to vector<16xf32>
    tpu.vector_store %arg11[%swap3A_1190], %swap3A_1193 {strides = array<i32>} : memref<640xf32, #tpu.memory_space<vmem>>, vector<16xf32>,
    %get3A_1194 = arith.constant 240 : index
    %get3A_1195 = tpu.vector_load %arg10[%get3A_1194] {strides = array<i32>} : memref<640xf32, #tpu.memory_space<vmem>>, vector<16xf32>,
    %get3A_1196 = vector.shape_cast %get3A_1195 : vector<16xf32> to vector<16xf32>
    %div3A_1197 = arith.constant 1.000000e+00 : f32
    %div3A_1198 = vector.broadcast %div3A_1197 : f32 to vector<16xf32>
    %div3A_1199 = arith.divf %div3A_1198, %get3A_1196 : vector<16xf32>
    %swap3A_1200 = arith.constant 240 : index
    %swap3A_1201 = tpu.vector_load %arg11[%swap3A_1200] {strides = array<i32>} : memref<640xf32, #tpu.memory_space<vmem>>, vector<16xf32>,
    %swap3A_1202 = vector.shape_cast %swap3A_1201 : vector<16xf32> to vector<16xf32>
    %swap3A_1203 = vector.shape_cast %div3A_1199 : vector<16xf32> to vector<16xf32>
    tpu.vector_store %arg11[%swap3A_1200], %swap3A_1203 {strides = array<i32>} : memref<640xf32, #tpu.memory_space<vmem>>, vector<16xf32>,
    %get3A_1204 = arith.constant 256 : index
    %get3A_1205 = tpu.vector_load %arg10[%get3A_1204] {strides = array<i32>} : memref<640xf32, #tpu.memory_space<vmem>>, vector<16xf32>,
    %get3A_1206 = vector.shape_cast %get3A_1205 : vector<16xf32> to vector<16xf32>
    %div3A_1207 = arith.constant 1.000000e+00 : f32
    %div3A_1208 = vector.broadcast %div3A_1207 : f32 to vector<16xf32>
    %div3A_1209 = arith.divf %div3A_1208, %get3A_1206 : vector<16xf32>
    %swap3A_1210 = arith.constant 256 : index
    %swap3A_1211 = tpu.vector_load %arg11[%swap3A_1210] {strides = array<i32>} : memref<640xf32, #tpu.memory_space<vmem>>, vector<16xf32>,
    %swap3A_1212 = vector.shape_cast %swap3A_1211 : vector<16xf32> to vector<16xf32>
    %swap3A_1213 = vector.shape_cast %div3A_1209 : vector<16xf32> to vector<16xf32>
    tpu.vector_store %arg11[%swap3A_1210], %swap3A_1213 {strides = array<i32>} : memref<640xf32, #tpu.memory_space<vmem>>, vector<16xf32>,
    %get3A_1214 = arith.constant 272 : index
    %get3A_1215 = tpu.vector_load %arg10[%get3A_1214] {strides = array<i32>} : memref<640xf32, #tpu.memory_space<vmem>>, vector<16xf32>,
    %get3A_1216 = vector.shape_cast %get3A_1215 : vector<16xf32> to vector<16xf32>
    %div3A_1217 = arith.constant 1.000000e+00 : f32
    %div3A_1218 = vector.broadcast %div3A_1217 : f32 to vector<16xf32>
    %div3A_1219 = arith.divf %div3A_1218, %get3A_1216 : vector<16xf32>
    %swap3A_1220 = arith.constant 272 : index
    %swap3A_1221 = tpu.vector_load %arg11[%swap3A_1220] {strides = array<i32>} : memref<640xf32, #tpu.memory_space<vmem>>, vector<16xf32>,
    %swap3A_1222 = vector.shape_cast %swap3A_1221 : vector<16xf32> to vector<16xf32>
    %swap3A_1223 = vector.shape_cast %div3A_1219 : vector<16xf32> to vector<16xf32>
    tpu.vector_store %arg11[%swap3A_1220], %swap3A_1223 {strides = array<i32>} : memref<640xf32, #tpu.memory_space<vmem>>, vector<16xf32>,
    %get3A_1224 = arith.constant 288 : index
    %get3A_1225 = tpu.vector_load %arg10[%get3A_1224] {strides = array<i32>} : memref<640xf32, #tpu.memory_space<vmem>>, vector<16xf32>,
    %get3A_1226 = vector.shape_cast %get3A_1225 : vector<16xf32> to vector<16xf32>
    %div3A_1227 = arith.constant 1.000000e+00 : f32
    %div3A_1228 = vector.broadcast %div3A_1227 : f32 to vector<16xf32>
    %div3A_1229 = arith.divf %div3A_1228, %get3A_1226 : vector<16xf32>
    %swap3A_1230 = arith.constant 288 : index
    %swap3A_1231 = tpu.vector_load %arg11[%swap3A_1230] {strides = array<i32>} : memref<640xf32, #tpu.memory_space<vmem>>, vector<16xf32>,
    %swap3A_1232 = vector.shape_cast %swap3A_1231 : vector<16xf32> to vector<16xf32>
    %swap3A_1233 = vector.shape_cast %div3A_1229 : vector<16xf32> to vector<16xf32>
    tpu.vector_store %arg11[%swap3A_1230], %swap3A_1233 {strides = array<i32>} : memref<640xf32, #tpu.memory_space<vmem>>, vector<16xf32>,
    %get3A_1234 = arith.constant 304 : index
    %get3A_1235 = tpu.vector_load %arg10[%get3A_1234] {strides = array<i32>} : memref<640xf32, #tpu.memory_space<vmem>>, vector<16xf32>,
    %get3A_1236 = vector.shape_cast %get3A_1235 : vector<16xf32> to vector<16xf32>
    %div3A_1237 = arith.constant 1.000000e+00 : f32
    %div3A_1238 = vector.broadcast %div3A_1237 : f32 to vector<16xf32>
    %div3A_1239 = arith.divf %div3A_1238, %get3A_1236 : vector<16xf32>
    %swap3A_1240 = arith.constant 304 : index
    %swap3A_1241 = tpu.vector_load %arg11[%swap3A_1240] {strides = array<i32>} : memref<640xf32, #tpu.memory_space<vmem>>, vector<16xf32>,
    %swap3A_1242 = vector.shape_cast %swap3A_1241 : vector<16xf32> to vector<16xf32>
    %swap3A_1243 = vector.shape_cast %div3A_1239 : vector<16xf32> to vector<16xf32>
    tpu.vector_store %arg11[%swap3A_1240], %swap3A_1243 {strides = array<i32>} : memref<640xf32, #tpu.memory_space<vmem>>, vector<16xf32>,
    %get3A_1244 = arith.constant 320 : index
    %get3A_1245 = tpu.vector_load %arg10[%get3A_1244] {strides = array<i32>} : memref<640xf32, #tpu.memory_space<vmem>>, vector<16xf32>,
    %get3A_1246 = vector.shape_cast %get3A_1245 : vector<16xf32> to vector<16xf32>
    %div3A_1247 = arith.constant 1.000000e+00 : f32
    %div3A_1248 = vector.broadcast %div3A_1247 : f32 to vector<16xf32>
    %div3A_1249 = arith.divf %div3A_1248, %get3A_1246 : vector<16xf32>
    %swap3A_1250 = arith.constant 320 : index
    %swap3A_1251 = tpu.vector_load %arg11[%swap3A_1250] {strides = array<i32>} : memref<640xf32, #tpu.memory_space<vmem>>, vector<16xf32>,
    %swap3A_1252 = vector.shape_cast %swap3A_1251 : vector<16xf32> to vector<16xf32>
    %swap3A_1253 = vector.shape_cast %div3A_1249 : vector<16xf32> to vector<16xf32>
    tpu.vector_store %arg11[%swap3A_1250], %swap3A_1253 {strides = array<i32>} : memref<640xf32, #tpu.memory_space<vmem>>, vector<16xf32>,
    %get3A_1254 = arith.constant 336 : index
    %get3A_1255 = tpu.vector_load %arg10[%get3A_1254] {strides = array<i32>} : memref<640xf32, #tpu.memory_space<vmem>>, vector<16xf32>,
    %get3A_1256 = vector.shape_cast %get3A_1255 : vector<16xf32> to vector<16xf32>
    %div3A_1257 = arith.constant 1.000000e+00 : f32
    %div3A_1258 = vector.broadcast %div3A_1257 : f32 to vector<16xf32>
    %div3A_1259 = arith.divf %div3A_1258, %get3A_1256 : vector<16xf32>
    %swap3A_1260 = arith.constant 336 : index
    %swap3A_1261 = tpu.vector_load %arg11[%swap3A_1260] {strides = array<i32>} : memref<640xf32, #tpu.memory_space<vmem>>, vector<16xf32>,
    %swap3A_1262 = vector.shape_cast %swap3A_1261 : vector<16xf32> to vector<16xf32>
    %swap3A_1263 = vector.shape_cast %div3A_1259 : vector<16xf32> to vector<16xf32>
    tpu.vector_store %arg11[%swap3A_1260], %swap3A_1263 {strides = array<i32>} : memref<640xf32, #tpu.memory_space<vmem>>, vector<16xf32>,
    %get3A_1264 = arith.constant 352 : index
    %get3A_1265 = tpu.vector_load %arg10[%get3A_1264] {strides = array<i32>} : memref<640xf32, #tpu.memory_space<vmem>>, vector<16xf32>,
    %get3A_1266 = vector.shape_cast %get3A_1265 : vector<16xf32> to vector<16xf32>
    %div3A_1267 = arith.constant 1.000000e+00 : f32
    %div3A_1268 = vector.broadcast %div3A_1267 : f32 to vector<16xf32>
    %div3A_1269 = arith.divf %div3A_1268, %get3A_1266 : vector<16xf32>
    %swap3A_1270 = arith.constant 352 : index
    %swap3A_1271 = tpu.vector_load %arg11[%swap3A_1270] {strides = array<i32>} : memref<640xf32, #tpu.memory_space<vmem>>, vector<16xf32>,
    %swap3A_1272 = vector.shape_cast %swap3A_1271 : vector<16xf32> to vector<16xf32>
    %swap3A_1273 = vector.shape_cast %div3A_1269 : vector<16xf32> to vector<16xf32>
    tpu.vector_store %arg11[%swap3A_1270], %swap3A_1273 {strides = array<i32>} : memref<640xf32, #tpu.memory_space<vmem>>, vector<16xf32>,
    %get3A_1274 = arith.constant 368 : index
    %get3A_1275 = tpu.vector_load %arg10[%get3A_1274] {strides = array<i32>} : memref<640xf32, #tpu.memory_space<vmem>>, vector<16xf32>,
    %get3A_1276 = vector.shape_cast %get3A_1275 : vector<16xf32> to vector<16xf32>
    %div3A_1277 = arith.constant 1.000000e+00 : f32
    %div3A_1278 = vector.broadcast %div3A_1277 : f32 to vector<16xf32>
    %div3A_1279 = arith.divf %div3A_1278, %get3A_1276 : vector<16xf32>
    %swap3A_1280 = arith.constant 368 : index
    %swap3A_1281 = tpu.vector_load %arg11[%swap3A_1280] {strides = array<i32>} : memref<640xf32, #tpu.memory_space<vmem>>, vector<16xf32>,
    %swap3A_1282 = vector.shape_cast %swap3A_1281 : vector<16xf32> to vector<16xf32>
    %swap3A_1283 = vector.shape_cast %div3A_1279 : vector<16xf32> to vector<16xf32>
    tpu.vector_store %arg11[%swap3A_1280], %swap3A_1283 {strides = array<i32>} : memref<640xf32, #tpu.memory_space<vmem>>, vector<16xf32>,
    %get3A_1284 = arith.constant 384 : index
    %get3A_1285 = tpu.vector_load %arg10[%get3A_1284] {strides = array<i32>} : memref<640xf32, #tpu.memory_space<vmem>>, vector<16xf32>,
    %get3A_1286 = vector.shape_cast %get3A_1285 : vector<16xf32> to vector<16xf32>
    %div3A_1287 = arith.constant 1.000000e+00 : f32
    %div3A_1288 = vector.broadcast %div3A_1287 : f32 to vector<16xf32>
    %div3A_1289 = arith.divf %div3A_1288, %get3A_1286 : vector<16xf32>
    %swap3A_1290 = arith.constant 384 : index
    %swap3A_1291 = tpu.vector_load %arg11[%swap3A_1290] {strides = array<i32>} : memref<640xf32, #tpu.memory_space<vmem>>, vector<16xf32>,
    %swap3A_1292 = vector.shape_cast %swap3A_1291 : vector<16xf32> to vector<16xf32>
    %swap3A_1293 = vector.shape_cast %div3A_1289 : vector<16xf32> to vector<16xf32>
    tpu.vector_store %arg11[%swap3A_1290], %swap3A_1293 {strides = array<i32>} : memref<640xf32, #tpu.memory_space<vmem>>, vector<16xf32>,
    %get3A_1294 = arith.constant 400 : index
    %get3A_1295 = tpu.vector_load %arg10[%get3A_1294] {strides = array<i32>} : memref<640xf32, #tpu.memory_space<vmem>>, vector<16xf32>,
    %get3A_1296 = vector.shape_cast %get3A_1295 : vector<16xf32> to vector<16xf32>
    %div3A_1297 = arith.constant 1.000000e+00 : f32
    %div3A_1298 = vector.broadcast %div3A_1297 : f32 to vector<16xf32>
    %div3A_1299 = arith.divf %div3A_1298, %get3A_1296 : vector<16xf32>
    %swap3A_1300 = arith.constant 400 : index
    %swap3A_1301 = tpu.vector_load %arg11[%swap3A_1300] {strides = array<i32>} : memref<640xf32, #tpu.memory_space<vmem>>, vector<16xf32>,
    %swap3A_1302 = vector.shape_cast %swap3A_1301 : vector<16xf32> to vector<16xf32>
    %swap3A_1303 = vector.shape_cast %div3A_1299 : vector<16xf32> to vector<16xf32>
    tpu.vector_store %arg11[%swap3A_1300], %swap3A_1303 {strides = array<i32>} : memref<640xf32, #tpu.memory_space<vmem>>, vector<16xf32>,
    %get3A_1304 = arith.constant 416 : index
    %get3A_1305 = tpu.vector_load %arg10[%get3A_1304] {strides = array<i32>} : memref<640xf32, #tpu.memory_space<vmem>>, vector<16xf32>,
    %get3A_1306 = vector.shape_cast %get3A_1305 : vector<16xf32> to vector<16xf32>
    %div3A_1307 = arith.constant 1.000000e+00 : f32
    %div3A_1308 = vector.broadcast %div3A_1307 : f32 to vector<16xf32>
    %div3A_1309 = arith.divf %div3A_1308, %get3A_1306 : vector<16xf32>
    %swap3A_1310 = arith.constant 416 : index
    %swap3A_1311 = tpu.vector_load %arg11[%swap3A_1310] {strides = array<i32>} : memref<640xf32, #tpu.memory_space<vmem>>, vector<16xf32>,
    %swap3A_1312 = vector.shape_cast %swap3A_1311 : vector<16xf32> to vector<16xf32>
    %swap3A_1313 = vector.shape_cast %div3A_1309 : vector<16xf32> to vector<16xf32>
    tpu.vector_store %arg11[%swap3A_1310], %swap3A_1313 {strides = array<i32>} : memref<640xf32, #tpu.memory_space<vmem>>, vector<16xf32>,
    %get3A_1314 = arith.constant 432 : index
    %get3A_1315 = tpu.vector_load %arg10[%get3A_1314] {strides = array<i32>} : memref<640xf32, #tpu.memory_space<vmem>>, vector<16xf32>,
    %get3A_1316 = vector.shape_cast %get3A_1315 : vector<16xf32> to vector<16xf32>
    %div3A_1317 = arith.constant 1.000000e+00 : f32
    %div3A_1318 = vector.broadcast %div3A_1317 : f32 to vector<16xf32>
    %div3A_1319 = arith.divf %div3A_1318, %get3A_1316 : vector<16xf32>
    %swap3A_1320 = arith.constant 432 : index
    %swap3A_1321 = tpu.vector_load %arg11[%swap3A_1320] {strides = array<i32>} : memref<640xf32, #tpu.memory_space<vmem>>, vector<16xf32>,
    %swap3A_1322 = vector.shape_cast %swap3A_1321 : vector<16xf32> to vector<16xf32>
    %swap3A_1323 = vector.shape_cast %div3A_1319 : vector<16xf32> to vector<16xf32>
    tpu.vector_store %arg11[%swap3A_1320], %swap3A_1323 {strides = array<i32>} : memref<640xf32, #tpu.memory_space<vmem>>, vector<16xf32>,
    %get3A_1324 = arith.constant 448 : index
    %get3A_1325 = tpu.vector_load %arg10[%get3A_1324] {strides = array<i32>} : memref<640xf32, #tpu.memory_space<vmem>>, vector<16xf32>,
    %get3A_1326 = vector.shape_cast %get3A_1325 : vector<16xf32> to vector<16xf32>
    %div3A_1327 = arith.constant 1.000000e+00 : f32
    %div3A_1328 = vector.broadcast %div3A_1327 : f32 to vector<16xf32>
    %div3A_1329 = arith.divf %div3A_1328, %get3A_1326 : vector<16xf32>
    %swap3A_1330 = arith.constant 448 : index
    %swap3A_1331 = tpu.vector_load %arg11[%swap3A_1330] {strides = array<i32>} : memref<640xf32, #tpu.memory_space<vmem>>, vector<16xf32>,
    %swap3A_1332 = vector.shape_cast %swap3A_1331 : vector<16xf32> to vector<16xf32>
    %swap3A_1333 = vector.shape_cast %div3A_1329 : vector<16xf32> to vector<16xf32>
    tpu.vector_store %arg11[%swap3A_1330], %swap3A_1333 {strides = array<i32>} : memref<640xf32, #tpu.memory_space<vmem>>, vector<16xf32>,
    %get3A_1334 = arith.constant 464 : index
    %get3A_1335 = tpu.vector_load %arg10[%get3A_1334] {strides = array<i32>} : memref<640xf32, #tpu.memory_space<vmem>>, vector<16xf32>,
    %get3A_1336 = vector.shape_cast %get3A_1335 : vector<16xf32> to vector<16xf32>
    %div3A_1337 = arith.constant 1.000000e+00 : f32
    %div3A_1338 = vector.broadcast %div3A_1337 : f32 to vector<16xf32>
    %div3A_1339 = arith.divf %div3A_1338, %get3A_1336 : vector<16xf32>
    %swap3A_1340 = arith.constant 464 : index
    %swap3A_1341 = tpu.vector_load %arg11[%swap3A_1340] {strides = array<i32>} : memref<640xf32, #tpu.memory_space<vmem>>, vector<16xf32>,
    %swap3A_1342 = vector.shape_cast %swap3A_1341 : vector<16xf32> to vector<16xf32>
    %swap3A_1343 = vector.shape_cast %div3A_1339 : vector<16xf32> to vector<16xf32>
    tpu.vector_store %arg11[%swap3A_1340], %swap3A_1343 {strides = array<i32>} : memref<640xf32, #tpu.memory_space<vmem>>, vector<16xf32>,
    %get3A_1344 = arith.constant 480 : index
    %get3A_1345 = tpu.vector_load %arg10[%get3A_1344] {strides = array<i32>} : memref<640xf32, #tpu.memory_space<vmem>>, vector<16xf32>,
    %get3A_1346 = vector.shape_cast %get3A_1345 : vector<16xf32> to vector<16xf32>
    %div3A_1347 = arith.constant 1.000000e+00 : f32
    %div3A_1348 = vector.broadcast %div3A_1347 : f32 to vector<16xf32>
    %div3A_1349 = arith.divf %div3A_1348, %get3A_1346 : vector<16xf32>
    %swap3A_1350 = arith.constant 480 : index
    %swap3A_1351 = tpu.vector_load %arg11[%swap3A_1350] {strides = array<i32>} : memref<640xf32, #tpu.memory_space<vmem>>, vector<16xf32>,
    %swap3A_1352 = vector.shape_cast %swap3A_1351 : vector<16xf32> to vector<16xf32>
    %swap3A_1353 = vector.shape_cast %div3A_1349 : vector<16xf32> to vector<16xf32>
    tpu.vector_store %arg11[%swap3A_1350], %swap3A_1353 {strides = array<i32>} : memref<640xf32, #tpu.memory_space<vmem>>, vector<16xf32>,
    %get3A_1354 = arith.constant 496 : index
    %get3A_1355 = tpu.vector_load %arg10[%get3A_1354] {strides = array<i32>} : memref<640xf32, #tpu.memory_space<vmem>>, vector<16xf32>,
    %get3A_1356 = vector.shape_cast %get3A_1355 : vector<16xf32> to vector<16xf32>
    %div3A_1357 = arith.constant 1.000000e+00 : f32
    %div3A_1358 = vector.broadcast %div3A_1357 : f32 to vector<16xf32>
    %div3A_1359 = arith.divf %div3A_1358, %get3A_1356 : vector<16xf32>
    %swap3A_1360 = arith.constant 496 : index
    %swap3A_1361 = tpu.vector_load %arg11[%swap3A_1360] {strides = array<i32>} : memref<640xf32, #tpu.memory_space<vmem>>, vector<16xf32>,
    %swap3A_1362 = vector.shape_cast %swap3A_1361 : vector<16xf32> to vector<16xf32>
    %swap3A_1363 = vector.shape_cast %div3A_1359 : vector<16xf32> to vector<16xf32>
    tpu.vector_store %arg11[%swap3A_1360], %swap3A_1363 {strides = array<i32>} : memref<640xf32, #tpu.memory_space<vmem>>, vector<16xf32>,
    %get3A_1364 = arith.constant 512 : index
    %get3A_1365 = tpu.vector_load %arg10[%get3A_1364] {strides = array<i32>} : memref<640xf32, #tpu.memory_space<vmem>>, vector<16xf32>,
    %get3A_1366 = vector.shape_cast %get3A_1365 : vector<16xf32> to vector<16xf32>
    %div3A_1367 = arith.constant 1.000000e+00 : f32
    %div3A_1368 = vector.broadcast %div3A_1367 : f32 to vector<16xf32>
    %div3A_1369 = arith.divf %div3A_1368, %get3A_1366 : vector<16xf32>
    %swap3A_1370 = arith.constant 512 : index
    %swap3A_1371 = tpu.vector_load %arg11[%swap3A_1370] {strides = array<i32>} : memref<640xf32, #tpu.memory_space<vmem>>, vector<16xf32>,
    %swap3A_1372 = vector.shape_cast %swap3A_1371 : vector<16xf32> to vector<16xf32>
    %swap3A_1373 = vector.shape_cast %div3A_1369 : vector<16xf32> to vector<16xf32>
    tpu.vector_store %arg11[%swap3A_1370], %swap3A_1373 {strides = array<i32>} : memref<640xf32, #tpu.memory_space<vmem>>, vector<16xf32>,
    %get3A_1374 = arith.constant 528 : index
    %get3A_1375 = tpu.vector_load %arg10[%get3A_1374] {strides = array<i32>} : memref<640xf32, #tpu.memory_space<vmem>>, vector<16xf32>,
    %get3A_1376 = vector.shape_cast %get3A_1375 : vector<16xf32> to vector<16xf32>
    %div3A_1377 = arith.constant 1.000000e+00 : f32
    %div3A_1378 = vector.broadcast %div3A_1377 : f32 to vector<16xf32>
    %div3A_1379 = arith.divf %div3A_1378, %get3A_1376 : vector<16xf32>
    %swap3A_1380 = arith.constant 528 : index
    %swap3A_1381 = tpu.vector_load %arg11[%swap3A_1380] {strides = array<i32>} : memref<640xf32, #tpu.memory_space<vmem>>, vector<16xf32>,
    %swap3A_1382 = vector.shape_cast %swap3A_1381 : vector<16xf32> to vector<16xf32>
    %swap3A_1383 = vector.shape_cast %div3A_1379 : vector<16xf32> to vector<16xf32>
    tpu.vector_store %arg11[%swap3A_1380], %swap3A_1383 {strides = array<i32>} : memref<640xf32, #tpu.memory_space<vmem>>, vector<16xf32>,
    %get3A_1384 = arith.constant 544 : index
    %get3A_1385 = tpu.vector_load %arg10[%get3A_1384] {strides = array<i32>} : memref<640xf32, #tpu.memory_space<vmem>>, vector<16xf32>,
    %get3A_1386 = vector.shape_cast %get3A_1385 : vector<16xf32> to vector<16xf32>
    %div3A_1387 = arith.constant 1.000000e+00 : f32
    %div3A_1388 = vector.broadcast %div3A_1387 : f32 to vector<16xf32>
    %div3A_1389 = arith.divf %div3A_1388, %get3A_1386 : vector<16xf32>
    %swap3A_1390 = arith.constant 544 : index
    %swap3A_1391 = tpu.vector_load %arg11[%swap3A_1390] {strides = array<i32>} : memref<640xf32, #tpu.memory_space<vmem>>, vector<16xf32>,
    %swap3A_1392 = vector.shape_cast %swap3A_1391 : vector<16xf32> to vector<16xf32>
    %swap3A_1393 = vector.shape_cast %div3A_1389 : vector<16xf32> to vector<16xf32>
    tpu.vector_store %arg11[%swap3A_1390], %swap3A_1393 {strides = array<i32>} : memref<640xf32, #tpu.memory_space<vmem>>, vector<16xf32>,
    %get3A_1394 = arith.constant 560 : index
    %get3A_1395 = tpu.vector_load %arg10[%get3A_1394] {strides = array<i32>} : memref<640xf32, #tpu.memory_space<vmem>>, vector<16xf32>,
    %get3A_1396 = vector.shape_cast %get3A_1395 : vector<16xf32> to vector<16xf32>
    %div3A_1397 = arith.constant 1.000000e+00 : f32
    %div3A_1398 = vector.broadcast %div3A_1397 : f32 to vector<16xf32>
    %div3A_1399 = arith.divf %div3A_1398, %get3A_1396 : vector<16xf32>
    %swap3A_1400 = arith.constant 560 : index
    %swap3A_1401 = tpu.vector_load %arg11[%swap3A_1400] {strides = array<i32>} : memref<640xf32, #tpu.memory_space<vmem>>, vector<16xf32>,
    %swap3A_1402 = vector.shape_cast %swap3A_1401 : vector<16xf32> to vector<16xf32>
    %swap3A_1403 = vector.shape_cast %div3A_1399 : vector<16xf32> to vector<16xf32>
    tpu.vector_store %arg11[%swap3A_1400], %swap3A_1403 {strides = array<i32>} : memref<640xf32, #tpu.memory_space<vmem>>, vector<16xf32>,
    %get3A_1404 = arith.constant 576 : index
    %get3A_1405 = tpu.vector_load %arg10[%get3A_1404] {strides = array<i32>} : memref<640xf32, #tpu.memory_space<vmem>>, vector<16xf32>,
    %get3A_1406 = vector.shape_cast %get3A_1405 : vector<16xf32> to vector<16xf32>
    %div3A_1407 = arith.constant 1.000000e+00 : f32
    %div3A_1408 = vector.broadcast %div3A_1407 : f32 to vector<16xf32>
    %div3A_1409 = arith.divf %div3A_1408, %get3A_1406 : vector<16xf32>
    %swap3A_1410 = arith.constant 576 : index
    %swap3A_1411 = tpu.vector_load %arg11[%swap3A_1410] {strides = array<i32>} : memref<640xf32, #tpu.memory_space<vmem>>, vector<16xf32>,
    %swap3A_1412 = vector.shape_cast %swap3A_1411 : vector<16xf32> to vector<16xf32>
    %swap3A_1413 = vector.shape_cast %div3A_1409 : vector<16xf32> to vector<16xf32>
    tpu.vector_store %arg11[%swap3A_1410], %swap3A_1413 {strides = array<i32>} : memref<640xf32, #tpu.memory_space<vmem>>, vector<16xf32>,
    %get3A_1414 = arith.constant 592 : index
    %get3A_1415 = tpu.vector_load %arg10[%get3A_1414] {strides = array<i32>} : memref<640xf32, #tpu.memory_space<vmem>>, vector<16xf32>,
    %get3A_1416 = vector.shape_cast %get3A_1415 : vector<16xf32> to vector<16xf32>
    %div3A_1417 = arith.constant 1.000000e+00 : f32
    %div3A_1418 = vector.broadcast %div3A_1417 : f32 to vector<16xf32>
    %div3A_1419 = arith.divf %div3A_1418, %get3A_1416 : vector<16xf32>
    %swap3A_1420 = arith.constant 592 : index
    %swap3A_1421 = tpu.vector_load %arg11[%swap3A_1420] {strides = array<i32>} : memref<640xf32, #tpu.memory_space<vmem>>, vector<16xf32>,
    %swap3A_1422 = vector.shape_cast %swap3A_1421 : vector<16xf32> to vector<16xf32>
    %swap3A_1423 = vector.shape_cast %div3A_1419 : vector<16xf32> to vector<16xf32>
    tpu.vector_store %arg11[%swap3A_1420], %swap3A_1423 {strides = array<i32>} : memref<640xf32, #tpu.memory_space<vmem>>, vector<16xf32>,
    %get3A_1424 = arith.constant 608 : index
    %get3A_1425 = tpu.vector_load %arg10[%get3A_1424] {strides = array<i32>} : memref<640xf32, #tpu.memory_space<vmem>>, vector<16xf32>,
    %get3A_1426 = vector.shape_cast %get3A_1425 : vector<16xf32> to vector<16xf32>
    %div3A_1427 = arith.constant 1.000000e+00 : f32
    %div3A_1428 = vector.broadcast %div3A_1427 : f32 to vector<16xf32>
    %div3A_1429 = arith.divf %div3A_1428, %get3A_1426 : vector<16xf32>
    %swap3A_1430 = arith.constant 608 : index
    %swap3A_1431 = tpu.vector_load %arg11[%swap3A_1430] {strides = array<i32>} : memref<640xf32, #tpu.memory_space<vmem>>, vector<16xf32>,
    %swap3A_1432 = vector.shape_cast %swap3A_1431 : vector<16xf32> to vector<16xf32>
    %swap3A_1433 = vector.shape_cast %div3A_1429 : vector<16xf32> to vector<16xf32>
    tpu.vector_store %arg11[%swap3A_1430], %swap3A_1433 {strides = array<i32>} : memref<640xf32, #tpu.memory_space<vmem>>, vector<16xf32>,
    %get3A_1434 = arith.constant 624 : index
    %get3A_1435 = tpu.vector_load %arg10[%get3A_1434] {strides = array<i32>} : memref<640xf32, #tpu.memory_space<vmem>>, vector<16xf32>,
    %get3A_1436 = vector.shape_cast %get3A_1435 : vector<16xf32> to vector<16xf32>
    %div3A_1437 = arith.constant 1.000000e+00 : f32
    %div3A_1438 = vector.broadcast %div3A_1437 : f32 to vector<16xf32>
    %div3A_1439 = arith.divf %div3A_1438, %get3A_1436 : vector<16xf32>
    %swap3A_1440 = arith.constant 624 : index
    %swap3A_1441 = tpu.vector_load %arg11[%swap3A_1440] {strides = array<i32>} : memref<640xf32, #tpu.memory_space<vmem>>, vector<16xf32>,
    %swap3A_1442 = vector.shape_cast %swap3A_1441 : vector<16xf32> to vector<16xf32>
    %swap3A_1443 = vector.shape_cast %div3A_1439 : vector<16xf32> to vector<16xf32>
    tpu.vector_store %arg11[%swap3A_1440], %swap3A_1443 {strides = array<i32>} : memref<640xf32, #tpu.memory_space<vmem>>, vector<16xf32>,
    "tpu.region"() ({
      %run_scoped3A = tpu.sem_alloc : memref<!tpu.dma_semaphore, #tpu.memory_space<semaphore_mem>>
      %dma_start3A_1444 = tpu.memref_slice %arg3[%mul3A_67] : memref<10240xf32, #tpu.memory_space<hbm>> -> memref<640xf32, #tpu.memory_space<hbm>>
      %dma_start3A_1445 = tpu.memref_slice %arg3[%mul3A_67] : memref<10240xf32, #tpu.memory_space<hbm>> -> memref<640xf32, #tpu.memory_space<hbm>>
      tpu.enqueue_dma source(%arg11 : memref<640xf32, #tpu.memory_space<vmem>>) target(%dma_start3A_1445 : memref<640xf32, #tpu.memory_space<hbm>>) target_semaphore(%run_scoped3A : memref<!tpu.dma_semaphore, #tpu.memory_space<semaphore_mem>>)
      %dma_wait3A_1446 = tpu.memref_slice %arg3[%mul3A_67] : memref<10240xf32, #tpu.memory_space<hbm>> -> memref<640xf32, #tpu.memory_space<hbm>>
      %dma_wait3A_1447 = tpu.memref_slice %arg3[%mul3A_67] : memref<10240xf32, #tpu.memory_space<hbm>> -> memref<640xf32, #tpu.memory_space<hbm>>
      tpu.wait_dma2 semaphore(%run_scoped3A : memref<!tpu.dma_semaphore, #tpu.memory_space<semaphore_mem>>) src(%arg11 : memref<640xf32, #tpu.memory_space<vmem>>) dst(%dma_wait3A_1447 : memref<640xf32, #tpu.memory_space<hbm>>)
      tpu.yield
    }) : () -> ()
    return
  }
}

#map = affine_map<(d0, d1) -> (0, 0)>
#map1 = affine_map<(d0, d1) -> (0, 0, 0)>
module attributes {stable_mosaic.version = 14 : i64} {
  func.func @_agg_body(%arg0: i32, %arg1: i32, %arg2: memref<20002x64xf32, #tpu.memory_space<hbm>>, %arg3: memref<2560x128xi32, #tpu.memory_space<hbm>>, %arg4: memref<2560x128xi32, #tpu.memory_space<hbm>>, %arg5: memref<327680x16xf32, #tpu.memory_space<hbm>>, %arg6: memref<2x10240x64xf32, #tpu.memory_space<hbm>>, %arg7: memref<2x10240x16xf32, #tpu.memory_space<hbm>>, %arg8: memref<16x128xi32, #tpu.memory_space<vmem>>, %arg9: memref<1024x64xf32, #tpu.memory_space<vmem>>, %arg10: memref<512x16xf32, #tpu.memory_space<vmem>>, %arg11: memref<2x!tpu.dma_semaphore, #tpu.memory_space<semaphore_mem>>, %arg12: memref<10240x64xf32, #tpu.memory_space<vmem_shared>>, %arg13: memref<10240x16xf32, #tpu.memory_space<vmem_shared>>) attributes {dimension_semantics = [#tpu.dimension_semantics<core_parallel>, #tpu.dimension_semantics<subcore_parallel>], iteration_bounds = array<i64: 2, 16>, scalar_prefetch = 0 : i64, scratch_operands = 6 : i64, tpu.core_type = #tpu.core_type<sc_vector_subcore>, window_params = [{transform_indices = #map}, {transform_indices = #map}, {transform_indices = #map}, {transform_indices = #map}, {transform_indices = #map1}, {transform_indices = #map1}]} {
    %mul3A = arith.constant 16 : i32
    %mul3A_0 = arith.muli %arg0, %mul3A : i32
    %add3A = arith.addi %mul3A_0, %arg1 : i32
    %mul3A_1 = arith.constant 10001 : i32
    %mul3A_2 = arith.muli %arg0, %mul3A_1 : i32
    %broadcast_in_dim3A = arith.constant 0.000000e+00 : f32
    %broadcast_in_dim3A_3 = vector.broadcast %broadcast_in_dim3A : f32 to vector<16xf32>
    %scan3A = arith.constant 0 : i32
    %scan3A_4 = arith.constant 0 : i32
    %scan3A_5 = arith.constant 128 : i32
    %scan3A_6 = arith.addi %scan3A_4, %scan3A_5 : i32
    %scan3A_7 = arith.constant 1 : i32
    %scan3A_8 = scf.for %scan3A_56 = %scan3A_4 to %scan3A_6 step %scan3A_7 iter_args(%scan3A_57 = %scan3A) -> (i32)  : i32 {
      %swap3A = arith.index_cast %scan3A_56 : i32 to index
      %swap3A_58 = arith.constant 0 : index
      %swap3A_59 = tpu.vector_load %arg9[%swap3A, %swap3A_58] {strides = array<i32>} : memref<1024x64xf32, #tpu.memory_space<vmem>>, vector<1x16xf32>,
      %swap3A_60 = vector.shape_cast %swap3A_59 : vector<1x16xf32> to vector<16xf32>
      %swap3A_61 = vector.shape_cast %broadcast_in_dim3A_3 : vector<16xf32> to vector<1x16xf32>
      tpu.vector_store %arg9[%swap3A, %swap3A_58], %swap3A_61 {strides = array<i32>} : memref<1024x64xf32, #tpu.memory_space<vmem>>, vector<1x16xf32>,
      %swap3A_62 = arith.index_cast %scan3A_56 : i32 to index
      %swap3A_63 = arith.constant 16 : index
      %swap3A_64 = tpu.vector_load %arg9[%swap3A_62, %swap3A_63] {strides = array<i32>} : memref<1024x64xf32, #tpu.memory_space<vmem>>, vector<1x16xf32>,
      %swap3A_65 = vector.shape_cast %swap3A_64 : vector<1x16xf32> to vector<16xf32>
      %swap3A_66 = vector.shape_cast %broadcast_in_dim3A_3 : vector<16xf32> to vector<1x16xf32>
      tpu.vector_store %arg9[%swap3A_62, %swap3A_63], %swap3A_66 {strides = array<i32>} : memref<1024x64xf32, #tpu.memory_space<vmem>>, vector<1x16xf32>,
      %swap3A_67 = arith.index_cast %scan3A_56 : i32 to index
      %swap3A_68 = arith.constant 32 : index
      %swap3A_69 = tpu.vector_load %arg9[%swap3A_67, %swap3A_68] {strides = array<i32>} : memref<1024x64xf32, #tpu.memory_space<vmem>>, vector<1x16xf32>,
      %swap3A_70 = vector.shape_cast %swap3A_69 : vector<1x16xf32> to vector<16xf32>
      %swap3A_71 = vector.shape_cast %broadcast_in_dim3A_3 : vector<16xf32> to vector<1x16xf32>
      tpu.vector_store %arg9[%swap3A_67, %swap3A_68], %swap3A_71 {strides = array<i32>} : memref<1024x64xf32, #tpu.memory_space<vmem>>, vector<1x16xf32>,
      %swap3A_72 = arith.index_cast %scan3A_56 : i32 to index
      %swap3A_73 = arith.constant 48 : index
      %swap3A_74 = tpu.vector_load %arg9[%swap3A_72, %swap3A_73] {strides = array<i32>} : memref<1024x64xf32, #tpu.memory_space<vmem>>, vector<1x16xf32>,
      %swap3A_75 = vector.shape_cast %swap3A_74 : vector<1x16xf32> to vector<16xf32>
      %swap3A_76 = vector.shape_cast %broadcast_in_dim3A_3 : vector<16xf32> to vector<1x16xf32>
      tpu.vector_store %arg9[%swap3A_72, %swap3A_73], %swap3A_76 {strides = array<i32>} : memref<1024x64xf32, #tpu.memory_space<vmem>>, vector<1x16xf32>,
      %scan3A_77 = arith.constant 0 : i32
      scf.yield %scan3A_77 : i32
    }
    %scan3A_9 = arith.constant 128 : i32
    %broadcast_in_dim3A_10 = arith.constant 0.000000e+00 : f32
    %broadcast_in_dim3A_11 = vector.broadcast %broadcast_in_dim3A_10 : f32 to vector<16xf32>
    %scan3A_12 = arith.constant 0 : i32
    %scan3A_13 = arith.constant 0 : i32
    %scan3A_14 = arith.constant 128 : i32
    %scan3A_15 = arith.addi %scan3A_13, %scan3A_14 : i32
    %scan3A_16 = arith.constant 1 : i32
    %scan3A_17 = scf.for %scan3A_56 = %scan3A_13 to %scan3A_15 step %scan3A_16 iter_args(%scan3A_57 = %scan3A_12) -> (i32)  : i32 {
      %swap3A = arith.index_cast %scan3A_56 : i32 to index
      %swap3A_58 = arith.constant 0 : index
      %swap3A_59 = tpu.vector_load %arg10[%swap3A, %swap3A_58] {strides = array<i32>} : memref<512x16xf32, #tpu.memory_space<vmem>>, vector<1x16xf32>,
      %swap3A_60 = vector.shape_cast %swap3A_59 : vector<1x16xf32> to vector<16xf32>
      %swap3A_61 = vector.shape_cast %broadcast_in_dim3A_11 : vector<16xf32> to vector<1x16xf32>
      tpu.vector_store %arg10[%swap3A, %swap3A_58], %swap3A_61 {strides = array<i32>} : memref<512x16xf32, #tpu.memory_space<vmem>>, vector<1x16xf32>,
      %scan3A_62 = arith.constant 0 : i32
      scf.yield %scan3A_62 : i32
    }
    %scan3A_18 = arith.constant 128 : i32
    %mul3A_19 = arith.constant 640 : i32
    %mul3A_20 = arith.muli %arg1, %mul3A_19 : i32
    %add3A_21 = arith.constant 0 : i32
    %add3A_22 = arith.addi %mul3A_20, %add3A_21 : i32
    "tpu.region"() ({
      %run_scoped3A = tpu.sem_alloc : memref<!tpu.dma_semaphore, #tpu.memory_space<semaphore_mem>>
      %dma_start3A = arith.constant 0 : i32
      %dma_start3A_56 = arith.constant 0 : i32
      %dma_start3A_57 = tpu.memref_slice %arg9[%dma_start3A, %dma_start3A_56] : memref<1024x64xf32, #tpu.memory_space<vmem>> -> memref<128x64xf32, #tpu.memory_space<vmem>>
      %dma_start3A_58 = arith.constant 0 : i32
      %dma_start3A_59 = tpu.memref_slice %arg12[%add3A_22, %dma_start3A_58] : memref<10240x64xf32, #tpu.memory_space<vmem_shared>> -> memref<128x64xf32, #tpu.memory_space<vmem_shared>>
      %dma_start3A_60 = arith.constant 0 : i32
      %dma_start3A_61 = tpu.memref_slice %arg12[%add3A_22, %dma_start3A_60] : memref<10240x64xf32, #tpu.memory_space<vmem_shared>> -> memref<128x64xf32, #tpu.memory_space<vmem_shared>>
      %dma_start3A_62 = arith.constant 0 : i32
      %dma_start3A_63 = arith.constant 0 : i32
      %dma_start3A_64 = tpu.memref_slice %arg9[%dma_start3A_62, %dma_start3A_63] : memref<1024x64xf32, #tpu.memory_space<vmem>> -> memref<128x64xf32, #tpu.memory_space<vmem>>
      tpu.enqueue_dma source(%dma_start3A_64 : memref<128x64xf32, #tpu.memory_space<vmem>>) target(%dma_start3A_61 : memref<128x64xf32, #tpu.memory_space<vmem_shared>>) target_semaphore(%run_scoped3A : memref<!tpu.dma_semaphore, #tpu.memory_space<semaphore_mem>>)
      %dma_wait3A = arith.constant 0 : i32
      %dma_wait3A_65 = arith.constant 0 : i32
      %dma_wait3A_66 = tpu.memref_slice %arg9[%dma_wait3A, %dma_wait3A_65] : memref<1024x64xf32, #tpu.memory_space<vmem>> -> memref<128x64xf32, #tpu.memory_space<vmem>>
      %dma_wait3A_67 = arith.constant 0 : i32
      %dma_wait3A_68 = tpu.memref_slice %arg12[%add3A_22, %dma_wait3A_67] : memref<10240x64xf32, #tpu.memory_space<vmem_shared>> -> memref<128x64xf32, #tpu.memory_space<vmem_shared>>
      %dma_wait3A_69 = arith.constant 0 : i32
      %dma_wait3A_70 = tpu.memref_slice %arg12[%add3A_22, %dma_wait3A_69] : memref<10240x64xf32, #tpu.memory_space<vmem_shared>> -> memref<128x64xf32, #tpu.memory_space<vmem_shared>>
      %dma_wait3A_71 = arith.constant 0 : i32
      %dma_wait3A_72 = arith.constant 0 : i32
      %dma_wait3A_73 = tpu.memref_slice %arg9[%dma_wait3A_71, %dma_wait3A_72] : memref<1024x64xf32, #tpu.memory_space<vmem>> -> memref<128x64xf32, #tpu.memory_space<vmem>>
      tpu.wait_dma2 semaphore(%run_scoped3A : memref<!tpu.dma_semaphore, #tpu.memory_space<semaphore_mem>>) src(%dma_wait3A_73 : memref<128x64xf32, #tpu.memory_space<vmem>>) dst(%dma_wait3A_70 : memref<128x64xf32, #tpu.memory_space<vmem_shared>>)
      tpu.yield
    }) : () -> ()
    "tpu.region"() ({
      %run_scoped3A = tpu.sem_alloc : memref<!tpu.dma_semaphore, #tpu.memory_space<semaphore_mem>>
      %dma_start3A = arith.constant 0 : i32
      %dma_start3A_56 = arith.constant 0 : i32
      %dma_start3A_57 = tpu.memref_slice %arg10[%dma_start3A, %dma_start3A_56] : memref<512x16xf32, #tpu.memory_space<vmem>> -> memref<128x16xf32, #tpu.memory_space<vmem>>
      %dma_start3A_58 = arith.constant 0 : i32
      %dma_start3A_59 = tpu.memref_slice %arg13[%add3A_22, %dma_start3A_58] : memref<10240x16xf32, #tpu.memory_space<vmem_shared>> -> memref<128x16xf32, #tpu.memory_space<vmem_shared>>
      %dma_start3A_60 = arith.constant 0 : i32
      %dma_start3A_61 = tpu.memref_slice %arg13[%add3A_22, %dma_start3A_60] : memref<10240x16xf32, #tpu.memory_space<vmem_shared>> -> memref<128x16xf32, #tpu.memory_space<vmem_shared>>
      %dma_start3A_62 = arith.constant 0 : i32
      %dma_start3A_63 = arith.constant 0 : i32
      %dma_start3A_64 = tpu.memref_slice %arg10[%dma_start3A_62, %dma_start3A_63] : memref<512x16xf32, #tpu.memory_space<vmem>> -> memref<128x16xf32, #tpu.memory_space<vmem>>
      tpu.enqueue_dma source(%dma_start3A_64 : memref<128x16xf32, #tpu.memory_space<vmem>>) target(%dma_start3A_61 : memref<128x16xf32, #tpu.memory_space<vmem_shared>>) target_semaphore(%run_scoped3A : memref<!tpu.dma_semaphore, #tpu.memory_space<semaphore_mem>>)
      %dma_wait3A = arith.constant 0 : i32
      %dma_wait3A_65 = arith.constant 0 : i32
      %dma_wait3A_66 = tpu.memref_slice %arg10[%dma_wait3A, %dma_wait3A_65] : memref<512x16xf32, #tpu.memory_space<vmem>> -> memref<128x16xf32, #tpu.memory_space<vmem>>
      %dma_wait3A_67 = arith.constant 0 : i32
      %dma_wait3A_68 = tpu.memref_slice %arg13[%add3A_22, %dma_wait3A_67] : memref<10240x16xf32, #tpu.memory_space<vmem_shared>> -> memref<128x16xf32, #tpu.memory_space<vmem_shared>>
      %dma_wait3A_69 = arith.constant 0 : i32
      %dma_wait3A_70 = tpu.memref_slice %arg13[%add3A_22, %dma_wait3A_69] : memref<10240x16xf32, #tpu.memory_space<vmem_shared>> -> memref<128x16xf32, #tpu.memory_space<vmem_shared>>
      %dma_wait3A_71 = arith.constant 0 : i32
      %dma_wait3A_72 = arith.constant 0 : i32
      %dma_wait3A_73 = tpu.memref_slice %arg10[%dma_wait3A_71, %dma_wait3A_72] : memref<512x16xf32, #tpu.memory_space<vmem>> -> memref<128x16xf32, #tpu.memory_space<vmem>>
      tpu.wait_dma2 semaphore(%run_scoped3A : memref<!tpu.dma_semaphore, #tpu.memory_space<semaphore_mem>>) src(%dma_wait3A_73 : memref<128x16xf32, #tpu.memory_space<vmem>>) dst(%dma_wait3A_70 : memref<128x16xf32, #tpu.memory_space<vmem_shared>>)
      tpu.yield
    }) : () -> ()
    %add3A_23 = arith.constant 128 : i32
    %add3A_24 = arith.addi %mul3A_20, %add3A_23 : i32
    "tpu.region"() ({
      %run_scoped3A = tpu.sem_alloc : memref<!tpu.dma_semaphore, #tpu.memory_space<semaphore_mem>>
      %dma_start3A = arith.constant 0 : i32
      %dma_start3A_56 = arith.constant 0 : i32
      %dma_start3A_57 = tpu.memref_slice %arg9[%dma_start3A, %dma_start3A_56] : memref<1024x64xf32, #tpu.memory_space<vmem>> -> memref<128x64xf32, #tpu.memory_space<vmem>>
      %dma_start3A_58 = arith.constant 0 : i32
      %dma_start3A_59 = tpu.memref_slice %arg12[%add3A_24, %dma_start3A_58] : memref<10240x64xf32, #tpu.memory_space<vmem_shared>> -> memref<128x64xf32, #tpu.memory_space<vmem_shared>>
      %dma_start3A_60 = arith.constant 0 : i32
      %dma_start3A_61 = tpu.memref_slice %arg12[%add3A_24, %dma_start3A_60] : memref<10240x64xf32, #tpu.memory_space<vmem_shared>> -> memref<128x64xf32, #tpu.memory_space<vmem_shared>>
      %dma_start3A_62 = arith.constant 0 : i32
      %dma_start3A_63 = arith.constant 0 : i32
      %dma_start3A_64 = tpu.memref_slice %arg9[%dma_start3A_62, %dma_start3A_63] : memref<1024x64xf32, #tpu.memory_space<vmem>> -> memref<128x64xf32, #tpu.memory_space<vmem>>
      tpu.enqueue_dma source(%dma_start3A_64 : memref<128x64xf32, #tpu.memory_space<vmem>>) target(%dma_start3A_61 : memref<128x64xf32, #tpu.memory_space<vmem_shared>>) target_semaphore(%run_scoped3A : memref<!tpu.dma_semaphore, #tpu.memory_space<semaphore_mem>>)
      %dma_wait3A = arith.constant 0 : i32
      %dma_wait3A_65 = arith.constant 0 : i32
      %dma_wait3A_66 = tpu.memref_slice %arg9[%dma_wait3A, %dma_wait3A_65] : memref<1024x64xf32, #tpu.memory_space<vmem>> -> memref<128x64xf32, #tpu.memory_space<vmem>>
      %dma_wait3A_67 = arith.constant 0 : i32
      %dma_wait3A_68 = tpu.memref_slice %arg12[%add3A_24, %dma_wait3A_67] : memref<10240x64xf32, #tpu.memory_space<vmem_shared>> -> memref<128x64xf32, #tpu.memory_space<vmem_shared>>
      %dma_wait3A_69 = arith.constant 0 : i32
      %dma_wait3A_70 = tpu.memref_slice %arg12[%add3A_24, %dma_wait3A_69] : memref<10240x64xf32, #tpu.memory_space<vmem_shared>> -> memref<128x64xf32, #tpu.memory_space<vmem_shared>>
      %dma_wait3A_71 = arith.constant 0 : i32
      %dma_wait3A_72 = arith.constant 0 : i32
      %dma_wait3A_73 = tpu.memref_slice %arg9[%dma_wait3A_71, %dma_wait3A_72] : memref<1024x64xf32, #tpu.memory_space<vmem>> -> memref<128x64xf32, #tpu.memory_space<vmem>>
      tpu.wait_dma2 semaphore(%run_scoped3A : memref<!tpu.dma_semaphore, #tpu.memory_space<semaphore_mem>>) src(%dma_wait3A_73 : memref<128x64xf32, #tpu.memory_space<vmem>>) dst(%dma_wait3A_70 : memref<128x64xf32, #tpu.memory_space<vmem_shared>>)
      tpu.yield
    }) : () -> ()
    "tpu.region"() ({
      %run_scoped3A = tpu.sem_alloc : memref<!tpu.dma_semaphore, #tpu.memory_space<semaphore_mem>>
      %dma_start3A = arith.constant 0 : i32
      %dma_start3A_56 = arith.constant 0 : i32
      %dma_start3A_57 = tpu.memref_slice %arg10[%dma_start3A, %dma_start3A_56] : memref<512x16xf32, #tpu.memory_space<vmem>> -> memref<128x16xf32, #tpu.memory_space<vmem>>
      %dma_start3A_58 = arith.constant 0 : i32
      %dma_start3A_59 = tpu.memref_slice %arg13[%add3A_24, %dma_start3A_58] : memref<10240x16xf32, #tpu.memory_space<vmem_shared>> -> memref<128x16xf32, #tpu.memory_space<vmem_shared>>
      %dma_start3A_60 = arith.constant 0 : i32
      %dma_start3A_61 = tpu.memref_slice %arg13[%add3A_24, %dma_start3A_60] : memref<10240x16xf32, #tpu.memory_space<vmem_shared>> -> memref<128x16xf32, #tpu.memory_space<vmem_shared>>
      %dma_start3A_62 = arith.constant 0 : i32
      %dma_start3A_63 = arith.constant 0 : i32
      %dma_start3A_64 = tpu.memref_slice %arg10[%dma_start3A_62, %dma_start3A_63] : memref<512x16xf32, #tpu.memory_space<vmem>> -> memref<128x16xf32, #tpu.memory_space<vmem>>
      tpu.enqueue_dma source(%dma_start3A_64 : memref<128x16xf32, #tpu.memory_space<vmem>>) target(%dma_start3A_61 : memref<128x16xf32, #tpu.memory_space<vmem_shared>>) target_semaphore(%run_scoped3A : memref<!tpu.dma_semaphore, #tpu.memory_space<semaphore_mem>>)
      %dma_wait3A = arith.constant 0 : i32
      %dma_wait3A_65 = arith.constant 0 : i32
      %dma_wait3A_66 = tpu.memref_slice %arg10[%dma_wait3A, %dma_wait3A_65] : memref<512x16xf32, #tpu.memory_space<vmem>> -> memref<128x16xf32, #tpu.memory_space<vmem>>
      %dma_wait3A_67 = arith.constant 0 : i32
      %dma_wait3A_68 = tpu.memref_slice %arg13[%add3A_24, %dma_wait3A_67] : memref<10240x16xf32, #tpu.memory_space<vmem_shared>> -> memref<128x16xf32, #tpu.memory_space<vmem_shared>>
      %dma_wait3A_69 = arith.constant 0 : i32
      %dma_wait3A_70 = tpu.memref_slice %arg13[%add3A_24, %dma_wait3A_69] : memref<10240x16xf32, #tpu.memory_space<vmem_shared>> -> memref<128x16xf32, #tpu.memory_space<vmem_shared>>
      %dma_wait3A_71 = arith.constant 0 : i32
      %dma_wait3A_72 = arith.constant 0 : i32
      %dma_wait3A_73 = tpu.memref_slice %arg10[%dma_wait3A_71, %dma_wait3A_72] : memref<512x16xf32, #tpu.memory_space<vmem>> -> memref<128x16xf32, #tpu.memory_space<vmem>>
      tpu.wait_dma2 semaphore(%run_scoped3A : memref<!tpu.dma_semaphore, #tpu.memory_space<semaphore_mem>>) src(%dma_wait3A_73 : memref<128x16xf32, #tpu.memory_space<vmem>>) dst(%dma_wait3A_70 : memref<128x16xf32, #tpu.memory_space<vmem_shared>>)
      tpu.yield
    }) : () -> ()
    %add3A_25 = arith.constant 256 : i32
    %add3A_26 = arith.addi %mul3A_20, %add3A_25 : i32
    "tpu.region"() ({
      %run_scoped3A = tpu.sem_alloc : memref<!tpu.dma_semaphore, #tpu.memory_space<semaphore_mem>>
      %dma_start3A = arith.constant 0 : i32
      %dma_start3A_56 = arith.constant 0 : i32
      %dma_start3A_57 = tpu.memref_slice %arg9[%dma_start3A, %dma_start3A_56] : memref<1024x64xf32, #tpu.memory_space<vmem>> -> memref<128x64xf32, #tpu.memory_space<vmem>>
      %dma_start3A_58 = arith.constant 0 : i32
      %dma_start3A_59 = tpu.memref_slice %arg12[%add3A_26, %dma_start3A_58] : memref<10240x64xf32, #tpu.memory_space<vmem_shared>> -> memref<128x64xf32, #tpu.memory_space<vmem_shared>>
      %dma_start3A_60 = arith.constant 0 : i32
      %dma_start3A_61 = tpu.memref_slice %arg12[%add3A_26, %dma_start3A_60] : memref<10240x64xf32, #tpu.memory_space<vmem_shared>> -> memref<128x64xf32, #tpu.memory_space<vmem_shared>>
      %dma_start3A_62 = arith.constant 0 : i32
      %dma_start3A_63 = arith.constant 0 : i32
      %dma_start3A_64 = tpu.memref_slice %arg9[%dma_start3A_62, %dma_start3A_63] : memref<1024x64xf32, #tpu.memory_space<vmem>> -> memref<128x64xf32, #tpu.memory_space<vmem>>
      tpu.enqueue_dma source(%dma_start3A_64 : memref<128x64xf32, #tpu.memory_space<vmem>>) target(%dma_start3A_61 : memref<128x64xf32, #tpu.memory_space<vmem_shared>>) target_semaphore(%run_scoped3A : memref<!tpu.dma_semaphore, #tpu.memory_space<semaphore_mem>>)
      %dma_wait3A = arith.constant 0 : i32
      %dma_wait3A_65 = arith.constant 0 : i32
      %dma_wait3A_66 = tpu.memref_slice %arg9[%dma_wait3A, %dma_wait3A_65] : memref<1024x64xf32, #tpu.memory_space<vmem>> -> memref<128x64xf32, #tpu.memory_space<vmem>>
      %dma_wait3A_67 = arith.constant 0 : i32
      %dma_wait3A_68 = tpu.memref_slice %arg12[%add3A_26, %dma_wait3A_67] : memref<10240x64xf32, #tpu.memory_space<vmem_shared>> -> memref<128x64xf32, #tpu.memory_space<vmem_shared>>
      %dma_wait3A_69 = arith.constant 0 : i32
      %dma_wait3A_70 = tpu.memref_slice %arg12[%add3A_26, %dma_wait3A_69] : memref<10240x64xf32, #tpu.memory_space<vmem_shared>> -> memref<128x64xf32, #tpu.memory_space<vmem_shared>>
      %dma_wait3A_71 = arith.constant 0 : i32
      %dma_wait3A_72 = arith.constant 0 : i32
      %dma_wait3A_73 = tpu.memref_slice %arg9[%dma_wait3A_71, %dma_wait3A_72] : memref<1024x64xf32, #tpu.memory_space<vmem>> -> memref<128x64xf32, #tpu.memory_space<vmem>>
      tpu.wait_dma2 semaphore(%run_scoped3A : memref<!tpu.dma_semaphore, #tpu.memory_space<semaphore_mem>>) src(%dma_wait3A_73 : memref<128x64xf32, #tpu.memory_space<vmem>>) dst(%dma_wait3A_70 : memref<128x64xf32, #tpu.memory_space<vmem_shared>>)
      tpu.yield
    }) : () -> ()
    "tpu.region"() ({
      %run_scoped3A = tpu.sem_alloc : memref<!tpu.dma_semaphore, #tpu.memory_space<semaphore_mem>>
      %dma_start3A = arith.constant 0 : i32
      %dma_start3A_56 = arith.constant 0 : i32
      %dma_start3A_57 = tpu.memref_slice %arg10[%dma_start3A, %dma_start3A_56] : memref<512x16xf32, #tpu.memory_space<vmem>> -> memref<128x16xf32, #tpu.memory_space<vmem>>
      %dma_start3A_58 = arith.constant 0 : i32
      %dma_start3A_59 = tpu.memref_slice %arg13[%add3A_26, %dma_start3A_58] : memref<10240x16xf32, #tpu.memory_space<vmem_shared>> -> memref<128x16xf32, #tpu.memory_space<vmem_shared>>
      %dma_start3A_60 = arith.constant 0 : i32
      %dma_start3A_61 = tpu.memref_slice %arg13[%add3A_26, %dma_start3A_60] : memref<10240x16xf32, #tpu.memory_space<vmem_shared>> -> memref<128x16xf32, #tpu.memory_space<vmem_shared>>
      %dma_start3A_62 = arith.constant 0 : i32
      %dma_start3A_63 = arith.constant 0 : i32
      %dma_start3A_64 = tpu.memref_slice %arg10[%dma_start3A_62, %dma_start3A_63] : memref<512x16xf32, #tpu.memory_space<vmem>> -> memref<128x16xf32, #tpu.memory_space<vmem>>
      tpu.enqueue_dma source(%dma_start3A_64 : memref<128x16xf32, #tpu.memory_space<vmem>>) target(%dma_start3A_61 : memref<128x16xf32, #tpu.memory_space<vmem_shared>>) target_semaphore(%run_scoped3A : memref<!tpu.dma_semaphore, #tpu.memory_space<semaphore_mem>>)
      %dma_wait3A = arith.constant 0 : i32
      %dma_wait3A_65 = arith.constant 0 : i32
      %dma_wait3A_66 = tpu.memref_slice %arg10[%dma_wait3A, %dma_wait3A_65] : memref<512x16xf32, #tpu.memory_space<vmem>> -> memref<128x16xf32, #tpu.memory_space<vmem>>
      %dma_wait3A_67 = arith.constant 0 : i32
      %dma_wait3A_68 = tpu.memref_slice %arg13[%add3A_26, %dma_wait3A_67] : memref<10240x16xf32, #tpu.memory_space<vmem_shared>> -> memref<128x16xf32, #tpu.memory_space<vmem_shared>>
      %dma_wait3A_69 = arith.constant 0 : i32
      %dma_wait3A_70 = tpu.memref_slice %arg13[%add3A_26, %dma_wait3A_69] : memref<10240x16xf32, #tpu.memory_space<vmem_shared>> -> memref<128x16xf32, #tpu.memory_space<vmem_shared>>
      %dma_wait3A_71 = arith.constant 0 : i32
      %dma_wait3A_72 = arith.constant 0 : i32
      %dma_wait3A_73 = tpu.memref_slice %arg10[%dma_wait3A_71, %dma_wait3A_72] : memref<512x16xf32, #tpu.memory_space<vmem>> -> memref<128x16xf32, #tpu.memory_space<vmem>>
      tpu.wait_dma2 semaphore(%run_scoped3A : memref<!tpu.dma_semaphore, #tpu.memory_space<semaphore_mem>>) src(%dma_wait3A_73 : memref<128x16xf32, #tpu.memory_space<vmem>>) dst(%dma_wait3A_70 : memref<128x16xf32, #tpu.memory_space<vmem_shared>>)
      tpu.yield
    }) : () -> ()
    %add3A_27 = arith.constant 384 : i32
    %add3A_28 = arith.addi %mul3A_20, %add3A_27 : i32
    "tpu.region"() ({
      %run_scoped3A = tpu.sem_alloc : memref<!tpu.dma_semaphore, #tpu.memory_space<semaphore_mem>>
      %dma_start3A = arith.constant 0 : i32
      %dma_start3A_56 = arith.constant 0 : i32
      %dma_start3A_57 = tpu.memref_slice %arg9[%dma_start3A, %dma_start3A_56] : memref<1024x64xf32, #tpu.memory_space<vmem>> -> memref<128x64xf32, #tpu.memory_space<vmem>>
      %dma_start3A_58 = arith.constant 0 : i32
      %dma_start3A_59 = tpu.memref_slice %arg12[%add3A_28, %dma_start3A_58] : memref<10240x64xf32, #tpu.memory_space<vmem_shared>> -> memref<128x64xf32, #tpu.memory_space<vmem_shared>>
      %dma_start3A_60 = arith.constant 0 : i32
      %dma_start3A_61 = tpu.memref_slice %arg12[%add3A_28, %dma_start3A_60] : memref<10240x64xf32, #tpu.memory_space<vmem_shared>> -> memref<128x64xf32, #tpu.memory_space<vmem_shared>>
      %dma_start3A_62 = arith.constant 0 : i32
      %dma_start3A_63 = arith.constant 0 : i32
      %dma_start3A_64 = tpu.memref_slice %arg9[%dma_start3A_62, %dma_start3A_63] : memref<1024x64xf32, #tpu.memory_space<vmem>> -> memref<128x64xf32, #tpu.memory_space<vmem>>
      tpu.enqueue_dma source(%dma_start3A_64 : memref<128x64xf32, #tpu.memory_space<vmem>>) target(%dma_start3A_61 : memref<128x64xf32, #tpu.memory_space<vmem_shared>>) target_semaphore(%run_scoped3A : memref<!tpu.dma_semaphore, #tpu.memory_space<semaphore_mem>>)
      %dma_wait3A = arith.constant 0 : i32
      %dma_wait3A_65 = arith.constant 0 : i32
      %dma_wait3A_66 = tpu.memref_slice %arg9[%dma_wait3A, %dma_wait3A_65] : memref<1024x64xf32, #tpu.memory_space<vmem>> -> memref<128x64xf32, #tpu.memory_space<vmem>>
      %dma_wait3A_67 = arith.constant 0 : i32
      %dma_wait3A_68 = tpu.memref_slice %arg12[%add3A_28, %dma_wait3A_67] : memref<10240x64xf32, #tpu.memory_space<vmem_shared>> -> memref<128x64xf32, #tpu.memory_space<vmem_shared>>
      %dma_wait3A_69 = arith.constant 0 : i32
      %dma_wait3A_70 = tpu.memref_slice %arg12[%add3A_28, %dma_wait3A_69] : memref<10240x64xf32, #tpu.memory_space<vmem_shared>> -> memref<128x64xf32, #tpu.memory_space<vmem_shared>>
      %dma_wait3A_71 = arith.constant 0 : i32
      %dma_wait3A_72 = arith.constant 0 : i32
      %dma_wait3A_73 = tpu.memref_slice %arg9[%dma_wait3A_71, %dma_wait3A_72] : memref<1024x64xf32, #tpu.memory_space<vmem>> -> memref<128x64xf32, #tpu.memory_space<vmem>>
      tpu.wait_dma2 semaphore(%run_scoped3A : memref<!tpu.dma_semaphore, #tpu.memory_space<semaphore_mem>>) src(%dma_wait3A_73 : memref<128x64xf32, #tpu.memory_space<vmem>>) dst(%dma_wait3A_70 : memref<128x64xf32, #tpu.memory_space<vmem_shared>>)
      tpu.yield
    }) : () -> ()
    "tpu.region"() ({
      %run_scoped3A = tpu.sem_alloc : memref<!tpu.dma_semaphore, #tpu.memory_space<semaphore_mem>>
      %dma_start3A = arith.constant 0 : i32
      %dma_start3A_56 = arith.constant 0 : i32
      %dma_start3A_57 = tpu.memref_slice %arg10[%dma_start3A, %dma_start3A_56] : memref<512x16xf32, #tpu.memory_space<vmem>> -> memref<128x16xf32, #tpu.memory_space<vmem>>
      %dma_start3A_58 = arith.constant 0 : i32
      %dma_start3A_59 = tpu.memref_slice %arg13[%add3A_28, %dma_start3A_58] : memref<10240x16xf32, #tpu.memory_space<vmem_shared>> -> memref<128x16xf32, #tpu.memory_space<vmem_shared>>
      %dma_start3A_60 = arith.constant 0 : i32
      %dma_start3A_61 = tpu.memref_slice %arg13[%add3A_28, %dma_start3A_60] : memref<10240x16xf32, #tpu.memory_space<vmem_shared>> -> memref<128x16xf32, #tpu.memory_space<vmem_shared>>
      %dma_start3A_62 = arith.constant 0 : i32
      %dma_start3A_63 = arith.constant 0 : i32
      %dma_start3A_64 = tpu.memref_slice %arg10[%dma_start3A_62, %dma_start3A_63] : memref<512x16xf32, #tpu.memory_space<vmem>> -> memref<128x16xf32, #tpu.memory_space<vmem>>
      tpu.enqueue_dma source(%dma_start3A_64 : memref<128x16xf32, #tpu.memory_space<vmem>>) target(%dma_start3A_61 : memref<128x16xf32, #tpu.memory_space<vmem_shared>>) target_semaphore(%run_scoped3A : memref<!tpu.dma_semaphore, #tpu.memory_space<semaphore_mem>>)
      %dma_wait3A = arith.constant 0 : i32
      %dma_wait3A_65 = arith.constant 0 : i32
      %dma_wait3A_66 = tpu.memref_slice %arg10[%dma_wait3A, %dma_wait3A_65] : memref<512x16xf32, #tpu.memory_space<vmem>> -> memref<128x16xf32, #tpu.memory_space<vmem>>
      %dma_wait3A_67 = arith.constant 0 : i32
      %dma_wait3A_68 = tpu.memref_slice %arg13[%add3A_28, %dma_wait3A_67] : memref<10240x16xf32, #tpu.memory_space<vmem_shared>> -> memref<128x16xf32, #tpu.memory_space<vmem_shared>>
      %dma_wait3A_69 = arith.constant 0 : i32
      %dma_wait3A_70 = tpu.memref_slice %arg13[%add3A_28, %dma_wait3A_69] : memref<10240x16xf32, #tpu.memory_space<vmem_shared>> -> memref<128x16xf32, #tpu.memory_space<vmem_shared>>
      %dma_wait3A_71 = arith.constant 0 : i32
      %dma_wait3A_72 = arith.constant 0 : i32
      %dma_wait3A_73 = tpu.memref_slice %arg10[%dma_wait3A_71, %dma_wait3A_72] : memref<512x16xf32, #tpu.memory_space<vmem>> -> memref<128x16xf32, #tpu.memory_space<vmem>>
      tpu.wait_dma2 semaphore(%run_scoped3A : memref<!tpu.dma_semaphore, #tpu.memory_space<semaphore_mem>>) src(%dma_wait3A_73 : memref<128x16xf32, #tpu.memory_space<vmem>>) dst(%dma_wait3A_70 : memref<128x16xf32, #tpu.memory_space<vmem_shared>>)
      tpu.yield
    }) : () -> ()
    %add3A_29 = arith.constant 512 : i32
    %add3A_30 = arith.addi %mul3A_20, %add3A_29 : i32
    "tpu.region"() ({
      %run_scoped3A = tpu.sem_alloc : memref<!tpu.dma_semaphore, #tpu.memory_space<semaphore_mem>>
      %dma_start3A = arith.constant 0 : i32
      %dma_start3A_56 = arith.constant 0 : i32
      %dma_start3A_57 = tpu.memref_slice %arg9[%dma_start3A, %dma_start3A_56] : memref<1024x64xf32, #tpu.memory_space<vmem>> -> memref<128x64xf32, #tpu.memory_space<vmem>>
      %dma_start3A_58 = arith.constant 0 : i32
      %dma_start3A_59 = tpu.memref_slice %arg12[%add3A_30, %dma_start3A_58] : memref<10240x64xf32, #tpu.memory_space<vmem_shared>> -> memref<128x64xf32, #tpu.memory_space<vmem_shared>>
      %dma_start3A_60 = arith.constant 0 : i32
      %dma_start3A_61 = tpu.memref_slice %arg12[%add3A_30, %dma_start3A_60] : memref<10240x64xf32, #tpu.memory_space<vmem_shared>> -> memref<128x64xf32, #tpu.memory_space<vmem_shared>>
      %dma_start3A_62 = arith.constant 0 : i32
      %dma_start3A_63 = arith.constant 0 : i32
      %dma_start3A_64 = tpu.memref_slice %arg9[%dma_start3A_62, %dma_start3A_63] : memref<1024x64xf32, #tpu.memory_space<vmem>> -> memref<128x64xf32, #tpu.memory_space<vmem>>
      tpu.enqueue_dma source(%dma_start3A_64 : memref<128x64xf32, #tpu.memory_space<vmem>>) target(%dma_start3A_61 : memref<128x64xf32, #tpu.memory_space<vmem_shared>>) target_semaphore(%run_scoped3A : memref<!tpu.dma_semaphore, #tpu.memory_space<semaphore_mem>>)
      %dma_wait3A = arith.constant 0 : i32
      %dma_wait3A_65 = arith.constant 0 : i32
      %dma_wait3A_66 = tpu.memref_slice %arg9[%dma_wait3A, %dma_wait3A_65] : memref<1024x64xf32, #tpu.memory_space<vmem>> -> memref<128x64xf32, #tpu.memory_space<vmem>>
      %dma_wait3A_67 = arith.constant 0 : i32
      %dma_wait3A_68 = tpu.memref_slice %arg12[%add3A_30, %dma_wait3A_67] : memref<10240x64xf32, #tpu.memory_space<vmem_shared>> -> memref<128x64xf32, #tpu.memory_space<vmem_shared>>
      %dma_wait3A_69 = arith.constant 0 : i32
      %dma_wait3A_70 = tpu.memref_slice %arg12[%add3A_30, %dma_wait3A_69] : memref<10240x64xf32, #tpu.memory_space<vmem_shared>> -> memref<128x64xf32, #tpu.memory_space<vmem_shared>>
      %dma_wait3A_71 = arith.constant 0 : i32
      %dma_wait3A_72 = arith.constant 0 : i32
      %dma_wait3A_73 = tpu.memref_slice %arg9[%dma_wait3A_71, %dma_wait3A_72] : memref<1024x64xf32, #tpu.memory_space<vmem>> -> memref<128x64xf32, #tpu.memory_space<vmem>>
      tpu.wait_dma2 semaphore(%run_scoped3A : memref<!tpu.dma_semaphore, #tpu.memory_space<semaphore_mem>>) src(%dma_wait3A_73 : memref<128x64xf32, #tpu.memory_space<vmem>>) dst(%dma_wait3A_70 : memref<128x64xf32, #tpu.memory_space<vmem_shared>>)
      tpu.yield
    }) : () -> ()
    "tpu.region"() ({
      %run_scoped3A = tpu.sem_alloc : memref<!tpu.dma_semaphore, #tpu.memory_space<semaphore_mem>>
      %dma_start3A = arith.constant 0 : i32
      %dma_start3A_56 = arith.constant 0 : i32
      %dma_start3A_57 = tpu.memref_slice %arg10[%dma_start3A, %dma_start3A_56] : memref<512x16xf32, #tpu.memory_space<vmem>> -> memref<128x16xf32, #tpu.memory_space<vmem>>
      %dma_start3A_58 = arith.constant 0 : i32
      %dma_start3A_59 = tpu.memref_slice %arg13[%add3A_30, %dma_start3A_58] : memref<10240x16xf32, #tpu.memory_space<vmem_shared>> -> memref<128x16xf32, #tpu.memory_space<vmem_shared>>
      %dma_start3A_60 = arith.constant 0 : i32
      %dma_start3A_61 = tpu.memref_slice %arg13[%add3A_30, %dma_start3A_60] : memref<10240x16xf32, #tpu.memory_space<vmem_shared>> -> memref<128x16xf32, #tpu.memory_space<vmem_shared>>
      %dma_start3A_62 = arith.constant 0 : i32
      %dma_start3A_63 = arith.constant 0 : i32
      %dma_start3A_64 = tpu.memref_slice %arg10[%dma_start3A_62, %dma_start3A_63] : memref<512x16xf32, #tpu.memory_space<vmem>> -> memref<128x16xf32, #tpu.memory_space<vmem>>
      tpu.enqueue_dma source(%dma_start3A_64 : memref<128x16xf32, #tpu.memory_space<vmem>>) target(%dma_start3A_61 : memref<128x16xf32, #tpu.memory_space<vmem_shared>>) target_semaphore(%run_scoped3A : memref<!tpu.dma_semaphore, #tpu.memory_space<semaphore_mem>>)
      %dma_wait3A = arith.constant 0 : i32
      %dma_wait3A_65 = arith.constant 0 : i32
      %dma_wait3A_66 = tpu.memref_slice %arg10[%dma_wait3A, %dma_wait3A_65] : memref<512x16xf32, #tpu.memory_space<vmem>> -> memref<128x16xf32, #tpu.memory_space<vmem>>
      %dma_wait3A_67 = arith.constant 0 : i32
      %dma_wait3A_68 = tpu.memref_slice %arg13[%add3A_30, %dma_wait3A_67] : memref<10240x16xf32, #tpu.memory_space<vmem_shared>> -> memref<128x16xf32, #tpu.memory_space<vmem_shared>>
      %dma_wait3A_69 = arith.constant 0 : i32
      %dma_wait3A_70 = tpu.memref_slice %arg13[%add3A_30, %dma_wait3A_69] : memref<10240x16xf32, #tpu.memory_space<vmem_shared>> -> memref<128x16xf32, #tpu.memory_space<vmem_shared>>
      %dma_wait3A_71 = arith.constant 0 : i32
      %dma_wait3A_72 = arith.constant 0 : i32
      %dma_wait3A_73 = tpu.memref_slice %arg10[%dma_wait3A_71, %dma_wait3A_72] : memref<512x16xf32, #tpu.memory_space<vmem>> -> memref<128x16xf32, #tpu.memory_space<vmem>>
      tpu.wait_dma2 semaphore(%run_scoped3A : memref<!tpu.dma_semaphore, #tpu.memory_space<semaphore_mem>>) src(%dma_wait3A_73 : memref<128x16xf32, #tpu.memory_space<vmem>>) dst(%dma_wait3A_70 : memref<128x16xf32, #tpu.memory_space<vmem_shared>>)
      tpu.yield
    }) : () -> ()
    %barrier3A = arith.constant 0 : index
    tpu.barrier barrier_id(%barrier3A)
    %scan3A_31 = arith.constant 0 : i32
    %scan3A_32 = arith.constant 0 : i32
    %scan3A_33 = arith.constant 20 : i32
    %scan3A_34 = arith.addi %scan3A_32, %scan3A_33 : i32
    %scan3A_35 = arith.constant 1 : i32
    %scan3A_36 = scf.for %scan3A_56 = %scan3A_32 to %scan3A_34 step %scan3A_35 iter_args(%scan3A_57 = %scan3A_31) -> (i32)  : i32 {
      %mul3A_58 = arith.constant 160 : i32
      %mul3A_59 = arith.muli %arg1, %mul3A_58 : i32
      %mul3A_60 = arith.constant 2 : i32
      %mul3A_61 = arith.muli %scan3A_56, %mul3A_60 : i32
      %mul3A_62 = arith.constant 4 : i32
      %mul3A_63 = arith.muli %mul3A_61, %mul3A_62 : i32
      %add3A_64 = arith.addi %mul3A_59, %mul3A_63 : i32
      "tpu.region"() ({
        %run_scoped3A_295 = tpu.sem_alloc : memref<!tpu.dma_semaphore, #tpu.memory_space<semaphore_mem>>
        %dma_start3A_296 = arith.constant 0 : i32
        %dma_start3A_297 = arith.constant 0 : i32
        %dma_start3A_298 = tpu.memref_slice %arg8[%dma_start3A_296, %dma_start3A_297] : memref<16x128xi32, #tpu.memory_space<vmem>> -> memref<4x128xi32, #tpu.memory_space<vmem>>
        %dma_start3A_299 = arith.constant 0 : i32
        %dma_start3A_300 = tpu.memref_slice %arg3[%add3A_64, %dma_start3A_299] : memref<2560x128xi32, #tpu.memory_space<hbm>> -> memref<4x128xi32, #tpu.memory_space<hbm>>
        %dma_start3A_301 = arith.constant 0 : i32
        %dma_start3A_302 = arith.constant 0 : i32
        %dma_start3A_303 = tpu.memref_slice %arg8[%dma_start3A_301, %dma_start3A_302] : memref<16x128xi32, #tpu.memory_space<vmem>> -> memref<4x128xi32, #tpu.memory_space<vmem>>
        %dma_start3A_304 = arith.constant 0 : i32
        %dma_start3A_305 = tpu.memref_slice %arg3[%add3A_64, %dma_start3A_304] : memref<2560x128xi32, #tpu.memory_space<hbm>> -> memref<4x128xi32, #tpu.memory_space<hbm>>
        tpu.enqueue_dma source(%dma_start3A_305 : memref<4x128xi32, #tpu.memory_space<hbm>>) target(%dma_start3A_303 : memref<4x128xi32, #tpu.memory_space<vmem>>) target_semaphore(%run_scoped3A_295 : memref<!tpu.dma_semaphore, #tpu.memory_space<semaphore_mem>>)
        %dma_wait3A_306 = arith.constant 0 : i32
        %dma_wait3A_307 = arith.constant 0 : i32
        %dma_wait3A_308 = tpu.memref_slice %arg8[%dma_wait3A_306, %dma_wait3A_307] : memref<16x128xi32, #tpu.memory_space<vmem>> -> memref<4x128xi32, #tpu.memory_space<vmem>>
        %dma_wait3A_309 = arith.constant 0 : i32
        %dma_wait3A_310 = tpu.memref_slice %arg3[%add3A_64, %dma_wait3A_309] : memref<2560x128xi32, #tpu.memory_space<hbm>> -> memref<4x128xi32, #tpu.memory_space<hbm>>
        %dma_wait3A_311 = arith.constant 0 : i32
        %dma_wait3A_312 = arith.constant 0 : i32
        %dma_wait3A_313 = tpu.memref_slice %arg8[%dma_wait3A_311, %dma_wait3A_312] : memref<16x128xi32, #tpu.memory_space<vmem>> -> memref<4x128xi32, #tpu.memory_space<vmem>>
        %dma_wait3A_314 = arith.constant 0 : i32
        %dma_wait3A_315 = tpu.memref_slice %arg3[%add3A_64, %dma_wait3A_314] : memref<2560x128xi32, #tpu.memory_space<hbm>> -> memref<4x128xi32, #tpu.memory_space<hbm>>
        tpu.wait_dma2 semaphore(%run_scoped3A_295 : memref<!tpu.dma_semaphore, #tpu.memory_space<semaphore_mem>>) src(%dma_wait3A_315 : memref<4x128xi32, #tpu.memory_space<hbm>>) dst(%dma_wait3A_313 : memref<4x128xi32, #tpu.memory_space<vmem>>)
        tpu.yield
      }) : () -> ()
      "tpu.region"() ({
        %run_scoped3A_295 = tpu.sem_alloc : memref<!tpu.dma_semaphore, #tpu.memory_space<semaphore_mem>>
        %dma_start3A_296 = arith.constant 4 : i32
        %dma_start3A_297 = arith.constant 0 : i32
        %dma_start3A_298 = tpu.memref_slice %arg8[%dma_start3A_296, %dma_start3A_297] : memref<16x128xi32, #tpu.memory_space<vmem>> -> memref<4x128xi32, #tpu.memory_space<vmem>>
        %dma_start3A_299 = arith.constant 0 : i32
        %dma_start3A_300 = tpu.memref_slice %arg4[%add3A_64, %dma_start3A_299] : memref<2560x128xi32, #tpu.memory_space<hbm>> -> memref<4x128xi32, #tpu.memory_space<hbm>>
        %dma_start3A_301 = arith.constant 4 : i32
        %dma_start3A_302 = arith.constant 0 : i32
        %dma_start3A_303 = tpu.memref_slice %arg8[%dma_start3A_301, %dma_start3A_302] : memref<16x128xi32, #tpu.memory_space<vmem>> -> memref<4x128xi32, #tpu.memory_space<vmem>>
        %dma_start3A_304 = arith.constant 0 : i32
        %dma_start3A_305 = tpu.memref_slice %arg4[%add3A_64, %dma_start3A_304] : memref<2560x128xi32, #tpu.memory_space<hbm>> -> memref<4x128xi32, #tpu.memory_space<hbm>>
        tpu.enqueue_dma source(%dma_start3A_305 : memref<4x128xi32, #tpu.memory_space<hbm>>) target(%dma_start3A_303 : memref<4x128xi32, #tpu.memory_space<vmem>>) target_semaphore(%run_scoped3A_295 : memref<!tpu.dma_semaphore, #tpu.memory_space<semaphore_mem>>)
        %dma_wait3A_306 = arith.constant 4 : i32
        %dma_wait3A_307 = arith.constant 0 : i32
        %dma_wait3A_308 = tpu.memref_slice %arg8[%dma_wait3A_306, %dma_wait3A_307] : memref<16x128xi32, #tpu.memory_space<vmem>> -> memref<4x128xi32, #tpu.memory_space<vmem>>
        %dma_wait3A_309 = arith.constant 0 : i32
        %dma_wait3A_310 = tpu.memref_slice %arg4[%add3A_64, %dma_wait3A_309] : memref<2560x128xi32, #tpu.memory_space<hbm>> -> memref<4x128xi32, #tpu.memory_space<hbm>>
        %dma_wait3A_311 = arith.constant 4 : i32
        %dma_wait3A_312 = arith.constant 0 : i32
        %dma_wait3A_313 = tpu.memref_slice %arg8[%dma_wait3A_311, %dma_wait3A_312] : memref<16x128xi32, #tpu.memory_space<vmem>> -> memref<4x128xi32, #tpu.memory_space<vmem>>
        %dma_wait3A_314 = arith.constant 0 : i32
        %dma_wait3A_315 = tpu.memref_slice %arg4[%add3A_64, %dma_wait3A_314] : memref<2560x128xi32, #tpu.memory_space<hbm>> -> memref<4x128xi32, #tpu.memory_space<hbm>>
        tpu.wait_dma2 semaphore(%run_scoped3A_295 : memref<!tpu.dma_semaphore, #tpu.memory_space<semaphore_mem>>) src(%dma_wait3A_315 : memref<4x128xi32, #tpu.memory_space<hbm>>) dst(%dma_wait3A_313 : memref<4x128xi32, #tpu.memory_space<vmem>>)
        tpu.yield
      }) : () -> ()
      %scan3A_65 = arith.constant 0 : i32
      %scan3A_66 = arith.constant 0 : i32
      %scan3A_67 = arith.constant 4 : i32
      %scan3A_68 = arith.addi %scan3A_66, %scan3A_67 : i32
      %scan3A_69 = arith.constant 1 : i32
      %scan3A_70 = scf.for %scan3A_295 = %scan3A_66 to %scan3A_68 step %scan3A_69 iter_args(%scan3A_296 = %scan3A_65) -> (i32)  : i32 {
        %add3A_297 = arith.constant 0 : i32
        %add3A_298 = arith.addi %add3A_297, %scan3A_295 : i32
        %get3A = arith.index_cast %add3A_298 : i32 to index
        %get3A_299 = arith.constant 0 : index
        %get3A_300 = tpu.vector_load %arg8[%get3A, %get3A_299] {strides = array<i32>} : memref<16x128xi32, #tpu.memory_space<vmem>>, vector<1x16xi32>,
        %get3A_301 = vector.shape_cast %get3A_300 : vector<1x16xi32> to vector<16xi32>
        %add3A_302 = vector.broadcast %mul3A_2 : i32 to vector<16xi32>
        %add3A_303 = arith.addi %get3A_301, %add3A_302 : vector<16xi32>
        %swap3A = arith.index_cast %add3A_298 : i32 to index
        %swap3A_304 = arith.constant 0 : index
        %swap3A_305 = tpu.vector_load %arg8[%swap3A, %swap3A_304] {strides = array<i32>} : memref<16x128xi32, #tpu.memory_space<vmem>>, vector<1x16xi32>,
        %swap3A_306 = vector.shape_cast %swap3A_305 : vector<1x16xi32> to vector<16xi32>
        %swap3A_307 = vector.shape_cast %add3A_303 : vector<16xi32> to vector<1x16xi32>
        tpu.vector_store %arg8[%swap3A, %swap3A_304], %swap3A_307 {strides = array<i32>} : memref<16x128xi32, #tpu.memory_space<vmem>>, vector<1x16xi32>,
        %add3A_308 = arith.constant 0 : i32
        %add3A_309 = arith.addi %add3A_308, %scan3A_295 : i32
        %get3A_310 = arith.index_cast %add3A_309 : i32 to index
        %get3A_311 = arith.constant 16 : index
        %get3A_312 = tpu.vector_load %arg8[%get3A_310, %get3A_311] {strides = array<i32>} : memref<16x128xi32, #tpu.memory_space<vmem>>, vector<1x16xi32>,
        %get3A_313 = vector.shape_cast %get3A_312 : vector<1x16xi32> to vector<16xi32>
        %add3A_314 = vector.broadcast %mul3A_2 : i32 to vector<16xi32>
        %add3A_315 = arith.addi %get3A_313, %add3A_314 : vector<16xi32>
        %swap3A_316 = arith.index_cast %add3A_309 : i32 to index
        %swap3A_317 = arith.constant 16 : index
        %swap3A_318 = tpu.vector_load %arg8[%swap3A_316, %swap3A_317] {strides = array<i32>} : memref<16x128xi32, #tpu.memory_space<vmem>>, vector<1x16xi32>,
        %swap3A_319 = vector.shape_cast %swap3A_318 : vector<1x16xi32> to vector<16xi32>
        %swap3A_320 = vector.shape_cast %add3A_315 : vector<16xi32> to vector<1x16xi32>
        tpu.vector_store %arg8[%swap3A_316, %swap3A_317], %swap3A_320 {strides = array<i32>} : memref<16x128xi32, #tpu.memory_space<vmem>>, vector<1x16xi32>,
        %add3A_321 = arith.constant 0 : i32
        %add3A_322 = arith.addi %add3A_321, %scan3A_295 : i32
        %get3A_323 = arith.index_cast %add3A_322 : i32 to index
        %get3A_324 = arith.constant 32 : index
        %get3A_325 = tpu.vector_load %arg8[%get3A_323, %get3A_324] {strides = array<i32>} : memref<16x128xi32, #tpu.memory_space<vmem>>, vector<1x16xi32>,
        %get3A_326 = vector.shape_cast %get3A_325 : vector<1x16xi32> to vector<16xi32>
        %add3A_327 = vector.broadcast %mul3A_2 : i32 to vector<16xi32>
        %add3A_328 = arith.addi %get3A_326, %add3A_327 : vector<16xi32>
        %swap3A_329 = arith.index_cast %add3A_322 : i32 to index
        %swap3A_330 = arith.constant 32 : index
        %swap3A_331 = tpu.vector_load %arg8[%swap3A_329, %swap3A_330] {strides = array<i32>} : memref<16x128xi32, #tpu.memory_space<vmem>>, vector<1x16xi32>,
        %swap3A_332 = vector.shape_cast %swap3A_331 : vector<1x16xi32> to vector<16xi32>
        %swap3A_333 = vector.shape_cast %add3A_328 : vector<16xi32> to vector<1x16xi32>
        tpu.vector_store %arg8[%swap3A_329, %swap3A_330], %swap3A_333 {strides = array<i32>} : memref<16x128xi32, #tpu.memory_space<vmem>>, vector<1x16xi32>,
        %add3A_334 = arith.constant 0 : i32
        %add3A_335 = arith.addi %add3A_334, %scan3A_295 : i32
        %get3A_336 = arith.index_cast %add3A_335 : i32 to index
        %get3A_337 = arith.constant 48 : index
        %get3A_338 = tpu.vector_load %arg8[%get3A_336, %get3A_337] {strides = array<i32>} : memref<16x128xi32, #tpu.memory_space<vmem>>, vector<1x16xi32>,
        %get3A_339 = vector.shape_cast %get3A_338 : vector<1x16xi32> to vector<16xi32>
        %add3A_340 = vector.broadcast %mul3A_2 : i32 to vector<16xi32>
        %add3A_341 = arith.addi %get3A_339, %add3A_340 : vector<16xi32>
        %swap3A_342 = arith.index_cast %add3A_335 : i32 to index
        %swap3A_343 = arith.constant 48 : index
        %swap3A_344 = tpu.vector_load %arg8[%swap3A_342, %swap3A_343] {strides = array<i32>} : memref<16x128xi32, #tpu.memory_space<vmem>>, vector<1x16xi32>,
        %swap3A_345 = vector.shape_cast %swap3A_344 : vector<1x16xi32> to vector<16xi32>
        %swap3A_346 = vector.shape_cast %add3A_341 : vector<16xi32> to vector<1x16xi32>
        tpu.vector_store %arg8[%swap3A_342, %swap3A_343], %swap3A_346 {strides = array<i32>} : memref<16x128xi32, #tpu.memory_space<vmem>>, vector<1x16xi32>,
        %add3A_347 = arith.constant 0 : i32
        %add3A_348 = arith.addi %add3A_347, %scan3A_295 : i32
        %get3A_349 = arith.index_cast %add3A_348 : i32 to index
        %get3A_350 = arith.constant 64 : index
        %get3A_351 = tpu.vector_load %arg8[%get3A_349, %get3A_350] {strides = array<i32>} : memref<16x128xi32, #tpu.memory_space<vmem>>, vector<1x16xi32>,
        %get3A_352 = vector.shape_cast %get3A_351 : vector<1x16xi32> to vector<16xi32>
        %add3A_353 = vector.broadcast %mul3A_2 : i32 to vector<16xi32>
        %add3A_354 = arith.addi %get3A_352, %add3A_353 : vector<16xi32>
        %swap3A_355 = arith.index_cast %add3A_348 : i32 to index
        %swap3A_356 = arith.constant 64 : index
        %swap3A_357 = tpu.vector_load %arg8[%swap3A_355, %swap3A_356] {strides = array<i32>} : memref<16x128xi32, #tpu.memory_space<vmem>>, vector<1x16xi32>,
        %swap3A_358 = vector.shape_cast %swap3A_357 : vector<1x16xi32> to vector<16xi32>
        %swap3A_359 = vector.shape_cast %add3A_354 : vector<16xi32> to vector<1x16xi32>
        tpu.vector_store %arg8[%swap3A_355, %swap3A_356], %swap3A_359 {strides = array<i32>} : memref<16x128xi32, #tpu.memory_space<vmem>>, vector<1x16xi32>,
        %add3A_360 = arith.constant 0 : i32
        %add3A_361 = arith.addi %add3A_360, %scan3A_295 : i32
        %get3A_362 = arith.index_cast %add3A_361 : i32 to index
        %get3A_363 = arith.constant 80 : index
        %get3A_364 = tpu.vector_load %arg8[%get3A_362, %get3A_363] {strides = array<i32>} : memref<16x128xi32, #tpu.memory_space<vmem>>, vector<1x16xi32>,
        %get3A_365 = vector.shape_cast %get3A_364 : vector<1x16xi32> to vector<16xi32>
        %add3A_366 = vector.broadcast %mul3A_2 : i32 to vector<16xi32>
        %add3A_367 = arith.addi %get3A_365, %add3A_366 : vector<16xi32>
        %swap3A_368 = arith.index_cast %add3A_361 : i32 to index
        %swap3A_369 = arith.constant 80 : index
        %swap3A_370 = tpu.vector_load %arg8[%swap3A_368, %swap3A_369] {strides = array<i32>} : memref<16x128xi32, #tpu.memory_space<vmem>>, vector<1x16xi32>,
        %swap3A_371 = vector.shape_cast %swap3A_370 : vector<1x16xi32> to vector<16xi32>
        %swap3A_372 = vector.shape_cast %add3A_367 : vector<16xi32> to vector<1x16xi32>
        tpu.vector_store %arg8[%swap3A_368, %swap3A_369], %swap3A_372 {strides = array<i32>} : memref<16x128xi32, #tpu.memory_space<vmem>>, vector<1x16xi32>,
        %add3A_373 = arith.constant 0 : i32
        %add3A_374 = arith.addi %add3A_373, %scan3A_295 : i32
        %get3A_375 = arith.index_cast %add3A_374 : i32 to index
        %get3A_376 = arith.constant 96 : index
        %get3A_377 = tpu.vector_load %arg8[%get3A_375, %get3A_376] {strides = array<i32>} : memref<16x128xi32, #tpu.memory_space<vmem>>, vector<1x16xi32>,
        %get3A_378 = vector.shape_cast %get3A_377 : vector<1x16xi32> to vector<16xi32>
        %add3A_379 = vector.broadcast %mul3A_2 : i32 to vector<16xi32>
        %add3A_380 = arith.addi %get3A_378, %add3A_379 : vector<16xi32>
        %swap3A_381 = arith.index_cast %add3A_374 : i32 to index
        %swap3A_382 = arith.constant 96 : index
        %swap3A_383 = tpu.vector_load %arg8[%swap3A_381, %swap3A_382] {strides = array<i32>} : memref<16x128xi32, #tpu.memory_space<vmem>>, vector<1x16xi32>,
        %swap3A_384 = vector.shape_cast %swap3A_383 : vector<1x16xi32> to vector<16xi32>
        %swap3A_385 = vector.shape_cast %add3A_380 : vector<16xi32> to vector<1x16xi32>
        tpu.vector_store %arg8[%swap3A_381, %swap3A_382], %swap3A_385 {strides = array<i32>} : memref<16x128xi32, #tpu.memory_space<vmem>>, vector<1x16xi32>,
        %add3A_386 = arith.constant 0 : i32
        %add3A_387 = arith.addi %add3A_386, %scan3A_295 : i32
        %get3A_388 = arith.index_cast %add3A_387 : i32 to index
        %get3A_389 = arith.constant 112 : index
        %get3A_390 = tpu.vector_load %arg8[%get3A_388, %get3A_389] {strides = array<i32>} : memref<16x128xi32, #tpu.memory_space<vmem>>, vector<1x16xi32>,
        %get3A_391 = vector.shape_cast %get3A_390 : vector<1x16xi32> to vector<16xi32>
        %add3A_392 = vector.broadcast %mul3A_2 : i32 to vector<16xi32>
        %add3A_393 = arith.addi %get3A_391, %add3A_392 : vector<16xi32>
        %swap3A_394 = arith.index_cast %add3A_387 : i32 to index
        %swap3A_395 = arith.constant 112 : index
        %swap3A_396 = tpu.vector_load %arg8[%swap3A_394, %swap3A_395] {strides = array<i32>} : memref<16x128xi32, #tpu.memory_space<vmem>>, vector<1x16xi32>,
        %swap3A_397 = vector.shape_cast %swap3A_396 : vector<1x16xi32> to vector<16xi32>
        %swap3A_398 = vector.shape_cast %add3A_393 : vector<16xi32> to vector<1x16xi32>
        tpu.vector_store %arg8[%swap3A_394, %swap3A_395], %swap3A_398 {strides = array<i32>} : memref<16x128xi32, #tpu.memory_space<vmem>>, vector<1x16xi32>,
        %scan3A_399 = arith.constant 0 : i32
        scf.yield %scan3A_399 : i32
      }
      %scan3A_71 = arith.constant 4 : i32
      %dma_start3A = arith.constant 0 : i32
      %dma_start3A_72 = arith.constant 0 : i32
      %dma_start3A_73 = arith.constant 0 : i32
      %dma_start3A_74 = arith.constant 0 : i32
      %dma_start3A_75 = tpu.memref_slice %arg9[%dma_start3A_73, %dma_start3A_74] : memref<1024x64xf32, #tpu.memory_space<vmem>> -> memref<128x64xf32, #tpu.memory_space<vmem>>
      %dma_start3A_76 = arith.constant 0 : i32
      %dma_start3A_77 = tpu.memref_slice %arg8[%dma_start3A, %dma_start3A_76] : memref<16x128xi32, #tpu.memory_space<vmem>> -> memref<1x128xi32, #tpu.memory_space<vmem>>
      %dma_start3A_78 = tpu.memref_squeeze %dma_start3A_77 : memref<1x128xi32, #tpu.memory_space<vmem>> -> memref<128xi32, #tpu.memory_space<vmem>>
      %dma_start3A_79 = arith.constant 0 : i32
      %dma_start3A_80 = arith.constant 0 : i32
      %dma_start3A_81 = tpu.memref_slice %arg2[%dma_start3A_79, %dma_start3A_80] : memref<20002x64xf32, #tpu.memory_space<hbm>> -> memref<20002x64xf32, #tpu.memory_space<hbm>>
      %dma_start3A_82 = tpu.memref_slice %arg11[%dma_start3A_72] : memref<2x!tpu.dma_semaphore, #tpu.memory_space<semaphore_mem>> -> memref<1x!tpu.dma_semaphore, #tpu.memory_space<semaphore_mem>>
      %dma_start3A_83 = tpu.memref_squeeze %dma_start3A_82 : memref<1x!tpu.dma_semaphore, #tpu.memory_space<semaphore_mem>> -> memref<!tpu.dma_semaphore, #tpu.memory_space<semaphore_mem>>
      tpu.enqueue_indirect_dma source(%dma_start3A_81 : memref<20002x64xf32, #tpu.memory_space<hbm>>) target(%dma_start3A_75 : memref<128x64xf32, #tpu.memory_space<vmem>>) offsets(%dma_start3A_78 : memref<128xi32, #tpu.memory_space<vmem>>) semaphore(%dma_start3A_83 : memref<!tpu.dma_semaphore, #tpu.memory_space<semaphore_mem>>)
      %dma_start3A_84 = arith.constant 1 : i32
      %dma_start3A_85 = arith.constant 0 : i32
      %dma_start3A_86 = arith.constant 128 : i32
      %dma_start3A_87 = arith.constant 0 : i32
      %dma_start3A_88 = tpu.memref_slice %arg9[%dma_start3A_86, %dma_start3A_87] : memref<1024x64xf32, #tpu.memory_space<vmem>> -> memref<128x64xf32, #tpu.memory_space<vmem>>
      %dma_start3A_89 = arith.constant 0 : i32
      %dma_start3A_90 = tpu.memref_slice %arg8[%dma_start3A_84, %dma_start3A_89] : memref<16x128xi32, #tpu.memory_space<vmem>> -> memref<1x128xi32, #tpu.memory_space<vmem>>
      %dma_start3A_91 = tpu.memref_squeeze %dma_start3A_90 : memref<1x128xi32, #tpu.memory_space<vmem>> -> memref<128xi32, #tpu.memory_space<vmem>>
      %dma_start3A_92 = arith.constant 0 : i32
      %dma_start3A_93 = arith.constant 0 : i32
      %dma_start3A_94 = tpu.memref_slice %arg2[%dma_start3A_92, %dma_start3A_93] : memref<20002x64xf32, #tpu.memory_space<hbm>> -> memref<20002x64xf32, #tpu.memory_space<hbm>>
      %dma_start3A_95 = tpu.memref_slice %arg11[%dma_start3A_85] : memref<2x!tpu.dma_semaphore, #tpu.memory_space<semaphore_mem>> -> memref<1x!tpu.dma_semaphore, #tpu.memory_space<semaphore_mem>>
      %dma_start3A_96 = tpu.memref_squeeze %dma_start3A_95 : memref<1x!tpu.dma_semaphore, #tpu.memory_space<semaphore_mem>> -> memref<!tpu.dma_semaphore, #tpu.memory_space<semaphore_mem>>
      tpu.enqueue_indirect_dma source(%dma_start3A_94 : memref<20002x64xf32, #tpu.memory_space<hbm>>) target(%dma_start3A_88 : memref<128x64xf32, #tpu.memory_space<vmem>>) offsets(%dma_start3A_91 : memref<128xi32, #tpu.memory_space<vmem>>) semaphore(%dma_start3A_96 : memref<!tpu.dma_semaphore, #tpu.memory_space<semaphore_mem>>)
      %dma_start3A_97 = arith.constant 2 : i32
      %dma_start3A_98 = arith.constant 0 : i32
      %dma_start3A_99 = arith.constant 256 : i32
      %dma_start3A_100 = arith.constant 0 : i32
      %dma_start3A_101 = tpu.memref_slice %arg9[%dma_start3A_99, %dma_start3A_100] : memref<1024x64xf32, #tpu.memory_space<vmem>> -> memref<128x64xf32, #tpu.memory_space<vmem>>
      %dma_start3A_102 = arith.constant 0 : i32
      %dma_start3A_103 = tpu.memref_slice %arg8[%dma_start3A_97, %dma_start3A_102] : memref<16x128xi32, #tpu.memory_space<vmem>> -> memref<1x128xi32, #tpu.memory_space<vmem>>
      %dma_start3A_104 = tpu.memref_squeeze %dma_start3A_103 : memref<1x128xi32, #tpu.memory_space<vmem>> -> memref<128xi32, #tpu.memory_space<vmem>>
      %dma_start3A_105 = arith.constant 0 : i32
      %dma_start3A_106 = arith.constant 0 : i32
      %dma_start3A_107 = tpu.memref_slice %arg2[%dma_start3A_105, %dma_start3A_106] : memref<20002x64xf32, #tpu.memory_space<hbm>> -> memref<20002x64xf32, #tpu.memory_space<hbm>>
      %dma_start3A_108 = tpu.memref_slice %arg11[%dma_start3A_98] : memref<2x!tpu.dma_semaphore, #tpu.memory_space<semaphore_mem>> -> memref<1x!tpu.dma_semaphore, #tpu.memory_space<semaphore_mem>>
      %dma_start3A_109 = tpu.memref_squeeze %dma_start3A_108 : memref<1x!tpu.dma_semaphore, #tpu.memory_space<semaphore_mem>> -> memref<!tpu.dma_semaphore, #tpu.memory_space<semaphore_mem>>
      tpu.enqueue_indirect_dma source(%dma_start3A_107 : memref<20002x64xf32, #tpu.memory_space<hbm>>) target(%dma_start3A_101 : memref<128x64xf32, #tpu.memory_space<vmem>>) offsets(%dma_start3A_104 : memref<128xi32, #tpu.memory_space<vmem>>) semaphore(%dma_start3A_109 : memref<!tpu.dma_semaphore, #tpu.memory_space<semaphore_mem>>)
      %dma_start3A_110 = arith.constant 3 : i32
      %dma_start3A_111 = arith.constant 0 : i32
      %dma_start3A_112 = arith.constant 384 : i32
      %dma_start3A_113 = arith.constant 0 : i32
      %dma_start3A_114 = tpu.memref_slice %arg9[%dma_start3A_112, %dma_start3A_113] : memref<1024x64xf32, #tpu.memory_space<vmem>> -> memref<128x64xf32, #tpu.memory_space<vmem>>
      %dma_start3A_115 = arith.constant 0 : i32
      %dma_start3A_116 = tpu.memref_slice %arg8[%dma_start3A_110, %dma_start3A_115] : memref<16x128xi32, #tpu.memory_space<vmem>> -> memref<1x128xi32, #tpu.memory_space<vmem>>
      %dma_start3A_117 = tpu.memref_squeeze %dma_start3A_116 : memref<1x128xi32, #tpu.memory_space<vmem>> -> memref<128xi32, #tpu.memory_space<vmem>>
      %dma_start3A_118 = arith.constant 0 : i32
      %dma_start3A_119 = arith.constant 0 : i32
      %dma_start3A_120 = tpu.memref_slice %arg2[%dma_start3A_118, %dma_start3A_119] : memref<20002x64xf32, #tpu.memory_space<hbm>> -> memref<20002x64xf32, #tpu.memory_space<hbm>>
      %dma_start3A_121 = tpu.memref_slice %arg11[%dma_start3A_111] : memref<2x!tpu.dma_semaphore, #tpu.memory_space<semaphore_mem>> -> memref<1x!tpu.dma_semaphore, #tpu.memory_space<semaphore_mem>>
      %dma_start3A_122 = tpu.memref_squeeze %dma_start3A_121 : memref<1x!tpu.dma_semaphore, #tpu.memory_space<semaphore_mem>> -> memref<!tpu.dma_semaphore, #tpu.memory_space<semaphore_mem>>
      tpu.enqueue_indirect_dma source(%dma_start3A_120 : memref<20002x64xf32, #tpu.memory_space<hbm>>) target(%dma_start3A_114 : memref<128x64xf32, #tpu.memory_space<vmem>>) offsets(%dma_start3A_117 : memref<128xi32, #tpu.memory_space<vmem>>) semaphore(%dma_start3A_122 : memref<!tpu.dma_semaphore, #tpu.memory_space<semaphore_mem>>)
      %add3A_123 = arith.constant 4 : i32
      %add3A_124 = arith.addi %add3A_64, %add3A_123 : i32
      "tpu.region"() ({
        %run_scoped3A_295 = tpu.sem_alloc : memref<!tpu.dma_semaphore, #tpu.memory_space<semaphore_mem>>
        %dma_start3A_296 = arith.constant 8 : i32
        %dma_start3A_297 = arith.constant 0 : i32
        %dma_start3A_298 = tpu.memref_slice %arg8[%dma_start3A_296, %dma_start3A_297] : memref<16x128xi32, #tpu.memory_space<vmem>> -> memref<4x128xi32, #tpu.memory_space<vmem>>
        %dma_start3A_299 = arith.constant 0 : i32
        %dma_start3A_300 = tpu.memref_slice %arg3[%add3A_124, %dma_start3A_299] : memref<2560x128xi32, #tpu.memory_space<hbm>> -> memref<4x128xi32, #tpu.memory_space<hbm>>
        %dma_start3A_301 = arith.constant 8 : i32
        %dma_start3A_302 = arith.constant 0 : i32
        %dma_start3A_303 = tpu.memref_slice %arg8[%dma_start3A_301, %dma_start3A_302] : memref<16x128xi32, #tpu.memory_space<vmem>> -> memref<4x128xi32, #tpu.memory_space<vmem>>
        %dma_start3A_304 = arith.constant 0 : i32
        %dma_start3A_305 = tpu.memref_slice %arg3[%add3A_124, %dma_start3A_304] : memref<2560x128xi32, #tpu.memory_space<hbm>> -> memref<4x128xi32, #tpu.memory_space<hbm>>
        tpu.enqueue_dma source(%dma_start3A_305 : memref<4x128xi32, #tpu.memory_space<hbm>>) target(%dma_start3A_303 : memref<4x128xi32, #tpu.memory_space<vmem>>) target_semaphore(%run_scoped3A_295 : memref<!tpu.dma_semaphore, #tpu.memory_space<semaphore_mem>>)
        %dma_wait3A_306 = arith.constant 8 : i32
        %dma_wait3A_307 = arith.constant 0 : i32
        %dma_wait3A_308 = tpu.memref_slice %arg8[%dma_wait3A_306, %dma_wait3A_307] : memref<16x128xi32, #tpu.memory_space<vmem>> -> memref<4x128xi32, #tpu.memory_space<vmem>>
        %dma_wait3A_309 = arith.constant 0 : i32
        %dma_wait3A_310 = tpu.memref_slice %arg3[%add3A_124, %dma_wait3A_309] : memref<2560x128xi32, #tpu.memory_space<hbm>> -> memref<4x128xi32, #tpu.memory_space<hbm>>
        %dma_wait3A_311 = arith.constant 8 : i32
        %dma_wait3A_312 = arith.constant 0 : i32
        %dma_wait3A_313 = tpu.memref_slice %arg8[%dma_wait3A_311, %dma_wait3A_312] : memref<16x128xi32, #tpu.memory_space<vmem>> -> memref<4x128xi32, #tpu.memory_space<vmem>>
        %dma_wait3A_314 = arith.constant 0 : i32
        %dma_wait3A_315 = tpu.memref_slice %arg3[%add3A_124, %dma_wait3A_314] : memref<2560x128xi32, #tpu.memory_space<hbm>> -> memref<4x128xi32, #tpu.memory_space<hbm>>
        tpu.wait_dma2 semaphore(%run_scoped3A_295 : memref<!tpu.dma_semaphore, #tpu.memory_space<semaphore_mem>>) src(%dma_wait3A_315 : memref<4x128xi32, #tpu.memory_space<hbm>>) dst(%dma_wait3A_313 : memref<4x128xi32, #tpu.memory_space<vmem>>)
        tpu.yield
      }) : () -> ()
      "tpu.region"() ({
        %run_scoped3A_295 = tpu.sem_alloc : memref<!tpu.dma_semaphore, #tpu.memory_space<semaphore_mem>>
        %dma_start3A_296 = arith.constant 12 : i32
        %dma_start3A_297 = arith.constant 0 : i32
        %dma_start3A_298 = tpu.memref_slice %arg8[%dma_start3A_296, %dma_start3A_297] : memref<16x128xi32, #tpu.memory_space<vmem>> -> memref<4x128xi32, #tpu.memory_space<vmem>>
        %dma_start3A_299 = arith.constant 0 : i32
        %dma_start3A_300 = tpu.memref_slice %arg4[%add3A_124, %dma_start3A_299] : memref<2560x128xi32, #tpu.memory_space<hbm>> -> memref<4x128xi32, #tpu.memory_space<hbm>>
        %dma_start3A_301 = arith.constant 12 : i32
        %dma_start3A_302 = arith.constant 0 : i32
        %dma_start3A_303 = tpu.memref_slice %arg8[%dma_start3A_301, %dma_start3A_302] : memref<16x128xi32, #tpu.memory_space<vmem>> -> memref<4x128xi32, #tpu.memory_space<vmem>>
        %dma_start3A_304 = arith.constant 0 : i32
        %dma_start3A_305 = tpu.memref_slice %arg4[%add3A_124, %dma_start3A_304] : memref<2560x128xi32, #tpu.memory_space<hbm>> -> memref<4x128xi32, #tpu.memory_space<hbm>>
        tpu.enqueue_dma source(%dma_start3A_305 : memref<4x128xi32, #tpu.memory_space<hbm>>) target(%dma_start3A_303 : memref<4x128xi32, #tpu.memory_space<vmem>>) target_semaphore(%run_scoped3A_295 : memref<!tpu.dma_semaphore, #tpu.memory_space<semaphore_mem>>)
        %dma_wait3A_306 = arith.constant 12 : i32
        %dma_wait3A_307 = arith.constant 0 : i32
        %dma_wait3A_308 = tpu.memref_slice %arg8[%dma_wait3A_306, %dma_wait3A_307] : memref<16x128xi32, #tpu.memory_space<vmem>> -> memref<4x128xi32, #tpu.memory_space<vmem>>
        %dma_wait3A_309 = arith.constant 0 : i32
        %dma_wait3A_310 = tpu.memref_slice %arg4[%add3A_124, %dma_wait3A_309] : memref<2560x128xi32, #tpu.memory_space<hbm>> -> memref<4x128xi32, #tpu.memory_space<hbm>>
        %dma_wait3A_311 = arith.constant 12 : i32
        %dma_wait3A_312 = arith.constant 0 : i32
        %dma_wait3A_313 = tpu.memref_slice %arg8[%dma_wait3A_311, %dma_wait3A_312] : memref<16x128xi32, #tpu.memory_space<vmem>> -> memref<4x128xi32, #tpu.memory_space<vmem>>
        %dma_wait3A_314 = arith.constant 0 : i32
        %dma_wait3A_315 = tpu.memref_slice %arg4[%add3A_124, %dma_wait3A_314] : memref<2560x128xi32, #tpu.memory_space<hbm>> -> memref<4x128xi32, #tpu.memory_space<hbm>>
        tpu.wait_dma2 semaphore(%run_scoped3A_295 : memref<!tpu.dma_semaphore, #tpu.memory_space<semaphore_mem>>) src(%dma_wait3A_315 : memref<4x128xi32, #tpu.memory_space<hbm>>) dst(%dma_wait3A_313 : memref<4x128xi32, #tpu.memory_space<vmem>>)
        tpu.yield
      }) : () -> ()
      %scan3A_125 = arith.constant 0 : i32
      %scan3A_126 = arith.constant 0 : i32
      %scan3A_127 = arith.constant 4 : i32
      %scan3A_128 = arith.addi %scan3A_126, %scan3A_127 : i32
      %scan3A_129 = arith.constant 1 : i32
      %scan3A_130 = scf.for %scan3A_295 = %scan3A_126 to %scan3A_128 step %scan3A_129 iter_args(%scan3A_296 = %scan3A_125) -> (i32)  : i32 {
        %add3A_297 = arith.constant 8 : i32
        %add3A_298 = arith.addi %add3A_297, %scan3A_295 : i32
        %get3A = arith.index_cast %add3A_298 : i32 to index
        %get3A_299 = arith.constant 0 : index
        %get3A_300 = tpu.vector_load %arg8[%get3A, %get3A_299] {strides = array<i32>} : memref<16x128xi32, #tpu.memory_space<vmem>>, vector<1x16xi32>,
        %get3A_301 = vector.shape_cast %get3A_300 : vector<1x16xi32> to vector<16xi32>
        %add3A_302 = vector.broadcast %mul3A_2 : i32 to vector<16xi32>
        %add3A_303 = arith.addi %get3A_301, %add3A_302 : vector<16xi32>
        %swap3A = arith.index_cast %add3A_298 : i32 to index
        %swap3A_304 = arith.constant 0 : index
        %swap3A_305 = tpu.vector_load %arg8[%swap3A, %swap3A_304] {strides = array<i32>} : memref<16x128xi32, #tpu.memory_space<vmem>>, vector<1x16xi32>,
        %swap3A_306 = vector.shape_cast %swap3A_305 : vector<1x16xi32> to vector<16xi32>
        %swap3A_307 = vector.shape_cast %add3A_303 : vector<16xi32> to vector<1x16xi32>
        tpu.vector_store %arg8[%swap3A, %swap3A_304], %swap3A_307 {strides = array<i32>} : memref<16x128xi32, #tpu.memory_space<vmem>>, vector<1x16xi32>,
        %add3A_308 = arith.constant 8 : i32
        %add3A_309 = arith.addi %add3A_308, %scan3A_295 : i32
        %get3A_310 = arith.index_cast %add3A_309 : i32 to index
        %get3A_311 = arith.constant 16 : index
        %get3A_312 = tpu.vector_load %arg8[%get3A_310, %get3A_311] {strides = array<i32>} : memref<16x128xi32, #tpu.memory_space<vmem>>, vector<1x16xi32>,
        %get3A_313 = vector.shape_cast %get3A_312 : vector<1x16xi32> to vector<16xi32>
        %add3A_314 = vector.broadcast %mul3A_2 : i32 to vector<16xi32>
        %add3A_315 = arith.addi %get3A_313, %add3A_314 : vector<16xi32>
        %swap3A_316 = arith.index_cast %add3A_309 : i32 to index
        %swap3A_317 = arith.constant 16 : index
        %swap3A_318 = tpu.vector_load %arg8[%swap3A_316, %swap3A_317] {strides = array<i32>} : memref<16x128xi32, #tpu.memory_space<vmem>>, vector<1x16xi32>,
        %swap3A_319 = vector.shape_cast %swap3A_318 : vector<1x16xi32> to vector<16xi32>
        %swap3A_320 = vector.shape_cast %add3A_315 : vector<16xi32> to vector<1x16xi32>
        tpu.vector_store %arg8[%swap3A_316, %swap3A_317], %swap3A_320 {strides = array<i32>} : memref<16x128xi32, #tpu.memory_space<vmem>>, vector<1x16xi32>,
        %add3A_321 = arith.constant 8 : i32
        %add3A_322 = arith.addi %add3A_321, %scan3A_295 : i32
        %get3A_323 = arith.index_cast %add3A_322 : i32 to index
        %get3A_324 = arith.constant 32 : index
        %get3A_325 = tpu.vector_load %arg8[%get3A_323, %get3A_324] {strides = array<i32>} : memref<16x128xi32, #tpu.memory_space<vmem>>, vector<1x16xi32>,
        %get3A_326 = vector.shape_cast %get3A_325 : vector<1x16xi32> to vector<16xi32>
        %add3A_327 = vector.broadcast %mul3A_2 : i32 to vector<16xi32>
        %add3A_328 = arith.addi %get3A_326, %add3A_327 : vector<16xi32>
        %swap3A_329 = arith.index_cast %add3A_322 : i32 to index
        %swap3A_330 = arith.constant 32 : index
        %swap3A_331 = tpu.vector_load %arg8[%swap3A_329, %swap3A_330] {strides = array<i32>} : memref<16x128xi32, #tpu.memory_space<vmem>>, vector<1x16xi32>,
        %swap3A_332 = vector.shape_cast %swap3A_331 : vector<1x16xi32> to vector<16xi32>
        %swap3A_333 = vector.shape_cast %add3A_328 : vector<16xi32> to vector<1x16xi32>
        tpu.vector_store %arg8[%swap3A_329, %swap3A_330], %swap3A_333 {strides = array<i32>} : memref<16x128xi32, #tpu.memory_space<vmem>>, vector<1x16xi32>,
        %add3A_334 = arith.constant 8 : i32
        %add3A_335 = arith.addi %add3A_334, %scan3A_295 : i32
        %get3A_336 = arith.index_cast %add3A_335 : i32 to index
        %get3A_337 = arith.constant 48 : index
        %get3A_338 = tpu.vector_load %arg8[%get3A_336, %get3A_337] {strides = array<i32>} : memref<16x128xi32, #tpu.memory_space<vmem>>, vector<1x16xi32>,
        %get3A_339 = vector.shape_cast %get3A_338 : vector<1x16xi32> to vector<16xi32>
        %add3A_340 = vector.broadcast %mul3A_2 : i32 to vector<16xi32>
        %add3A_341 = arith.addi %get3A_339, %add3A_340 : vector<16xi32>
        %swap3A_342 = arith.index_cast %add3A_335 : i32 to index
        %swap3A_343 = arith.constant 48 : index
        %swap3A_344 = tpu.vector_load %arg8[%swap3A_342, %swap3A_343] {strides = array<i32>} : memref<16x128xi32, #tpu.memory_space<vmem>>, vector<1x16xi32>,
        %swap3A_345 = vector.shape_cast %swap3A_344 : vector<1x16xi32> to vector<16xi32>
        %swap3A_346 = vector.shape_cast %add3A_341 : vector<16xi32> to vector<1x16xi32>
        tpu.vector_store %arg8[%swap3A_342, %swap3A_343], %swap3A_346 {strides = array<i32>} : memref<16x128xi32, #tpu.memory_space<vmem>>, vector<1x16xi32>,
        %add3A_347 = arith.constant 8 : i32
        %add3A_348 = arith.addi %add3A_347, %scan3A_295 : i32
        %get3A_349 = arith.index_cast %add3A_348 : i32 to index
        %get3A_350 = arith.constant 64 : index
        %get3A_351 = tpu.vector_load %arg8[%get3A_349, %get3A_350] {strides = array<i32>} : memref<16x128xi32, #tpu.memory_space<vmem>>, vector<1x16xi32>,
        %get3A_352 = vector.shape_cast %get3A_351 : vector<1x16xi32> to vector<16xi32>
        %add3A_353 = vector.broadcast %mul3A_2 : i32 to vector<16xi32>
        %add3A_354 = arith.addi %get3A_352, %add3A_353 : vector<16xi32>
        %swap3A_355 = arith.index_cast %add3A_348 : i32 to index
        %swap3A_356 = arith.constant 64 : index
        %swap3A_357 = tpu.vector_load %arg8[%swap3A_355, %swap3A_356] {strides = array<i32>} : memref<16x128xi32, #tpu.memory_space<vmem>>, vector<1x16xi32>,
        %swap3A_358 = vector.shape_cast %swap3A_357 : vector<1x16xi32> to vector<16xi32>
        %swap3A_359 = vector.shape_cast %add3A_354 : vector<16xi32> to vector<1x16xi32>
        tpu.vector_store %arg8[%swap3A_355, %swap3A_356], %swap3A_359 {strides = array<i32>} : memref<16x128xi32, #tpu.memory_space<vmem>>, vector<1x16xi32>,
        %add3A_360 = arith.constant 8 : i32
        %add3A_361 = arith.addi %add3A_360, %scan3A_295 : i32
        %get3A_362 = arith.index_cast %add3A_361 : i32 to index
        %get3A_363 = arith.constant 80 : index
        %get3A_364 = tpu.vector_load %arg8[%get3A_362, %get3A_363] {strides = array<i32>} : memref<16x128xi32, #tpu.memory_space<vmem>>, vector<1x16xi32>,
        %get3A_365 = vector.shape_cast %get3A_364 : vector<1x16xi32> to vector<16xi32>
        %add3A_366 = vector.broadcast %mul3A_2 : i32 to vector<16xi32>
        %add3A_367 = arith.addi %get3A_365, %add3A_366 : vector<16xi32>
        %swap3A_368 = arith.index_cast %add3A_361 : i32 to index
        %swap3A_369 = arith.constant 80 : index
        %swap3A_370 = tpu.vector_load %arg8[%swap3A_368, %swap3A_369] {strides = array<i32>} : memref<16x128xi32, #tpu.memory_space<vmem>>, vector<1x16xi32>,
        %swap3A_371 = vector.shape_cast %swap3A_370 : vector<1x16xi32> to vector<16xi32>
        %swap3A_372 = vector.shape_cast %add3A_367 : vector<16xi32> to vector<1x16xi32>
        tpu.vector_store %arg8[%swap3A_368, %swap3A_369], %swap3A_372 {strides = array<i32>} : memref<16x128xi32, #tpu.memory_space<vmem>>, vector<1x16xi32>,
        %add3A_373 = arith.constant 8 : i32
        %add3A_374 = arith.addi %add3A_373, %scan3A_295 : i32
        %get3A_375 = arith.index_cast %add3A_374 : i32 to index
        %get3A_376 = arith.constant 96 : index
        %get3A_377 = tpu.vector_load %arg8[%get3A_375, %get3A_376] {strides = array<i32>} : memref<16x128xi32, #tpu.memory_space<vmem>>, vector<1x16xi32>,
        %get3A_378 = vector.shape_cast %get3A_377 : vector<1x16xi32> to vector<16xi32>
        %add3A_379 = vector.broadcast %mul3A_2 : i32 to vector<16xi32>
        %add3A_380 = arith.addi %get3A_378, %add3A_379 : vector<16xi32>
        %swap3A_381 = arith.index_cast %add3A_374 : i32 to index
        %swap3A_382 = arith.constant 96 : index
        %swap3A_383 = tpu.vector_load %arg8[%swap3A_381, %swap3A_382] {strides = array<i32>} : memref<16x128xi32, #tpu.memory_space<vmem>>, vector<1x16xi32>,
        %swap3A_384 = vector.shape_cast %swap3A_383 : vector<1x16xi32> to vector<16xi32>
        %swap3A_385 = vector.shape_cast %add3A_380 : vector<16xi32> to vector<1x16xi32>
        tpu.vector_store %arg8[%swap3A_381, %swap3A_382], %swap3A_385 {strides = array<i32>} : memref<16x128xi32, #tpu.memory_space<vmem>>, vector<1x16xi32>,
        %add3A_386 = arith.constant 8 : i32
        %add3A_387 = arith.addi %add3A_386, %scan3A_295 : i32
        %get3A_388 = arith.index_cast %add3A_387 : i32 to index
        %get3A_389 = arith.constant 112 : index
        %get3A_390 = tpu.vector_load %arg8[%get3A_388, %get3A_389] {strides = array<i32>} : memref<16x128xi32, #tpu.memory_space<vmem>>, vector<1x16xi32>,
        %get3A_391 = vector.shape_cast %get3A_390 : vector<1x16xi32> to vector<16xi32>
        %add3A_392 = vector.broadcast %mul3A_2 : i32 to vector<16xi32>
        %add3A_393 = arith.addi %get3A_391, %add3A_392 : vector<16xi32>
        %swap3A_394 = arith.index_cast %add3A_387 : i32 to index
        %swap3A_395 = arith.constant 112 : index
        %swap3A_396 = tpu.vector_load %arg8[%swap3A_394, %swap3A_395] {strides = array<i32>} : memref<16x128xi32, #tpu.memory_space<vmem>>, vector<1x16xi32>,
        %swap3A_397 = vector.shape_cast %swap3A_396 : vector<1x16xi32> to vector<16xi32>
        %swap3A_398 = vector.shape_cast %add3A_393 : vector<16xi32> to vector<1x16xi32>
        tpu.vector_store %arg8[%swap3A_394, %swap3A_395], %swap3A_398 {strides = array<i32>} : memref<16x128xi32, #tpu.memory_space<vmem>>, vector<1x16xi32>,
        %scan3A_399 = arith.constant 0 : i32
        scf.yield %scan3A_399 : i32
      }
      %scan3A_131 = arith.constant 4 : i32
      %dma_start3A_132 = arith.constant 8 : i32
      %dma_start3A_133 = arith.constant 1 : i32
      %dma_start3A_134 = arith.constant 512 : i32
      %dma_start3A_135 = arith.constant 0 : i32
      %dma_start3A_136 = tpu.memref_slice %arg9[%dma_start3A_134, %dma_start3A_135] : memref<1024x64xf32, #tpu.memory_space<vmem>> -> memref<128x64xf32, #tpu.memory_space<vmem>>
      %dma_start3A_137 = arith.constant 0 : i32
      %dma_start3A_138 = tpu.memref_slice %arg8[%dma_start3A_132, %dma_start3A_137] : memref<16x128xi32, #tpu.memory_space<vmem>> -> memref<1x128xi32, #tpu.memory_space<vmem>>
      %dma_start3A_139 = tpu.memref_squeeze %dma_start3A_138 : memref<1x128xi32, #tpu.memory_space<vmem>> -> memref<128xi32, #tpu.memory_space<vmem>>
      %dma_start3A_140 = arith.constant 0 : i32
      %dma_start3A_141 = arith.constant 0 : i32
      %dma_start3A_142 = tpu.memref_slice %arg2[%dma_start3A_140, %dma_start3A_141] : memref<20002x64xf32, #tpu.memory_space<hbm>> -> memref<20002x64xf32, #tpu.memory_space<hbm>>
      %dma_start3A_143 = tpu.memref_slice %arg11[%dma_start3A_133] : memref<2x!tpu.dma_semaphore, #tpu.memory_space<semaphore_mem>> -> memref<1x!tpu.dma_semaphore, #tpu.memory_space<semaphore_mem>>
      %dma_start3A_144 = tpu.memref_squeeze %dma_start3A_143 : memref<1x!tpu.dma_semaphore, #tpu.memory_space<semaphore_mem>> -> memref<!tpu.dma_semaphore, #tpu.memory_space<semaphore_mem>>
      tpu.enqueue_indirect_dma source(%dma_start3A_142 : memref<20002x64xf32, #tpu.memory_space<hbm>>) target(%dma_start3A_136 : memref<128x64xf32, #tpu.memory_space<vmem>>) offsets(%dma_start3A_139 : memref<128xi32, #tpu.memory_space<vmem>>) semaphore(%dma_start3A_144 : memref<!tpu.dma_semaphore, #tpu.memory_space<semaphore_mem>>)
      %dma_start3A_145 = arith.constant 9 : i32
      %dma_start3A_146 = arith.constant 1 : i32
      %dma_start3A_147 = arith.constant 640 : i32
      %dma_start3A_148 = arith.constant 0 : i32
      %dma_start3A_149 = tpu.memref_slice %arg9[%dma_start3A_147, %dma_start3A_148] : memref<1024x64xf32, #tpu.memory_space<vmem>> -> memref<128x64xf32, #tpu.memory_space<vmem>>
      %dma_start3A_150 = arith.constant 0 : i32
      %dma_start3A_151 = tpu.memref_slice %arg8[%dma_start3A_145, %dma_start3A_150] : memref<16x128xi32, #tpu.memory_space<vmem>> -> memref<1x128xi32, #tpu.memory_space<vmem>>
      %dma_start3A_152 = tpu.memref_squeeze %dma_start3A_151 : memref<1x128xi32, #tpu.memory_space<vmem>> -> memref<128xi32, #tpu.memory_space<vmem>>
      %dma_start3A_153 = arith.constant 0 : i32
      %dma_start3A_154 = arith.constant 0 : i32
      %dma_start3A_155 = tpu.memref_slice %arg2[%dma_start3A_153, %dma_start3A_154] : memref<20002x64xf32, #tpu.memory_space<hbm>> -> memref<20002x64xf32, #tpu.memory_space<hbm>>
      %dma_start3A_156 = tpu.memref_slice %arg11[%dma_start3A_146] : memref<2x!tpu.dma_semaphore, #tpu.memory_space<semaphore_mem>> -> memref<1x!tpu.dma_semaphore, #tpu.memory_space<semaphore_mem>>
      %dma_start3A_157 = tpu.memref_squeeze %dma_start3A_156 : memref<1x!tpu.dma_semaphore, #tpu.memory_space<semaphore_mem>> -> memref<!tpu.dma_semaphore, #tpu.memory_space<semaphore_mem>>
      tpu.enqueue_indirect_dma source(%dma_start3A_155 : memref<20002x64xf32, #tpu.memory_space<hbm>>) target(%dma_start3A_149 : memref<128x64xf32, #tpu.memory_space<vmem>>) offsets(%dma_start3A_152 : memref<128xi32, #tpu.memory_space<vmem>>) semaphore(%dma_start3A_157 : memref<!tpu.dma_semaphore, #tpu.memory_space<semaphore_mem>>)
      %dma_start3A_158 = arith.constant 10 : i32
      %dma_start3A_159 = arith.constant 1 : i32
      %dma_start3A_160 = arith.constant 768 : i32
      %dma_start3A_161 = arith.constant 0 : i32
      %dma_start3A_162 = tpu.memref_slice %arg9[%dma_start3A_160, %dma_start3A_161] : memref<1024x64xf32, #tpu.memory_space<vmem>> -> memref<128x64xf32, #tpu.memory_space<vmem>>
      %dma_start3A_163 = arith.constant 0 : i32
      %dma_start3A_164 = tpu.memref_slice %arg8[%dma_start3A_158, %dma_start3A_163] : memref<16x128xi32, #tpu.memory_space<vmem>> -> memref<1x128xi32, #tpu.memory_space<vmem>>
      %dma_start3A_165 = tpu.memref_squeeze %dma_start3A_164 : memref<1x128xi32, #tpu.memory_space<vmem>> -> memref<128xi32, #tpu.memory_space<vmem>>
      %dma_start3A_166 = arith.constant 0 : i32
      %dma_start3A_167 = arith.constant 0 : i32
      %dma_start3A_168 = tpu.memref_slice %arg2[%dma_start3A_166, %dma_start3A_167] : memref<20002x64xf32, #tpu.memory_space<hbm>> -> memref<20002x64xf32, #tpu.memory_space<hbm>>
      %dma_start3A_169 = tpu.memref_slice %arg11[%dma_start3A_159] : memref<2x!tpu.dma_semaphore, #tpu.memory_space<semaphore_mem>> -> memref<1x!tpu.dma_semaphore, #tpu.memory_space<semaphore_mem>>
      %dma_start3A_170 = tpu.memref_squeeze %dma_start3A_169 : memref<1x!tpu.dma_semaphore, #tpu.memory_space<semaphore_mem>> -> memref<!tpu.dma_semaphore, #tpu.memory_space<semaphore_mem>>
      tpu.enqueue_indirect_dma source(%dma_start3A_168 : memref<20002x64xf32, #tpu.memory_space<hbm>>) target(%dma_start3A_162 : memref<128x64xf32, #tpu.memory_space<vmem>>) offsets(%dma_start3A_165 : memref<128xi32, #tpu.memory_space<vmem>>) semaphore(%dma_start3A_170 : memref<!tpu.dma_semaphore, #tpu.memory_space<semaphore_mem>>)
      %dma_start3A_171 = arith.constant 11 : i32
      %dma_start3A_172 = arith.constant 1 : i32
      %dma_start3A_173 = arith.constant 896 : i32
      %dma_start3A_174 = arith.constant 0 : i32
      %dma_start3A_175 = tpu.memref_slice %arg9[%dma_start3A_173, %dma_start3A_174] : memref<1024x64xf32, #tpu.memory_space<vmem>> -> memref<128x64xf32, #tpu.memory_space<vmem>>
      %dma_start3A_176 = arith.constant 0 : i32
      %dma_start3A_177 = tpu.memref_slice %arg8[%dma_start3A_171, %dma_start3A_176] : memref<16x128xi32, #tpu.memory_space<vmem>> -> memref<1x128xi32, #tpu.memory_space<vmem>>
      %dma_start3A_178 = tpu.memref_squeeze %dma_start3A_177 : memref<1x128xi32, #tpu.memory_space<vmem>> -> memref<128xi32, #tpu.memory_space<vmem>>
      %dma_start3A_179 = arith.constant 0 : i32
      %dma_start3A_180 = arith.constant 0 : i32
      %dma_start3A_181 = tpu.memref_slice %arg2[%dma_start3A_179, %dma_start3A_180] : memref<20002x64xf32, #tpu.memory_space<hbm>> -> memref<20002x64xf32, #tpu.memory_space<hbm>>
      %dma_start3A_182 = tpu.memref_slice %arg11[%dma_start3A_172] : memref<2x!tpu.dma_semaphore, #tpu.memory_space<semaphore_mem>> -> memref<1x!tpu.dma_semaphore, #tpu.memory_space<semaphore_mem>>
      %dma_start3A_183 = tpu.memref_squeeze %dma_start3A_182 : memref<1x!tpu.dma_semaphore, #tpu.memory_space<semaphore_mem>> -> memref<!tpu.dma_semaphore, #tpu.memory_space<semaphore_mem>>
      tpu.enqueue_indirect_dma source(%dma_start3A_181 : memref<20002x64xf32, #tpu.memory_space<hbm>>) target(%dma_start3A_175 : memref<128x64xf32, #tpu.memory_space<vmem>>) offsets(%dma_start3A_178 : memref<128xi32, #tpu.memory_space<vmem>>) semaphore(%dma_start3A_183 : memref<!tpu.dma_semaphore, #tpu.memory_space<semaphore_mem>>)
      %dma_wait3A = arith.constant 0 : i32
      %dma_wait3A_184 = arith.constant 0 : i32
      %dma_wait3A_185 = arith.constant 0 : i32
      %dma_wait3A_186 = arith.constant 0 : i32
      %dma_wait3A_187 = tpu.memref_slice %arg9[%dma_wait3A_185, %dma_wait3A_186] : memref<1024x64xf32, #tpu.memory_space<vmem>> -> memref<128x64xf32, #tpu.memory_space<vmem>>
      %dma_wait3A_188 = arith.constant 0 : i32
      %dma_wait3A_189 = tpu.memref_slice %arg8[%dma_wait3A, %dma_wait3A_188] : memref<16x128xi32, #tpu.memory_space<vmem>> -> memref<1x128xi32, #tpu.memory_space<vmem>>
      %dma_wait3A_190 = tpu.memref_squeeze %dma_wait3A_189 : memref<1x128xi32, #tpu.memory_space<vmem>> -> memref<128xi32, #tpu.memory_space<vmem>>
      %dma_wait3A_191 = arith.constant 0 : i32
      %dma_wait3A_192 = arith.constant 0 : i32
      %dma_wait3A_193 = tpu.memref_slice %arg2[%dma_wait3A_191, %dma_wait3A_192] : memref<20002x64xf32, #tpu.memory_space<hbm>> -> memref<20002x64xf32, #tpu.memory_space<hbm>>
      %dma_wait3A_194 = tpu.memref_slice %arg11[%dma_wait3A_184] : memref<2x!tpu.dma_semaphore, #tpu.memory_space<semaphore_mem>> -> memref<1x!tpu.dma_semaphore, #tpu.memory_space<semaphore_mem>>
      %dma_wait3A_195 = tpu.memref_squeeze %dma_wait3A_194 : memref<1x!tpu.dma_semaphore, #tpu.memory_space<semaphore_mem>> -> memref<!tpu.dma_semaphore, #tpu.memory_space<semaphore_mem>>
      tpu.wait_indirect_dma semaphore(%dma_wait3A_195 : memref<!tpu.dma_semaphore, #tpu.memory_space<semaphore_mem>>) src(%dma_wait3A_193 : memref<20002x64xf32, #tpu.memory_space<hbm>>) dst(%dma_wait3A_187 : memref<128x64xf32, #tpu.memory_space<vmem>>)
      %dma_wait3A_196 = arith.constant 1 : i32
      %dma_wait3A_197 = arith.constant 0 : i32
      %dma_wait3A_198 = arith.constant 128 : i32
      %dma_wait3A_199 = arith.constant 0 : i32
      %dma_wait3A_200 = tpu.memref_slice %arg9[%dma_wait3A_198, %dma_wait3A_199] : memref<1024x64xf32, #tpu.memory_space<vmem>> -> memref<128x64xf32, #tpu.memory_space<vmem>>
      %dma_wait3A_201 = arith.constant 0 : i32
      %dma_wait3A_202 = tpu.memref_slice %arg8[%dma_wait3A_196, %dma_wait3A_201] : memref<16x128xi32, #tpu.memory_space<vmem>> -> memref<1x128xi32, #tpu.memory_space<vmem>>
      %dma_wait3A_203 = tpu.memref_squeeze %dma_wait3A_202 : memref<1x128xi32, #tpu.memory_space<vmem>> -> memref<128xi32, #tpu.memory_space<vmem>>
      %dma_wait3A_204 = arith.constant 0 : i32
      %dma_wait3A_205 = arith.constant 0 : i32
      %dma_wait3A_206 = tpu.memref_slice %arg2[%dma_wait3A_204, %dma_wait3A_205] : memref<20002x64xf32, #tpu.memory_space<hbm>> -> memref<20002x64xf32, #tpu.memory_space<hbm>>
      %dma_wait3A_207 = tpu.memref_slice %arg11[%dma_wait3A_197] : memref<2x!tpu.dma_semaphore, #tpu.memory_space<semaphore_mem>> -> memref<1x!tpu.dma_semaphore, #tpu.memory_space<semaphore_mem>>
      %dma_wait3A_208 = tpu.memref_squeeze %dma_wait3A_207 : memref<1x!tpu.dma_semaphore, #tpu.memory_space<semaphore_mem>> -> memref<!tpu.dma_semaphore, #tpu.memory_space<semaphore_mem>>
      tpu.wait_indirect_dma semaphore(%dma_wait3A_208 : memref<!tpu.dma_semaphore, #tpu.memory_space<semaphore_mem>>) src(%dma_wait3A_206 : memref<20002x64xf32, #tpu.memory_space<hbm>>) dst(%dma_wait3A_200 : memref<128x64xf32, #tpu.memory_space<vmem>>)
      %dma_wait3A_209 = arith.constant 2 : i32
      %dma_wait3A_210 = arith.constant 0 : i32
      %dma_wait3A_211 = arith.constant 256 : i32
      %dma_wait3A_212 = arith.constant 0 : i32
      %dma_wait3A_213 = tpu.memref_slice %arg9[%dma_wait3A_211, %dma_wait3A_212] : memref<1024x64xf32, #tpu.memory_space<vmem>> -> memref<128x64xf32, #tpu.memory_space<vmem>>
      %dma_wait3A_214 = arith.constant 0 : i32
      %dma_wait3A_215 = tpu.memref_slice %arg8[%dma_wait3A_209, %dma_wait3A_214] : memref<16x128xi32, #tpu.memory_space<vmem>> -> memref<1x128xi32, #tpu.memory_space<vmem>>
      %dma_wait3A_216 = tpu.memref_squeeze %dma_wait3A_215 : memref<1x128xi32, #tpu.memory_space<vmem>> -> memref<128xi32, #tpu.memory_space<vmem>>
      %dma_wait3A_217 = arith.constant 0 : i32
      %dma_wait3A_218 = arith.constant 0 : i32
      %dma_wait3A_219 = tpu.memref_slice %arg2[%dma_wait3A_217, %dma_wait3A_218] : memref<20002x64xf32, #tpu.memory_space<hbm>> -> memref<20002x64xf32, #tpu.memory_space<hbm>>
      %dma_wait3A_220 = tpu.memref_slice %arg11[%dma_wait3A_210] : memref<2x!tpu.dma_semaphore, #tpu.memory_space<semaphore_mem>> -> memref<1x!tpu.dma_semaphore, #tpu.memory_space<semaphore_mem>>
      %dma_wait3A_221 = tpu.memref_squeeze %dma_wait3A_220 : memref<1x!tpu.dma_semaphore, #tpu.memory_space<semaphore_mem>> -> memref<!tpu.dma_semaphore, #tpu.memory_space<semaphore_mem>>
      tpu.wait_indirect_dma semaphore(%dma_wait3A_221 : memref<!tpu.dma_semaphore, #tpu.memory_space<semaphore_mem>>) src(%dma_wait3A_219 : memref<20002x64xf32, #tpu.memory_space<hbm>>) dst(%dma_wait3A_213 : memref<128x64xf32, #tpu.memory_space<vmem>>)
      %dma_wait3A_222 = arith.constant 3 : i32
      %dma_wait3A_223 = arith.constant 0 : i32
      %dma_wait3A_224 = arith.constant 384 : i32
      %dma_wait3A_225 = arith.constant 0 : i32
      %dma_wait3A_226 = tpu.memref_slice %arg9[%dma_wait3A_224, %dma_wait3A_225] : memref<1024x64xf32, #tpu.memory_space<vmem>> -> memref<128x64xf32, #tpu.memory_space<vmem>>
      %dma_wait3A_227 = arith.constant 0 : i32
      %dma_wait3A_228 = tpu.memref_slice %arg8[%dma_wait3A_222, %dma_wait3A_227] : memref<16x128xi32, #tpu.memory_space<vmem>> -> memref<1x128xi32, #tpu.memory_space<vmem>>
      %dma_wait3A_229 = tpu.memref_squeeze %dma_wait3A_228 : memref<1x128xi32, #tpu.memory_space<vmem>> -> memref<128xi32, #tpu.memory_space<vmem>>
      %dma_wait3A_230 = arith.constant 0 : i32
      %dma_wait3A_231 = arith.constant 0 : i32
      %dma_wait3A_232 = tpu.memref_slice %arg2[%dma_wait3A_230, %dma_wait3A_231] : memref<20002x64xf32, #tpu.memory_space<hbm>> -> memref<20002x64xf32, #tpu.memory_space<hbm>>
      %dma_wait3A_233 = tpu.memref_slice %arg11[%dma_wait3A_223] : memref<2x!tpu.dma_semaphore, #tpu.memory_space<semaphore_mem>> -> memref<1x!tpu.dma_semaphore, #tpu.memory_space<semaphore_mem>>
      %dma_wait3A_234 = tpu.memref_squeeze %dma_wait3A_233 : memref<1x!tpu.dma_semaphore, #tpu.memory_space<semaphore_mem>> -> memref<!tpu.dma_semaphore, #tpu.memory_space<semaphore_mem>>
      tpu.wait_indirect_dma semaphore(%dma_wait3A_234 : memref<!tpu.dma_semaphore, #tpu.memory_space<semaphore_mem>>) src(%dma_wait3A_232 : memref<20002x64xf32, #tpu.memory_space<hbm>>) dst(%dma_wait3A_226 : memref<128x64xf32, #tpu.memory_space<vmem>>)
      %run_scoped3A = arith.constant 4 : i32
      "tpu.region"() ({
        %run_scoped3A_295 = tpu.sem_alloc : memref<!tpu.dma_semaphore, #tpu.memory_space<semaphore_mem>>
        %dma_start3A_296 = arith.constant 0 : i32
        %dma_start3A_297 = arith.constant 0 : i32
        %dma_start3A_298 = tpu.memref_slice %arg9[%dma_start3A_296, %dma_start3A_297] : memref<1024x64xf32, #tpu.memory_space<vmem>> -> memref<128x64xf32, #tpu.memory_space<vmem>>
        %dma_start3A_299 = arith.constant 0 : i32
        %dma_start3A_300 = tpu.memref_slice %arg8[%run_scoped3A, %dma_start3A_299] : memref<16x128xi32, #tpu.memory_space<vmem>> -> memref<1x128xi32, #tpu.memory_space<vmem>>
        %dma_start3A_301 = tpu.memref_squeeze %dma_start3A_300 : memref<1x128xi32, #tpu.memory_space<vmem>> -> memref<128xi32, #tpu.memory_space<vmem>>
        %dma_start3A_302 = arith.constant 0 : i32
        %dma_start3A_303 = arith.constant 0 : i32
        %dma_start3A_304 = tpu.memref_slice %arg12[%dma_start3A_302, %dma_start3A_303] : memref<10240x64xf32, #tpu.memory_space<vmem_shared>> -> memref<10240x64xf32, #tpu.memory_space<vmem_shared>>
        tpu.enqueue_indirect_dma source(%dma_start3A_298 : memref<128x64xf32, #tpu.memory_space<vmem>>) target(%dma_start3A_304 : memref<10240x64xf32, #tpu.memory_space<vmem_shared>>) offsets(%dma_start3A_301 : memref<128xi32, #tpu.memory_space<vmem>>) semaphore(%run_scoped3A_295 : memref<!tpu.dma_semaphore, #tpu.memory_space<semaphore_mem>>) {add = true}
        %dma_wait3A_305 = arith.constant 0 : i32
        %dma_wait3A_306 = arith.constant 0 : i32
        %dma_wait3A_307 = tpu.memref_slice %arg9[%dma_wait3A_305, %dma_wait3A_306] : memref<1024x64xf32, #tpu.memory_space<vmem>> -> memref<128x64xf32, #tpu.memory_space<vmem>>
        %dma_wait3A_308 = arith.constant 0 : i32
        %dma_wait3A_309 = tpu.memref_slice %arg8[%run_scoped3A, %dma_wait3A_308] : memref<16x128xi32, #tpu.memory_space<vmem>> -> memref<1x128xi32, #tpu.memory_space<vmem>>
        %dma_wait3A_310 = tpu.memref_squeeze %dma_wait3A_309 : memref<1x128xi32, #tpu.memory_space<vmem>> -> memref<128xi32, #tpu.memory_space<vmem>>
        %dma_wait3A_311 = arith.constant 0 : i32
        %dma_wait3A_312 = arith.constant 0 : i32
        %dma_wait3A_313 = tpu.memref_slice %arg12[%dma_wait3A_311, %dma_wait3A_312] : memref<10240x64xf32, #tpu.memory_space<vmem_shared>> -> memref<10240x64xf32, #tpu.memory_space<vmem_shared>>
        tpu.wait_indirect_dma semaphore(%run_scoped3A_295 : memref<!tpu.dma_semaphore, #tpu.memory_space<semaphore_mem>>) src(%dma_wait3A_307 : memref<128x64xf32, #tpu.memory_space<vmem>>) dst(%dma_wait3A_313 : memref<10240x64xf32, #tpu.memory_space<vmem_shared>>)
        tpu.yield
      }) : () -> ()
      %run_scoped3A_235 = arith.constant 5 : i32
      "tpu.region"() ({
        %run_scoped3A_295 = tpu.sem_alloc : memref<!tpu.dma_semaphore, #tpu.memory_space<semaphore_mem>>
        %dma_start3A_296 = arith.constant 128 : i32
        %dma_start3A_297 = arith.constant 0 : i32
        %dma_start3A_298 = tpu.memref_slice %arg9[%dma_start3A_296, %dma_start3A_297] : memref<1024x64xf32, #tpu.memory_space<vmem>> -> memref<128x64xf32, #tpu.memory_space<vmem>>
        %dma_start3A_299 = arith.constant 0 : i32
        %dma_start3A_300 = tpu.memref_slice %arg8[%run_scoped3A_235, %dma_start3A_299] : memref<16x128xi32, #tpu.memory_space<vmem>> -> memref<1x128xi32, #tpu.memory_space<vmem>>
        %dma_start3A_301 = tpu.memref_squeeze %dma_start3A_300 : memref<1x128xi32, #tpu.memory_space<vmem>> -> memref<128xi32, #tpu.memory_space<vmem>>
        %dma_start3A_302 = arith.constant 0 : i32
        %dma_start3A_303 = arith.constant 0 : i32
        %dma_start3A_304 = tpu.memref_slice %arg12[%dma_start3A_302, %dma_start3A_303] : memref<10240x64xf32, #tpu.memory_space<vmem_shared>> -> memref<10240x64xf32, #tpu.memory_space<vmem_shared>>
        tpu.enqueue_indirect_dma source(%dma_start3A_298 : memref<128x64xf32, #tpu.memory_space<vmem>>) target(%dma_start3A_304 : memref<10240x64xf32, #tpu.memory_space<vmem_shared>>) offsets(%dma_start3A_301 : memref<128xi32, #tpu.memory_space<vmem>>) semaphore(%run_scoped3A_295 : memref<!tpu.dma_semaphore, #tpu.memory_space<semaphore_mem>>) {add = true}
        %dma_wait3A_305 = arith.constant 128 : i32
        %dma_wait3A_306 = arith.constant 0 : i32
        %dma_wait3A_307 = tpu.memref_slice %arg9[%dma_wait3A_305, %dma_wait3A_306] : memref<1024x64xf32, #tpu.memory_space<vmem>> -> memref<128x64xf32, #tpu.memory_space<vmem>>
        %dma_wait3A_308 = arith.constant 0 : i32
        %dma_wait3A_309 = tpu.memref_slice %arg8[%run_scoped3A_235, %dma_wait3A_308] : memref<16x128xi32, #tpu.memory_space<vmem>> -> memref<1x128xi32, #tpu.memory_space<vmem>>
        %dma_wait3A_310 = tpu.memref_squeeze %dma_wait3A_309 : memref<1x128xi32, #tpu.memory_space<vmem>> -> memref<128xi32, #tpu.memory_space<vmem>>
        %dma_wait3A_311 = arith.constant 0 : i32
        %dma_wait3A_312 = arith.constant 0 : i32
        %dma_wait3A_313 = tpu.memref_slice %arg12[%dma_wait3A_311, %dma_wait3A_312] : memref<10240x64xf32, #tpu.memory_space<vmem_shared>> -> memref<10240x64xf32, #tpu.memory_space<vmem_shared>>
        tpu.wait_indirect_dma semaphore(%run_scoped3A_295 : memref<!tpu.dma_semaphore, #tpu.memory_space<semaphore_mem>>) src(%dma_wait3A_307 : memref<128x64xf32, #tpu.memory_space<vmem>>) dst(%dma_wait3A_313 : memref<10240x64xf32, #tpu.memory_space<vmem_shared>>)
        tpu.yield
      }) : () -> ()
      %run_scoped3A_236 = arith.constant 6 : i32
      "tpu.region"() ({
        %run_scoped3A_295 = tpu.sem_alloc : memref<!tpu.dma_semaphore, #tpu.memory_space<semaphore_mem>>
        %dma_start3A_296 = arith.constant 256 : i32
        %dma_start3A_297 = arith.constant 0 : i32
        %dma_start3A_298 = tpu.memref_slice %arg9[%dma_start3A_296, %dma_start3A_297] : memref<1024x64xf32, #tpu.memory_space<vmem>> -> memref<128x64xf32, #tpu.memory_space<vmem>>
        %dma_start3A_299 = arith.constant 0 : i32
        %dma_start3A_300 = tpu.memref_slice %arg8[%run_scoped3A_236, %dma_start3A_299] : memref<16x128xi32, #tpu.memory_space<vmem>> -> memref<1x128xi32, #tpu.memory_space<vmem>>
        %dma_start3A_301 = tpu.memref_squeeze %dma_start3A_300 : memref<1x128xi32, #tpu.memory_space<vmem>> -> memref<128xi32, #tpu.memory_space<vmem>>
        %dma_start3A_302 = arith.constant 0 : i32
        %dma_start3A_303 = arith.constant 0 : i32
        %dma_start3A_304 = tpu.memref_slice %arg12[%dma_start3A_302, %dma_start3A_303] : memref<10240x64xf32, #tpu.memory_space<vmem_shared>> -> memref<10240x64xf32, #tpu.memory_space<vmem_shared>>
        tpu.enqueue_indirect_dma source(%dma_start3A_298 : memref<128x64xf32, #tpu.memory_space<vmem>>) target(%dma_start3A_304 : memref<10240x64xf32, #tpu.memory_space<vmem_shared>>) offsets(%dma_start3A_301 : memref<128xi32, #tpu.memory_space<vmem>>) semaphore(%run_scoped3A_295 : memref<!tpu.dma_semaphore, #tpu.memory_space<semaphore_mem>>) {add = true}
        %dma_wait3A_305 = arith.constant 256 : i32
        %dma_wait3A_306 = arith.constant 0 : i32
        %dma_wait3A_307 = tpu.memref_slice %arg9[%dma_wait3A_305, %dma_wait3A_306] : memref<1024x64xf32, #tpu.memory_space<vmem>> -> memref<128x64xf32, #tpu.memory_space<vmem>>
        %dma_wait3A_308 = arith.constant 0 : i32
        %dma_wait3A_309 = tpu.memref_slice %arg8[%run_scoped3A_236, %dma_wait3A_308] : memref<16x128xi32, #tpu.memory_space<vmem>> -> memref<1x128xi32, #tpu.memory_space<vmem>>
        %dma_wait3A_310 = tpu.memref_squeeze %dma_wait3A_309 : memref<1x128xi32, #tpu.memory_space<vmem>> -> memref<128xi32, #tpu.memory_space<vmem>>
        %dma_wait3A_311 = arith.constant 0 : i32
        %dma_wait3A_312 = arith.constant 0 : i32
        %dma_wait3A_313 = tpu.memref_slice %arg12[%dma_wait3A_311, %dma_wait3A_312] : memref<10240x64xf32, #tpu.memory_space<vmem_shared>> -> memref<10240x64xf32, #tpu.memory_space<vmem_shared>>
        tpu.wait_indirect_dma semaphore(%run_scoped3A_295 : memref<!tpu.dma_semaphore, #tpu.memory_space<semaphore_mem>>) src(%dma_wait3A_307 : memref<128x64xf32, #tpu.memory_space<vmem>>) dst(%dma_wait3A_313 : memref<10240x64xf32, #tpu.memory_space<vmem_shared>>)
        tpu.yield
      }) : () -> ()
      %run_scoped3A_237 = arith.constant 7 : i32
      "tpu.region"() ({
        %run_scoped3A_295 = tpu.sem_alloc : memref<!tpu.dma_semaphore, #tpu.memory_space<semaphore_mem>>
        %dma_start3A_296 = arith.constant 384 : i32
        %dma_start3A_297 = arith.constant 0 : i32
        %dma_start3A_298 = tpu.memref_slice %arg9[%dma_start3A_296, %dma_start3A_297] : memref<1024x64xf32, #tpu.memory_space<vmem>> -> memref<128x64xf32, #tpu.memory_space<vmem>>
        %dma_start3A_299 = arith.constant 0 : i32
        %dma_start3A_300 = tpu.memref_slice %arg8[%run_scoped3A_237, %dma_start3A_299] : memref<16x128xi32, #tpu.memory_space<vmem>> -> memref<1x128xi32, #tpu.memory_space<vmem>>
        %dma_start3A_301 = tpu.memref_squeeze %dma_start3A_300 : memref<1x128xi32, #tpu.memory_space<vmem>> -> memref<128xi32, #tpu.memory_space<vmem>>
        %dma_start3A_302 = arith.constant 0 : i32
        %dma_start3A_303 = arith.constant 0 : i32
        %dma_start3A_304 = tpu.memref_slice %arg12[%dma_start3A_302, %dma_start3A_303] : memref<10240x64xf32, #tpu.memory_space<vmem_shared>> -> memref<10240x64xf32, #tpu.memory_space<vmem_shared>>
        tpu.enqueue_indirect_dma source(%dma_start3A_298 : memref<128x64xf32, #tpu.memory_space<vmem>>) target(%dma_start3A_304 : memref<10240x64xf32, #tpu.memory_space<vmem_shared>>) offsets(%dma_start3A_301 : memref<128xi32, #tpu.memory_space<vmem>>) semaphore(%run_scoped3A_295 : memref<!tpu.dma_semaphore, #tpu.memory_space<semaphore_mem>>) {add = true}
        %dma_wait3A_305 = arith.constant 384 : i32
        %dma_wait3A_306 = arith.constant 0 : i32
        %dma_wait3A_307 = tpu.memref_slice %arg9[%dma_wait3A_305, %dma_wait3A_306] : memref<1024x64xf32, #tpu.memory_space<vmem>> -> memref<128x64xf32, #tpu.memory_space<vmem>>
        %dma_wait3A_308 = arith.constant 0 : i32
        %dma_wait3A_309 = tpu.memref_slice %arg8[%run_scoped3A_237, %dma_wait3A_308] : memref<16x128xi32, #tpu.memory_space<vmem>> -> memref<1x128xi32, #tpu.memory_space<vmem>>
        %dma_wait3A_310 = tpu.memref_squeeze %dma_wait3A_309 : memref<1x128xi32, #tpu.memory_space<vmem>> -> memref<128xi32, #tpu.memory_space<vmem>>
        %dma_wait3A_311 = arith.constant 0 : i32
        %dma_wait3A_312 = arith.constant 0 : i32
        %dma_wait3A_313 = tpu.memref_slice %arg12[%dma_wait3A_311, %dma_wait3A_312] : memref<10240x64xf32, #tpu.memory_space<vmem_shared>> -> memref<10240x64xf32, #tpu.memory_space<vmem_shared>>
        tpu.wait_indirect_dma semaphore(%run_scoped3A_295 : memref<!tpu.dma_semaphore, #tpu.memory_space<semaphore_mem>>) src(%dma_wait3A_307 : memref<128x64xf32, #tpu.memory_space<vmem>>) dst(%dma_wait3A_313 : memref<10240x64xf32, #tpu.memory_space<vmem_shared>>)
        tpu.yield
      }) : () -> ()
      %dma_wait3A_238 = arith.constant 8 : i32
      %dma_wait3A_239 = arith.constant 1 : i32
      %dma_wait3A_240 = arith.constant 512 : i32
      %dma_wait3A_241 = arith.constant 0 : i32
      %dma_wait3A_242 = tpu.memref_slice %arg9[%dma_wait3A_240, %dma_wait3A_241] : memref<1024x64xf32, #tpu.memory_space<vmem>> -> memref<128x64xf32, #tpu.memory_space<vmem>>
      %dma_wait3A_243 = arith.constant 0 : i32
      %dma_wait3A_244 = tpu.memref_slice %arg8[%dma_wait3A_238, %dma_wait3A_243] : memref<16x128xi32, #tpu.memory_space<vmem>> -> memref<1x128xi32, #tpu.memory_space<vmem>>
      %dma_wait3A_245 = tpu.memref_squeeze %dma_wait3A_244 : memref<1x128xi32, #tpu.memory_space<vmem>> -> memref<128xi32, #tpu.memory_space<vmem>>
      %dma_wait3A_246 = arith.constant 0 : i32
      %dma_wait3A_247 = arith.constant 0 : i32
      %dma_wait3A_248 = tpu.memref_slice %arg2[%dma_wait3A_246, %dma_wait3A_247] : memref<20002x64xf32, #tpu.memory_space<hbm>> -> memref<20002x64xf32, #tpu.memory_space<hbm>>
      %dma_wait3A_249 = tpu.memref_slice %arg11[%dma_wait3A_239] : memref<2x!tpu.dma_semaphore, #tpu.memory_space<semaphore_mem>> -> memref<1x!tpu.dma_semaphore, #tpu.memory_space<semaphore_mem>>
      %dma_wait3A_250 = tpu.memref_squeeze %dma_wait3A_249 : memref<1x!tpu.dma_semaphore, #tpu.memory_space<semaphore_mem>> -> memref<!tpu.dma_semaphore, #tpu.memory_space<semaphore_mem>>
      tpu.wait_indirect_dma semaphore(%dma_wait3A_250 : memref<!tpu.dma_semaphore, #tpu.memory_space<semaphore_mem>>) src(%dma_wait3A_248 : memref<20002x64xf32, #tpu.memory_space<hbm>>) dst(%dma_wait3A_242 : memref<128x64xf32, #tpu.memory_space<vmem>>)
      %dma_wait3A_251 = arith.constant 9 : i32
      %dma_wait3A_252 = arith.constant 1 : i32
      %dma_wait3A_253 = arith.constant 640 : i32
      %dma_wait3A_254 = arith.constant 0 : i32
      %dma_wait3A_255 = tpu.memref_slice %arg9[%dma_wait3A_253, %dma_wait3A_254] : memref<1024x64xf32, #tpu.memory_space<vmem>> -> memref<128x64xf32, #tpu.memory_space<vmem>>
      %dma_wait3A_256 = arith.constant 0 : i32
      %dma_wait3A_257 = tpu.memref_slice %arg8[%dma_wait3A_251, %dma_wait3A_256] : memref<16x128xi32, #tpu.memory_space<vmem>> -> memref<1x128xi32, #tpu.memory_space<vmem>>
      %dma_wait3A_258 = tpu.memref_squeeze %dma_wait3A_257 : memref<1x128xi32, #tpu.memory_space<vmem>> -> memref<128xi32, #tpu.memory_space<vmem>>
      %dma_wait3A_259 = arith.constant 0 : i32
      %dma_wait3A_260 = arith.constant 0 : i32
      %dma_wait3A_261 = tpu.memref_slice %arg2[%dma_wait3A_259, %dma_wait3A_260] : memref<20002x64xf32, #tpu.memory_space<hbm>> -> memref<20002x64xf32, #tpu.memory_space<hbm>>
      %dma_wait3A_262 = tpu.memref_slice %arg11[%dma_wait3A_252] : memref<2x!tpu.dma_semaphore, #tpu.memory_space<semaphore_mem>> -> memref<1x!tpu.dma_semaphore, #tpu.memory_space<semaphore_mem>>
      %dma_wait3A_263 = tpu.memref_squeeze %dma_wait3A_262 : memref<1x!tpu.dma_semaphore, #tpu.memory_space<semaphore_mem>> -> memref<!tpu.dma_semaphore, #tpu.memory_space<semaphore_mem>>
      tpu.wait_indirect_dma semaphore(%dma_wait3A_263 : memref<!tpu.dma_semaphore, #tpu.memory_space<semaphore_mem>>) src(%dma_wait3A_261 : memref<20002x64xf32, #tpu.memory_space<hbm>>) dst(%dma_wait3A_255 : memref<128x64xf32, #tpu.memory_space<vmem>>)
      %dma_wait3A_264 = arith.constant 10 : i32
      %dma_wait3A_265 = arith.constant 1 : i32
      %dma_wait3A_266 = arith.constant 768 : i32
      %dma_wait3A_267 = arith.constant 0 : i32
      %dma_wait3A_268 = tpu.memref_slice %arg9[%dma_wait3A_266, %dma_wait3A_267] : memref<1024x64xf32, #tpu.memory_space<vmem>> -> memref<128x64xf32, #tpu.memory_space<vmem>>
      %dma_wait3A_269 = arith.constant 0 : i32
      %dma_wait3A_270 = tpu.memref_slice %arg8[%dma_wait3A_264, %dma_wait3A_269] : memref<16x128xi32, #tpu.memory_space<vmem>> -> memref<1x128xi32, #tpu.memory_space<vmem>>
      %dma_wait3A_271 = tpu.memref_squeeze %dma_wait3A_270 : memref<1x128xi32, #tpu.memory_space<vmem>> -> memref<128xi32, #tpu.memory_space<vmem>>
      %dma_wait3A_272 = arith.constant 0 : i32
      %dma_wait3A_273 = arith.constant 0 : i32
      %dma_wait3A_274 = tpu.memref_slice %arg2[%dma_wait3A_272, %dma_wait3A_273] : memref<20002x64xf32, #tpu.memory_space<hbm>> -> memref<20002x64xf32, #tpu.memory_space<hbm>>
      %dma_wait3A_275 = tpu.memref_slice %arg11[%dma_wait3A_265] : memref<2x!tpu.dma_semaphore, #tpu.memory_space<semaphore_mem>> -> memref<1x!tpu.dma_semaphore, #tpu.memory_space<semaphore_mem>>
      %dma_wait3A_276 = tpu.memref_squeeze %dma_wait3A_275 : memref<1x!tpu.dma_semaphore, #tpu.memory_space<semaphore_mem>> -> memref<!tpu.dma_semaphore, #tpu.memory_space<semaphore_mem>>
      tpu.wait_indirect_dma semaphore(%dma_wait3A_276 : memref<!tpu.dma_semaphore, #tpu.memory_space<semaphore_mem>>) src(%dma_wait3A_274 : memref<20002x64xf32, #tpu.memory_space<hbm>>) dst(%dma_wait3A_268 : memref<128x64xf32, #tpu.memory_space<vmem>>)
      %dma_wait3A_277 = arith.constant 11 : i32
      %dma_wait3A_278 = arith.constant 1 : i32
      %dma_wait3A_279 = arith.constant 896 : i32
      %dma_wait3A_280 = arith.constant 0 : i32
      %dma_wait3A_281 = tpu.memref_slice %arg9[%dma_wait3A_279, %dma_wait3A_280] : memref<1024x64xf32, #tpu.memory_space<vmem>> -> memref<128x64xf32, #tpu.memory_space<vmem>>
      %dma_wait3A_282 = arith.constant 0 : i32
      %dma_wait3A_283 = tpu.memref_slice %arg8[%dma_wait3A_277, %dma_wait3A_282] : memref<16x128xi32, #tpu.memory_space<vmem>> -> memref<1x128xi32, #tpu.memory_space<vmem>>
      %dma_wait3A_284 = tpu.memref_squeeze %dma_wait3A_283 : memref<1x128xi32, #tpu.memory_space<vmem>> -> memref<128xi32, #tpu.memory_space<vmem>>
      %dma_wait3A_285 = arith.constant 0 : i32
      %dma_wait3A_286 = arith.constant 0 : i32
      %dma_wait3A_287 = tpu.memref_slice %arg2[%dma_wait3A_285, %dma_wait3A_286] : memref<20002x64xf32, #tpu.memory_space<hbm>> -> memref<20002x64xf32, #tpu.memory_space<hbm>>
      %dma_wait3A_288 = tpu.memref_slice %arg11[%dma_wait3A_278] : memref<2x!tpu.dma_semaphore, #tpu.memory_space<semaphore_mem>> -> memref<1x!tpu.dma_semaphore, #tpu.memory_space<semaphore_mem>>
      %dma_wait3A_289 = tpu.memref_squeeze %dma_wait3A_288 : memref<1x!tpu.dma_semaphore, #tpu.memory_space<semaphore_mem>> -> memref<!tpu.dma_semaphore, #tpu.memory_space<semaphore_mem>>
      tpu.wait_indirect_dma semaphore(%dma_wait3A_289 : memref<!tpu.dma_semaphore, #tpu.memory_space<semaphore_mem>>) src(%dma_wait3A_287 : memref<20002x64xf32, #tpu.memory_space<hbm>>) dst(%dma_wait3A_281 : memref<128x64xf32, #tpu.memory_space<vmem>>)
      %run_scoped3A_290 = arith.constant 12 : i32
      "tpu.region"() ({
        %run_scoped3A_295 = tpu.sem_alloc : memref<!tpu.dma_semaphore, #tpu.memory_space<semaphore_mem>>
        %dma_start3A_296 = arith.constant 512 : i32
        %dma_start3A_297 = arith.constant 0 : i32
        %dma_start3A_298 = tpu.memref_slice %arg9[%dma_start3A_296, %dma_start3A_297] : memref<1024x64xf32, #tpu.memory_space<vmem>> -> memref<128x64xf32, #tpu.memory_space<vmem>>
        %dma_start3A_299 = arith.constant 0 : i32
        %dma_start3A_300 = tpu.memref_slice %arg8[%run_scoped3A_290, %dma_start3A_299] : memref<16x128xi32, #tpu.memory_space<vmem>> -> memref<1x128xi32, #tpu.memory_space<vmem>>
        %dma_start3A_301 = tpu.memref_squeeze %dma_start3A_300 : memref<1x128xi32, #tpu.memory_space<vmem>> -> memref<128xi32, #tpu.memory_space<vmem>>
        %dma_start3A_302 = arith.constant 0 : i32
        %dma_start3A_303 = arith.constant 0 : i32
        %dma_start3A_304 = tpu.memref_slice %arg12[%dma_start3A_302, %dma_start3A_303] : memref<10240x64xf32, #tpu.memory_space<vmem_shared>> -> memref<10240x64xf32, #tpu.memory_space<vmem_shared>>
        tpu.enqueue_indirect_dma source(%dma_start3A_298 : memref<128x64xf32, #tpu.memory_space<vmem>>) target(%dma_start3A_304 : memref<10240x64xf32, #tpu.memory_space<vmem_shared>>) offsets(%dma_start3A_301 : memref<128xi32, #tpu.memory_space<vmem>>) semaphore(%run_scoped3A_295 : memref<!tpu.dma_semaphore, #tpu.memory_space<semaphore_mem>>) {add = true}
        %dma_wait3A_305 = arith.constant 512 : i32
        %dma_wait3A_306 = arith.constant 0 : i32
        %dma_wait3A_307 = tpu.memref_slice %arg9[%dma_wait3A_305, %dma_wait3A_306] : memref<1024x64xf32, #tpu.memory_space<vmem>> -> memref<128x64xf32, #tpu.memory_space<vmem>>
        %dma_wait3A_308 = arith.constant 0 : i32
        %dma_wait3A_309 = tpu.memref_slice %arg8[%run_scoped3A_290, %dma_wait3A_308] : memref<16x128xi32, #tpu.memory_space<vmem>> -> memref<1x128xi32, #tpu.memory_space<vmem>>
        %dma_wait3A_310 = tpu.memref_squeeze %dma_wait3A_309 : memref<1x128xi32, #tpu.memory_space<vmem>> -> memref<128xi32, #tpu.memory_space<vmem>>
        %dma_wait3A_311 = arith.constant 0 : i32
        %dma_wait3A_312 = arith.constant 0 : i32
        %dma_wait3A_313 = tpu.memref_slice %arg12[%dma_wait3A_311, %dma_wait3A_312] : memref<10240x64xf32, #tpu.memory_space<vmem_shared>> -> memref<10240x64xf32, #tpu.memory_space<vmem_shared>>
        tpu.wait_indirect_dma semaphore(%run_scoped3A_295 : memref<!tpu.dma_semaphore, #tpu.memory_space<semaphore_mem>>) src(%dma_wait3A_307 : memref<128x64xf32, #tpu.memory_space<vmem>>) dst(%dma_wait3A_313 : memref<10240x64xf32, #tpu.memory_space<vmem_shared>>)
        tpu.yield
      }) : () -> ()
      %run_scoped3A_291 = arith.constant 13 : i32
      "tpu.region"() ({
        %run_scoped3A_295 = tpu.sem_alloc : memref<!tpu.dma_semaphore, #tpu.memory_space<semaphore_mem>>
        %dma_start3A_296 = arith.constant 640 : i32
        %dma_start3A_297 = arith.constant 0 : i32
        %dma_start3A_298 = tpu.memref_slice %arg9[%dma_start3A_296, %dma_start3A_297] : memref<1024x64xf32, #tpu.memory_space<vmem>> -> memref<128x64xf32, #tpu.memory_space<vmem>>
        %dma_start3A_299 = arith.constant 0 : i32
        %dma_start3A_300 = tpu.memref_slice %arg8[%run_scoped3A_291, %dma_start3A_299] : memref<16x128xi32, #tpu.memory_space<vmem>> -> memref<1x128xi32, #tpu.memory_space<vmem>>
        %dma_start3A_301 = tpu.memref_squeeze %dma_start3A_300 : memref<1x128xi32, #tpu.memory_space<vmem>> -> memref<128xi32, #tpu.memory_space<vmem>>
        %dma_start3A_302 = arith.constant 0 : i32
        %dma_start3A_303 = arith.constant 0 : i32
        %dma_start3A_304 = tpu.memref_slice %arg12[%dma_start3A_302, %dma_start3A_303] : memref<10240x64xf32, #tpu.memory_space<vmem_shared>> -> memref<10240x64xf32, #tpu.memory_space<vmem_shared>>
        tpu.enqueue_indirect_dma source(%dma_start3A_298 : memref<128x64xf32, #tpu.memory_space<vmem>>) target(%dma_start3A_304 : memref<10240x64xf32, #tpu.memory_space<vmem_shared>>) offsets(%dma_start3A_301 : memref<128xi32, #tpu.memory_space<vmem>>) semaphore(%run_scoped3A_295 : memref<!tpu.dma_semaphore, #tpu.memory_space<semaphore_mem>>) {add = true}
        %dma_wait3A_305 = arith.constant 640 : i32
        %dma_wait3A_306 = arith.constant 0 : i32
        %dma_wait3A_307 = tpu.memref_slice %arg9[%dma_wait3A_305, %dma_wait3A_306] : memref<1024x64xf32, #tpu.memory_space<vmem>> -> memref<128x64xf32, #tpu.memory_space<vmem>>
        %dma_wait3A_308 = arith.constant 0 : i32
        %dma_wait3A_309 = tpu.memref_slice %arg8[%run_scoped3A_291, %dma_wait3A_308] : memref<16x128xi32, #tpu.memory_space<vmem>> -> memref<1x128xi32, #tpu.memory_space<vmem>>
        %dma_wait3A_310 = tpu.memref_squeeze %dma_wait3A_309 : memref<1x128xi32, #tpu.memory_space<vmem>> -> memref<128xi32, #tpu.memory_space<vmem>>
        %dma_wait3A_311 = arith.constant 0 : i32
        %dma_wait3A_312 = arith.constant 0 : i32
        %dma_wait3A_313 = tpu.memref_slice %arg12[%dma_wait3A_311, %dma_wait3A_312] : memref<10240x64xf32, #tpu.memory_space<vmem_shared>> -> memref<10240x64xf32, #tpu.memory_space<vmem_shared>>
        tpu.wait_indirect_dma semaphore(%run_scoped3A_295 : memref<!tpu.dma_semaphore, #tpu.memory_space<semaphore_mem>>) src(%dma_wait3A_307 : memref<128x64xf32, #tpu.memory_space<vmem>>) dst(%dma_wait3A_313 : memref<10240x64xf32, #tpu.memory_space<vmem_shared>>)
        tpu.yield
      }) : () -> ()
      %run_scoped3A_292 = arith.constant 14 : i32
      "tpu.region"() ({
        %run_scoped3A_295 = tpu.sem_alloc : memref<!tpu.dma_semaphore, #tpu.memory_space<semaphore_mem>>
        %dma_start3A_296 = arith.constant 768 : i32
        %dma_start3A_297 = arith.constant 0 : i32
        %dma_start3A_298 = tpu.memref_slice %arg9[%dma_start3A_296, %dma_start3A_297] : memref<1024x64xf32, #tpu.memory_space<vmem>> -> memref<128x64xf32, #tpu.memory_space<vmem>>
        %dma_start3A_299 = arith.constant 0 : i32
        %dma_start3A_300 = tpu.memref_slice %arg8[%run_scoped3A_292, %dma_start3A_299] : memref<16x128xi32, #tpu.memory_space<vmem>> -> memref<1x128xi32, #tpu.memory_space<vmem>>
        %dma_start3A_301 = tpu.memref_squeeze %dma_start3A_300 : memref<1x128xi32, #tpu.memory_space<vmem>> -> memref<128xi32, #tpu.memory_space<vmem>>
        %dma_start3A_302 = arith.constant 0 : i32
        %dma_start3A_303 = arith.constant 0 : i32
        %dma_start3A_304 = tpu.memref_slice %arg12[%dma_start3A_302, %dma_start3A_303] : memref<10240x64xf32, #tpu.memory_space<vmem_shared>> -> memref<10240x64xf32, #tpu.memory_space<vmem_shared>>
        tpu.enqueue_indirect_dma source(%dma_start3A_298 : memref<128x64xf32, #tpu.memory_space<vmem>>) target(%dma_start3A_304 : memref<10240x64xf32, #tpu.memory_space<vmem_shared>>) offsets(%dma_start3A_301 : memref<128xi32, #tpu.memory_space<vmem>>) semaphore(%run_scoped3A_295 : memref<!tpu.dma_semaphore, #tpu.memory_space<semaphore_mem>>) {add = true}
        %dma_wait3A_305 = arith.constant 768 : i32
        %dma_wait3A_306 = arith.constant 0 : i32
        %dma_wait3A_307 = tpu.memref_slice %arg9[%dma_wait3A_305, %dma_wait3A_306] : memref<1024x64xf32, #tpu.memory_space<vmem>> -> memref<128x64xf32, #tpu.memory_space<vmem>>
        %dma_wait3A_308 = arith.constant 0 : i32
        %dma_wait3A_309 = tpu.memref_slice %arg8[%run_scoped3A_292, %dma_wait3A_308] : memref<16x128xi32, #tpu.memory_space<vmem>> -> memref<1x128xi32, #tpu.memory_space<vmem>>
        %dma_wait3A_310 = tpu.memref_squeeze %dma_wait3A_309 : memref<1x128xi32, #tpu.memory_space<vmem>> -> memref<128xi32, #tpu.memory_space<vmem>>
        %dma_wait3A_311 = arith.constant 0 : i32
        %dma_wait3A_312 = arith.constant 0 : i32
        %dma_wait3A_313 = tpu.memref_slice %arg12[%dma_wait3A_311, %dma_wait3A_312] : memref<10240x64xf32, #tpu.memory_space<vmem_shared>> -> memref<10240x64xf32, #tpu.memory_space<vmem_shared>>
        tpu.wait_indirect_dma semaphore(%run_scoped3A_295 : memref<!tpu.dma_semaphore, #tpu.memory_space<semaphore_mem>>) src(%dma_wait3A_307 : memref<128x64xf32, #tpu.memory_space<vmem>>) dst(%dma_wait3A_313 : memref<10240x64xf32, #tpu.memory_space<vmem_shared>>)
        tpu.yield
      }) : () -> ()
      %run_scoped3A_293 = arith.constant 15 : i32
      "tpu.region"() ({
        %run_scoped3A_295 = tpu.sem_alloc : memref<!tpu.dma_semaphore, #tpu.memory_space<semaphore_mem>>
        %dma_start3A_296 = arith.constant 896 : i32
        %dma_start3A_297 = arith.constant 0 : i32
        %dma_start3A_298 = tpu.memref_slice %arg9[%dma_start3A_296, %dma_start3A_297] : memref<1024x64xf32, #tpu.memory_space<vmem>> -> memref<128x64xf32, #tpu.memory_space<vmem>>
        %dma_start3A_299 = arith.constant 0 : i32
        %dma_start3A_300 = tpu.memref_slice %arg8[%run_scoped3A_293, %dma_start3A_299] : memref<16x128xi32, #tpu.memory_space<vmem>> -> memref<1x128xi32, #tpu.memory_space<vmem>>
        %dma_start3A_301 = tpu.memref_squeeze %dma_start3A_300 : memref<1x128xi32, #tpu.memory_space<vmem>> -> memref<128xi32, #tpu.memory_space<vmem>>
        %dma_start3A_302 = arith.constant 0 : i32
        %dma_start3A_303 = arith.constant 0 : i32
        %dma_start3A_304 = tpu.memref_slice %arg12[%dma_start3A_302, %dma_start3A_303] : memref<10240x64xf32, #tpu.memory_space<vmem_shared>> -> memref<10240x64xf32, #tpu.memory_space<vmem_shared>>
        tpu.enqueue_indirect_dma source(%dma_start3A_298 : memref<128x64xf32, #tpu.memory_space<vmem>>) target(%dma_start3A_304 : memref<10240x64xf32, #tpu.memory_space<vmem_shared>>) offsets(%dma_start3A_301 : memref<128xi32, #tpu.memory_space<vmem>>) semaphore(%run_scoped3A_295 : memref<!tpu.dma_semaphore, #tpu.memory_space<semaphore_mem>>) {add = true}
        %dma_wait3A_305 = arith.constant 896 : i32
        %dma_wait3A_306 = arith.constant 0 : i32
        %dma_wait3A_307 = tpu.memref_slice %arg9[%dma_wait3A_305, %dma_wait3A_306] : memref<1024x64xf32, #tpu.memory_space<vmem>> -> memref<128x64xf32, #tpu.memory_space<vmem>>
        %dma_wait3A_308 = arith.constant 0 : i32
        %dma_wait3A_309 = tpu.memref_slice %arg8[%run_scoped3A_293, %dma_wait3A_308] : memref<16x128xi32, #tpu.memory_space<vmem>> -> memref<1x128xi32, #tpu.memory_space<vmem>>
        %dma_wait3A_310 = tpu.memref_squeeze %dma_wait3A_309 : memref<1x128xi32, #tpu.memory_space<vmem>> -> memref<128xi32, #tpu.memory_space<vmem>>
        %dma_wait3A_311 = arith.constant 0 : i32
        %dma_wait3A_312 = arith.constant 0 : i32
        %dma_wait3A_313 = tpu.memref_slice %arg12[%dma_wait3A_311, %dma_wait3A_312] : memref<10240x64xf32, #tpu.memory_space<vmem_shared>> -> memref<10240x64xf32, #tpu.memory_space<vmem_shared>>
        tpu.wait_indirect_dma semaphore(%run_scoped3A_295 : memref<!tpu.dma_semaphore, #tpu.memory_space<semaphore_mem>>) src(%dma_wait3A_307 : memref<128x64xf32, #tpu.memory_space<vmem>>) dst(%dma_wait3A_313 : memref<10240x64xf32, #tpu.memory_space<vmem_shared>>)
        tpu.yield
      }) : () -> ()
      %scan3A_294 = arith.constant 0 : i32
      scf.yield %scan3A_294 : i32
    }
    %scan3A_37 = arith.constant 20 : i32
    %scan3A_38 = arith.constant 0 : i32
    %scan3A_39 = arith.constant 0 : i32
    %scan3A_40 = arith.constant 20 : i32
    %scan3A_41 = arith.addi %scan3A_39, %scan3A_40 : i32
    %scan3A_42 = arith.constant 1 : i32
    %scan3A_43 = scf.for %scan3A_56 = %scan3A_39 to %scan3A_41 step %scan3A_42 iter_args(%scan3A_57 = %scan3A_38) -> (i32)  : i32 {
      %mul3A_58 = arith.constant 80 : i32
      %mul3A_59 = arith.muli %add3A, %mul3A_58 : i32
      %mul3A_60 = arith.constant 2 : i32
      %mul3A_61 = arith.muli %scan3A_56, %mul3A_60 : i32
      %mul3A_62 = arith.constant 2 : i32
      %mul3A_63 = arith.muli %mul3A_61, %mul3A_62 : i32
      %add3A_64 = arith.addi %mul3A_59, %mul3A_63 : i32
      %add3A_65 = arith.constant 0 : i32
      %add3A_66 = arith.addi %add3A_64, %add3A_65 : i32
      "tpu.region"() ({
        %run_scoped3A_127 = tpu.sem_alloc : memref<!tpu.dma_semaphore, #tpu.memory_space<semaphore_mem>>
        %dma_start3A_128 = arith.constant 0 : i32
        %dma_start3A_129 = arith.constant 0 : i32
        %dma_start3A_130 = tpu.memref_slice %arg8[%dma_start3A_128, %dma_start3A_129] : memref<16x128xi32, #tpu.memory_space<vmem>> -> memref<2x128xi32, #tpu.memory_space<vmem>>
        %dma_start3A_131 = arith.constant 0 : i32
        %dma_start3A_132 = tpu.memref_slice %arg4[%add3A_66, %dma_start3A_131] : memref<2560x128xi32, #tpu.memory_space<hbm>> -> memref<2x128xi32, #tpu.memory_space<hbm>>
        %dma_start3A_133 = arith.constant 0 : i32
        %dma_start3A_134 = arith.constant 0 : i32
        %dma_start3A_135 = tpu.memref_slice %arg8[%dma_start3A_133, %dma_start3A_134] : memref<16x128xi32, #tpu.memory_space<vmem>> -> memref<2x128xi32, #tpu.memory_space<vmem>>
        %dma_start3A_136 = arith.constant 0 : i32
        %dma_start3A_137 = tpu.memref_slice %arg4[%add3A_66, %dma_start3A_136] : memref<2560x128xi32, #tpu.memory_space<hbm>> -> memref<2x128xi32, #tpu.memory_space<hbm>>
        tpu.enqueue_dma source(%dma_start3A_137 : memref<2x128xi32, #tpu.memory_space<hbm>>) target(%dma_start3A_135 : memref<2x128xi32, #tpu.memory_space<vmem>>) target_semaphore(%run_scoped3A_127 : memref<!tpu.dma_semaphore, #tpu.memory_space<semaphore_mem>>)
        %dma_wait3A_138 = arith.constant 0 : i32
        %dma_wait3A_139 = arith.constant 0 : i32
        %dma_wait3A_140 = tpu.memref_slice %arg8[%dma_wait3A_138, %dma_wait3A_139] : memref<16x128xi32, #tpu.memory_space<vmem>> -> memref<2x128xi32, #tpu.memory_space<vmem>>
        %dma_wait3A_141 = arith.constant 0 : i32
        %dma_wait3A_142 = tpu.memref_slice %arg4[%add3A_66, %dma_wait3A_141] : memref<2560x128xi32, #tpu.memory_space<hbm>> -> memref<2x128xi32, #tpu.memory_space<hbm>>
        %dma_wait3A_143 = arith.constant 0 : i32
        %dma_wait3A_144 = arith.constant 0 : i32
        %dma_wait3A_145 = tpu.memref_slice %arg8[%dma_wait3A_143, %dma_wait3A_144] : memref<16x128xi32, #tpu.memory_space<vmem>> -> memref<2x128xi32, #tpu.memory_space<vmem>>
        %dma_wait3A_146 = arith.constant 0 : i32
        %dma_wait3A_147 = tpu.memref_slice %arg4[%add3A_66, %dma_wait3A_146] : memref<2560x128xi32, #tpu.memory_space<hbm>> -> memref<2x128xi32, #tpu.memory_space<hbm>>
        tpu.wait_dma2 semaphore(%run_scoped3A_127 : memref<!tpu.dma_semaphore, #tpu.memory_space<semaphore_mem>>) src(%dma_wait3A_147 : memref<2x128xi32, #tpu.memory_space<hbm>>) dst(%dma_wait3A_145 : memref<2x128xi32, #tpu.memory_space<vmem>>)
        tpu.yield
      }) : () -> ()
      %mul3A_67 = arith.constant 128 : i32
      %mul3A_68 = arith.muli %add3A_66, %mul3A_67 : i32
      %dma_start3A = arith.constant 0 : i32
      %dma_start3A_69 = arith.constant 0 : i32
      %dma_start3A_70 = arith.constant 0 : i32
      %dma_start3A_71 = tpu.memref_slice %arg10[%dma_start3A_69, %dma_start3A_70] : memref<512x16xf32, #tpu.memory_space<vmem>> -> memref<256x16xf32, #tpu.memory_space<vmem>>
      %dma_start3A_72 = arith.constant 0 : i32
      %dma_start3A_73 = tpu.memref_slice %arg5[%mul3A_68, %dma_start3A_72] : memref<327680x16xf32, #tpu.memory_space<hbm>> -> memref<256x16xf32, #tpu.memory_space<hbm>>
      %dma_start3A_74 = tpu.memref_slice %arg11[%dma_start3A] : memref<2x!tpu.dma_semaphore, #tpu.memory_space<semaphore_mem>> -> memref<1x!tpu.dma_semaphore, #tpu.memory_space<semaphore_mem>>
      %dma_start3A_75 = tpu.memref_squeeze %dma_start3A_74 : memref<1x!tpu.dma_semaphore, #tpu.memory_space<semaphore_mem>> -> memref<!tpu.dma_semaphore, #tpu.memory_space<semaphore_mem>>
      %dma_start3A_76 = arith.constant 0 : i32
      %dma_start3A_77 = arith.constant 0 : i32
      %dma_start3A_78 = tpu.memref_slice %arg10[%dma_start3A_76, %dma_start3A_77] : memref<512x16xf32, #tpu.memory_space<vmem>> -> memref<256x16xf32, #tpu.memory_space<vmem>>
      %dma_start3A_79 = arith.constant 0 : i32
      %dma_start3A_80 = tpu.memref_slice %arg5[%mul3A_68, %dma_start3A_79] : memref<327680x16xf32, #tpu.memory_space<hbm>> -> memref<256x16xf32, #tpu.memory_space<hbm>>
      tpu.enqueue_dma source(%dma_start3A_80 : memref<256x16xf32, #tpu.memory_space<hbm>>) target(%dma_start3A_78 : memref<256x16xf32, #tpu.memory_space<vmem>>) target_semaphore(%dma_start3A_75 : memref<!tpu.dma_semaphore, #tpu.memory_space<semaphore_mem>>)
      %add3A_81 = arith.constant 2 : i32
      %add3A_82 = arith.addi %add3A_64, %add3A_81 : i32
      "tpu.region"() ({
        %run_scoped3A_127 = tpu.sem_alloc : memref<!tpu.dma_semaphore, #tpu.memory_space<semaphore_mem>>
        %dma_start3A_128 = arith.constant 2 : i32
        %dma_start3A_129 = arith.constant 0 : i32
        %dma_start3A_130 = tpu.memref_slice %arg8[%dma_start3A_128, %dma_start3A_129] : memref<16x128xi32, #tpu.memory_space<vmem>> -> memref<2x128xi32, #tpu.memory_space<vmem>>
        %dma_start3A_131 = arith.constant 0 : i32
        %dma_start3A_132 = tpu.memref_slice %arg4[%add3A_82, %dma_start3A_131] : memref<2560x128xi32, #tpu.memory_space<hbm>> -> memref<2x128xi32, #tpu.memory_space<hbm>>
        %dma_start3A_133 = arith.constant 2 : i32
        %dma_start3A_134 = arith.constant 0 : i32
        %dma_start3A_135 = tpu.memref_slice %arg8[%dma_start3A_133, %dma_start3A_134] : memref<16x128xi32, #tpu.memory_space<vmem>> -> memref<2x128xi32, #tpu.memory_space<vmem>>
        %dma_start3A_136 = arith.constant 0 : i32
        %dma_start3A_137 = tpu.memref_slice %arg4[%add3A_82, %dma_start3A_136] : memref<2560x128xi32, #tpu.memory_space<hbm>> -> memref<2x128xi32, #tpu.memory_space<hbm>>
        tpu.enqueue_dma source(%dma_start3A_137 : memref<2x128xi32, #tpu.memory_space<hbm>>) target(%dma_start3A_135 : memref<2x128xi32, #tpu.memory_space<vmem>>) target_semaphore(%run_scoped3A_127 : memref<!tpu.dma_semaphore, #tpu.memory_space<semaphore_mem>>)
        %dma_wait3A_138 = arith.constant 2 : i32
        %dma_wait3A_139 = arith.constant 0 : i32
        %dma_wait3A_140 = tpu.memref_slice %arg8[%dma_wait3A_138, %dma_wait3A_139] : memref<16x128xi32, #tpu.memory_space<vmem>> -> memref<2x128xi32, #tpu.memory_space<vmem>>
        %dma_wait3A_141 = arith.constant 0 : i32
        %dma_wait3A_142 = tpu.memref_slice %arg4[%add3A_82, %dma_wait3A_141] : memref<2560x128xi32, #tpu.memory_space<hbm>> -> memref<2x128xi32, #tpu.memory_space<hbm>>
        %dma_wait3A_143 = arith.constant 2 : i32
        %dma_wait3A_144 = arith.constant 0 : i32
        %dma_wait3A_145 = tpu.memref_slice %arg8[%dma_wait3A_143, %dma_wait3A_144] : memref<16x128xi32, #tpu.memory_space<vmem>> -> memref<2x128xi32, #tpu.memory_space<vmem>>
        %dma_wait3A_146 = arith.constant 0 : i32
        %dma_wait3A_147 = tpu.memref_slice %arg4[%add3A_82, %dma_wait3A_146] : memref<2560x128xi32, #tpu.memory_space<hbm>> -> memref<2x128xi32, #tpu.memory_space<hbm>>
        tpu.wait_dma2 semaphore(%run_scoped3A_127 : memref<!tpu.dma_semaphore, #tpu.memory_space<semaphore_mem>>) src(%dma_wait3A_147 : memref<2x128xi32, #tpu.memory_space<hbm>>) dst(%dma_wait3A_145 : memref<2x128xi32, #tpu.memory_space<vmem>>)
        tpu.yield
      }) : () -> ()
      %mul3A_83 = arith.constant 128 : i32
      %mul3A_84 = arith.muli %add3A_82, %mul3A_83 : i32
      %dma_start3A_85 = arith.constant 1 : i32
      %dma_start3A_86 = arith.constant 256 : i32
      %dma_start3A_87 = arith.constant 0 : i32
      %dma_start3A_88 = tpu.memref_slice %arg10[%dma_start3A_86, %dma_start3A_87] : memref<512x16xf32, #tpu.memory_space<vmem>> -> memref<256x16xf32, #tpu.memory_space<vmem>>
      %dma_start3A_89 = arith.constant 0 : i32
      %dma_start3A_90 = tpu.memref_slice %arg5[%mul3A_84, %dma_start3A_89] : memref<327680x16xf32, #tpu.memory_space<hbm>> -> memref<256x16xf32, #tpu.memory_space<hbm>>
      %dma_start3A_91 = tpu.memref_slice %arg11[%dma_start3A_85] : memref<2x!tpu.dma_semaphore, #tpu.memory_space<semaphore_mem>> -> memref<1x!tpu.dma_semaphore, #tpu.memory_space<semaphore_mem>>
      %dma_start3A_92 = tpu.memref_squeeze %dma_start3A_91 : memref<1x!tpu.dma_semaphore, #tpu.memory_space<semaphore_mem>> -> memref<!tpu.dma_semaphore, #tpu.memory_space<semaphore_mem>>
      %dma_start3A_93 = arith.constant 256 : i32
      %dma_start3A_94 = arith.constant 0 : i32
      %dma_start3A_95 = tpu.memref_slice %arg10[%dma_start3A_93, %dma_start3A_94] : memref<512x16xf32, #tpu.memory_space<vmem>> -> memref<256x16xf32, #tpu.memory_space<vmem>>
      %dma_start3A_96 = arith.constant 0 : i32
      %dma_start3A_97 = tpu.memref_slice %arg5[%mul3A_84, %dma_start3A_96] : memref<327680x16xf32, #tpu.memory_space<hbm>> -> memref<256x16xf32, #tpu.memory_space<hbm>>
      tpu.enqueue_dma source(%dma_start3A_97 : memref<256x16xf32, #tpu.memory_space<hbm>>) target(%dma_start3A_95 : memref<256x16xf32, #tpu.memory_space<vmem>>) target_semaphore(%dma_start3A_92 : memref<!tpu.dma_semaphore, #tpu.memory_space<semaphore_mem>>)
      %dma_wait3A = arith.constant 0 : i32
      %dma_wait3A_98 = arith.constant 0 : i32
      %dma_wait3A_99 = arith.constant 0 : i32
      %dma_wait3A_100 = tpu.memref_slice %arg10[%dma_wait3A_98, %dma_wait3A_99] : memref<512x16xf32, #tpu.memory_space<vmem>> -> memref<256x16xf32, #tpu.memory_space<vmem>>
      %dma_wait3A_101 = arith.constant 0 : i32
      %dma_wait3A_102 = tpu.memref_slice %arg5[%mul3A_68, %dma_wait3A_101] : memref<327680x16xf32, #tpu.memory_space<hbm>> -> memref<256x16xf32, #tpu.memory_space<hbm>>
      %dma_wait3A_103 = tpu.memref_slice %arg11[%dma_wait3A] : memref<2x!tpu.dma_semaphore, #tpu.memory_space<semaphore_mem>> -> memref<1x!tpu.dma_semaphore, #tpu.memory_space<semaphore_mem>>
      %dma_wait3A_104 = tpu.memref_squeeze %dma_wait3A_103 : memref<1x!tpu.dma_semaphore, #tpu.memory_space<semaphore_mem>> -> memref<!tpu.dma_semaphore, #tpu.memory_space<semaphore_mem>>
      %dma_wait3A_105 = arith.constant 0 : i32
      %dma_wait3A_106 = arith.constant 0 : i32
      %dma_wait3A_107 = tpu.memref_slice %arg10[%dma_wait3A_105, %dma_wait3A_106] : memref<512x16xf32, #tpu.memory_space<vmem>> -> memref<256x16xf32, #tpu.memory_space<vmem>>
      %dma_wait3A_108 = arith.constant 0 : i32
      %dma_wait3A_109 = tpu.memref_slice %arg5[%mul3A_68, %dma_wait3A_108] : memref<327680x16xf32, #tpu.memory_space<hbm>> -> memref<256x16xf32, #tpu.memory_space<hbm>>
      tpu.wait_dma2 semaphore(%dma_wait3A_104 : memref<!tpu.dma_semaphore, #tpu.memory_space<semaphore_mem>>) src(%dma_wait3A_109 : memref<256x16xf32, #tpu.memory_space<hbm>>) dst(%dma_wait3A_107 : memref<256x16xf32, #tpu.memory_space<vmem>>)
      %run_scoped3A = arith.constant 0 : i32
      "tpu.region"() ({
        %run_scoped3A_127 = tpu.sem_alloc : memref<!tpu.dma_semaphore, #tpu.memory_space<semaphore_mem>>
        %dma_start3A_128 = arith.constant 0 : i32
        %dma_start3A_129 = arith.constant 0 : i32
        %dma_start3A_130 = tpu.memref_slice %arg10[%dma_start3A_128, %dma_start3A_129] : memref<512x16xf32, #tpu.memory_space<vmem>> -> memref<128x16xf32, #tpu.memory_space<vmem>>
        %dma_start3A_131 = arith.constant 0 : i32
        %dma_start3A_132 = tpu.memref_slice %arg8[%run_scoped3A, %dma_start3A_131] : memref<16x128xi32, #tpu.memory_space<vmem>> -> memref<1x128xi32, #tpu.memory_space<vmem>>
        %dma_start3A_133 = tpu.memref_squeeze %dma_start3A_132 : memref<1x128xi32, #tpu.memory_space<vmem>> -> memref<128xi32, #tpu.memory_space<vmem>>
        %dma_start3A_134 = arith.constant 0 : i32
        %dma_start3A_135 = arith.constant 0 : i32
        %dma_start3A_136 = tpu.memref_slice %arg13[%dma_start3A_134, %dma_start3A_135] : memref<10240x16xf32, #tpu.memory_space<vmem_shared>> -> memref<10240x16xf32, #tpu.memory_space<vmem_shared>>
        tpu.enqueue_indirect_dma source(%dma_start3A_130 : memref<128x16xf32, #tpu.memory_space<vmem>>) target(%dma_start3A_136 : memref<10240x16xf32, #tpu.memory_space<vmem_shared>>) offsets(%dma_start3A_133 : memref<128xi32, #tpu.memory_space<vmem>>) semaphore(%run_scoped3A_127 : memref<!tpu.dma_semaphore, #tpu.memory_space<semaphore_mem>>) {add = true}
        %dma_wait3A_137 = arith.constant 0 : i32
        %dma_wait3A_138 = arith.constant 0 : i32
        %dma_wait3A_139 = tpu.memref_slice %arg10[%dma_wait3A_137, %dma_wait3A_138] : memref<512x16xf32, #tpu.memory_space<vmem>> -> memref<128x16xf32, #tpu.memory_space<vmem>>
        %dma_wait3A_140 = arith.constant 0 : i32
        %dma_wait3A_141 = tpu.memref_slice %arg8[%run_scoped3A, %dma_wait3A_140] : memref<16x128xi32, #tpu.memory_space<vmem>> -> memref<1x128xi32, #tpu.memory_space<vmem>>
        %dma_wait3A_142 = tpu.memref_squeeze %dma_wait3A_141 : memref<1x128xi32, #tpu.memory_space<vmem>> -> memref<128xi32, #tpu.memory_space<vmem>>
        %dma_wait3A_143 = arith.constant 0 : i32
        %dma_wait3A_144 = arith.constant 0 : i32
        %dma_wait3A_145 = tpu.memref_slice %arg13[%dma_wait3A_143, %dma_wait3A_144] : memref<10240x16xf32, #tpu.memory_space<vmem_shared>> -> memref<10240x16xf32, #tpu.memory_space<vmem_shared>>
        tpu.wait_indirect_dma semaphore(%run_scoped3A_127 : memref<!tpu.dma_semaphore, #tpu.memory_space<semaphore_mem>>) src(%dma_wait3A_139 : memref<128x16xf32, #tpu.memory_space<vmem>>) dst(%dma_wait3A_145 : memref<10240x16xf32, #tpu.memory_space<vmem_shared>>)
        tpu.yield
      }) : () -> ()
      %run_scoped3A_110 = arith.constant 1 : i32
      "tpu.region"() ({
        %run_scoped3A_127 = tpu.sem_alloc : memref<!tpu.dma_semaphore, #tpu.memory_space<semaphore_mem>>
        %dma_start3A_128 = arith.constant 128 : i32
        %dma_start3A_129 = arith.constant 0 : i32
        %dma_start3A_130 = tpu.memref_slice %arg10[%dma_start3A_128, %dma_start3A_129] : memref<512x16xf32, #tpu.memory_space<vmem>> -> memref<128x16xf32, #tpu.memory_space<vmem>>
        %dma_start3A_131 = arith.constant 0 : i32
        %dma_start3A_132 = tpu.memref_slice %arg8[%run_scoped3A_110, %dma_start3A_131] : memref<16x128xi32, #tpu.memory_space<vmem>> -> memref<1x128xi32, #tpu.memory_space<vmem>>
        %dma_start3A_133 = tpu.memref_squeeze %dma_start3A_132 : memref<1x128xi32, #tpu.memory_space<vmem>> -> memref<128xi32, #tpu.memory_space<vmem>>
        %dma_start3A_134 = arith.constant 0 : i32
        %dma_start3A_135 = arith.constant 0 : i32
        %dma_start3A_136 = tpu.memref_slice %arg13[%dma_start3A_134, %dma_start3A_135] : memref<10240x16xf32, #tpu.memory_space<vmem_shared>> -> memref<10240x16xf32, #tpu.memory_space<vmem_shared>>
        tpu.enqueue_indirect_dma source(%dma_start3A_130 : memref<128x16xf32, #tpu.memory_space<vmem>>) target(%dma_start3A_136 : memref<10240x16xf32, #tpu.memory_space<vmem_shared>>) offsets(%dma_start3A_133 : memref<128xi32, #tpu.memory_space<vmem>>) semaphore(%run_scoped3A_127 : memref<!tpu.dma_semaphore, #tpu.memory_space<semaphore_mem>>) {add = true}
        %dma_wait3A_137 = arith.constant 128 : i32
        %dma_wait3A_138 = arith.constant 0 : i32
        %dma_wait3A_139 = tpu.memref_slice %arg10[%dma_wait3A_137, %dma_wait3A_138] : memref<512x16xf32, #tpu.memory_space<vmem>> -> memref<128x16xf32, #tpu.memory_space<vmem>>
        %dma_wait3A_140 = arith.constant 0 : i32
        %dma_wait3A_141 = tpu.memref_slice %arg8[%run_scoped3A_110, %dma_wait3A_140] : memref<16x128xi32, #tpu.memory_space<vmem>> -> memref<1x128xi32, #tpu.memory_space<vmem>>
        %dma_wait3A_142 = tpu.memref_squeeze %dma_wait3A_141 : memref<1x128xi32, #tpu.memory_space<vmem>> -> memref<128xi32, #tpu.memory_space<vmem>>
        %dma_wait3A_143 = arith.constant 0 : i32
        %dma_wait3A_144 = arith.constant 0 : i32
        %dma_wait3A_145 = tpu.memref_slice %arg13[%dma_wait3A_143, %dma_wait3A_144] : memref<10240x16xf32, #tpu.memory_space<vmem_shared>> -> memref<10240x16xf32, #tpu.memory_space<vmem_shared>>
        tpu.wait_indirect_dma semaphore(%run_scoped3A_127 : memref<!tpu.dma_semaphore, #tpu.memory_space<semaphore_mem>>) src(%dma_wait3A_139 : memref<128x16xf32, #tpu.memory_space<vmem>>) dst(%dma_wait3A_145 : memref<10240x16xf32, #tpu.memory_space<vmem_shared>>)
        tpu.yield
      }) : () -> ()
      %dma_wait3A_111 = arith.constant 1 : i32
      %dma_wait3A_112 = arith.constant 256 : i32
      %dma_wait3A_113 = arith.constant 0 : i32
      %dma_wait3A_114 = tpu.memref_slice %arg10[%dma_wait3A_112, %dma_wait3A_113] : memref<512x16xf32, #tpu.memory_space<vmem>> -> memref<256x16xf32, #tpu.memory_space<vmem>>
      %dma_wait3A_115 = arith.constant 0 : i32
      %dma_wait3A_116 = tpu.memref_slice %arg5[%mul3A_84, %dma_wait3A_115] : memref<327680x16xf32, #tpu.memory_space<hbm>> -> memref<256x16xf32, #tpu.memory_space<hbm>>
      %dma_wait3A_117 = tpu.memref_slice %arg11[%dma_wait3A_111] : memref<2x!tpu.dma_semaphore, #tpu.memory_space<semaphore_mem>> -> memref<1x!tpu.dma_semaphore, #tpu.memory_space<semaphore_mem>>
      %dma_wait3A_118 = tpu.memref_squeeze %dma_wait3A_117 : memref<1x!tpu.dma_semaphore, #tpu.memory_space<semaphore_mem>> -> memref<!tpu.dma_semaphore, #tpu.memory_space<semaphore_mem>>
      %dma_wait3A_119 = arith.constant 256 : i32
      %dma_wait3A_120 = arith.constant 0 : i32
      %dma_wait3A_121 = tpu.memref_slice %arg10[%dma_wait3A_119, %dma_wait3A_120] : memref<512x16xf32, #tpu.memory_space<vmem>> -> memref<256x16xf32, #tpu.memory_space<vmem>>
      %dma_wait3A_122 = arith.constant 0 : i32
      %dma_wait3A_123 = tpu.memref_slice %arg5[%mul3A_84, %dma_wait3A_122] : memref<327680x16xf32, #tpu.memory_space<hbm>> -> memref<256x16xf32, #tpu.memory_space<hbm>>
      tpu.wait_dma2 semaphore(%dma_wait3A_118 : memref<!tpu.dma_semaphore, #tpu.memory_space<semaphore_mem>>) src(%dma_wait3A_123 : memref<256x16xf32, #tpu.memory_space<hbm>>) dst(%dma_wait3A_121 : memref<256x16xf32, #tpu.memory_space<vmem>>)
      %run_scoped3A_124 = arith.constant 2 : i32
      "tpu.region"() ({
        %run_scoped3A_127 = tpu.sem_alloc : memref<!tpu.dma_semaphore, #tpu.memory_space<semaphore_mem>>
        %dma_start3A_128 = arith.constant 256 : i32
        %dma_start3A_129 = arith.constant 0 : i32
        %dma_start3A_130 = tpu.memref_slice %arg10[%dma_start3A_128, %dma_start3A_129] : memref<512x16xf32, #tpu.memory_space<vmem>> -> memref<128x16xf32, #tpu.memory_space<vmem>>
        %dma_start3A_131 = arith.constant 0 : i32
        %dma_start3A_132 = tpu.memref_slice %arg8[%run_scoped3A_124, %dma_start3A_131] : memref<16x128xi32, #tpu.memory_space<vmem>> -> memref<1x128xi32, #tpu.memory_space<vmem>>
        %dma_start3A_133 = tpu.memref_squeeze %dma_start3A_132 : memref<1x128xi32, #tpu.memory_space<vmem>> -> memref<128xi32, #tpu.memory_space<vmem>>
        %dma_start3A_134 = arith.constant 0 : i32
        %dma_start3A_135 = arith.constant 0 : i32
        %dma_start3A_136 = tpu.memref_slice %arg13[%dma_start3A_134, %dma_start3A_135] : memref<10240x16xf32, #tpu.memory_space<vmem_shared>> -> memref<10240x16xf32, #tpu.memory_space<vmem_shared>>
        tpu.enqueue_indirect_dma source(%dma_start3A_130 : memref<128x16xf32, #tpu.memory_space<vmem>>) target(%dma_start3A_136 : memref<10240x16xf32, #tpu.memory_space<vmem_shared>>) offsets(%dma_start3A_133 : memref<128xi32, #tpu.memory_space<vmem>>) semaphore(%run_scoped3A_127 : memref<!tpu.dma_semaphore, #tpu.memory_space<semaphore_mem>>) {add = true}
        %dma_wait3A_137 = arith.constant 256 : i32
        %dma_wait3A_138 = arith.constant 0 : i32
        %dma_wait3A_139 = tpu.memref_slice %arg10[%dma_wait3A_137, %dma_wait3A_138] : memref<512x16xf32, #tpu.memory_space<vmem>> -> memref<128x16xf32, #tpu.memory_space<vmem>>
        %dma_wait3A_140 = arith.constant 0 : i32
        %dma_wait3A_141 = tpu.memref_slice %arg8[%run_scoped3A_124, %dma_wait3A_140] : memref<16x128xi32, #tpu.memory_space<vmem>> -> memref<1x128xi32, #tpu.memory_space<vmem>>
        %dma_wait3A_142 = tpu.memref_squeeze %dma_wait3A_141 : memref<1x128xi32, #tpu.memory_space<vmem>> -> memref<128xi32, #tpu.memory_space<vmem>>
        %dma_wait3A_143 = arith.constant 0 : i32
        %dma_wait3A_144 = arith.constant 0 : i32
        %dma_wait3A_145 = tpu.memref_slice %arg13[%dma_wait3A_143, %dma_wait3A_144] : memref<10240x16xf32, #tpu.memory_space<vmem_shared>> -> memref<10240x16xf32, #tpu.memory_space<vmem_shared>>
        tpu.wait_indirect_dma semaphore(%run_scoped3A_127 : memref<!tpu.dma_semaphore, #tpu.memory_space<semaphore_mem>>) src(%dma_wait3A_139 : memref<128x16xf32, #tpu.memory_space<vmem>>) dst(%dma_wait3A_145 : memref<10240x16xf32, #tpu.memory_space<vmem_shared>>)
        tpu.yield
      }) : () -> ()
      %run_scoped3A_125 = arith.constant 3 : i32
      "tpu.region"() ({
        %run_scoped3A_127 = tpu.sem_alloc : memref<!tpu.dma_semaphore, #tpu.memory_space<semaphore_mem>>
        %dma_start3A_128 = arith.constant 384 : i32
        %dma_start3A_129 = arith.constant 0 : i32
        %dma_start3A_130 = tpu.memref_slice %arg10[%dma_start3A_128, %dma_start3A_129] : memref<512x16xf32, #tpu.memory_space<vmem>> -> memref<128x16xf32, #tpu.memory_space<vmem>>
        %dma_start3A_131 = arith.constant 0 : i32
        %dma_start3A_132 = tpu.memref_slice %arg8[%run_scoped3A_125, %dma_start3A_131] : memref<16x128xi32, #tpu.memory_space<vmem>> -> memref<1x128xi32, #tpu.memory_space<vmem>>
        %dma_start3A_133 = tpu.memref_squeeze %dma_start3A_132 : memref<1x128xi32, #tpu.memory_space<vmem>> -> memref<128xi32, #tpu.memory_space<vmem>>
        %dma_start3A_134 = arith.constant 0 : i32
        %dma_start3A_135 = arith.constant 0 : i32
        %dma_start3A_136 = tpu.memref_slice %arg13[%dma_start3A_134, %dma_start3A_135] : memref<10240x16xf32, #tpu.memory_space<vmem_shared>> -> memref<10240x16xf32, #tpu.memory_space<vmem_shared>>
        tpu.enqueue_indirect_dma source(%dma_start3A_130 : memref<128x16xf32, #tpu.memory_space<vmem>>) target(%dma_start3A_136 : memref<10240x16xf32, #tpu.memory_space<vmem_shared>>) offsets(%dma_start3A_133 : memref<128xi32, #tpu.memory_space<vmem>>) semaphore(%run_scoped3A_127 : memref<!tpu.dma_semaphore, #tpu.memory_space<semaphore_mem>>) {add = true}
        %dma_wait3A_137 = arith.constant 384 : i32
        %dma_wait3A_138 = arith.constant 0 : i32
        %dma_wait3A_139 = tpu.memref_slice %arg10[%dma_wait3A_137, %dma_wait3A_138] : memref<512x16xf32, #tpu.memory_space<vmem>> -> memref<128x16xf32, #tpu.memory_space<vmem>>
        %dma_wait3A_140 = arith.constant 0 : i32
        %dma_wait3A_141 = tpu.memref_slice %arg8[%run_scoped3A_125, %dma_wait3A_140] : memref<16x128xi32, #tpu.memory_space<vmem>> -> memref<1x128xi32, #tpu.memory_space<vmem>>
        %dma_wait3A_142 = tpu.memref_squeeze %dma_wait3A_141 : memref<1x128xi32, #tpu.memory_space<vmem>> -> memref<128xi32, #tpu.memory_space<vmem>>
        %dma_wait3A_143 = arith.constant 0 : i32
        %dma_wait3A_144 = arith.constant 0 : i32
        %dma_wait3A_145 = tpu.memref_slice %arg13[%dma_wait3A_143, %dma_wait3A_144] : memref<10240x16xf32, #tpu.memory_space<vmem_shared>> -> memref<10240x16xf32, #tpu.memory_space<vmem_shared>>
        tpu.wait_indirect_dma semaphore(%run_scoped3A_127 : memref<!tpu.dma_semaphore, #tpu.memory_space<semaphore_mem>>) src(%dma_wait3A_139 : memref<128x16xf32, #tpu.memory_space<vmem>>) dst(%dma_wait3A_145 : memref<10240x16xf32, #tpu.memory_space<vmem_shared>>)
        tpu.yield
      }) : () -> ()
      %scan3A_126 = arith.constant 0 : i32
      scf.yield %scan3A_126 : i32
    }
    %scan3A_44 = arith.constant 20 : i32
    %barrier3A_45 = arith.constant 0 : index
    tpu.barrier barrier_id(%barrier3A_45)
    %add3A_46 = arith.constant 0 : i32
    %add3A_47 = arith.addi %mul3A_20, %add3A_46 : i32
    "tpu.region"() ({
      %run_scoped3A = tpu.sem_alloc : memref<!tpu.dma_semaphore, #tpu.memory_space<semaphore_mem>>
      %dma_start3A = arith.constant 0 : i32
      %dma_start3A_56 = tpu.memref_slice %arg6[%arg0, %add3A_47, %dma_start3A] : memref<2x10240x64xf32, #tpu.memory_space<hbm>> -> memref<1x128x64xf32, #tpu.memory_space<hbm>>
      %dma_start3A_57 = tpu.memref_squeeze %dma_start3A_56 : memref<1x128x64xf32, #tpu.memory_space<hbm>> -> memref<128x64xf32, #tpu.memory_space<hbm>>
      %dma_start3A_58 = arith.constant 0 : i32
      %dma_start3A_59 = tpu.memref_slice %arg12[%add3A_47, %dma_start3A_58] : memref<10240x64xf32, #tpu.memory_space<vmem_shared>> -> memref<128x64xf32, #tpu.memory_space<vmem_shared>>
      tpu.enqueue_dma source(%dma_start3A_59 : memref<128x64xf32, #tpu.memory_space<vmem_shared>>) target(%dma_start3A_57 : memref<128x64xf32, #tpu.memory_space<hbm>>) target_semaphore(%run_scoped3A : memref<!tpu.dma_semaphore, #tpu.memory_space<semaphore_mem>>)
      %dma_wait3A = arith.constant 0 : i32
      %dma_wait3A_60 = tpu.memref_slice %arg6[%arg0, %add3A_47, %dma_wait3A] : memref<2x10240x64xf32, #tpu.memory_space<hbm>> -> memref<1x128x64xf32, #tpu.memory_space<hbm>>
      %dma_wait3A_61 = tpu.memref_squeeze %dma_wait3A_60 : memref<1x128x64xf32, #tpu.memory_space<hbm>> -> memref<128x64xf32, #tpu.memory_space<hbm>>
      %dma_wait3A_62 = arith.constant 0 : i32
      %dma_wait3A_63 = tpu.memref_slice %arg12[%add3A_47, %dma_wait3A_62] : memref<10240x64xf32, #tpu.memory_space<vmem_shared>> -> memref<128x64xf32, #tpu.memory_space<vmem_shared>>
      tpu.wait_dma2 semaphore(%run_scoped3A : memref<!tpu.dma_semaphore, #tpu.memory_space<semaphore_mem>>) src(%dma_wait3A_63 : memref<128x64xf32, #tpu.memory_space<vmem_shared>>) dst(%dma_wait3A_61 : memref<128x64xf32, #tpu.memory_space<hbm>>)
      tpu.yield
    }) : () -> ()
    "tpu.region"() ({
      %run_scoped3A = tpu.sem_alloc : memref<!tpu.dma_semaphore, #tpu.memory_space<semaphore_mem>>
      %dma_start3A = arith.constant 0 : i32
      %dma_start3A_56 = tpu.memref_slice %arg7[%arg0, %add3A_47, %dma_start3A] : memref<2x10240x16xf32, #tpu.memory_space<hbm>> -> memref<1x128x16xf32, #tpu.memory_space<hbm>>
      %dma_start3A_57 = tpu.memref_squeeze %dma_start3A_56 : memref<1x128x16xf32, #tpu.memory_space<hbm>> -> memref<128x16xf32, #tpu.memory_space<hbm>>
      %dma_start3A_58 = arith.constant 0 : i32
      %dma_start3A_59 = tpu.memref_slice %arg13[%add3A_47, %dma_start3A_58] : memref<10240x16xf32, #tpu.memory_space<vmem_shared>> -> memref<128x16xf32, #tpu.memory_space<vmem_shared>>
      tpu.enqueue_dma source(%dma_start3A_59 : memref<128x16xf32, #tpu.memory_space<vmem_shared>>) target(%dma_start3A_57 : memref<128x16xf32, #tpu.memory_space<hbm>>) target_semaphore(%run_scoped3A : memref<!tpu.dma_semaphore, #tpu.memory_space<semaphore_mem>>)
      %dma_wait3A = arith.constant 0 : i32
      %dma_wait3A_60 = tpu.memref_slice %arg7[%arg0, %add3A_47, %dma_wait3A] : memref<2x10240x16xf32, #tpu.memory_space<hbm>> -> memref<1x128x16xf32, #tpu.memory_space<hbm>>
      %dma_wait3A_61 = tpu.memref_squeeze %dma_wait3A_60 : memref<1x128x16xf32, #tpu.memory_space<hbm>> -> memref<128x16xf32, #tpu.memory_space<hbm>>
      %dma_wait3A_62 = arith.constant 0 : i32
      %dma_wait3A_63 = tpu.memref_slice %arg13[%add3A_47, %dma_wait3A_62] : memref<10240x16xf32, #tpu.memory_space<vmem_shared>> -> memref<128x16xf32, #tpu.memory_space<vmem_shared>>
      tpu.wait_dma2 semaphore(%run_scoped3A : memref<!tpu.dma_semaphore, #tpu.memory_space<semaphore_mem>>) src(%dma_wait3A_63 : memref<128x16xf32, #tpu.memory_space<vmem_shared>>) dst(%dma_wait3A_61 : memref<128x16xf32, #tpu.memory_space<hbm>>)
      tpu.yield
    }) : () -> ()
    %add3A_48 = arith.constant 128 : i32
    %add3A_49 = arith.addi %mul3A_20, %add3A_48 : i32
    "tpu.region"() ({
      %run_scoped3A = tpu.sem_alloc : memref<!tpu.dma_semaphore, #tpu.memory_space<semaphore_mem>>
      %dma_start3A = arith.constant 0 : i32
      %dma_start3A_56 = tpu.memref_slice %arg6[%arg0, %add3A_49, %dma_start3A] : memref<2x10240x64xf32, #tpu.memory_space<hbm>> -> memref<1x128x64xf32, #tpu.memory_space<hbm>>
      %dma_start3A_57 = tpu.memref_squeeze %dma_start3A_56 : memref<1x128x64xf32, #tpu.memory_space<hbm>> -> memref<128x64xf32, #tpu.memory_space<hbm>>
      %dma_start3A_58 = arith.constant 0 : i32
      %dma_start3A_59 = tpu.memref_slice %arg12[%add3A_49, %dma_start3A_58] : memref<10240x64xf32, #tpu.memory_space<vmem_shared>> -> memref<128x64xf32, #tpu.memory_space<vmem_shared>>
      tpu.enqueue_dma source(%dma_start3A_59 : memref<128x64xf32, #tpu.memory_space<vmem_shared>>) target(%dma_start3A_57 : memref<128x64xf32, #tpu.memory_space<hbm>>) target_semaphore(%run_scoped3A : memref<!tpu.dma_semaphore, #tpu.memory_space<semaphore_mem>>)
      %dma_wait3A = arith.constant 0 : i32
      %dma_wait3A_60 = tpu.memref_slice %arg6[%arg0, %add3A_49, %dma_wait3A] : memref<2x10240x64xf32, #tpu.memory_space<hbm>> -> memref<1x128x64xf32, #tpu.memory_space<hbm>>
      %dma_wait3A_61 = tpu.memref_squeeze %dma_wait3A_60 : memref<1x128x64xf32, #tpu.memory_space<hbm>> -> memref<128x64xf32, #tpu.memory_space<hbm>>
      %dma_wait3A_62 = arith.constant 0 : i32
      %dma_wait3A_63 = tpu.memref_slice %arg12[%add3A_49, %dma_wait3A_62] : memref<10240x64xf32, #tpu.memory_space<vmem_shared>> -> memref<128x64xf32, #tpu.memory_space<vmem_shared>>
      tpu.wait_dma2 semaphore(%run_scoped3A : memref<!tpu.dma_semaphore, #tpu.memory_space<semaphore_mem>>) src(%dma_wait3A_63 : memref<128x64xf32, #tpu.memory_space<vmem_shared>>) dst(%dma_wait3A_61 : memref<128x64xf32, #tpu.memory_space<hbm>>)
      tpu.yield
    }) : () -> ()
    "tpu.region"() ({
      %run_scoped3A = tpu.sem_alloc : memref<!tpu.dma_semaphore, #tpu.memory_space<semaphore_mem>>
      %dma_start3A = arith.constant 0 : i32
      %dma_start3A_56 = tpu.memref_slice %arg7[%arg0, %add3A_49, %dma_start3A] : memref<2x10240x16xf32, #tpu.memory_space<hbm>> -> memref<1x128x16xf32, #tpu.memory_space<hbm>>
      %dma_start3A_57 = tpu.memref_squeeze %dma_start3A_56 : memref<1x128x16xf32, #tpu.memory_space<hbm>> -> memref<128x16xf32, #tpu.memory_space<hbm>>
      %dma_start3A_58 = arith.constant 0 : i32
      %dma_start3A_59 = tpu.memref_slice %arg13[%add3A_49, %dma_start3A_58] : memref<10240x16xf32, #tpu.memory_space<vmem_shared>> -> memref<128x16xf32, #tpu.memory_space<vmem_shared>>
      tpu.enqueue_dma source(%dma_start3A_59 : memref<128x16xf32, #tpu.memory_space<vmem_shared>>) target(%dma_start3A_57 : memref<128x16xf32, #tpu.memory_space<hbm>>) target_semaphore(%run_scoped3A : memref<!tpu.dma_semaphore, #tpu.memory_space<semaphore_mem>>)
      %dma_wait3A = arith.constant 0 : i32
      %dma_wait3A_60 = tpu.memref_slice %arg7[%arg0, %add3A_49, %dma_wait3A] : memref<2x10240x16xf32, #tpu.memory_space<hbm>> -> memref<1x128x16xf32, #tpu.memory_space<hbm>>
      %dma_wait3A_61 = tpu.memref_squeeze %dma_wait3A_60 : memref<1x128x16xf32, #tpu.memory_space<hbm>> -> memref<128x16xf32, #tpu.memory_space<hbm>>
      %dma_wait3A_62 = arith.constant 0 : i32
      %dma_wait3A_63 = tpu.memref_slice %arg13[%add3A_49, %dma_wait3A_62] : memref<10240x16xf32, #tpu.memory_space<vmem_shared>> -> memref<128x16xf32, #tpu.memory_space<vmem_shared>>
      tpu.wait_dma2 semaphore(%run_scoped3A : memref<!tpu.dma_semaphore, #tpu.memory_space<semaphore_mem>>) src(%dma_wait3A_63 : memref<128x16xf32, #tpu.memory_space<vmem_shared>>) dst(%dma_wait3A_61 : memref<128x16xf32, #tpu.memory_space<hbm>>)
      tpu.yield
    }) : () -> ()
    %add3A_50 = arith.constant 256 : i32
    %add3A_51 = arith.addi %mul3A_20, %add3A_50 : i32
    "tpu.region"() ({
      %run_scoped3A = tpu.sem_alloc : memref<!tpu.dma_semaphore, #tpu.memory_space<semaphore_mem>>
      %dma_start3A = arith.constant 0 : i32
      %dma_start3A_56 = tpu.memref_slice %arg6[%arg0, %add3A_51, %dma_start3A] : memref<2x10240x64xf32, #tpu.memory_space<hbm>> -> memref<1x128x64xf32, #tpu.memory_space<hbm>>
      %dma_start3A_57 = tpu.memref_squeeze %dma_start3A_56 : memref<1x128x64xf32, #tpu.memory_space<hbm>> -> memref<128x64xf32, #tpu.memory_space<hbm>>
      %dma_start3A_58 = arith.constant 0 : i32
      %dma_start3A_59 = tpu.memref_slice %arg12[%add3A_51, %dma_start3A_58] : memref<10240x64xf32, #tpu.memory_space<vmem_shared>> -> memref<128x64xf32, #tpu.memory_space<vmem_shared>>
      tpu.enqueue_dma source(%dma_start3A_59 : memref<128x64xf32, #tpu.memory_space<vmem_shared>>) target(%dma_start3A_57 : memref<128x64xf32, #tpu.memory_space<hbm>>) target_semaphore(%run_scoped3A : memref<!tpu.dma_semaphore, #tpu.memory_space<semaphore_mem>>)
      %dma_wait3A = arith.constant 0 : i32
      %dma_wait3A_60 = tpu.memref_slice %arg6[%arg0, %add3A_51, %dma_wait3A] : memref<2x10240x64xf32, #tpu.memory_space<hbm>> -> memref<1x128x64xf32, #tpu.memory_space<hbm>>
      %dma_wait3A_61 = tpu.memref_squeeze %dma_wait3A_60 : memref<1x128x64xf32, #tpu.memory_space<hbm>> -> memref<128x64xf32, #tpu.memory_space<hbm>>
      %dma_wait3A_62 = arith.constant 0 : i32
      %dma_wait3A_63 = tpu.memref_slice %arg12[%add3A_51, %dma_wait3A_62] : memref<10240x64xf32, #tpu.memory_space<vmem_shared>> -> memref<128x64xf32, #tpu.memory_space<vmem_shared>>
      tpu.wait_dma2 semaphore(%run_scoped3A : memref<!tpu.dma_semaphore, #tpu.memory_space<semaphore_mem>>) src(%dma_wait3A_63 : memref<128x64xf32, #tpu.memory_space<vmem_shared>>) dst(%dma_wait3A_61 : memref<128x64xf32, #tpu.memory_space<hbm>>)
      tpu.yield
    }) : () -> ()
    "tpu.region"() ({
      %run_scoped3A = tpu.sem_alloc : memref<!tpu.dma_semaphore, #tpu.memory_space<semaphore_mem>>
      %dma_start3A = arith.constant 0 : i32
      %dma_start3A_56 = tpu.memref_slice %arg7[%arg0, %add3A_51, %dma_start3A] : memref<2x10240x16xf32, #tpu.memory_space<hbm>> -> memref<1x128x16xf32, #tpu.memory_space<hbm>>
      %dma_start3A_57 = tpu.memref_squeeze %dma_start3A_56 : memref<1x128x16xf32, #tpu.memory_space<hbm>> -> memref<128x16xf32, #tpu.memory_space<hbm>>
      %dma_start3A_58 = arith.constant 0 : i32
      %dma_start3A_59 = tpu.memref_slice %arg13[%add3A_51, %dma_start3A_58] : memref<10240x16xf32, #tpu.memory_space<vmem_shared>> -> memref<128x16xf32, #tpu.memory_space<vmem_shared>>
      tpu.enqueue_dma source(%dma_start3A_59 : memref<128x16xf32, #tpu.memory_space<vmem_shared>>) target(%dma_start3A_57 : memref<128x16xf32, #tpu.memory_space<hbm>>) target_semaphore(%run_scoped3A : memref<!tpu.dma_semaphore, #tpu.memory_space<semaphore_mem>>)
      %dma_wait3A = arith.constant 0 : i32
      %dma_wait3A_60 = tpu.memref_slice %arg7[%arg0, %add3A_51, %dma_wait3A] : memref<2x10240x16xf32, #tpu.memory_space<hbm>> -> memref<1x128x16xf32, #tpu.memory_space<hbm>>
      %dma_wait3A_61 = tpu.memref_squeeze %dma_wait3A_60 : memref<1x128x16xf32, #tpu.memory_space<hbm>> -> memref<128x16xf32, #tpu.memory_space<hbm>>
      %dma_wait3A_62 = arith.constant 0 : i32
      %dma_wait3A_63 = tpu.memref_slice %arg13[%add3A_51, %dma_wait3A_62] : memref<10240x16xf32, #tpu.memory_space<vmem_shared>> -> memref<128x16xf32, #tpu.memory_space<vmem_shared>>
      tpu.wait_dma2 semaphore(%run_scoped3A : memref<!tpu.dma_semaphore, #tpu.memory_space<semaphore_mem>>) src(%dma_wait3A_63 : memref<128x16xf32, #tpu.memory_space<vmem_shared>>) dst(%dma_wait3A_61 : memref<128x16xf32, #tpu.memory_space<hbm>>)
      tpu.yield
    }) : () -> ()
    %add3A_52 = arith.constant 384 : i32
    %add3A_53 = arith.addi %mul3A_20, %add3A_52 : i32
    "tpu.region"() ({
      %run_scoped3A = tpu.sem_alloc : memref<!tpu.dma_semaphore, #tpu.memory_space<semaphore_mem>>
      %dma_start3A = arith.constant 0 : i32
      %dma_start3A_56 = tpu.memref_slice %arg6[%arg0, %add3A_53, %dma_start3A] : memref<2x10240x64xf32, #tpu.memory_space<hbm>> -> memref<1x128x64xf32, #tpu.memory_space<hbm>>
      %dma_start3A_57 = tpu.memref_squeeze %dma_start3A_56 : memref<1x128x64xf32, #tpu.memory_space<hbm>> -> memref<128x64xf32, #tpu.memory_space<hbm>>
      %dma_start3A_58 = arith.constant 0 : i32
      %dma_start3A_59 = tpu.memref_slice %arg12[%add3A_53, %dma_start3A_58] : memref<10240x64xf32, #tpu.memory_space<vmem_shared>> -> memref<128x64xf32, #tpu.memory_space<vmem_shared>>
      tpu.enqueue_dma source(%dma_start3A_59 : memref<128x64xf32, #tpu.memory_space<vmem_shared>>) target(%dma_start3A_57 : memref<128x64xf32, #tpu.memory_space<hbm>>) target_semaphore(%run_scoped3A : memref<!tpu.dma_semaphore, #tpu.memory_space<semaphore_mem>>)
      %dma_wait3A = arith.constant 0 : i32
      %dma_wait3A_60 = tpu.memref_slice %arg6[%arg0, %add3A_53, %dma_wait3A] : memref<2x10240x64xf32, #tpu.memory_space<hbm>> -> memref<1x128x64xf32, #tpu.memory_space<hbm>>
      %dma_wait3A_61 = tpu.memref_squeeze %dma_wait3A_60 : memref<1x128x64xf32, #tpu.memory_space<hbm>> -> memref<128x64xf32, #tpu.memory_space<hbm>>
      %dma_wait3A_62 = arith.constant 0 : i32
      %dma_wait3A_63 = tpu.memref_slice %arg12[%add3A_53, %dma_wait3A_62] : memref<10240x64xf32, #tpu.memory_space<vmem_shared>> -> memref<128x64xf32, #tpu.memory_space<vmem_shared>>
      tpu.wait_dma2 semaphore(%run_scoped3A : memref<!tpu.dma_semaphore, #tpu.memory_space<semaphore_mem>>) src(%dma_wait3A_63 : memref<128x64xf32, #tpu.memory_space<vmem_shared>>) dst(%dma_wait3A_61 : memref<128x64xf32, #tpu.memory_space<hbm>>)
      tpu.yield
    }) : () -> ()
    "tpu.region"() ({
      %run_scoped3A = tpu.sem_alloc : memref<!tpu.dma_semaphore, #tpu.memory_space<semaphore_mem>>
      %dma_start3A = arith.constant 0 : i32
      %dma_start3A_56 = tpu.memref_slice %arg7[%arg0, %add3A_53, %dma_start3A] : memref<2x10240x16xf32, #tpu.memory_space<hbm>> -> memref<1x128x16xf32, #tpu.memory_space<hbm>>
      %dma_start3A_57 = tpu.memref_squeeze %dma_start3A_56 : memref<1x128x16xf32, #tpu.memory_space<hbm>> -> memref<128x16xf32, #tpu.memory_space<hbm>>
      %dma_start3A_58 = arith.constant 0 : i32
      %dma_start3A_59 = tpu.memref_slice %arg13[%add3A_53, %dma_start3A_58] : memref<10240x16xf32, #tpu.memory_space<vmem_shared>> -> memref<128x16xf32, #tpu.memory_space<vmem_shared>>
      tpu.enqueue_dma source(%dma_start3A_59 : memref<128x16xf32, #tpu.memory_space<vmem_shared>>) target(%dma_start3A_57 : memref<128x16xf32, #tpu.memory_space<hbm>>) target_semaphore(%run_scoped3A : memref<!tpu.dma_semaphore, #tpu.memory_space<semaphore_mem>>)
      %dma_wait3A = arith.constant 0 : i32
      %dma_wait3A_60 = tpu.memref_slice %arg7[%arg0, %add3A_53, %dma_wait3A] : memref<2x10240x16xf32, #tpu.memory_space<hbm>> -> memref<1x128x16xf32, #tpu.memory_space<hbm>>
      %dma_wait3A_61 = tpu.memref_squeeze %dma_wait3A_60 : memref<1x128x16xf32, #tpu.memory_space<hbm>> -> memref<128x16xf32, #tpu.memory_space<hbm>>
      %dma_wait3A_62 = arith.constant 0 : i32
      %dma_wait3A_63 = tpu.memref_slice %arg13[%add3A_53, %dma_wait3A_62] : memref<10240x16xf32, #tpu.memory_space<vmem_shared>> -> memref<128x16xf32, #tpu.memory_space<vmem_shared>>
      tpu.wait_dma2 semaphore(%run_scoped3A : memref<!tpu.dma_semaphore, #tpu.memory_space<semaphore_mem>>) src(%dma_wait3A_63 : memref<128x16xf32, #tpu.memory_space<vmem_shared>>) dst(%dma_wait3A_61 : memref<128x16xf32, #tpu.memory_space<hbm>>)
      tpu.yield
    }) : () -> ()
    %add3A_54 = arith.constant 512 : i32
    %add3A_55 = arith.addi %mul3A_20, %add3A_54 : i32
    "tpu.region"() ({
      %run_scoped3A = tpu.sem_alloc : memref<!tpu.dma_semaphore, #tpu.memory_space<semaphore_mem>>
      %dma_start3A = arith.constant 0 : i32
      %dma_start3A_56 = tpu.memref_slice %arg6[%arg0, %add3A_55, %dma_start3A] : memref<2x10240x64xf32, #tpu.memory_space<hbm>> -> memref<1x128x64xf32, #tpu.memory_space<hbm>>
      %dma_start3A_57 = tpu.memref_squeeze %dma_start3A_56 : memref<1x128x64xf32, #tpu.memory_space<hbm>> -> memref<128x64xf32, #tpu.memory_space<hbm>>
      %dma_start3A_58 = arith.constant 0 : i32
      %dma_start3A_59 = tpu.memref_slice %arg12[%add3A_55, %dma_start3A_58] : memref<10240x64xf32, #tpu.memory_space<vmem_shared>> -> memref<128x64xf32, #tpu.memory_space<vmem_shared>>
      tpu.enqueue_dma source(%dma_start3A_59 : memref<128x64xf32, #tpu.memory_space<vmem_shared>>) target(%dma_start3A_57 : memref<128x64xf32, #tpu.memory_space<hbm>>) target_semaphore(%run_scoped3A : memref<!tpu.dma_semaphore, #tpu.memory_space<semaphore_mem>>)
      %dma_wait3A = arith.constant 0 : i32
      %dma_wait3A_60 = tpu.memref_slice %arg6[%arg0, %add3A_55, %dma_wait3A] : memref<2x10240x64xf32, #tpu.memory_space<hbm>> -> memref<1x128x64xf32, #tpu.memory_space<hbm>>
      %dma_wait3A_61 = tpu.memref_squeeze %dma_wait3A_60 : memref<1x128x64xf32, #tpu.memory_space<hbm>> -> memref<128x64xf32, #tpu.memory_space<hbm>>
      %dma_wait3A_62 = arith.constant 0 : i32
      %dma_wait3A_63 = tpu.memref_slice %arg12[%add3A_55, %dma_wait3A_62] : memref<10240x64xf32, #tpu.memory_space<vmem_shared>> -> memref<128x64xf32, #tpu.memory_space<vmem_shared>>
      tpu.wait_dma2 semaphore(%run_scoped3A : memref<!tpu.dma_semaphore, #tpu.memory_space<semaphore_mem>>) src(%dma_wait3A_63 : memref<128x64xf32, #tpu.memory_space<vmem_shared>>) dst(%dma_wait3A_61 : memref<128x64xf32, #tpu.memory_space<hbm>>)
      tpu.yield
    }) : () -> ()
    "tpu.region"() ({
      %run_scoped3A = tpu.sem_alloc : memref<!tpu.dma_semaphore, #tpu.memory_space<semaphore_mem>>
      %dma_start3A = arith.constant 0 : i32
      %dma_start3A_56 = tpu.memref_slice %arg7[%arg0, %add3A_55, %dma_start3A] : memref<2x10240x16xf32, #tpu.memory_space<hbm>> -> memref<1x128x16xf32, #tpu.memory_space<hbm>>
      %dma_start3A_57 = tpu.memref_squeeze %dma_start3A_56 : memref<1x128x16xf32, #tpu.memory_space<hbm>> -> memref<128x16xf32, #tpu.memory_space<hbm>>
      %dma_start3A_58 = arith.constant 0 : i32
      %dma_start3A_59 = tpu.memref_slice %arg13[%add3A_55, %dma_start3A_58] : memref<10240x16xf32, #tpu.memory_space<vmem_shared>> -> memref<128x16xf32, #tpu.memory_space<vmem_shared>>
      tpu.enqueue_dma source(%dma_start3A_59 : memref<128x16xf32, #tpu.memory_space<vmem_shared>>) target(%dma_start3A_57 : memref<128x16xf32, #tpu.memory_space<hbm>>) target_semaphore(%run_scoped3A : memref<!tpu.dma_semaphore, #tpu.memory_space<semaphore_mem>>)
      %dma_wait3A = arith.constant 0 : i32
      %dma_wait3A_60 = tpu.memref_slice %arg7[%arg0, %add3A_55, %dma_wait3A] : memref<2x10240x16xf32, #tpu.memory_space<hbm>> -> memref<1x128x16xf32, #tpu.memory_space<hbm>>
      %dma_wait3A_61 = tpu.memref_squeeze %dma_wait3A_60 : memref<1x128x16xf32, #tpu.memory_space<hbm>> -> memref<128x16xf32, #tpu.memory_space<hbm>>
      %dma_wait3A_62 = arith.constant 0 : i32
      %dma_wait3A_63 = tpu.memref_slice %arg13[%add3A_55, %dma_wait3A_62] : memref<10240x16xf32, #tpu.memory_space<vmem_shared>> -> memref<128x16xf32, #tpu.memory_space<vmem_shared>>
      tpu.wait_dma2 semaphore(%run_scoped3A : memref<!tpu.dma_semaphore, #tpu.memory_space<semaphore_mem>>) src(%dma_wait3A_63 : memref<128x16xf32, #tpu.memory_space<vmem_shared>>) dst(%dma_wait3A_61 : memref<128x16xf32, #tpu.memory_space<hbm>>)
      tpu.yield
    }) : () -> ()
    return
  }
}

module attributes {stable_mosaic.version = 14 : i64} {
  func.func @_linear_body(%arg0: i32, %arg1: memref<2x1024x64xf32, #tpu.memory_space<vmem>>, %arg2: memref<2x1024x16xf32, #tpu.memory_space<vmem>>, %arg3: memref<1024x1xf32, #tpu.memory_space<vmem>>, %arg4: memref<128x128xf32, #tpu.memory_space<vmem>>, %arg5: memref<128x16xf32, #tpu.memory_space<vmem>>, %arg6: memref<1024x128xf32, #tpu.memory_space<vmem>>) attributes {dimension_semantics = [#tpu.dimension_semantics<arbitrary>], iteration_bounds = array<i64: 10>, scalar_prefetch = 0 : i64, scratch_operands = 0 : i64, tpu.core_type = #tpu.core_type<tc>, window_params = [{transform_indices = @transform_0, window_bounds = array<i64: 2, 1024, 64>}, {transform_indices = @transform_1, window_bounds = array<i64: 2, 1024, 16>}, {transform_indices = @transform_2, window_bounds = array<i64: 1024, 1>}, {pipeline_mode = #tpu.pipeline_mode<synchronous>, transform_indices = @transform_3, window_bounds = array<i64: 128, 128>}, {pipeline_mode = #tpu.pipeline_mode<synchronous>, transform_indices = @transform_4, window_bounds = array<i64: 128, 16>}, {transform_indices = @transform_5, window_bounds = array<i64: 1024, 128>}]} {
    %get3A = arith.constant 0 : index
    %get3A_0 = arith.constant 0 : index
    %get3A_1 = arith.constant 0 : index
    %get3A_2 = vector.load %arg2[%get3A, %get3A_0, %get3A_1] : memref<2x1024x16xf32, #tpu.memory_space<vmem>>, vector<1x1024x16xf32>
    %get3A_3 = vector.shape_cast %get3A_2 : vector<1x1024x16xf32> to vector<1024x16xf32>
    %get3A_4 = arith.constant 1 : index
    %get3A_5 = arith.constant 0 : index
    %get3A_6 = arith.constant 0 : index
    %get3A_7 = vector.load %arg2[%get3A_4, %get3A_5, %get3A_6] : memref<2x1024x16xf32, #tpu.memory_space<vmem>>, vector<1x1024x16xf32>
    %get3A_8 = vector.shape_cast %get3A_7 : vector<1x1024x16xf32> to vector<1024x16xf32>
    %add3A = arith.addf %get3A_3, %get3A_8 : vector<1024x16xf32>
    %get3A_9 = arith.constant 0 : index
    %get3A_10 = arith.constant 0 : index
    %get3A_11 = arith.constant 0 : index
    %get3A_12 = vector.load %arg1[%get3A_9, %get3A_10, %get3A_11] : memref<2x1024x64xf32, #tpu.memory_space<vmem>>, vector<1x1024x64xf32>
    %get3A_13 = vector.shape_cast %get3A_12 : vector<1x1024x64xf32> to vector<1024x64xf32>
    %get3A_14 = arith.constant 0 : index
    %get3A_15 = arith.constant 0 : index
    %get3A_16 = vector.load %arg4[%get3A_14, %get3A_15] : memref<128x128xf32, #tpu.memory_space<vmem>>, vector<128x64xf32>
    %dot_general3A = arith.constant dense<0.000000e+00> : vector<1024x128xf32>
    %dot_general3A_17 = tpu.matmul %get3A_13, %get3A_16, %dot_general3A {dimension_numbers = #tpu.dot_dimension_numbers<[1], [1], [0], [0], [0, 0, 1, 0], [], []>, precision = #tpu.contract_precision<fp32>, transpose_lhs_hint = false} : vector<1024x64xf32>, vector<128x64xf32>, vector<1024x128xf32> -> vector<1024x128xf32>
    %get3A_18 = arith.constant 1 : index
    %get3A_19 = arith.constant 0 : index
    %get3A_20 = arith.constant 0 : index
    %get3A_21 = vector.load %arg1[%get3A_18, %get3A_19, %get3A_20] : memref<2x1024x64xf32, #tpu.memory_space<vmem>>, vector<1x1024x64xf32>
    %get3A_22 = vector.shape_cast %get3A_21 : vector<1x1024x64xf32> to vector<1024x64xf32>
    %get3A_23 = arith.constant 0 : index
    %get3A_24 = arith.constant 64 : index
    %get3A_25 = vector.load %arg4[%get3A_23, %get3A_24] : memref<128x128xf32, #tpu.memory_space<vmem>>, vector<128x64xf32>
    %dot_general3A_26 = arith.constant dense<0.000000e+00> : vector<1024x128xf32>
    %dot_general3A_27 = tpu.matmul %get3A_22, %get3A_25, %dot_general3A_26 {dimension_numbers = #tpu.dot_dimension_numbers<[1], [1], [0], [0], [0, 0, 1, 0], [], []>, precision = #tpu.contract_precision<fp32>, transpose_lhs_hint = false} : vector<1024x64xf32>, vector<128x64xf32>, vector<1024x128xf32> -> vector<1024x128xf32>
    %add3A_28 = arith.addf %dot_general3A_17, %dot_general3A_27 : vector<1024x128xf32>
    %get3A_29 = arith.constant 0 : index
    %get3A_30 = arith.constant 0 : index
    %get3A_31 = vector.load %arg5[%get3A_29, %get3A_30] : memref<128x16xf32, #tpu.memory_space<vmem>>, vector<128x16xf32>
    %dot_general3A_32 = arith.constant dense<0.000000e+00> : vector<1024x128xf32>
    %dot_general3A_33 = tpu.matmul %add3A, %get3A_31, %dot_general3A_32 {dimension_numbers = #tpu.dot_dimension_numbers<[1], [1], [0], [0], [0, 0, 1, 0], [], []>, precision = #tpu.contract_precision<fp32>, transpose_lhs_hint = false} : vector<1024x16xf32>, vector<128x16xf32>, vector<1024x128xf32> -> vector<1024x128xf32>
    %add3A_34 = arith.addf %add3A_28, %dot_general3A_33 : vector<1024x128xf32>
    %get3A_35 = arith.constant 0 : index
    %get3A_36 = arith.constant 0 : index
    %get3A_37 = vector.load %arg3[%get3A_35, %get3A_36] : memref<1024x1xf32, #tpu.memory_space<vmem>>, vector<1024x1xf32>
    %mul3A = vector.broadcast %get3A_37 : vector<1024x1xf32> to vector<1024x128xf32>
    %mul3A_38 = arith.mulf %add3A_34, %mul3A : vector<1024x128xf32>
    %gt3A = arith.constant 0.000000e+00 : f32
    %gt3A_39 = vector.broadcast %gt3A : f32 to vector<1024x128xf32>
    %gt3A_40 = arith.cmpf ogt, %mul3A_38, %gt3A_39 : vector<1024x128xf32>
    %min3A = arith.constant 0.000000e+00 : f32
    %min3A_41 = vector.broadcast %min3A : f32 to vector<1024x128xf32>
    %min3A_42 = arith.minimumf %mul3A_38, %min3A_41 : vector<1024x128xf32>
    %exp3A = math.exp %min3A_42 : vector<1024x128xf32>
    %sub3A = arith.constant 1.000000e+00 : f32
    %sub3A_43 = vector.broadcast %sub3A : f32 to vector<1024x128xf32>
    %sub3A_44 = arith.subf %exp3A, %sub3A_43 : vector<1024x128xf32>
    %select_n3A = arith.select %gt3A_40, %mul3A_38, %sub3A_44 : vector<1024x128xi1>, vector<1024x128xf32>
    %swap3A = arith.constant 0 : index
    %swap3A_45 = arith.constant 0 : index
    %swap3A_46 = vector.load %arg6[%swap3A, %swap3A_45] : memref<1024x128xf32, #tpu.memory_space<vmem>>, vector<1024x128xf32>
    tpu.vector_store %arg6[%swap3A, %swap3A_45], %select_n3A {strides = array<i32>} : memref<1024x128xf32, #tpu.memory_space<vmem>>, vector<1024x128xf32>,
    return
  }
  func.func @transform_0(%arg0: i32) -> (i32, i32, i32) {
    %c0_i32 = arith.constant 0 : i32
    %c0_i32_0 = arith.constant 0 : i32
    %c0_i32_1 = arith.constant 0 : i32
    return %c0_i32, %arg0, %c0_i32_0 : i32, i32, i32
  }
  func.func @transform_1(%arg0: i32) -> (i32, i32, i32) {
    %c0_i32 = arith.constant 0 : i32
    %c0_i32_0 = arith.constant 0 : i32
    %c0_i32_1 = arith.constant 0 : i32
    return %c0_i32, %arg0, %c0_i32_0 : i32, i32, i32
  }
  func.func @transform_2(%arg0: i32) -> (i32, i32) {
    %c0_i32 = arith.constant 0 : i32
    %c0_i32_0 = arith.constant 0 : i32
    return %arg0, %c0_i32 : i32, i32
  }
  func.func @transform_3(%arg0: i32) -> (i32, i32) {
    %c0_i32 = arith.constant 0 : i32
    %c0_i32_0 = arith.constant 0 : i32
    %c0_i32_1 = arith.constant 0 : i32
    return %c0_i32, %c0_i32_0 : i32, i32
  }
  func.func @transform_4(%arg0: i32) -> (i32, i32) {
    %c0_i32 = arith.constant 0 : i32
    %c0_i32_0 = arith.constant 0 : i32
    %c0_i32_1 = arith.constant 0 : i32
    return %c0_i32, %c0_i32_0 : i32, i32
  }
  func.func @transform_5(%arg0: i32) -> (i32, i32) {
    %c0_i32 = arith.constant 0 : i32
    %c0_i32_0 = arith.constant 0 : i32
    return %arg0, %c0_i32 : i32, i32
  }
}

</mosaic_0001>

<sc_bundles>
// kernel: kernel.5.cloned.1.call-start
scs
__scs_entry_jumppad:
0x0: {  	(pc) =	sbr.rel $0x88, $3  }
0x1: {  	(tag) =	ssettag $0x0;
	lr =	simm.s32 $0x1  }
0x2: {  	[smem:$0x3F9D] =	sst lr;
	_ =	strace $0xD0000000  }
0x3: {  	_ = 	snop  }
0x4: {  	_ = 	snop  }
0x5: {  	_ = 	snop  }
0x6: {  	_ = 	snop  }
0x7: {  	_ = 	snop  }
__scs_overlays_trampoline_lowered:
0x8: {  	[smem:$0x3FAC] =	sst s0  }
0x9: {  	[smem:$0x3FAD] =	sst s1  }
0xa: {  	[smem:$0x3FAE] =	sst s2  }
0xb: {  	[smem:$0x3FAF] =	sst s3  }
0xc: {  	[smem:$0x3FB0] =	sst s4  }
0xd: {  	[smem:$0x3FB1] =	sst s5  }
0xe: {  	[smem:$0x3FB2] =	sst s6  }
0xf: {  	[smem:$0x3FB3] =	sst s7  }
0x10: {  	[smem:$0x3FB4] =	sst s8  }
0x11: {  	[smem:$0x3FB5] =	sst s9;
	s0 =	simm.s32 @!p0 $0x0  }
0x12: {  	s1 =	sld [smem:$0x3F9B];
	s0 =	simm.s32 @p0 $0x1  }
0x13: {  	[smem:$0x3FB6] =	sst s0;
	s0 =	simm.s32 @!p1 $0x0  }
0x14: {  	s2 =	sld [smem:$0x3F9A];
	s0 =	simm.s32 @p1 $0x1  }
0x15: {  	[smem:$0x3FB7] =	sst s0;
	s0 =	simm.s32 @!p2 $0x0  }
0x16: {  	s3 =	sld [smem:$0x3FDB];
	s0 =	simm.s32 @p2 $0x1  }
0x17: {  	s4 =	simm.s32 $0x1BF5;
	[smem:$0x3FB9] =	sst s0  }
0x18: {  	s0 =	sld [smem:$0x3F9C];
	_ =	swait.ge [sflag:s4], $0x0  }
0x19: {  	s7 =	sld [smem:$0x3F9D]  }
0x1a: {  	s8 =	sadd.s32 $0xFFFFE003, lr  }
0x1b: {  	s9 =	sadd.s32 $0xFFFFFEF7, lr;
	s5 =	simm.s32 $0xFFFFFFFF;
	p2 =	slt.u32 s8, $0xFFFFF086  }
0x1c: {  	p1 =	slt.u32 s9, $0xF7A;
	s5 =	simm.s32 @!p2 $0x0  }
0x1d: {  	s5 =	simm.s32 @p1 $0x1;
	p0 =	seq.s32 s7, s2  }
0x1e: {  	s7 =	smul.u32 @!p0 $0xF7A, s2;
	p2 =	seq.s32 @!p0 s5, $0x0  }
0x1f: {  	s9 =	smul.u32 $0xF7A, s1;
	s8 =	simm.s32 @!p0 $0x1BF5;
	p2 =	por !p2, p0  }
0x20: {  	[sflag:s8] =	ssyncset.s32 @!p0 $0xFFFFF086;
	s6 =	sadd.s32 @!p0 s3, s7;
	s7 =	simm.s32 @!p0 $0x108  }
0x21: {  	s3 =	sadd.s32 s3, s9;
	s6 =	sadd.s32 @!p0 $0x88, s6;
	s7 =	simm.s32 @p2 $0x1082  }
0x22: {  	[simem:s7], [sflag:s8] =	dma.local @!p0 [hbm:s6], $0xF7A  }
0x23: {  	s9 =	sor.u32 $0xD0000000, s2;
	s6 =	simm.s32 $0x108;
	_ =	swait.ge @!p0 [sflag:s8], $0x0  }
0x24: {  	s3 =	sadd.s32 $0x88, s3;
	s6 =	simm.s32 @!p1 $0x1082;
	[sflag:s4] =	ssyncset.s32 $0xFFFFF086  }
0x25: {  	[simem:s6], [sflag:s4] =	dma.local [hbm:s3], $0xF7A  }
0x26: {  	[smem:$0x3F9D] =	sst s1;
	(tag) =	ssettag s2;
	_ =	strace s9  }
0x27: {  	s1 =	sld [smem:$0x3FAD]  }
0x28: {  	s2 =	sld [smem:$0x3FAE]  }
0x29: {  	s4 =	sld [smem:$0x3FB0]  }
0x2a: {  	p0 =	seq.s32 s5, $0x0;
	s5 =	sld [smem:$0x3FB1]  }
0x2b: {  	s6 =	sld [smem:$0x3FB2]  }
0x2c: {  	s7 =	sld [smem:$0x3FB3]  }
0x2d: {  	s3 =	simm.s32 $0x108;
	s8 =	sld [smem:$0x3FB4]  }
0x2e: {  	s3 =	simm.s32 @!p0 $0x1082;
	s9 =	sld [smem:$0x3FB5]  }
0x2f: {  	lr =	sadd.s32 s0, s3;
	s0 =	sld [smem:$0x3FAC]  }
0x30: {  	s3 =	sld [smem:$0x3FAF]  }
0x31: {  	[smem:$0x3FB8] =	sst s10  }
0x32: {  	s10 =	sld [smem:$0x3FB6];
	_ =	sdelay $0x3  }
0x33: {  	p0 =	seq.s32 s10, $0x1;
	s10 =	sld [smem:$0x3FB8];
	_ =	sdelay $0x3  }
0x34: {  	[smem:$0x3FB8] =	sst s10  }
0x35: {  	s10 =	sld [smem:$0x3FB7];
	_ =	sdelay $0x3  }
0x36: {  	p1 =	seq.s32 s10, $0x1;
	s10 =	sld [smem:$0x3FB8];
	_ =	sdelay $0x3  }
0x37: {  	[smem:$0x3FB8] =	sst s10  }
0x38: {  	s10 =	sld [smem:$0x3FB9]  }
0x39: {  	_ = 	snop;
	(pc) =	sbr.ind lr, $3  }
0x3a: {  	_ = 	snop  }
0x3b: {  	_ = 	snop  }
0x3c: {  	p2 =	seq.s32 s10, $0x1;
	s10 =	sld [smem:$0x3FB8]  }
0x3d: {  	_ =	shalt  }
0x3e: {  	_ =	shalt  }
0x3f: {  	_ =	shalt  }
0x40: {  	_ =	shalt  }
0x41: {  	_ =	shalt  }
0x42: {  	_ =	shalt  }
0x43: {  	_ =	shalt  }
0x44: {  	_ =	shalt  }
0x45: {  	_ =	shalt  }
0x46: {  	_ =	shalt  }
0x47: {  	_ =	shalt  }
0x48: {  	_ =	shalt  }
0x49: {  	_ =	shalt  }
0x4a: {  	_ =	shalt  }
0x4b: {  	_ =	shalt  }
0x4c: {  	_ =	shalt  }
0x4d: {  	_ =	shalt  }
0x4e: {  	_ =	shalt  }
0x4f: {  	_ =	shalt  }
0x50: {  	_ =	shalt  }
0x51: {  	_ =	shalt  }
0x52: {  	_ =	shalt  }
0x53: {  	_ =	shalt  }
0x54: {  	_ =	shalt  }
0x55: {  	_ =	shalt  }
0x56: {  	_ =	shalt  }
0x57: {  	_ =	shalt  }
0x58: {  	_ =	shalt  }
0x59: {  	_ =	shalt  }
0x5a: {  	_ =	shalt  }
0x5b: {  	_ =	shalt  }
0x5c: {  	_ =	shalt  }
0x5d: {  	_ =	shalt  }
0x5e: {  	_ =	shalt  }
0x5f: {  	_ =	shalt  }
0x60: {  	_ =	shalt  }
0x61: {  	_ =	shalt  }
0x62: {  	_ =	shalt  }
0x63: {  	_ =	shalt  }
0x64: {  	_ =	shalt  }
0x65: {  	_ =	shalt  }
0x66: {  	_ =	shalt  }
0x67: {  	_ =	shalt  }
0x68: {  	_ =	shalt  }
0x69: {  	_ =	shalt  }
0x6a: {  	_ =	shalt  }
0x6b: {  	_ =	shalt  }
0x6c: {  	_ =	shalt  }
0x6d: {  	_ =	shalt  }
0x6e: {  	_ =	shalt  }
0x6f: {  	_ =	shalt  }
0x70: {  	_ =	shalt  }
0x71: {  	_ =	shalt  }
0x72: {  	_ =	shalt  }
0x73: {  	_ =	shalt  }
0x74: {  	_ =	shalt  }
0x75: {  	_ =	shalt  }
0x76: {  	_ =	shalt  }
0x77: {  	_ =	shalt  }
0x78: {  	_ =	shalt  }
0x79: {  	_ =	shalt  }
0x7a: {  	_ =	shalt  }
0x7b: {  	_ =	shalt  }
0x7c: {  	_ =	shalt  }
0x7d: {  	_ =	shalt  }
0x7e: {  	_ =	shalt  }
0x7f: {  	_ =	shalt  }
0x80: {  	_ =	shalt  }
0x81: {  	_ =	shalt  }
0x82: {  	_ =	shalt  }
0x83: {  	_ =	shalt  }
0x84: {  	_ =	shalt  }
0x85: {  	_ =	shalt  }
0x86: {  	_ =	shalt  }
0x87: {  	_ =	shalt  }
.Lfunc_end0:
.L_simem_size_0:
called_computation_lowered:
.L_overlay_start_0:
0x88: {  	s2 =	sld [smem:$0x3FD9]  }
0x89: {  	s3 =	sld [smem:$0x3FFE];
	_ =	sdelay $0x1  }
0x8a: {  	s1 =	srdreg.scid  }
0x8b: {  	s0 =	sand.u32 $0x1, s1  }
0x8c: {  	s17 =	sshll.u32 s0, $0xA;
	s2 =	sadd.s32 s3, s2  }
0x8d: {  	s2 =	sadd.s32 s2, s17  }
0x8e: {  	[smem:$0x3FC4] =	sst s2  }
0x8f: {  	_ = 	snop  }
0x90: {  	s2 =	sld [smem:$0x3FD0];
	(tm) =	ssettm $0x1  }
0x91: {  	s18 =	sld [smem:$0x3FFB];
	_ =	sdelay $0x3  }
0x92: {  	_ =	strace s18  }
0x93: {  	s3 =	sld [smem:$0x3FFC];
	_ =	sdelay $0x3  }
0x94: {  	_ =	strace s3  }
0x95: {  	s3 =	sld [smem:$0x3FFD];
	_ =	sdelay $0x3  }
0x96: {  	_ =	strace s3  }
0x97: {  	_ =	strace $0x8FFFFFFF  }
0x98: {  	s19 =	sld [smem:$0x3FDB];
	_ =	sdelay $0x1  }
0x99: {  	s4 =	simm.s32 $_scs_section_size  }
0x9a: {  	s5 =	simm.s32 $_size__tile_overlayer_lowered;
	s6 =	simm.s32 $_tile_overlayer_lowered  }
0x9b: {  	s22 =	simm.s32 $0x1BFF;
	s21 =	sshll.u32 s6, $0x1;
	s3 =	sadd.s32 s4, s19  }
0x9c: {  	s7 =	simm.s32 $0x0;
	s20 =	sshll.u32 s5, $0x1;
	s5 =	sadd.s32 s21, s3  }
0x9d: {  	[timem:s7], [sflag:s22] =	dma.local [hbm:s5], s20  }
0x9e: {  	_ =	swait.ge [sflag:s22], s20  }
0x9f: {  	s4 =	ssub.s32 $0x0, s20;
	[sflag:s22] =	ssyncset.done $0x0  }
0xa0: {  	[sflag:s22] =	ssyncadd.s32 s4;
	_ =	sdelay $0x1  }
0xa1: {  	s23 =	simm.s32 $0x1B8B  }
0xa2: {  	_ =	swait.ge [sflag:s23], $0x1  }
0xa3: {  	[sflag:s23] =	ssyncset.done $0x0  }
0xa4: {  	s25 =	simm.s32 $0x1B8E;
	s24 =	sld [smem:$0x3FFE];
	[sflag:s23] =	ssyncadd.s32 $0xFFFFFFFF  }
0xa5: {  	s26 =	simm.s32 $execute0_lowered;
	[smem:$0x3FD2] =	sst s25  }
0xa6: {  	s5 =	sshll.u32 s26, $0x1;
	_ =	strace $0x80000046;
	[dreg:$0x1] =	wrdreg $0xFFFFFFFF  }
0xa7: {  	s28 =	simm.s32 $_size_execute0_lowered;
	s3 =	sadd.s32 s3, s5;
	[dreg:$0x0] =	wrdreg $0x0  }
0xa8: {  	s5 =	sshll.u32 s28, $0x1;
	[dreg:$0x2] =	wrdreg s3  }
0xa9: {  	[dreg:$0x3] =	wrdreg s5  }
0xaa: {  	[dreg:$0x4] =	wrdreg $0xC0  }
0xab: {  	_ =	task [dreg:s7], $0x5FFFF  }
0xac: {  	[dreg:$0x1] =	wrdreg $0xFFFFFFFF  }
0xad: {  	[dreg:$0x0] =	wrdreg $0x60  }
0xae: {  	[dreg:$0x2] =	wrdreg s24  }
0xaf: {  	[dreg:$0x3] =	wrdreg s2  }
0xb0: {  	[dreg:$0x4] =	wrdreg $0x128000  }
0xb1: {  	[dreg:$0x5] =	wrdreg $0x1C8000  }
0xb2: {  	[dreg:$0x6] =	wrdreg $0x9  }
0xb3: {  	_ =	task.clear_ibuf [dreg:s7], $0x7FFFF;
	_ =	strace $0x90000046  }
0xb4: {  	s29 =	simm.s32 $0x9;
	_ =	strace $0x80000048  }
0xb5: {  	_ =	swait.ge [sflag:s29], $0x1  }
0xb6: {  	[sflag:s29] =	ssyncadd.s32 $0xFFFFFFFF  }
0xb7: {  	_ =	strace $0x90000048  }
0xb8: {  	_ =	sfence  }
0xb9: {  	s30 =	sld [smem:$0x0];
	_ =	sdelay $0x2  }
0xba: {  	s31 =	sshll.u32 s1, $0xD;
	s1 =	sshrl.u32 s1, $0x2  }
0xbb: {  	s3 =	sand.u32 $0x4000, s31;
	s1 =	sadd.s32 s1, s30  }
0xbc: {  	s0 =	sor.u32 s3, s0;
	s1 =	sshll.u32 s1, $0x11  }
0xbd: {  	s0 =	sor.u32 s1, s0  }
0xbe: {  	s0 =	sadd.s32 $0x8F2B, s0  }
0xbf: {  	[sflag:s0] =	ssyncadd.remote.s32 $0x1  }
0xc0: {  	_ =	sfence.sel $0xFFFF  }
0xc1: {  	[dreg:$0x0] =	wrdreg $0xFFFFFFFF;
	(pc) =	sbr.abs _section_cstart, $3  }
0xc2: {  	[dreg:$0x1] =	wrdreg $0xFFFFFFFF  }
0xc3: {  	_ =	task.clear_ibuf [dreg:s7], $0x2FFFF;
	_ =	strace $0x9FFFFFFF  }
0xc4: {  	(tm) =	ssettm $0x7FFFFFFF  }
0xc5: {  	_ =	shalt  }
tec
execute0_lowered:
.L_overlay_start_1:
0x0: {  	(tag) =	ssettag $0x1  }
0x1: {  	s0 =	rddreg [dreg:$0x0]  }
0x2: {  	s15 =	rddreg [dreg:$0x1]  }
0x3: {  	s1 =	rddreg [dreg:$0x2]  }
0x4: {  	s3 =	rddreg [dreg:$0x3];
	s4 =	simm.s32 $0x0  }
0x5: {  	s2 =	srdreg.scid;
	s23 =	stileid.u32;
	s29 =	simm.s32 $0x11800  }
0x6: {  	s30 =	simm.s32 $0x11000;
	s31 =	simm.s32 $0x600;
	[smem:$0x7FF] =	sst s4  }
0x7: {  	s5 =	sand.u32 $0x1, s2;
	s14 =	smul.u32 $0x280, s23;
	s16 =	sadd.s32 $0xE8000, s0  }
0x8: {  	s6 =	smul.u32 $0xA000, s23;
	_ =	strace $0x80000047;
	s2 =	ssub.s32 $0x2, s5  }
0x9: {  	s17 =	smul.u32 $0xA0000, s5;
	s7 =	sshrl.u32 s2, $0x1;
	s9 =	sadd.s32 $0x80, s14  }
0xa: {  	s11 =	sadd.s32 $0x100, s14;
	s13 =	sadd.s32 $0x180, s14;
	s19 =	sadd.s32 $0x200, s14  }
0xb: {  	s2 =	ssub.s32 s2, s7;
	s7 =	smul.u32 $0x2800, s23;
	s8 =	sshll.u32 s9, $0x6  }
0xc: {  	s9 =	sshll.u32 s9, $0x4;
	s10 =	sshll.u32 s11, $0x6;
	s11 =	sshll.u32 s11, $0x4  }
0xd: {  	s12 =	sshll.u32 s13, $0x6;
	s13 =	sshll.u32 s13, $0x4;
	s18 =	sadd.s32 s6, s17  }
0xe: {  	s14 =	sshll.u32 s19, $0x6;
	s18 =	sshrl.u32 s18, $0x3;
	s20 =	sadd.s32 s17, s8  }
0xf: {  	s22 =	sadd.s32 s17, s10;
	s28 =	sadd.s32 s8, s1;
	s10 =	sadd.s32 s10, s1  }
0x10: {  	s8 =	simm.s32 $0x200;
	s18 =	sadd.s32 s16, s18;
	[dreg:$0x1b] =	wrdreg s10  }
0x11: {  	s21 =	sshrl.u32 s20, $0x3;
	s20 =	smul.u32 $0x28000, s5;
	[dreg:$0x19] =	wrdreg s28  }
0x12: {  	s10 =	simm.s32 $0x2800;
	[dreg:$0xb] =	wrdreg s18;
	s18 =	sadd.s32 s16, s21  }
0x13: {  	s21 =	sadd.s32 s17, s12;
	s17 =	sadd.s32 s17, s14;
	[dreg:$0xc] =	wrdreg s18  }
0x14: {  	s18 =	sshrl.u32 s22, $0x3;
	s24 =	sshrl.u32 s21, $0x3;
	s17 =	sshrl.u32 s17, $0x3  }
0x15: {  	s26 =	sadd.s32 s20, s9;
	s22 =	sshll.u32 s19, $0x4;
	s9 =	sadd.s32 s9, s3  }
0x16: {  	s21 =	sadd.s32 s20, s11;
	s18 =	sadd.s32 s16, s18;
	[dreg:$0x1a] =	wrdreg s9  }
0x17: {  	[dreg:$0xd] =	wrdreg s18;
	s18 =	sadd.s32 s16, s24;
	s16 =	sadd.s32 s16, s17  }
0x18: {  	s19 =	sshrl.u32 s26, $0x3;
	[dreg:$0xf] =	wrdreg s16;
	s16 =	sadd.s32 s7, s20  }
0x19: {  	s9 =	simm.s32 $0x100;
	s17 =	sadd.s32 $0xDE000, s0;
	s25 =	sshrl.u32 s16, $0x3  }
0x1a: {  	s24 =	sadd.s32 s20, s13;
	[dreg:$0xe] =	wrdreg s18;
	s18 =	sadd.s32 s17, s25  }
0x1b: {  	s25 =	smul.u32 $0xA00, s23;
	[dreg:$0x10] =	wrdreg s18;
	s18 =	sadd.s32 s17, s19  }
0x1c: {  	s19 =	sshrl.u32 s24, $0x3;
	s24 =	sadd.s32 $0x3E000, s0;
	[dreg:$0x11] =	wrdreg s18  }
0x1d: {  	s18 =	sshrl.u32 s21, $0x3;
	s26 =	sadd.s32 s17, s19;
	s19 =	sadd.s32 s20, s22  }
0x1e: {  	s15 =	sadd.s32 s25, s15;
	s21 =	smul.u32 $0x50000, s5;
	[dreg:$0x13] =	wrdreg s26  }
0x1f: {  	s22 =	sadd.s32 s22, s3;
	s18 =	sadd.s32 s17, s18;
	[dreg:$0x5] =	wrdreg s15  }
0x20: {  	s15 =	sor.u32 $0x100, s16;
	s26 =	smul.u32 $0x5000, s23;
	[smem:$0x7FC] =	sst s22  }
0x21: {  	s22 =	simm.s32 $0x12000;
	[dreg:$0x12] =	wrdreg s18;
	s18 =	sshrl.u32 s19, $0x3  }
0x22: {  	s19 =	sadd.s32 $0x2A000, s0;
	s16 =	sadd.s32 s21, s24;
	s21 =	smul.u32 $0x5000, s5  }
0x23: {  	s17 =	sadd.s32 s17, s18;
	s20 =	sadd.s32 s25, s19;
	s25 =	sshll.u32 s15, $0x1  }
0x24: {  	s16 =	sadd.s32 s26, s16;
	s15 =	sshrl.u32 s15, $0x3;
	[dreg:$0x14] =	wrdreg s17  }
0x25: {  	s26 =	simm.s32 $0x280;
	[dreg:$0x6] =	wrdreg s20;
	s18 =	sadd.s32 s25, s24  }
0x26: {  	[dreg:$0x16] =	wrdreg s16;
	s20 =	simm.s32 $0x500;
	s17 =	sadd.s32 s15, s19  }
0x27: {  	s24 =	smul.u32 $0x500, s23;
	s25 =	simm.s32 $0x580;
	s16 =	sadd.s32 s21, s19  }
0x28: {  	[dreg:$0xa] =	wrdreg s26;
	s19 =	sadd.s32 $0x2E00, s0;
	s23 =	smul.u32 $0x2711, s5  }
0x29: {  	s26 =	sadd.s32 s7, s3;
	s15 =	sadd.s32 s11, s3;
	[dreg:$0x15] =	wrdreg s18  }
0x2a: {  	s21 =	sadd.s32 s14, s1;
	s0 =	simm.s32 $0x800;
	[dreg:$0x8] =	wrdreg s20  }
0x2b: {  	s5 =	simm.s32 $0x10800;
	s7 =	simm.s32 $0x80;
	[dreg:$0x9] =	wrdreg s25  }
0x2c: {  	s11 =	simm.s32 $0x180;
	s14 =	simm.s32 $0x6800;
	[dreg:$0x1c] =	wrdreg s15  }
0x2d: {  	s18 =	simm.s32 $0x480;
	s25 =	sadd.s32 s6, s1;
	[dreg:$0x1f] =	wrdreg s21  }
0x2e: {  	s20 =	sadd.s32 s13, s3;
	s21 =	simm.s32 $0x1;
	[dreg:$0x18] =	wrdreg s26  }
0x2f: {  	s15 =	simm.s32 $0x8800;
	s13 =	simm.s32 $0x4800;
	[dreg:$0x7] =	wrdreg s18  }
0x30: {  	s18 =	sadd.s32 s24, s16;
	s16 =	sadd.s32 s12, s1;
	[dreg:$0x1e] =	wrdreg s20  }
0x31: {  	s24 =	smax.u32 s2, $0x1;
	s2 =	simm.s32 $0x3;
	[dreg:$0x17] =	wrdreg s25  }
0x32: {  	s12 =	simm.s32 $0x0;
	s20 =	simm.s32 $0xC800;
	[dreg:$0x1d] =	wrdreg s16  }
0x33: {  	v1 =	vimm.f32 $0.0e+00;
	v0 =	vmov s23;
	[smem:$0x7FD] =	sst s24;
	s24 =	simm.s32 $0x2;
	s16 =	simm.s32 $0xA800  }
.LBB2_1:
0x34: {  	s6 =	simm.s32 $0x0  }
.LBB2_2:
0x35: {  	p0 =	sne.s32 s6, $0x7F00  }
.Ltmp0:
0x36: {  	s23 =	sshra.s32 s6, $0x2;
	(pc) =	sbr.rel @p0 .LBB2_2-.Ltmp0, $4  }
0x37: {  	[tilespmem:s23+$0x800] =	vst v1  }
0x38: {  	[tilespmem:s23+$0x810] =	vst v1  }
0x39: {  	[tilespmem:s23+$0x820] =	vst v1  }
0x3a: {  	s6 =	sadd.s32 $0x100, s6;
	[tilespmem:s23+$0x830] =	vst v1  }
0x3b: {  	[smem:$0x7FB] =	sst s12;
	s6 =	simm.s32 $0x40;
	s23 =	simm.s32 $0x0  }
.LBB2_4:
0x3c: {  	p0 =	sne.s32 s6, $0x1FC0;
	[tilespmem:s23+$0x10800] =	vst v1;
	s23 =	smov.u32 s6;
	s6 =	sadd.s32 $0x40, s6  }
.Ltmp1:
0x3d: {  	(pc) =	sbr.rel @p0 .LBB2_4-.Ltmp1, $2  }
0x3e: {  	_ =	sdelay $0x2  }
0x3f: {  	s23 =	sshra.s32 s23, $0x2  }
0x40: {  	[tilespmem:s23+$0x10800] =	vst v1  }
0x41: {  	[spmem:s25] =	stream.linear.scatter [tilespmem:s0], [sflag:$0x3], $0x2000, $0x38;
	[tilespmem:$0x1F000] =	vst v63  }
0x42: {  	_ =	swait.ge [sflag:s2], $0x2000  }
0x43: {  	[sflag:s2] =	ssyncset.done $0x0  }
0x44: {  	[sflag:s2] =	ssyncadd.s32 $0xFFFFE000  }
0x45: {  	[spmem:s26] =	stream.linear.scatter [tilespmem:s5], [sflag:$0x3], $0x800, $0x38;
	[tilespmem:$0x1F000] =	vst v63  }
0x46: {  	_ =	swait.ge [sflag:s2], $0x800  }
0x47: {  	[sflag:s2] =	ssyncset.done $0x0  }
0x48: {  	[sflag:s2] =	ssyncadd.s32 $0xFFFFF800  }
0x49: {  	[spmem:s28] =	stream.linear.scatter [tilespmem:s0], [sflag:$0x3], $0x2000, $0x38;
	[tilespmem:$0x1F000] =	vst v63  }
0x4a: {  	_ =	swait.ge [sflag:s2], $0x2000  }
0x4b: {  	[sflag:s2] =	ssyncset.done $0x0  }
0x4c: {  	s6 =	rddreg [dreg:$0x1a];
	[sflag:s2] =	ssyncadd.s32 $0xFFFFE000  }
0x4d: {  	[spmem:s6] =	stream.linear.scatter [tilespmem:s5], [sflag:$0x3], $0x800, $0x38;
	[tilespmem:$0x1F000] =	vst v63  }
0x4e: {  	_ =	swait.ge [sflag:s2], $0x800  }
0x4f: {  	[sflag:s2] =	ssyncset.done $0x0  }
0x50: {  	s28 =	rddreg [dreg:$0x1b];
	[sflag:s2] =	ssyncadd.s32 $0xFFFFF800  }
0x51: {  	[spmem:s28] =	stream.linear.scatter [tilespmem:s0], [sflag:$0x3], $0x2000, $0x38;
	[tilespmem:$0x1F000] =	vst v63  }
0x52: {  	_ =	swait.ge [sflag:s2], $0x2000  }
0x53: {  	[sflag:s2] =	ssyncset.done $0x0  }
0x54: {  	s12 =	rddreg [dreg:$0x1c];
	[sflag:s2] =	ssyncadd.s32 $0xFFFFE000  }
0x55: {  	[spmem:s12] =	stream.linear.scatter [tilespmem:s5], [sflag:$0x3], $0x800, $0x38;
	[tilespmem:$0x1F000] =	vst v63  }
0x56: {  	_ =	swait.ge [sflag:s2], $0x800  }
0x57: {  	[sflag:s2] =	ssyncset.done $0x0  }
0x58: {  	s23 =	rddreg [dreg:$0x1d];
	[sflag:s2] =	ssyncadd.s32 $0xFFFFF800  }
0x59: {  	[spmem:s23] =	stream.linear.scatter [tilespmem:s0], [sflag:$0x3], $0x2000, $0x38;
	[tilespmem:$0x1F000] =	vst v63  }
0x5a: {  	_ =	swait.ge [sflag:s2], $0x2000  }
0x5b: {  	[sflag:s2] =	ssyncset.done $0x0  }
0x5c: {  	s25 =	rddreg [dreg:$0x1e];
	[sflag:s2] =	ssyncadd.s32 $0xFFFFE000  }
0x5d: {  	[spmem:s25] =	stream.linear.scatter [tilespmem:s5], [sflag:$0x3], $0x800, $0x38;
	[tilespmem:$0x1F000] =	vst v63  }
0x5e: {  	_ =	swait.ge [sflag:s2], $0x800  }
0x5f: {  	[sflag:s2] =	ssyncset.done $0x0  }
0x60: {  	s26 =	rddreg [dreg:$0x1f];
	[sflag:s2] =	ssyncadd.s32 $0xFFFFF800  }
0x61: {  	[spmem:s26] =	stream.linear.scatter [tilespmem:s0], [sflag:$0x3], $0x2000, $0x38;
	[tilespmem:$0x1F000] =	vst v63  }
0x62: {  	_ =	swait.ge [sflag:s2], $0x2000  }
0x63: {  	s28 =	sld [smem:$0x7FC]  }
0x64: {  	[sflag:s2] =	ssyncset.done $0x0  }
0x65: {  	[sflag:s2] =	ssyncadd.s32 $0xFFFFE000  }
0x66: {  	[spmem:s28] =	stream.linear.scatter [tilespmem:s5], [sflag:$0x3], $0x800, $0x38;
	[tilespmem:$0x1F000] =	vst v63  }
0x67: {  	_ =	swait.ge [sflag:s2], $0x800  }
0x68: {  	[sflag:s2] =	ssyncset.done $0x0  }
0x69: {  	s12 =	simm.s32 $0x800;
	s23 =	simm.s32 $0x0;
	[sflag:s2] =	ssyncadd.s32 $0xFFFFF800  }
0x6a: {  	s25 =	simm.s32 $0x0;
	s0 =	simm.s32 $0xE800;
	[bflag:$0x0] =	sbarrier.arrive $0xFFFF  }
.LBB2_6:
0x6b: {  	s6 =	rddreg [dreg:$0x5]  }
0x6c: {  	s26 =	sadd.s32 s25, s6  }
0x6d: {  	[tilespmem:s23], [sflag:$0x3] =	stream.linear.gather [hbm4b:s26+s23], $0x200, $0x38;
	[tilespmem:$0x1F000] =	vst v63  }
0x6e: {  	_ =	swait.ge [sflag:s2], $0x200  }
0x6f: {  	s28 =	rddreg [dreg:$0x6];
	[sflag:s2] =	ssyncset.done $0x0  }
0x70: {  	[sflag:s2] =	ssyncadd.s32 $0xFFFFFE00;
	s28 =	sadd.s32 s25, s28  }
0x71: {  	[tilespmem:s8], [sflag:$0x3] =	stream.linear.gather [hbm4b:s28+s23], $0x200, $0x38;
	[tilespmem:$0x1F000] =	vst v63  }
0x72: {  	_ =	swait.ge [sflag:s2], $0x200  }
0x73: {  	[sflag:s2] =	ssyncset.done $0x0  }
0x74: {  	[sflag:s2] =	ssyncadd.s32 $0xFFFFFE00  }
0x75: {  	v2 =	vld [tilespmem:$0x0]  }
0x76: {  	v3 =	vld [tilespmem:$0x10]  }
0x77: {  	v4 =	vld [tilespmem:$0x20]  }
0x78: {  	v5 =	vld [tilespmem:$0x30]  }
0x79: {  	v6 =	vld [tilespmem:$0x40]  }
0x7a: {  	v7 =	vld [tilespmem:$0x50];
	v2 =	vadd.s32 v0, v2  }
0x7b: {  	[tilespmem:$0x0] =	vst v2;
	v2 =	vadd.s32 v0, v3;
	v3 =	vld [tilespmem:$0x60]  }
0x7c: {  	v20 =	vld [tilespmem:$0x70];
	[tilespmem:$0x10] =	vst v2;
	v2 =	vadd.s32 v0, v4  }
0x7d: {  	v21 =	vld [tilespmem:$0x80];
	[tilespmem:$0x20] =	vst v2;
	v2 =	vadd.s32 v0, v5  }
0x7e: {  	v22 =	vld [tilespmem:$0x90];
	[tilespmem:$0x30] =	vst v2;
	v2 =	vadd.s32 v0, v6  }
0x7f: {  	v23 =	vld [tilespmem:$0xA0];
	[tilespmem:$0x40] =	vst v2;
	v2 =	vadd.s32 v0, v7  }
0x80: {  	[tilespmem:$0x50] =	vst v2;
	v2 =	vadd.s32 v0, v3;
	v3 =	vld [tilespmem:$0xB0]  }
0x81: {  	v24 =	vld [tilespmem:$0xC0];
	[tilespmem:$0x60] =	vst v2;
	v2 =	vadd.s32 v0, v20  }
0x82: {  	v25 =	vld [tilespmem:$0xD0];
	[tilespmem:$0x70] =	vst v2;
	v2 =	vadd.s32 v0, v21  }
0x83: {  	v26 =	vld [tilespmem:$0xE0];
	[tilespmem:$0x80] =	vst v2;
	v2 =	vadd.s32 v0, v22  }
0x84: {  	v27 =	vld [tilespmem:$0xF0];
	[tilespmem:$0x90] =	vst v2;
	v2 =	vadd.s32 v0, v23  }
0x85: {  	[tilespmem:$0xA0] =	vst v2;
	v2 =	vadd.s32 v0, v3;
	v3 =	vld [tilespmem:$0x100]  }
0x86: {  	v28 =	vld [tilespmem:$0x110];
	[tilespmem:$0xB0] =	vst v2;
	v2 =	vadd.s32 v0, v24  }
0x87: {  	v29 =	vld [tilespmem:$0x120];
	[tilespmem:$0xC0] =	vst v2;
	v2 =	vadd.s32 v0, v25  }
0x88: {  	v30 =	vld [tilespmem:$0x130];
	[tilespmem:$0xD0] =	vst v2;
	v2 =	vadd.s32 v0, v26  }
0x89: {  	v31 =	vld [tilespmem:$0x140];
	[tilespmem:$0xE0] =	vst v2;
	v2 =	vadd.s32 v0, v27  }
0x8a: {  	[tilespmem:$0xF0] =	vst v2;
	v2 =	vadd.s32 v0, v3;
	v3 =	vld [tilespmem:$0x150]  }
0x8b: {  	v32 =	vld [tilespmem:$0x160];
	[tilespmem:$0x100] =	vst v2;
	v2 =	vadd.s32 v0, v28  }
0x8c: {  	v33 =	vld [tilespmem:$0x170];
	[tilespmem:$0x110] =	vst v2;
	v2 =	vadd.s32 v0, v29  }
0x8d: {  	v34 =	vld [tilespmem:$0x180];
	[tilespmem:$0x120] =	vst v2;
	v2 =	vadd.s32 v0, v30  }
0x8e: {  	v35 =	vld [tilespmem:$0x190];
	[tilespmem:$0x130] =	vst v2;
	v2 =	vadd.s32 v0, v31  }
0x8f: {  	[tilespmem:$0x140] =	vst v2;
	v2 =	vadd.s32 v0, v3;
	v3 =	vld [tilespmem:$0x1A0]  }
0x90: {  	v36 =	vld [tilespmem:$0x1B0];
	[tilespmem:$0x150] =	vst v2;
	v2 =	vadd.s32 v0, v32  }
0x91: {  	v37 =	vld [tilespmem:$0x1C0];
	[tilespmem:$0x160] =	vst v2;
	v2 =	vadd.s32 v0, v33  }
0x92: {  	v38 =	vld [tilespmem:$0x1D0];
	[tilespmem:$0x170] =	vst v2;
	v2 =	vadd.s32 v0, v34  }
0x93: {  	v39 =	vld [tilespmem:$0x1E0];
	[tilespmem:$0x180] =	vst v2;
	v2 =	vadd.s32 v0, v35  }
0x94: {  	[tilespmem:$0x190] =	vst v2;
	v2 =	vadd.s32 v0, v3;
	v3 =	vld [tilespmem:$0x1F0]  }
0x95: {  	[tilespmem:$0x1A0] =	vst v2;
	v2 =	vadd.s32 v0, v36  }
0x96: {  	[tilespmem:$0x1B0] =	vst v2;
	v2 =	vadd.s32 v0, v37  }
0x97: {  	[tilespmem:$0x1C0] =	vst v2;
	v2 =	vadd.s32 v0, v38  }
0x98: {  	[tilespmem:$0x1D0] =	vst v2;
	v2 =	vadd.s32 v0, v39  }
0x99: {  	[tilespmem:$0x1E0] =	vst v2;
	v2 =	vadd.s32 v0, v3  }
0x9a: {  	[tilespmem:$0x1F0] =	vst v2  }
0x9b: {  	[tilespmem:s12], [sflag:$0x1] =	stream.indirect.gather [hbm4b:s19+s7], $0x40, s23, s7, $0xb8;
	[tilespmem:$0x1F000] =	vst v63  }
0x9c: {  	_ = 	snop  }
0x9d: {  	[tilespmem:s10], [sflag:$0x1] =	stream.indirect.gather [hbm4b:s19+s7], $0x40, s7, s7, $0xb8;
	[tilespmem:$0x1F000] =	vst v63  }
0x9e: {  	_ = 	snop  }
0x9f: {  	[tilespmem:s13], [sflag:$0x1] =	stream.indirect.gather [hbm4b:s19+s7], $0x40, s9, s7, $0xb8;
	[tilespmem:$0x1F000] =	vst v63  }
0xa0: {  	_ = 	snop  }
0xa1: {  	[tilespmem:s14], [sflag:$0x1] =	stream.indirect.gather [hbm4b:s19+s7], $0x40, s11, s7, $0xb8;
	[tilespmem:$0x1F000] =	vst v63  }
0xa2: {  	s6 =	sadd.s32 $0x40, s26;
	s26 =	simm.s32 $0x400  }
0xa3: {  	[tilespmem:s26], [sflag:$0x3] =	stream.linear.gather [hbm4b:s6+s23], $0x200, $0x38;
	[tilespmem:$0x1F000] =	vst v63  }
0xa4: {  	_ =	swait.ge [sflag:s2], $0x200  }
0xa5: {  	[sflag:s2] =	ssyncset.done $0x0  }
0xa6: {  	s28 =	sadd.s32 $0x40, s28;
	[sflag:s2] =	ssyncadd.s32 $0xFFFFFE00  }
0xa7: {  	[tilespmem:s31], [sflag:$0x3] =	stream.linear.gather [hbm4b:s28+s23], $0x200, $0x38;
	[tilespmem:$0x1F000] =	vst v63  }
0xa8: {  	_ =	swait.ge [sflag:s2], $0x200  }
0xa9: {  	[sflag:s2] =	ssyncset.done $0x0  }
0xaa: {  	[sflag:s2] =	ssyncadd.s32 $0xFFFFFE00  }
0xab: {  	v2 =	vld [tilespmem:$0x400]  }
0xac: {  	v3 =	vld [tilespmem:$0x410]  }
0xad: {  	v40 =	vld [tilespmem:$0x420]  }
0xae: {  	v41 =	vld [tilespmem:$0x430]  }
0xaf: {  	v42 =	vld [tilespmem:$0x440]  }
0xb0: {  	v43 =	vld [tilespmem:$0x450];
	v2 =	vadd.s32 v0, v2  }
0xb1: {  	[tilespmem:$0x400] =	vst v2;
	v2 =	vadd.s32 v0, v3;
	v3 =	vld [tilespmem:$0x460]  }
0xb2: {  	v44 =	vld [tilespmem:$0x470];
	[tilespmem:$0x410] =	vst v2;
	v2 =	vadd.s32 v0, v40  }
0xb3: {  	v45 =	vld [tilespmem:$0x480];
	[tilespmem:$0x420] =	vst v2;
	v2 =	vadd.s32 v0, v41  }
0xb4: {  	v46 =	vld [tilespmem:$0x490];
	[tilespmem:$0x430] =	vst v2;
	v2 =	vadd.s32 v0, v42  }
0xb5: {  	v47 =	vld [tilespmem:$0x4A0];
	[tilespmem:$0x440] =	vst v2;
	v2 =	vadd.s32 v0, v43  }
0xb6: {  	[tilespmem:$0x450] =	vst v2;
	v2 =	vadd.s32 v0, v3;
	v3 =	vld [tilespmem:$0x4B0]  }
0xb7: {  	v48 =	vld [tilespmem:$0x4C0];
	[tilespmem:$0x460] =	vst v2;
	v2 =	vadd.s32 v0, v44  }
0xb8: {  	v49 =	vld [tilespmem:$0x4D0];
	[tilespmem:$0x470] =	vst v2;
	v2 =	vadd.s32 v0, v45  }
0xb9: {  	v50 =	vld [tilespmem:$0x4E0];
	[tilespmem:$0x480] =	vst v2;
	v2 =	vadd.s32 v0, v46  }
0xba: {  	v51 =	vld [tilespmem:$0x4F0];
	[tilespmem:$0x490] =	vst v2;
	v2 =	vadd.s32 v0, v47  }
0xbb: {  	[tilespmem:$0x4A0] =	vst v2;
	v2 =	vadd.s32 v0, v3;
	v3 =	vld [tilespmem:$0x500]  }
0xbc: {  	v52 =	vld [tilespmem:$0x510];
	[tilespmem:$0x4B0] =	vst v2;
	v2 =	vadd.s32 v0, v48  }
0xbd: {  	v53 =	vld [tilespmem:$0x520];
	[tilespmem:$0x4C0] =	vst v2;
	v2 =	vadd.s32 v0, v49  }
0xbe: {  	v54 =	vld [tilespmem:$0x530];
	[tilespmem:$0x4D0] =	vst v2;
	v2 =	vadd.s32 v0, v50  }
0xbf: {  	v55 =	vld [tilespmem:$0x540];
	[tilespmem:$0x4E0] =	vst v2;
	v2 =	vadd.s32 v0, v51  }
0xc0: {  	[tilespmem:$0x4F0] =	vst v2;
	v2 =	vadd.s32 v0, v3;
	v3 =	vld [tilespmem:$0x550]  }
0xc1: {  	v56 =	vld [tilespmem:$0x560];
	[tilespmem:$0x500] =	vst v2;
	v2 =	vadd.s32 v0, v52  }
0xc2: {  	v57 =	vld [tilespmem:$0x570];
	[tilespmem:$0x510] =	vst v2;
	v2 =	vadd.s32 v0, v53  }
0xc3: {  	v58 =	vld [tilespmem:$0x580];
	[tilespmem:$0x520] =	vst v2;
	v2 =	vadd.s32 v0, v54  }
0xc4: {  	v59 =	vld [tilespmem:$0x590];
	[tilespmem:$0x530] =	vst v2;
	v2 =	vadd.s32 v0, v55  }
0xc5: {  	[tilespmem:$0x540] =	vst v2;
	v2 =	vadd.s32 v0, v3;
	v3 =	vld [tilespmem:$0x5A0]  }
0xc6: {  	v60 =	vld [tilespmem:$0x5B0];
	[tilespmem:$0x550] =	vst v2;
	v2 =	vadd.s32 v0, v56  }
0xc7: {  	v61 =	vld [tilespmem:$0x5C0];
	[tilespmem:$0x560] =	vst v2;
	v2 =	vadd.s32 v0, v57  }
0xc8: {  	v62 =	vld [tilespmem:$0x5D0];
	[tilespmem:$0x570] =	vst v2;
	v2 =	vadd.s32 v0, v58  }
0xc9: {  	v63 =	vld [tilespmem:$0x5E0];
	[tilespmem:$0x580] =	vst v2;
	v2 =	vadd.s32 v0, v59  }
0xca: {  	[tilespmem:$0x590] =	vst v2;
	v2 =	vadd.s32 v0, v3;
	v3 =	vld [tilespmem:$0x5F0]  }
0xcb: {  	[tilespmem:$0x5A0] =	vst v2;
	v2 =	vadd.s32 v0, v60  }
0xcc: {  	[tilespmem:$0x5B0] =	vst v2;
	v2 =	vadd.s32 v0, v61  }
0xcd: {  	[tilespmem:$0x5C0] =	vst v2;
	v2 =	vadd.s32 v0, v62  }
0xce: {  	[tilespmem:$0x5D0] =	vst v2;
	v2 =	vadd.s32 v0, v63  }
0xcf: {  	[tilespmem:$0x5E0] =	vst v2;
	v2 =	vadd.s32 v0, v3  }
0xd0: {  	[tilespmem:$0x5F0] =	vst v2  }
0xd1: {  	[tilespmem:s15], [sflag:$0x2] =	stream.indirect.gather [hbm4b:s19+s7], $0x40, s26, s7, $0xb8;
	[tilespmem:$0x1F000] =	vst v63  }
0xd2: {  	s28 =	rddreg [dreg:$0x7]  }
0xd3: {  	[tilespmem:s16], [sflag:$0x2] =	stream.indirect.gather [hbm4b:s19+s7], $0x40, s28, s7, $0xb8;
	[tilespmem:$0x1F000] =	vst v63  }
0xd4: {  	s26 =	rddreg [dreg:$0x8]  }
0xd5: {  	[tilespmem:s20], [sflag:$0x2] =	stream.indirect.gather [hbm4b:s19+s7], $0x40, s26, s7, $0xb8;
	[tilespmem:$0x1F000] =	vst v63  }
0xd6: {  	s28 =	rddreg [dreg:$0x9]  }
0xd7: {  	[tilespmem:s0], [sflag:$0x2] =	stream.indirect.gather [hbm4b:s19+s7], $0x40, s28, s7, $0xb8;
	[tilespmem:$0x1F000] =	vst v63  }
0xd8: {  	_ =	swait.ge [sflag:s21], $0x2000  }
0xd9: {  	[sflag:s21] =	ssyncset.done $0x0  }
0xda: {  	[sflag:s21] =	ssyncadd.s32 $0xFFFFE000  }
0xdb: {  	_ =	swait.ge [sflag:s21], $0x2000  }
0xdc: {  	[sflag:s21] =	ssyncset.done $0x0  }
0xdd: {  	[sflag:s21] =	ssyncadd.s32 $0xFFFFE000  }
0xde: {  	_ =	swait.ge [sflag:s21], $0x2000  }
0xdf: {  	[sflag:s21] =	ssyncset.done $0x0  }
0xe0: {  	[sflag:s21] =	ssyncadd.s32 $0xFFFFE000  }
0xe1: {  	_ =	swait.ge [sflag:s21], $0x2000  }
0xe2: {  	[sflag:s21] =	ssyncset.done $0x0  }
0xe3: {  	[sflag:s21] =	ssyncadd.s32 $0xFFFFE000  }
0xe4: {  	[spmem:s1] =	stream.indirect.scatter.add.f32 [tilespmem:s12], [sflag:$0x3], $0x40, s8, s7, $0xb8;
	[tilespmem:$0x1F000] =	vst v63  }
0xe5: {  	_ =	swait.ge [sflag:s2], $0x2000  }
0xe6: {  	[sflag:s2] =	ssyncset.done $0x0  }
0xe7: {  	s26 =	rddreg [dreg:$0xa];
	[sflag:s2] =	ssyncadd.s32 $0xFFFFE000  }
0xe8: {  	[spmem:s1] =	stream.indirect.scatter.add.f32 [tilespmem:s10], [sflag:$0x3], $0x40, s26, s7, $0xb8;
	[tilespmem:$0x1F000] =	vst v63  }
0xe9: {  	_ =	swait.ge [sflag:s2], $0x2000  }
0xea: {  	[sflag:s2] =	ssyncset.done $0x0  }
0xeb: {  	s28 =	simm.s32 $0x300;
	[sflag:s2] =	ssyncadd.s32 $0xFFFFE000  }
0xec: {  	[spmem:s1] =	stream.indirect.scatter.add.f32 [tilespmem:s13], [sflag:$0x3], $0x40, s28, s7, $0xb8;
	[tilespmem:$0x1F000] =	vst v63  }
0xed: {  	_ =	swait.ge [sflag:s2], $0x2000  }
0xee: {  	[sflag:s2] =	ssyncset.done $0x0  }
0xef: {  	s26 =	simm.s32 $0x380;
	[sflag:s2] =	ssyncadd.s32 $0xFFFFE000  }
0xf0: {  	[spmem:s1] =	stream.indirect.scatter.add.f32 [tilespmem:s14], [sflag:$0x3], $0x40, s26, s7, $0xb8;
	[tilespmem:$0x1F000] =	vst v63  }
0xf1: {  	_ =	swait.ge [sflag:s2], $0x2000  }
0xf2: {  	[sflag:s2] =	ssyncset.done $0x0  }
0xf3: {  	[sflag:s2] =	ssyncadd.s32 $0xFFFFE000  }
0xf4: {  	_ =	swait.ge [sflag:s24], $0x2000  }
0xf5: {  	[sflag:s24] =	ssyncset.done $0x0  }
0xf6: {  	[sflag:s24] =	ssyncadd.s32 $0xFFFFE000  }
0xf7: {  	_ =	swait.ge [sflag:s24], $0x2000  }
0xf8: {  	[sflag:s24] =	ssyncset.done $0x0  }
0xf9: {  	[sflag:s24] =	ssyncadd.s32 $0xFFFFE000  }
0xfa: {  	_ =	swait.ge [sflag:s24], $0x2000  }
0xfb: {  	[sflag:s24] =	ssyncset.done $0x0  }
0xfc: {  	[sflag:s24] =	ssyncadd.s32 $0xFFFFE000  }
0xfd: {  	_ =	swait.ge [sflag:s24], $0x2000  }
0xfe: {  	[sflag:s24] =	ssyncset.done $0x0  }
0xff: {  	[sflag:s24] =	ssyncadd.s32 $0xFFFFE000  }
0x100: {  	[spmem:s1] =	stream.indirect.scatter.add.f32 [tilespmem:s15], [sflag:$0x3], $0x40, s31, s7, $0xb8;
	[tilespmem:$0x1F000] =	vst v63  }
0x101: {  	_ =	swait.ge [sflag:s2], $0x2000  }
0x102: {  	[sflag:s2] =	ssyncset.done $0x0  }
0x103: {  	s28 =	simm.s32 $0x680;
	[sflag:s2] =	ssyncadd.s32 $0xFFFFE000  }
0x104: {  	[spmem:s1] =	stream.indirect.scatter.add.f32 [tilespmem:s16], [sflag:$0x3], $0x40, s28, s7, $0xb8;
	[tilespmem:$0x1F000] =	vst v63  }
0x105: {  	_ =	swait.ge [sflag:s2], $0x2000  }
0x106: {  	[sflag:s2] =	ssyncset.done $0x0  }
0x107: {  	s26 =	simm.s32 $0x700;
	[sflag:s2] =	ssyncadd.s32 $0xFFFFE000  }
0x108: {  	[spmem:s1] =	stream.indirect.scatter.add.f32 [tilespmem:s20], [sflag:$0x3], $0x40, s26, s7, $0xb8;
	[tilespmem:$0x1F000] =	vst v63  }
0x109: {  	_ =	swait.ge [sflag:s2], $0x2000  }
0x10a: {  	p0 =	sne.s32 s25, $0x980;
	[sflag:s2] =	ssyncset.done $0x0  }
.Ltmp2:
0x10b: {  	s28 =	simm.s32 $0x780;
	[sflag:s2] =	ssyncadd.s32 $0xFFFFE000;
	(pc) =	sbr.rel @p0 .LBB2_6-.Ltmp2, $4  }
0x10c: {  	[spmem:s1] =	stream.indirect.scatter.add.f32 [tilespmem:s0], [sflag:$0x3], $0x40, s28, s7, $0xb8;
	[tilespmem:$0x1F000] =	vst v63  }
0x10d: {  	_ =	swait.ge [sflag:s2], $0x2000  }
0x10e: {  	[sflag:s2] =	ssyncset.done $0x0  }
0x10f: {  	s25 =	sadd.s32 $0x80, s25;
	[sflag:s2] =	ssyncadd.s32 $0xFFFFE000  }
0x110: {  	s6 =	sadd.s32 $0x0, s18  }
0x111: {  	[tilespmem:s4], [sflag:$0x3] =	stream.linear.gather [hbm4b:s6+s4], $0x100, $0x38;
	[tilespmem:$0x1F000] =	vst v63  }
0x112: {  	_ =	swait.ge [sflag:s2], $0x100  }
0x113: {  	[sflag:s2] =	ssyncset.done $0x0  }
0x114: {  	s8 =	rddreg [dreg:$0x16];
	[sflag:s2] =	ssyncadd.s32 $0xFFFFFF00  }
0x115: {  	[tilespmem:s5], [sflag:$0x1] =	stream.linear.gather [hbm4b:s8+s4], $0x1000, $0x38;
	[tilespmem:$0x1F000] =	vst v63  }
0x116: {  	s25 =	sadd.s32 $0x0, s17  }
0x117: {  	[tilespmem:s9], [sflag:$0x3] =	stream.linear.gather [hbm4b:s25+s4], $0x100, $0x38;
	[tilespmem:$0x1F000] =	vst v63  }
0x118: {  	_ =	swait.ge [sflag:s2], $0x100  }
0x119: {  	[sflag:s2] =	ssyncset.done $0x0  }
0x11a: {  	s26 =	rddreg [dreg:$0x15];
	[sflag:s2] =	ssyncadd.s32 $0xFFFFFF00  }
0x11b: {  	[tilespmem:s29], [sflag:$0x2] =	stream.linear.gather [hbm4b:s26+s4], $0x1000, $0x38;
	[tilespmem:$0x1F000] =	vst v63  }
0x11c: {  	_ =	swait.ge [sflag:s21], $0x1000  }
0x11d: {  	[sflag:s21] =	ssyncset.done $0x0  }
0x11e: {  	[sflag:s21] =	ssyncadd.s32 $0xFFFFF000  }
0x11f: {  	[spmem:s3] =	stream.indirect.scatter.add.f32 [tilespmem:s5], [sflag:$0x3], $0x10, s4, s7, $0xb8;
	[tilespmem:$0x1F000] =	vst v63  }
0x120: {  	_ =	swait.ge [sflag:s2], $0x800  }
0x121: {  	[sflag:s2] =	ssyncset.done $0x0  }
0x122: {  	[sflag:s2] =	ssyncadd.s32 $0xFFFFF800  }
0x123: {  	[spmem:s3] =	stream.indirect.scatter.add.f32 [tilespmem:s30], [sflag:$0x3], $0x10, s7, s7, $0xb8;
	[tilespmem:$0x1F000] =	vst v63  }
0x124: {  	_ =	swait.ge [sflag:s2], $0x800  }
0x125: {  	[sflag:s2] =	ssyncset.done $0x0  }
0x126: {  	[sflag:s2] =	ssyncadd.s32 $0xFFFFF800  }
0x127: {  	_ =	swait.ge [sflag:s24], $0x1000  }
0x128: {  	[sflag:s24] =	ssyncset.done $0x0  }
0x129: {  	[sflag:s24] =	ssyncadd.s32 $0xFFFFF000  }
0x12a: {  	[spmem:s3] =	stream.indirect.scatter.add.f32 [tilespmem:s29], [sflag:$0x3], $0x10, s9, s7, $0xb8;
	[tilespmem:$0x1F000] =	vst v63  }
0x12b: {  	_ =	swait.ge [sflag:s2], $0x800  }
0x12c: {  	[sflag:s2] =	ssyncset.done $0x0  }
0x12d: {  	[sflag:s2] =	ssyncadd.s32 $0xFFFFF800  }
0x12e: {  	[spmem:s3] =	stream.indirect.scatter.add.f32 [tilespmem:s22], [sflag:$0x3], $0x10, s11, s7, $0xb8;
	[tilespmem:$0x1F000] =	vst v63  }
0x12f: {  	s28 =	simm.s32 $0x80;
	s25 =	simm.s32 $0x40;
	_ =	swait.ge [sflag:s2], $0x800  }
0x130: {  	s23 =	sadd.s32 $0x400, s26;
	s26 =	sadd.s32 $0x400, s8;
	[sflag:s2] =	ssyncset.done $0x0  }
.LBB2_8:
0x131: {  	s8 =	sadd.s32 s25, s18  }
0x132: {  	[sflag:s2] =	ssyncadd.s32 $0xFFFFF800;
	s10 =	smov.u32 s28;
	s6 =	sadd.s32 $0x40, s28  }
0x133: {  	[tilespmem:s4], [sflag:$0x3] =	stream.linear.gather [hbm4b:s8+s4], $0x100, $0x38;
	[tilespmem:$0x1F000] =	vst v63  }
0x134: {  	p0 =	sne.s32 s28, $0x4C0;
	_ =	swait.ge [sflag:s2], $0x100  }
0x135: {  	[sflag:s2] =	ssyncset.done $0x0  }
0x136: {  	[sflag:s2] =	ssyncadd.s32 $0xFFFFFF00  }
0x137: {  	[tilespmem:s5], [sflag:$0x1] =	stream.linear.gather [hbm4b:s26+s4], $0x1000, $0x38;
	[tilespmem:$0x1F000] =	vst v63  }
0x138: {  	s8 =	sadd.s32 s25, s17;
	s25 =	smov.u32 s10  }
0x139: {  	[tilespmem:s9], [sflag:$0x3] =	stream.linear.gather [hbm4b:s8+s4], $0x100, $0x38;
	[tilespmem:$0x1F000] =	vst v63  }
0x13a: {  	_ =	swait.ge [sflag:s2], $0x100  }
0x13b: {  	[sflag:s2] =	ssyncset.done $0x0  }
0x13c: {  	[sflag:s2] =	ssyncadd.s32 $0xFFFFFF00  }
0x13d: {  	[tilespmem:s29], [sflag:$0x2] =	stream.linear.gather [hbm4b:s23+s4], $0x1000, $0x38;
	[tilespmem:$0x1F000] =	vst v63  }
0x13e: {  	_ =	swait.ge [sflag:s21], $0x1000  }
0x13f: {  	[sflag:s21] =	ssyncset.done $0x0  }
0x140: {  	[sflag:s21] =	ssyncadd.s32 $0xFFFFF000  }
0x141: {  	[spmem:s3] =	stream.indirect.scatter.add.f32 [tilespmem:s5], [sflag:$0x3], $0x10, s4, s7, $0xb8;
	[tilespmem:$0x1F000] =	vst v63  }
0x142: {  	_ =	swait.ge [sflag:s2], $0x800  }
0x143: {  	[sflag:s2] =	ssyncset.done $0x0  }
0x144: {  	[sflag:s2] =	ssyncadd.s32 $0xFFFFF800  }
0x145: {  	[spmem:s3] =	stream.indirect.scatter.add.f32 [tilespmem:s30], [sflag:$0x3], $0x10, s7, s7, $0xb8;
	[tilespmem:$0x1F000] =	vst v63  }
0x146: {  	_ =	swait.ge [sflag:s2], $0x800  }
0x147: {  	[sflag:s2] =	ssyncset.done $0x0  }
0x148: {  	[sflag:s2] =	ssyncadd.s32 $0xFFFFF800  }
0x149: {  	_ =	swait.ge [sflag:s24], $0x1000  }
0x14a: {  	[sflag:s24] =	ssyncset.done $0x0  }
0x14b: {  	[sflag:s24] =	ssyncadd.s32 $0xFFFFF000  }
0x14c: {  	[spmem:s3] =	stream.indirect.scatter.add.f32 [tilespmem:s29], [sflag:$0x3], $0x10, s9, s7, $0xb8;
	[tilespmem:$0x1F000] =	vst v63  }
0x14d: {  	_ =	swait.ge [sflag:s2], $0x800  }
.Ltmp3:
0x14e: {  	[sflag:s2] =	ssyncset.done $0x0;
	(pc) =	sbr.rel @p0 .LBB2_8-.Ltmp3, $4  }
0x14f: {  	[sflag:s2] =	ssyncadd.s32 $0xFFFFF800  }
0x150: {  	[spmem:s3] =	stream.indirect.scatter.add.f32 [tilespmem:s22], [sflag:$0x3], $0x10, s11, s7, $0xb8;
	[tilespmem:$0x1F000] =	vst v63  }
0x151: {  	s28 =	smov.u32 s6;
	_ =	swait.ge [sflag:s2], $0x800  }
0x152: {  	s26 =	sadd.s32 $0x400, s26;
	s23 =	sadd.s32 $0x400, s23;
	[sflag:s2] =	ssyncset.done $0x0  }
0x153: {  	s6 =	sadd.s32 s25, s18;
	[sflag:s2] =	ssyncadd.s32 $0xFFFFF800  }
0x154: {  	[tilespmem:s4], [sflag:$0x3] =	stream.linear.gather [hbm4b:s6+s4], $0x100, $0x38;
	[tilespmem:$0x1F000] =	vst v63  }
0x155: {  	_ =	swait.ge [sflag:s2], $0x100  }
0x156: {  	[sflag:s2] =	ssyncset.done $0x0  }
0x157: {  	[sflag:s2] =	ssyncadd.s32 $0xFFFFFF00  }
0x158: {  	[tilespmem:s5], [sflag:$0x1] =	stream.linear.gather [hbm4b:s26+s4], $0x1000, $0x38;
	[tilespmem:$0x1F000] =	vst v63  }
0x159: {  	s0 =	sadd.s32 s25, s17  }
0x15a: {  	[tilespmem:s9], [sflag:$0x3] =	stream.linear.gather [hbm4b:s0+s4], $0x100, $0x38;
	[tilespmem:$0x1F000] =	vst v63  }
0x15b: {  	_ =	swait.ge [sflag:s2], $0x100  }
0x15c: {  	[sflag:s2] =	ssyncset.done $0x0  }
0x15d: {  	[sflag:s2] =	ssyncadd.s32 $0xFFFFFF00  }
0x15e: {  	[tilespmem:s29], [sflag:$0x2] =	stream.linear.gather [hbm4b:s23+s4], $0x1000, $0x38;
	[tilespmem:$0x1F000] =	vst v63  }
0x15f: {  	_ =	swait.ge [sflag:s21], $0x1000  }
0x160: {  	[sflag:s21] =	ssyncset.done $0x0  }
0x161: {  	[sflag:s21] =	ssyncadd.s32 $0xFFFFF000  }
0x162: {  	[spmem:s3] =	stream.indirect.scatter.add.f32 [tilespmem:s5], [sflag:$0x3], $0x10, s4, s7, $0xb8;
	[tilespmem:$0x1F000] =	vst v63  }
0x163: {  	_ =	swait.ge [sflag:s2], $0x800  }
0x164: {  	[sflag:s2] =	ssyncset.done $0x0  }
0x165: {  	[sflag:s2] =	ssyncadd.s32 $0xFFFFF800  }
0x166: {  	[spmem:s3] =	stream.indirect.scatter.add.f32 [tilespmem:s30], [sflag:$0x3], $0x10, s7, s7, $0xb8;
	[tilespmem:$0x1F000] =	vst v63  }
0x167: {  	_ =	swait.ge [sflag:s2], $0x800  }
0x168: {  	[sflag:s2] =	ssyncset.done $0x0  }
0x169: {  	[sflag:s2] =	ssyncadd.s32 $0xFFFFF800  }
0x16a: {  	_ =	swait.ge [sflag:s24], $0x1000  }
0x16b: {  	[sflag:s24] =	ssyncset.done $0x0  }
0x16c: {  	[sflag:s24] =	ssyncadd.s32 $0xFFFFF000  }
0x16d: {  	[spmem:s3] =	stream.indirect.scatter.add.f32 [tilespmem:s29], [sflag:$0x3], $0x10, s9, s7, $0xb8;
	[tilespmem:$0x1F000] =	vst v63  }
0x16e: {  	_ =	swait.ge [sflag:s2], $0x800  }
0x16f: {  	[sflag:s2] =	ssyncset.done $0x0  }
0x170: {  	[sflag:s2] =	ssyncadd.s32 $0xFFFFF800  }
0x171: {  	[spmem:s3] =	stream.indirect.scatter.add.f32 [tilespmem:s22], [sflag:$0x3], $0x10, s11, s7, $0xb8;
	[tilespmem:$0x1F000] =	vst v63  }
0x172: {  	_ =	swait.ge [sflag:s2], $0x800  }
0x173: {  	[sflag:s2] =	ssyncset.done $0x0  }
0x174: {  	[sflag:s2] =	ssyncadd.s32 $0xFFFFF800  }
0x175: {  	s8 =	stileid.u32;
	[bflag:$0x0] =	sbarrier.arrive $0xFFFF  }
0x176: {  	s6 =	sshll.u32 s8, $0x6;
	s25 =	rddreg [dreg:$0x17]  }
0x177: {  	s6 =	sor.u32 $0x1C03, s6;
	s10 =	rddreg [dreg:$0xb];
	s8 =	sshrl.u32 s25, $0x3  }
0x178: {  	[hbm:s10], [sflag:s6] =	dma.local [spmem:s8], $0x400  }
0x179: {  	_ =	swait.ge [sflag:s2], $0x400  }
0x17a: {  	[sflag:s2] =	ssyncset.done $0x0;
	s26 =	rddreg [dreg:$0x18]  }
0x17b: {  	s12 =	rddreg [dreg:$0x10];
	[sflag:s2] =	ssyncadd.s32 $0xFFFFFC00;
	s10 =	sshrl.u32 s26, $0x3  }
0x17c: {  	[hbm:s12], [sflag:s6] =	dma.local [spmem:s10], $0x100  }
0x17d: {  	_ =	swait.ge [sflag:s2], $0x100  }
0x17e: {  	[sflag:s2] =	ssyncset.done $0x0;
	s28 =	rddreg [dreg:$0x19]  }
0x17f: {  	s0 =	rddreg [dreg:$0xc];
	[sflag:s2] =	ssyncadd.s32 $0xFFFFFF00;
	s23 =	sshrl.u32 s28, $0x3  }
0x180: {  	[hbm:s0], [sflag:s6] =	dma.local [spmem:s23], $0x400  }
0x181: {  	_ =	swait.ge [sflag:s2], $0x400  }
0x182: {  	[sflag:s2] =	ssyncset.done $0x0;
	s10 =	rddreg [dreg:$0x1a]  }
0x183: {  	s12 =	rddreg [dreg:$0x11];
	[sflag:s2] =	ssyncadd.s32 $0xFFFFFC00;
	s8 =	sshrl.u32 s10, $0x3  }
0x184: {  	[hbm:s12], [sflag:s6] =	dma.local [spmem:s8], $0x100  }
0x185: {  	_ =	swait.ge [sflag:s2], $0x100  }
0x186: {  	[sflag:s2] =	ssyncset.done $0x0;
	s23 =	rddreg [dreg:$0x1b]  }
0x187: {  	s0 =	rddreg [dreg:$0xd];
	[sflag:s2] =	ssyncadd.s32 $0xFFFFFF00;
	s8 =	sshrl.u32 s23, $0x3  }
0x188: {  	[hbm:s0], [sflag:s6] =	dma.local [spmem:s8], $0x400  }
0x189: {  	_ =	swait.ge [sflag:s2], $0x400  }
0x18a: {  	[sflag:s2] =	ssyncset.done $0x0;
	s10 =	rddreg [dreg:$0x1c]  }
0x18b: {  	s12 =	rddreg [dreg:$0x12];
	[sflag:s2] =	ssyncadd.s32 $0xFFFFFC00;
	s8 =	sshrl.u32 s10, $0x3  }
0x18c: {  	[hbm:s12], [sflag:s6] =	dma.local [spmem:s8], $0x100  }
0x18d: {  	_ =	swait.ge [sflag:s2], $0x100  }
0x18e: {  	[sflag:s2] =	ssyncset.done $0x0;
	s23 =	rddreg [dreg:$0x1d]  }
0x18f: {  	s0 =	rddreg [dreg:$0xe];
	[sflag:s2] =	ssyncadd.s32 $0xFFFFFF00;
	s8 =	sshrl.u32 s23, $0x3  }
0x190: {  	[hbm:s0], [sflag:s6] =	dma.local [spmem:s8], $0x400  }
0x191: {  	_ =	swait.ge [sflag:s2], $0x400  }
0x192: {  	[sflag:s2] =	ssyncset.done $0x0;
	s10 =	rddreg [dreg:$0x1e]  }
0x193: {  	s12 =	rddreg [dreg:$0x13];
	[sflag:s2] =	ssyncadd.s32 $0xFFFFFC00;
	s8 =	sshrl.u32 s10, $0x3  }
0x194: {  	[hbm:s12], [sflag:s6] =	dma.local [spmem:s8], $0x100  }
0x195: {  	_ =	swait.ge [sflag:s2], $0x100  }
0x196: {  	[sflag:s2] =	ssyncset.done $0x0;
	s23 =	rddreg [dreg:$0x1f]  }
0x197: {  	s0 =	rddreg [dreg:$0xf];
	[sflag:s2] =	ssyncadd.s32 $0xFFFFFF00;
	s8 =	sshrl.u32 s23, $0x3  }
0x198: {  	[hbm:s0], [sflag:s6] =	dma.local [spmem:s8], $0x400  }
0x199: {  	_ =	swait.ge [sflag:s2], $0x400  }
0x19a: {  	s10 =	sld [smem:$0x7FC];
	_ =	sdelay $0x1  }
0x19b: {  	[sflag:s2] =	ssyncset.done $0x0  }
0x19c: {  	s12 =	rddreg [dreg:$0x14];
	[sflag:s2] =	ssyncadd.s32 $0xFFFFFC00;
	s8 =	sshrl.u32 s10, $0x3  }
0x19d: {  	[hbm:s12], [sflag:s6] =	dma.local [spmem:s8], $0x100  }
0x19e: {  	_ =	swait.ge [sflag:s2], $0x100  }
0x19f: {  	s12 =	sld [smem:$0x7FB]  }
0x1a0: {  	s23 =	sld [smem:$0x7FD];
	_ =	sdelay $0x1  }
0x1a1: {  	s12 =	sadd.s32 $0x1, s12  }
0x1a2: {  	p0 =	sne.s32 s12, s23  }
.Ltmp4:
0x1a3: {  	_ = 	snop;
	(pc) =	sbr.rel @p0 .LBB2_1-.Ltmp4, $3  }
0x1a4: {  	_ =	sdelay $0x1  }
0x1a5: {  	s0 =	simm.s32 $0x800;
	[sflag:s2] =	ssyncset.done $0x0  }
0x1a6: {  	s10 =	simm.s32 $0x2800;
	s8 =	simm.s32 $0x200;
	[sflag:s2] =	ssyncadd.s32 $0xFFFFFF00  }
0x1a7: {  	_ =	sfence.sel $0x180000  }
0x1a8: {  	[bflag:$0x0] =	sbarrier.arrive $0xFFFF  }
0x1a9: {  	_ =	strace $0x90000047  }
0x1aa: {  	s0 =	stileid.u32;
	[bflag:$0x2] =	sbarrier.arrive $0xFFFF  }
0x1ab: {  	p0 =	sne.s32 s0, $0x0;
	s0 =	rddreg [dreg:$0x4]  }
0x1ac: {  	s0 =	sadd.s32 @!p0 $0x100000, s0  }
0x1ad: {  	[sflag:s0] =	ssyncadd.tile.s32 @!p0 $0x1;
	_ =	shalt  }
.Lfunc_end2:
_tile_overlayer_lowered:
.L_overlay_start_2:
0x1ae: {  	(tag) =	ssettag $0x2  }
0x1af: {  	s0 =	rddreg [dreg:$0x0];
	s2 =	stileid.u32  }
0x1b0: {  	s1 =	rddreg [dreg:$0x1];
	p0 =	sne.s32 s2, $0x0  }
0x1b1: {  	s3 =	rddreg [dreg:$0x2];
	[bflag:$0x3] =	sbarrier.arrive $0xFFFF;
	s2 =	simm.s32 @!p0 $0x1C03  }
0x1b2: {  	[timem:s3], [sflag:s2] =	dma.local @!p0 [hbm:s0], s1  }
0x1b3: {  	s0 =	simm.s32 @!p0 $0x3  }
0x1b4: {  	_ =	swait.ge @!p0 [sflag:s0], s1  }
0x1b5: {  	s1 =	ssub.s32 @!p0 $0x0, s1;
	[sflag:s0] =	ssyncset.done @!p0 $0x0  }
0x1b6: {  	[sflag:s0] =	ssyncadd.s32 @!p0 s1  }
0x1b7: {  	[bflag:$0x3] =	sbarrier.arrive $0xFFFF  }
0x1b8: {  	_ =	shalt  }

// kernel: kernel.8.cloned.1.call-start
scs
__scs_entry_jumppad:
0x0: {  	(pc) =	sbr.rel $0x88, $3  }
0x1: {  	(tag) =	ssettag $0x0;
	lr =	simm.s32 $0x1  }
0x2: {  	[smem:$0x3F9D] =	sst lr;
	_ =	strace $0xD0000000  }
0x3: {  	_ = 	snop  }
0x4: {  	_ = 	snop  }
0x5: {  	_ = 	snop  }
0x6: {  	_ = 	snop  }
0x7: {  	_ = 	snop  }
__scs_overlays_trampoline_lowered:
0x8: {  	[smem:$0x3FAC] =	sst s0  }
0x9: {  	[smem:$0x3FAD] =	sst s1  }
0xa: {  	[smem:$0x3FAE] =	sst s2  }
0xb: {  	[smem:$0x3FAF] =	sst s3  }
0xc: {  	[smem:$0x3FB0] =	sst s4  }
0xd: {  	[smem:$0x3FB1] =	sst s5  }
0xe: {  	[smem:$0x3FB2] =	sst s6  }
0xf: {  	[smem:$0x3FB3] =	sst s7  }
0x10: {  	[smem:$0x3FB4] =	sst s8  }
0x11: {  	[smem:$0x3FB5] =	sst s9;
	s0 =	simm.s32 @!p0 $0x0  }
0x12: {  	s1 =	sld [smem:$0x3F9B];
	s0 =	simm.s32 @p0 $0x1  }
0x13: {  	[smem:$0x3FB6] =	sst s0;
	s0 =	simm.s32 @!p1 $0x0  }
0x14: {  	s2 =	sld [smem:$0x3F9A];
	s0 =	simm.s32 @p1 $0x1  }
0x15: {  	[smem:$0x3FB7] =	sst s0;
	s0 =	simm.s32 @!p2 $0x0  }
0x16: {  	s3 =	sld [smem:$0x3FDB];
	s0 =	simm.s32 @p2 $0x1  }
0x17: {  	s4 =	simm.s32 $0x1BF5;
	[smem:$0x3FB9] =	sst s0  }
0x18: {  	s0 =	sld [smem:$0x3F9C];
	_ =	swait.ge [sflag:s4], $0x0  }
0x19: {  	s7 =	sld [smem:$0x3F9D]  }
0x1a: {  	s8 =	sadd.s32 $0xFFFFE003, lr  }
0x1b: {  	s9 =	sadd.s32 $0xFFFFFEF7, lr;
	s5 =	simm.s32 $0xFFFFFFFF;
	p2 =	slt.u32 s8, $0xFFFFF086  }
0x1c: {  	p1 =	slt.u32 s9, $0xF7A;
	s5 =	simm.s32 @!p2 $0x0  }
0x1d: {  	s5 =	simm.s32 @p1 $0x1;
	p0 =	seq.s32 s7, s2  }
0x1e: {  	s7 =	smul.u32 @!p0 $0xF7A, s2;
	p2 =	seq.s32 @!p0 s5, $0x0  }
0x1f: {  	s9 =	smul.u32 $0xF7A, s1;
	s8 =	simm.s32 @!p0 $0x1BF5;
	p2 =	por !p2, p0  }
0x20: {  	[sflag:s8] =	ssyncset.s32 @!p0 $0xFFFFF086;
	s6 =	sadd.s32 @!p0 s3, s7;
	s7 =	simm.s32 @!p0 $0x108  }
0x21: {  	s3 =	sadd.s32 s3, s9;
	s6 =	sadd.s32 @!p0 $0x88, s6;
	s7 =	simm.s32 @p2 $0x1082  }
0x22: {  	[simem:s7], [sflag:s8] =	dma.local @!p0 [hbm:s6], $0xF7A  }
0x23: {  	s9 =	sor.u32 $0xD0000000, s2;
	s6 =	simm.s32 $0x108;
	_ =	swait.ge @!p0 [sflag:s8], $0x0  }
0x24: {  	s3 =	sadd.s32 $0x88, s3;
	s6 =	simm.s32 @!p1 $0x1082;
	[sflag:s4] =	ssyncset.s32 $0xFFFFF086  }
0x25: {  	[simem:s6], [sflag:s4] =	dma.local [hbm:s3], $0xF7A  }
0x26: {  	[smem:$0x3F9D] =	sst s1;
	(tag) =	ssettag s2;
	_ =	strace s9  }
0x27: {  	s1 =	sld [smem:$0x3FAD]  }
0x28: {  	s2 =	sld [smem:$0x3FAE]  }
0x29: {  	s4 =	sld [smem:$0x3FB0]  }
0x2a: {  	p0 =	seq.s32 s5, $0x0;
	s5 =	sld [smem:$0x3FB1]  }
0x2b: {  	s6 =	sld [smem:$0x3FB2]  }
0x2c: {  	s7 =	sld [smem:$0x3FB3]  }
0x2d: {  	s3 =	simm.s32 $0x108;
	s8 =	sld [smem:$0x3FB4]  }
0x2e: {  	s3 =	simm.s32 @!p0 $0x1082;
	s9 =	sld [smem:$0x3FB5]  }
0x2f: {  	lr =	sadd.s32 s0, s3;
	s0 =	sld [smem:$0x3FAC]  }
0x30: {  	s3 =	sld [smem:$0x3FAF]  }
0x31: {  	[smem:$0x3FB8] =	sst s10  }
0x32: {  	s10 =	sld [smem:$0x3FB6];
	_ =	sdelay $0x3  }
0x33: {  	p0 =	seq.s32 s10, $0x1;
	s10 =	sld [smem:$0x3FB8];
	_ =	sdelay $0x3  }
0x34: {  	[smem:$0x3FB8] =	sst s10  }
0x35: {  	s10 =	sld [smem:$0x3FB7];
	_ =	sdelay $0x3  }
0x36: {  	p1 =	seq.s32 s10, $0x1;
	s10 =	sld [smem:$0x3FB8];
	_ =	sdelay $0x3  }
0x37: {  	[smem:$0x3FB8] =	sst s10  }
0x38: {  	s10 =	sld [smem:$0x3FB9]  }
0x39: {  	_ = 	snop;
	(pc) =	sbr.ind lr, $3  }
0x3a: {  	_ = 	snop  }
0x3b: {  	_ = 	snop  }
0x3c: {  	p2 =	seq.s32 s10, $0x1;
	s10 =	sld [smem:$0x3FB8]  }
0x3d: {  	_ =	shalt  }
0x3e: {  	_ =	shalt  }
0x3f: {  	_ =	shalt  }
0x40: {  	_ =	shalt  }
0x41: {  	_ =	shalt  }
0x42: {  	_ =	shalt  }
0x43: {  	_ =	shalt  }
0x44: {  	_ =	shalt  }
0x45: {  	_ =	shalt  }
0x46: {  	_ =	shalt  }
0x47: {  	_ =	shalt  }
0x48: {  	_ =	shalt  }
0x49: {  	_ =	shalt  }
0x4a: {  	_ =	shalt  }
0x4b: {  	_ =	shalt  }
0x4c: {  	_ =	shalt  }
0x4d: {  	_ =	shalt  }
0x4e: {  	_ =	shalt  }
0x4f: {  	_ =	shalt  }
0x50: {  	_ =	shalt  }
0x51: {  	_ =	shalt  }
0x52: {  	_ =	shalt  }
0x53: {  	_ =	shalt  }
0x54: {  	_ =	shalt  }
0x55: {  	_ =	shalt  }
0x56: {  	_ =	shalt  }
0x57: {  	_ =	shalt  }
0x58: {  	_ =	shalt  }
0x59: {  	_ =	shalt  }
0x5a: {  	_ =	shalt  }
0x5b: {  	_ =	shalt  }
0x5c: {  	_ =	shalt  }
0x5d: {  	_ =	shalt  }
0x5e: {  	_ =	shalt  }
0x5f: {  	_ =	shalt  }
0x60: {  	_ =	shalt  }
0x61: {  	_ =	shalt  }
0x62: {  	_ =	shalt  }
0x63: {  	_ =	shalt  }
0x64: {  	_ =	shalt  }
0x65: {  	_ =	shalt  }
0x66: {  	_ =	shalt  }
0x67: {  	_ =	shalt  }
0x68: {  	_ =	shalt  }
0x69: {  	_ =	shalt  }
0x6a: {  	_ =	shalt  }
0x6b: {  	_ =	shalt  }
0x6c: {  	_ =	shalt  }
0x6d: {  	_ =	shalt  }
0x6e: {  	_ =	shalt  }
0x6f: {  	_ =	shalt  }
0x70: {  	_ =	shalt  }
0x71: {  	_ =	shalt  }
0x72: {  	_ =	shalt  }
0x73: {  	_ =	shalt  }
0x74: {  	_ =	shalt  }
0x75: {  	_ =	shalt  }
0x76: {  	_ =	shalt  }
0x77: {  	_ =	shalt  }
0x78: {  	_ =	shalt  }
0x79: {  	_ =	shalt  }
0x7a: {  	_ =	shalt  }
0x7b: {  	_ =	shalt  }
0x7c: {  	_ =	shalt  }
0x7d: {  	_ =	shalt  }
0x7e: {  	_ =	shalt  }
0x7f: {  	_ =	shalt  }
0x80: {  	_ =	shalt  }
0x81: {  	_ =	shalt  }
0x82: {  	_ =	shalt  }
0x83: {  	_ =	shalt  }
0x84: {  	_ =	shalt  }
0x85: {  	_ =	shalt  }
0x86: {  	_ =	shalt  }
0x87: {  	_ =	shalt  }
.Lfunc_end0:
.L_simem_size_0:
called_computation.1_lowered:
.L_overlay_start_0:
0x88: {  	s2 =	sld [smem:$0x3FD9]  }
0x89: {  	s3 =	sld [smem:$0x3FFE];
	_ =	sdelay $0x1  }
0x8a: {  	s1 =	srdreg.scid  }
0x8b: {  	s0 =	sand.u32 $0x1, s1  }
0x8c: {  	s17 =	sshll.u32 s0, $0xA;
	s2 =	sadd.s32 s3, s2  }
0x8d: {  	s2 =	sadd.s32 s2, s17  }
0x8e: {  	[smem:$0x3FC4] =	sst s2  }
0x8f: {  	_ = 	snop  }
0x90: {  	(tm) =	ssettm $0x1  }
0x91: {  	s18 =	sld [smem:$0x3FFB];
	_ =	sdelay $0x3  }
0x92: {  	_ =	strace s18  }
0x93: {  	s2 =	sld [smem:$0x3FFC];
	_ =	sdelay $0x3  }
0x94: {  	_ =	strace s2  }
0x95: {  	s2 =	sld [smem:$0x3FFD];
	_ =	sdelay $0x3  }
0x96: {  	_ =	strace s2  }
0x97: {  	_ =	strace $0x8FFFFFFF  }
0x98: {  	s19 =	sld [smem:$0x3FDB];
	_ =	sdelay $0x1  }
0x99: {  	s20 =	simm.s32 $_scs_section_size  }
0x9a: {  	s4 =	simm.s32 $_size__tile_overlayer_lowered;
	s5 =	simm.s32 $_tile_overlayer_lowered  }
0x9b: {  	s6 =	simm.s32 $0x1BFF;
	s21 =	sshll.u32 s5, $0x1;
	s3 =	sadd.s32 s20, s19  }
0x9c: {  	s22 =	simm.s32 $0x0;
	s4 =	sshll.u32 s4, $0x1;
	s5 =	sadd.s32 s21, s3  }
0x9d: {  	[timem:s22], [sflag:s6] =	dma.local [hbm:s5], s4  }
0x9e: {  	_ =	swait.ge [sflag:s6], s4  }
0x9f: {  	s4 =	ssub.s32 $0x0, s4;
	[sflag:s6] =	ssyncset.done $0x0  }
0xa0: {  	[sflag:s6] =	ssyncadd.s32 s4;
	_ =	sdelay $0x1  }
0xa1: {  	s23 =	simm.s32 $0x1B8B  }
0xa2: {  	_ =	swait.ge [sflag:s23], $0x1  }
0xa3: {  	[sflag:s23] =	ssyncset.done $0x0  }
0xa4: {  	[sflag:s23] =	ssyncadd.s32 $0xFFFFFFFF  }
0xa5: {  	s4 =	sld [smem:$0x0]  }
0xa6: {  	s5 =	sand.u32 $0xFFFFFFFE, s1  }
0xa7: {  	p0 =	sne.s32 s1, s5  }
0xa8: {  	s5 =	sshll.u32 @p0 s5, $0xE  }
0xa9: {  	s5 =	sadd.s32 @p0 $0x11B8D, s5;
	s6 =	sshll.u32 @p0 s4, $0x11  }
0xaa: {  	s5 =	sor.u32 @p0 s6, s5  }
0xab: {  	[sflag:s5] =	ssyncadd.remote.s32 @p0 $0x1;
	_ =	sdelay $0x1  }
0xac: {  	s5 =	simm.s32 @p0 $0x1B8D  }
0xad: {  	_ =	swait.eq @p0 [sflag:s5], $0x1  }
0xae: {  	[sflag:s5] =	ssyncadd.s32 @p0 $0xFFFFFFFF  }
0xaf: {  	s6 =	sshll.u32 @!p0 s1, $0xE  }
0xb0: {  	s6 =	sor.u32 @!p0 $0x4000, s6;
	s5 =	simm.s32 @!p0 $0x1B8D  }
0xb1: {  	s4 =	sshll.u32 @!p0 s4, $0x11;
	s6 =	sadd.s32 @!p0 $0x11B8D, s6;
	_ =	swait.eq @!p0 [sflag:s5], $0x1  }
0xb2: {  	s4 =	sor.u32 @!p0 s4, s6;
	[sflag:s5] =	ssyncadd.s32 @!p0 $0xFFFFFFFF  }
0xb3: {  	s25 =	simm.s32 $0x1B8E;
	s24 =	sld [smem:$0x3FFE];
	[sflag:s4] =	ssyncadd.remote.s32 @!p0 $0x1  }
0xb4: {  	s26 =	simm.s32 $execute0_lowered;
	[smem:$0x3FD2] =	sst s25  }
0xb5: {  	s5 =	sshll.u32 s26, $0x1;
	_ =	strace $0x80000049;
	[dreg:$0x1] =	wrdreg $0xFFFFFFFF  }
0xb6: {  	s28 =	simm.s32 $_size_execute0_lowered;
	s3 =	sadd.s32 s3, s5;
	[dreg:$0x0] =	wrdreg $0x0  }
0xb7: {  	s5 =	sshll.u32 s28, $0x1;
	[dreg:$0x2] =	wrdreg s3  }
0xb8: {  	[dreg:$0x3] =	wrdreg s5  }
0xb9: {  	[dreg:$0x4] =	wrdreg $0xC0  }
0xba: {  	_ =	task [dreg:s22], $0x5FFFF  }
0xbb: {  	[dreg:$0x1] =	wrdreg $0xFFFFFFFF  }
0xbc: {  	[dreg:$0x0] =	wrdreg $0x60  }
0xbd: {  	[dreg:$0x2] =	wrdreg s24  }
0xbe: {  	[dreg:$0x3] =	wrdreg $0x64000  }
0xbf: {  	[dreg:$0x4] =	wrdreg $0xB4000  }
0xc0: {  	[dreg:$0x5] =	wrdreg $0xA  }
0xc1: {  	_ =	task.clear_ibuf [dreg:s22], $0x6FFFF;
	_ =	strace $0x90000049  }
0xc2: {  	s29 =	simm.s32 $0xA;
	_ =	strace $0x8000004B  }
0xc3: {  	_ =	swait.ge [sflag:s29], $0x1  }
0xc4: {  	[sflag:s29] =	ssyncadd.s32 $0xFFFFFFFF  }
0xc5: {  	_ =	strace $0x9000004B  }
0xc6: {  	_ =	sfence  }
0xc7: {  	s30 =	sld [smem:$0x0];
	_ =	sdelay $0x2  }
0xc8: {  	s31 =	sshll.u32 s1, $0xD;
	s1 =	sshrl.u32 s1, $0x2  }
0xc9: {  	s4 =	sand.u32 $0x4000, s31;
	s1 =	sadd.s32 s1, s30  }
0xca: {  	s0 =	sor.u32 s4, s0;
	s1 =	sshll.u32 s1, $0x11  }
0xcb: {  	s0 =	sor.u32 s1, s0  }
0xcc: {  	s0 =	sadd.s32 $0x8F2B, s0  }
0xcd: {  	[sflag:s0] =	ssyncadd.remote.s32 $0x1  }
0xce: {  	_ =	sfence.sel $0xFFFF  }
0xcf: {  	[dreg:$0x0] =	wrdreg $0xFFFFFFFF;
	(pc) =	sbr.abs _section_cstart, $3  }
0xd0: {  	[dreg:$0x1] =	wrdreg $0xFFFFFFFF  }
0xd1: {  	_ =	task.clear_ibuf [dreg:s22], $0x2FFFF;
	_ =	strace $0x9FFFFFFF  }
0xd2: {  	(tm) =	ssettm $0x7FFFFFFF  }
0xd3: {  	_ =	shalt  }
tec
execute0_lowered:
.L_overlay_start_1:
0x0: {  	(tag) =	ssettag $0x1  }
0x1: {  	s0 =	rddreg [dreg:$0x0]  }
0x2: {  	s1 =	rddreg [dreg:$0x1]  }
0x3: {  	s3 =	rddreg [dreg:$0x2]  }
0x4: {  	s2 =	simm.s32 $0x0;
	s7 =	stileid.u32;
	s4 =	srdreg.scid  }
0x5: {  	s28 =	simm.s32 $0x5B00;
	[smem:$0x7FF] =	sst s2;
	s2 =	smul.u32 $0x280, s7  }
0x6: {  	s29 =	simm.s32 $0x5B80;
	s30 =	simm.s32 $0x5C00;
	s5 =	smul.u32 $0xA00, s7  }
0x7: {  	s31 =	simm.s32 $0x5C80;
	s4 =	sand.u32 $0x1, s4;
	s7 =	smul.u32 $0x5000, s7  }
0x8: {  	_ =	strace $0x8000004A;
	s4 =	ssub.s32 $0x2, s4;
	s6 =	sshrl.u32 s2, $0x3  }
0x9: {  	s17 =	sadd.s32 s5, s0;
	s23 =	sshrl.u32 s4, $0x1;
	s5 =	sadd.s32 $0x110000, s0  }
0xa: {  	s16 =	sadd.s32 s2, s3;
	s26 =	sadd.s32 $0x190, s2;
	s8 =	sadd.s32 $0x1A0, s2  }
0xb: {  	s18 =	sadd.s32 $0x1B0, s2;
	s20 =	sadd.s32 $0x1C0, s2;
	s21 =	sadd.s32 $0x1D0, s2  }
0xc: {  	s22 =	sadd.s32 $0x1E0, s2;
	s19 =	sadd.s32 s6, s0;
	s0 =	ssub.s32 s4, s23  }
0xd: {  	s6 =	sadd.s32 s7, s1;
	s17 =	sadd.s32 $0x34000, s17;
	p0 =	slt.u32 s26, $0x2710  }
0xe: {  	s23 =	sadd.s32 $0x1F0, s2;
	s26 =	sadd.s32 $0x240, s2;
	s7 =	sshrl.u32 s7, $0x3  }
0xf: {  	s24 =	sadd.s32 $0x800, s6;
	s25 =	sadd.s32 $0x1000, s6;
	s9 =	sadd.s32 $0x1800, s6  }
0x10: {  	s10 =	sadd.s32 $0x2000, s6;
	s11 =	sadd.s32 $0x2800, s6;
	s12 =	sadd.s32 $0x3000, s6  }
0x11: {  	s13 =	sadd.s32 $0x3800, s6;
	s14 =	sadd.s32 $0x4000, s6;
	s15 =	sadd.s32 $0x4800, s6  }
0x12: {  	s4 =	simm.s32 @!p0 $0x0;
	s19 =	sadd.s32 $0x11A000, s19;
	[dreg:$0x4] =	wrdreg s24  }
0x13: {  	[dreg:$0x5] =	wrdreg s25;
	s4 =	simm.s32 @p0 $0x1;
	p0 =	slt.u32 s8, $0x2710  }
0x14: {  	p4 =	slt.u32 s26, $0x2710;
	[smem:$0x7F5] =	sst s4;
	s4 =	simm.s32 @!p0 $0x0  }
0x15: {  	s24 =	sadd.s32 $0x200, s2;
	s4 =	simm.s32 @p0 $0x1;
	p0 =	slt.u32 s18, $0x2710  }
0x16: {  	s25 =	sadd.s32 $0x210, s2;
	[smem:$0x7F6] =	sst s4;
	s4 =	simm.s32 @!p0 $0x0  }
0x17: {  	s18 =	sadd.s32 s5, s7;
	s4 =	simm.s32 @p0 $0x1;
	p0 =	slt.u32 s20, $0x2710  }
0x18: {  	s20 =	sadd.s32 $0x220, s2;
	[smem:$0x7F7] =	sst s4;
	s4 =	simm.s32 @!p0 $0x0  }
0x19: {  	p2 =	slt.u32 s20, $0x2710;
	s20 =	smax.u32 s0, $0x1;
	s0 =	simm.s32 $0x5D00  }
0x1a: {  	s4 =	simm.s32 @p0 $0x1;
	p0 =	slt.u32 s21, $0x2710;
	s21 =	sadd.s32 $0x230, s2  }
0x1b: {  	[smem:$0x7F8] =	sst s4;
	s4 =	simm.s32 @!p0 $0x0;
	p3 =	slt.u32 s21, $0x2710  }
0x1c: {  	s21 =	simm.s32 $0x5080;
	s4 =	simm.s32 @p0 $0x1;
	p0 =	slt.u32 s22, $0x2710  }
0x1d: {  	s22 =	simm.s32 $0x2;
	[smem:$0x7F9] =	sst s4;
	s4 =	simm.s32 @!p0 $0x0  }
0x1e: {  	s4 =	simm.s32 @p0 $0x1;
	p0 =	slt.u32 s23, $0x2710;
	s23 =	sadd.s32 $0x250, s2  }
0x1f: {  	[smem:$0x7FA] =	sst s4;
	s4 =	simm.s32 @!p0 $0x0;
	p5 =	slt.u32 s23, $0x2710  }
0x20: {  	s23 =	simm.s32 $0x80;
	s4 =	simm.s32 @p0 $0x1;
	p0 =	slt.u32 s24, $0x2710  }
0x21: {  	s24 =	sadd.s32 $0x260, s2;
	[smem:$0x7FB] =	sst s4;
	s4 =	simm.s32 @!p0 $0x0  }
0x22: {  	s2 =	sadd.s32 $0x270, s2;
	s4 =	simm.s32 @p0 $0x1;
	p0 =	slt.u32 s25, $0x2710  }
0x23: {  	p6 =	slt.u32 s24, $0x2710;
	s24 =	simm.s32 $0x5000;
	s8 =	simm.s32 @!p0 $0x0  }
0x24: {  	s25 =	simm.s32 $0x1;
	[smem:$0x7FC] =	sst s4;
	s8 =	simm.s32 @p0 $0x1  }
0x25: {  	v0 =	vimm.f32 $0.0e+00;
	v1 =	vimm.f32 $1.000000000e+00;
	s4 =	simm.s32 $0x0;
	p0 =	slt.u32 s2, $0x2710;
	[smem:$0x7FD] =	sst s8  }
.LBB2_1:
0x26: {  	s2 =	simm.s32 $0x40;
	s7 =	simm.s32 $0x0  }
.LBB2_2:
0x27: {  	p1 =	sne.s32 s2, $0x1FC0;
	[tilespmem:s7+$0x5080] =	vst v0;
	s7 =	smov.u32 s2;
	s2 =	sadd.s32 $0x40, s2  }
.Ltmp0:
0x28: {  	(pc) =	sbr.rel @p1 .LBB2_2-.Ltmp0, $2  }
0x29: {  	_ =	sdelay $0x2  }
0x2a: {  	s7 =	sshra.s32 s7, $0x2  }
0x2b: {  	[tilespmem:s7+$0x5080] =	vst v0  }
0x2c: {  	[tilespmem:$0x5000] =	vst v1  }
0x2d: {  	[tilespmem:$0x5010] =	vst v1  }
0x2e: {  	[tilespmem:$0x5020] =	vst v1  }
0x2f: {  	[tilespmem:$0x5030] =	vst v1  }
0x30: {  	[tilespmem:$0x5040] =	vst v1  }
0x31: {  	[tilespmem:$0x5050] =	vst v1  }
0x32: {  	[tilespmem:$0x5060] =	vst v1  }
0x33: {  	[tilespmem:$0x5070] =	vst v1  }
0x34: {  	[spmem:s6] =	stream.linear.scatter [tilespmem:s21], [sflag:$0x2], $0x800, $0x38;
	[tilespmem:$0xB680] =	vst v63  }
0x35: {  	_ =	swait.ge [sflag:s22], $0x800  }
0x36: {  	[sflag:s22] =	ssyncset.done $0x0  }
0x37: {  	s2 =	rddreg [dreg:$0x4];
	[sflag:s22] =	ssyncadd.s32 $0xFFFFF800  }
0x38: {  	[spmem:s2] =	stream.linear.scatter [tilespmem:s21], [sflag:$0x2], $0x800, $0x38;
	[tilespmem:$0xB680] =	vst v63  }
0x39: {  	_ =	swait.ge [sflag:s22], $0x800  }
0x3a: {  	[sflag:s22] =	ssyncset.done $0x0  }
0x3b: {  	s26 =	rddreg [dreg:$0x5];
	[sflag:s22] =	ssyncadd.s32 $0xFFFFF800  }
0x3c: {  	[spmem:s26] =	stream.linear.scatter [tilespmem:s21], [sflag:$0x2], $0x800, $0x38;
	[tilespmem:$0xB680] =	vst v63  }
0x3d: {  	_ =	swait.ge [sflag:s22], $0x800  }
0x3e: {  	[sflag:s22] =	ssyncset.done $0x0  }
0x3f: {  	[sflag:s22] =	ssyncadd.s32 $0xFFFFF800  }
0x40: {  	[spmem:s9] =	stream.linear.scatter [tilespmem:s21], [sflag:$0x2], $0x800, $0x38;
	[tilespmem:$0xB680] =	vst v63  }
0x41: {  	_ =	swait.ge [sflag:s22], $0x800  }
0x42: {  	[sflag:s22] =	ssyncset.done $0x0  }
0x43: {  	[sflag:s22] =	ssyncadd.s32 $0xFFFFF800  }
0x44: {  	[spmem:s10] =	stream.linear.scatter [tilespmem:s21], [sflag:$0x2], $0x800, $0x38;
	[tilespmem:$0xB680] =	vst v63  }
0x45: {  	_ =	swait.ge [sflag:s22], $0x800  }
0x46: {  	[sflag:s22] =	ssyncset.done $0x0  }
0x47: {  	[sflag:s22] =	ssyncadd.s32 $0xFFFFF800  }
0x48: {  	[spmem:s11] =	stream.linear.scatter [tilespmem:s21], [sflag:$0x2], $0x800, $0x38;
	[tilespmem:$0xB680] =	vst v63  }
0x49: {  	_ =	swait.ge [sflag:s22], $0x800  }
0x4a: {  	[sflag:s22] =	ssyncset.done $0x0  }
0x4b: {  	[sflag:s22] =	ssyncadd.s32 $0xFFFFF800  }
0x4c: {  	[spmem:s12] =	stream.linear.scatter [tilespmem:s21], [sflag:$0x2], $0x800, $0x38;
	[tilespmem:$0xB680] =	vst v63  }
0x4d: {  	_ =	swait.ge [sflag:s22], $0x800  }
0x4e: {  	[sflag:s22] =	ssyncset.done $0x0  }
0x4f: {  	[sflag:s22] =	ssyncadd.s32 $0xFFFFF800  }
0x50: {  	[spmem:s13] =	stream.linear.scatter [tilespmem:s21], [sflag:$0x2], $0x800, $0x38;
	[tilespmem:$0xB680] =	vst v63  }
0x51: {  	_ =	swait.ge [sflag:s22], $0x800  }
0x52: {  	[sflag:s22] =	ssyncset.done $0x0  }
0x53: {  	[sflag:s22] =	ssyncadd.s32 $0xFFFFF800  }
0x54: {  	[spmem:s14] =	stream.linear.scatter [tilespmem:s21], [sflag:$0x2], $0x800, $0x38;
	[tilespmem:$0xB680] =	vst v63  }
0x55: {  	_ =	swait.ge [sflag:s22], $0x800  }
0x56: {  	[sflag:s22] =	ssyncset.done $0x0  }
0x57: {  	[sflag:s22] =	ssyncadd.s32 $0xFFFFF800  }
0x58: {  	[spmem:s15] =	stream.linear.scatter [tilespmem:s21], [sflag:$0x2], $0x800, $0x38;
	[tilespmem:$0xB680] =	vst v63  }
0x59: {  	_ =	swait.ge [sflag:s22], $0x800  }
0x5a: {  	[sflag:s22] =	ssyncset.done $0x0  }
0x5b: {  	[sflag:s22] =	ssyncadd.s32 $0xFFFFF800  }
0x5c: {  	[spmem:s16] =	stream.linear.scatter [tilespmem:s21], [sflag:$0x2], $0x280, $0x38;
	[tilespmem:$0xB680] =	vst v63  }
0x5d: {  	_ =	swait.ge [sflag:s22], $0x280  }
0x5e: {  	[sflag:s22] =	ssyncset.done $0x0  }
0x5f: {  	s7 =	simm.s32 $0x0;
	[sflag:s22] =	ssyncadd.s32 $0xFFFFFD80  }
0x60: {  	[tilespmem:s7], [sflag:$0x2] =	stream.linear.gather [hbm4b:s17+s7], $0x5000, $0x38;
	[tilespmem:$0xB680] =	vst v63  }
0x61: {  	_ =	swait.ge [sflag:s22], $0x5000  }
0x62: {  	[sflag:s22] =	ssyncset.done $0x0  }
0x63: {  	[sflag:s22] =	ssyncadd.s32 $0xFFFFB000  }
0x64: {  	s8 =	simm.s32 $0x0;
	[bflag:$0x0] =	sbarrier.arrive $0xFFFF  }
0x65: {  	[spmem:s3] =	stream.indirect.scatter.add.f32 [tilespmem:s24], [sflag:$0x1], $0x1, s8, s23, $0xb8;
	[tilespmem:$0xB680] =	vst v63  }
0x66: {  	s26 =	simm.s32 $0x80  }
0x67: {  	[spmem:s3] =	stream.indirect.scatter.add.f32 [tilespmem:s24], [sflag:$0x1], $0x1, s26, s23, $0xb8;
	[tilespmem:$0xB680] =	vst v63  }
0x68: {  	s7 =	simm.s32 $0x100  }
0x69: {  	[spmem:s3] =	stream.indirect.scatter.add.f32 [tilespmem:s24], [sflag:$0x1], $0x1, s7, s23, $0xb8;
	[tilespmem:$0xB680] =	vst v63  }
0x6a: {  	s8 =	simm.s32 $0x180  }
0x6b: {  	[spmem:s3] =	stream.indirect.scatter.add.f32 [tilespmem:s24], [sflag:$0x1], $0x1, s8, s23, $0xb8;
	[tilespmem:$0xB680] =	vst v63  }
0x6c: {  	s26 =	simm.s32 $0x200  }
0x6d: {  	[spmem:s3] =	stream.indirect.scatter.add.f32 [tilespmem:s24], [sflag:$0x1], $0x1, s26, s23, $0xb8;
	[tilespmem:$0xB680] =	vst v63  }
0x6e: {  	s7 =	simm.s32 $0x280  }
0x6f: {  	[spmem:s3] =	stream.indirect.scatter.add.f32 [tilespmem:s24], [sflag:$0x1], $0x1, s7, s23, $0xb8;
	[tilespmem:$0xB680] =	vst v63  }
0x70: {  	s8 =	simm.s32 $0x300  }
0x71: {  	[spmem:s3] =	stream.indirect.scatter.add.f32 [tilespmem:s24], [sflag:$0x1], $0x1, s8, s23, $0xb8;
	[tilespmem:$0xB680] =	vst v63  }
0x72: {  	s26 =	simm.s32 $0x380  }
0x73: {  	[spmem:s3] =	stream.indirect.scatter.add.f32 [tilespmem:s24], [sflag:$0x1], $0x1, s26, s23, $0xb8;
	[tilespmem:$0xB680] =	vst v63  }
0x74: {  	_ =	swait.ge [sflag:s25], $0x80  }
0x75: {  	[sflag:s25] =	ssyncset.done $0x0  }
0x76: {  	[sflag:s25] =	ssyncadd.s32 $0xFFFFFF80  }
0x77: {  	_ =	swait.ge [sflag:s25], $0x80  }
0x78: {  	[sflag:s25] =	ssyncset.done $0x0  }
0x79: {  	[sflag:s25] =	ssyncadd.s32 $0xFFFFFF80  }
0x7a: {  	_ =	swait.ge [sflag:s25], $0x80  }
0x7b: {  	[sflag:s25] =	ssyncset.done $0x0  }
0x7c: {  	[sflag:s25] =	ssyncadd.s32 $0xFFFFFF80  }
0x7d: {  	_ =	swait.ge [sflag:s25], $0x80  }
0x7e: {  	[sflag:s25] =	ssyncset.done $0x0  }
0x7f: {  	[sflag:s25] =	ssyncadd.s32 $0xFFFFFF80  }
0x80: {  	_ =	swait.ge [sflag:s25], $0x80  }
0x81: {  	[sflag:s25] =	ssyncset.done $0x0  }
0x82: {  	[sflag:s25] =	ssyncadd.s32 $0xFFFFFF80  }
0x83: {  	_ =	swait.ge [sflag:s25], $0x80  }
0x84: {  	[sflag:s25] =	ssyncset.done $0x0  }
0x85: {  	[sflag:s25] =	ssyncadd.s32 $0xFFFFFF80  }
0x86: {  	_ =	swait.ge [sflag:s25], $0x80  }
0x87: {  	[sflag:s25] =	ssyncset.done $0x0  }
0x88: {  	[sflag:s25] =	ssyncadd.s32 $0xFFFFFF80  }
0x89: {  	_ =	swait.ge [sflag:s25], $0x80  }
0x8a: {  	s2 =	simm.s32 $0x1000;
	s26 =	simm.s32 $0x2000;
	[sflag:s25] =	ssyncset.done $0x0  }
.LBB2_4:
0x8b: {  	s8 =	sshra.s32 s2, $0x2  }
0x8c: {  	[sflag:s25] =	ssyncadd.s32 $0xFFFFFF80;
	s2 =	smov.u32 s26;
	s7 =	sadd.s32 $0x1000, s26  }
0x8d: {  	[spmem:s3] =	stream.indirect.scatter.add.f32 [tilespmem:s24], [sflag:$0x1], $0x1, s8, s23, $0xb8;
	[tilespmem:$0xB680] =	vst v63  }
0x8e: {  	p1 =	sne.s32 s26, $0x13000;
	s26 =	sadd.s32 $0x80, s8  }
0x8f: {  	[spmem:s3] =	stream.indirect.scatter.add.f32 [tilespmem:s24], [sflag:$0x1], $0x1, s26, s23, $0xb8;
	[tilespmem:$0xB680] =	vst v63  }
0x90: {  	s26 =	sadd.s32 $0x100, s8  }
0x91: {  	[spmem:s3] =	stream.indirect.scatter.add.f32 [tilespmem:s24], [sflag:$0x1], $0x1, s26, s23, $0xb8;
	[tilespmem:$0xB680] =	vst v63  }
0x92: {  	s26 =	sadd.s32 $0x180, s8  }
0x93: {  	[spmem:s3] =	stream.indirect.scatter.add.f32 [tilespmem:s24], [sflag:$0x1], $0x1, s26, s23, $0xb8;
	[tilespmem:$0xB680] =	vst v63  }
0x94: {  	s26 =	sadd.s32 $0x200, s8  }
0x95: {  	[spmem:s3] =	stream.indirect.scatter.add.f32 [tilespmem:s24], [sflag:$0x1], $0x1, s26, s23, $0xb8;
	[tilespmem:$0xB680] =	vst v63  }
0x96: {  	s26 =	sadd.s32 $0x280, s8  }
0x97: {  	[spmem:s3] =	stream.indirect.scatter.add.f32 [tilespmem:s24], [sflag:$0x1], $0x1, s26, s23, $0xb8;
	[tilespmem:$0xB680] =	vst v63  }
0x98: {  	s26 =	sadd.s32 $0x300, s8  }
0x99: {  	[spmem:s3] =	stream.indirect.scatter.add.f32 [tilespmem:s24], [sflag:$0x1], $0x1, s26, s23, $0xb8;
	[tilespmem:$0xB680] =	vst v63  }
0x9a: {  	s8 =	sadd.s32 $0x380, s8  }
0x9b: {  	[spmem:s3] =	stream.indirect.scatter.add.f32 [tilespmem:s24], [sflag:$0x1], $0x1, s8, s23, $0xb8;
	[tilespmem:$0xB680] =	vst v63  }
0x9c: {  	_ =	swait.ge [sflag:s25], $0x80  }
0x9d: {  	[sflag:s25] =	ssyncset.done $0x0  }
0x9e: {  	[sflag:s25] =	ssyncadd.s32 $0xFFFFFF80  }
0x9f: {  	_ =	swait.ge [sflag:s25], $0x80  }
0xa0: {  	[sflag:s25] =	ssyncset.done $0x0  }
0xa1: {  	[sflag:s25] =	ssyncadd.s32 $0xFFFFFF80  }
0xa2: {  	_ =	swait.ge [sflag:s25], $0x80  }
0xa3: {  	[sflag:s25] =	ssyncset.done $0x0  }
0xa4: {  	[sflag:s25] =	ssyncadd.s32 $0xFFFFFF80  }
0xa5: {  	_ =	swait.ge [sflag:s25], $0x80  }
0xa6: {  	[sflag:s25] =	ssyncset.done $0x0  }
0xa7: {  	[sflag:s25] =	ssyncadd.s32 $0xFFFFFF80  }
0xa8: {  	_ =	swait.ge [sflag:s25], $0x80  }
0xa9: {  	[sflag:s25] =	ssyncset.done $0x0  }
0xaa: {  	[sflag:s25] =	ssyncadd.s32 $0xFFFFFF80  }
0xab: {  	_ =	swait.ge [sflag:s25], $0x80  }
0xac: {  	[sflag:s25] =	ssyncset.done $0x0  }
0xad: {  	[sflag:s25] =	ssyncadd.s32 $0xFFFFFF80  }
.Ltmp1:
0xae: {  	_ =	swait.ge [sflag:s25], $0x80;
	(pc) =	sbr.rel @p1 .LBB2_4-.Ltmp1, $4  }
0xaf: {  	[sflag:s25] =	ssyncset.done $0x0  }
0xb0: {  	[sflag:s25] =	ssyncadd.s32 $0xFFFFFF80  }
0xb1: {  	_ =	swait.ge [sflag:s25], $0x80  }
0xb2: {  	s26 =	smov.u32 s7;
	[sflag:s25] =	ssyncset.done $0x0  }
0xb3: {  	s2 =	sshra.s32 s2, $0x2;
	[sflag:s25] =	ssyncadd.s32 $0xFFFFFF80  }
0xb4: {  	[spmem:s3] =	stream.indirect.scatter.add.f32 [tilespmem:s24], [sflag:$0x1], $0x1, s2, s23, $0xb8;
	[tilespmem:$0xB680] =	vst v63  }
0xb5: {  	s7 =	sadd.s32 $0x80, s2  }
0xb6: {  	[spmem:s3] =	stream.indirect.scatter.add.f32 [tilespmem:s24], [sflag:$0x1], $0x1, s7, s23, $0xb8;
	[tilespmem:$0xB680] =	vst v63  }
0xb7: {  	s8 =	sadd.s32 $0x100, s2  }
0xb8: {  	[spmem:s3] =	stream.indirect.scatter.add.f32 [tilespmem:s24], [sflag:$0x1], $0x1, s8, s23, $0xb8;
	[tilespmem:$0xB680] =	vst v63  }
0xb9: {  	s26 =	sadd.s32 $0x180, s2  }
0xba: {  	[spmem:s3] =	stream.indirect.scatter.add.f32 [tilespmem:s24], [sflag:$0x1], $0x1, s26, s23, $0xb8;
	[tilespmem:$0xB680] =	vst v63  }
0xbb: {  	s8 =	sadd.s32 $0x200, s2  }
0xbc: {  	[spmem:s3] =	stream.indirect.scatter.add.f32 [tilespmem:s24], [sflag:$0x1], $0x1, s8, s23, $0xb8;
	[tilespmem:$0xB680] =	vst v63  }
0xbd: {  	s26 =	sadd.s32 $0x280, s2  }
0xbe: {  	[spmem:s3] =	stream.indirect.scatter.add.f32 [tilespmem:s24], [sflag:$0x1], $0x1, s26, s23, $0xb8;
	[tilespmem:$0xB680] =	vst v63  }
0xbf: {  	s8 =	sadd.s32 $0x300, s2  }
0xc0: {  	[spmem:s3] =	stream.indirect.scatter.add.f32 [tilespmem:s24], [sflag:$0x1], $0x1, s8, s23, $0xb8;
	[tilespmem:$0xB680] =	vst v63  }
0xc1: {  	s2 =	sadd.s32 $0x380, s2  }
0xc2: {  	[spmem:s3] =	stream.indirect.scatter.add.f32 [tilespmem:s24], [sflag:$0x1], $0x1, s2, s23, $0xb8;
	[tilespmem:$0xB680] =	vst v63  }
0xc3: {  	_ =	swait.ge [sflag:s25], $0x80  }
0xc4: {  	[sflag:s25] =	ssyncset.done $0x0  }
0xc5: {  	[sflag:s25] =	ssyncadd.s32 $0xFFFFFF80  }
0xc6: {  	_ =	swait.ge [sflag:s25], $0x80  }
0xc7: {  	[sflag:s25] =	ssyncset.done $0x0  }
0xc8: {  	[sflag:s25] =	ssyncadd.s32 $0xFFFFFF80  }
0xc9: {  	_ =	swait.ge [sflag:s25], $0x80  }
0xca: {  	[sflag:s25] =	ssyncset.done $0x0  }
0xcb: {  	[sflag:s25] =	ssyncadd.s32 $0xFFFFFF80  }
0xcc: {  	_ =	swait.ge [sflag:s25], $0x80  }
0xcd: {  	[sflag:s25] =	ssyncset.done $0x0  }
0xce: {  	[sflag:s25] =	ssyncadd.s32 $0xFFFFFF80  }
0xcf: {  	_ =	swait.ge [sflag:s25], $0x80  }
0xd0: {  	[sflag:s25] =	ssyncset.done $0x0  }
0xd1: {  	[sflag:s25] =	ssyncadd.s32 $0xFFFFFF80  }
0xd2: {  	_ =	swait.ge [sflag:s25], $0x80  }
0xd3: {  	[sflag:s25] =	ssyncset.done $0x0  }
0xd4: {  	[sflag:s25] =	ssyncadd.s32 $0xFFFFFF80  }
0xd5: {  	_ =	swait.ge [sflag:s25], $0x80  }
0xd6: {  	[sflag:s25] =	ssyncset.done $0x0  }
0xd7: {  	[sflag:s25] =	ssyncadd.s32 $0xFFFFFF80  }
0xd8: {  	_ =	swait.ge [sflag:s25], $0x80  }
0xd9: {  	[sflag:s25] =	ssyncset.done $0x0  }
0xda: {  	[sflag:s25] =	ssyncadd.s32 $0xFFFFFF80  }
0xdb: {  	s26 =	simm.s32 $0x5880;
	[bflag:$0x0] =	sbarrier.arrive $0xFFFF  }
0xdc: {  	[tilespmem:s26], [sflag:$0x2] =	stream.linear.gather [spmem:s16], $0x280, $0x38;
	[tilespmem:$0xB680] =	vst v63  }
0xdd: {  	_ =	swait.ge [sflag:s22], $0x280  }
0xde: {  	[sflag:s22] =	ssyncset.done $0x0  }
0xdf: {  	[sflag:s22] =	ssyncadd.s32 $0xFFFFFD80  }
0xe0: {  	v2 =	vld [tilespmem:$0x5880]  }
0xe1: {  	v3 =	vld [tilespmem:$0x5890]  }
0xe2: {  	v4 =	vld [tilespmem:$0x58A0]  }
0xe3: {  	v5 =	vld [tilespmem:$0x58B0]  }
0xe4: {  	v6 =	vld [tilespmem:$0x58C0]  }
0xe5: {  	v7 =	vld [tilespmem:$0x58D0]  }
0xe6: {  	v10 =	vld [tilespmem:$0x5900];
	v2 =	vtrunc.f32 v2  }
0xe7: {  	v47 =	vld [tilespmem:$0x5930];
	v3 =	vtrunc.f32 v3;
	v4 =	vtrunc.f32 v4  }
0xe8: {  	v54 =	vld [tilespmem:$0x5960];
	v5 =	vtrunc.f32 v5;
	v2 =	vcvt.f32.s32 v2  }
0xe9: {  	v61 =	vld [tilespmem:$0x5990];
	v41 =	vtrunc.f32 v6;
	v3 =	vcvt.f32.s32 v3  }
0xea: {  	v15 =	vld [tilespmem:$0x59C0];
	v43 =	vtrunc.f32 v7;
	v4 =	vcvt.f32.s32 v4;
	[tilespmem:$0x5B00] =	vst v2  }
0xeb: {  	v8 =	vld [tilespmem:$0x58E0];
	v50 =	vtrunc.f32 v10;
	v45 =	vcvt.f32.s32 v43;
	[tilespmem:$0x5B10] =	vst v3  }
0xec: {  	v9 =	vld [tilespmem:$0x58F0];
	v57 =	vtrunc.f32 v47;
	v52 =	vcvt.f32.s32 v50;
	[tilespmem:$0x5B20] =	vst v4  }
0xed: {  	v42 =	vld [tilespmem:$0x5910];
	v11 =	vtrunc.f32 v54;
	v59 =	vcvt.f32.s32 v57;
	[tilespmem:$0x5B50] =	vst v45  }
0xee: {  	v44 =	vld [tilespmem:$0x5920];
	v18 =	vtrunc.f32 v61;
	v13 =	vcvt.f32.s32 v11;
	[tilespmem:$0x5B80] =	vst v52  }
0xef: {  	v49 =	vld [tilespmem:$0x5940];
	v25 =	vtrunc.f32 v15;
	v20 =	vcvt.f32.s32 v18;
	[tilespmem:$0x5BB0] =	vst v59  }
0xf0: {  	v51 =	vld [tilespmem:$0x5950];
	v46 =	vtrunc.f32 v8;
	v27 =	vcvt.f32.s32 v25;
	[tilespmem:$0x5BE0] =	vst v13  }
0xf1: {  	v56 =	vld [tilespmem:$0x5970];
	v48 =	vtrunc.f32 v9;
	v2 =	vcvt.f32.s32 v5;
	[tilespmem:$0x5C10] =	vst v20  }
0xf2: {  	v58 =	vld [tilespmem:$0x5980];
	v53 =	vtrunc.f32 v42;
	v3 =	vcvt.f32.s32 v41;
	[tilespmem:$0x5C40] =	vst v27  }
0xf3: {  	v63 =	vld [tilespmem:$0x59A0];
	v55 =	vtrunc.f32 v44;
	[tilespmem:$0x5B30] =	vst v2;
	v2 =	vcvt.f32.s32 v46  }
0xf4: {  	v12 =	vld [tilespmem:$0x59B0];
	v60 =	vtrunc.f32 v49;
	[tilespmem:$0x5B40] =	vst v3;
	v3 =	vcvt.f32.s32 v48  }
0xf5: {  	v17 =	vld [tilespmem:$0x59D0];
	v62 =	vtrunc.f32 v51;
	[tilespmem:$0x5B60] =	vst v2;
	v2 =	vcvt.f32.s32 v53  }
0xf6: {  	v19 =	vld [tilespmem:$0x59E0];
	v14 =	vtrunc.f32 v56;
	[tilespmem:$0x5B70] =	vst v3;
	v3 =	vcvt.f32.s32 v55  }
0xf7: {  	v22 =	vld [tilespmem:$0x59F0];
	v16 =	vtrunc.f32 v58;
	[tilespmem:$0x5B90] =	vst v2;
	v2 =	vcvt.f32.s32 v60  }
0xf8: {  	v24 =	vld [tilespmem:$0x5A00];
	v21 =	vtrunc.f32 v63;
	[tilespmem:$0x5BA0] =	vst v3;
	v3 =	vcvt.f32.s32 v62  }
0xf9: {  	v26 =	vld [tilespmem:$0x5A10];
	v23 =	vtrunc.f32 v12;
	[tilespmem:$0x5BC0] =	vst v2;
	v2 =	vcvt.f32.s32 v14  }
0xfa: {  	v29 =	vld [tilespmem:$0x5A20];
	v28 =	vtrunc.f32 v17;
	[tilespmem:$0x5BD0] =	vst v3;
	v3 =	vcvt.f32.s32 v16  }
0xfb: {  	v30 =	vtrunc.f32 v19;
	[tilespmem:$0x5BF0] =	vst v2;
	v2 =	vcvt.f32.s32 v21  }
0xfc: {  	v31 =	vld [tilespmem:$0x5A30];
	v32 =	vtrunc.f32 v22;
	[tilespmem:$0x5C00] =	vst v3;
	v3 =	vcvt.f32.s32 v23  }
0xfd: {  	v33 =	vld [tilespmem:$0x5A40];
	v35 =	vtrunc.f32 v24;
	[tilespmem:$0x5C20] =	vst v2;
	v2 =	vcvt.f32.s32 v28  }
0xfe: {  	s7 =	sld [smem:$0x7F5];
	v36 =	vld [tilespmem:$0x5A50];
	v37 =	vtrunc.f32 v26;
	[tilespmem:$0x5C30] =	vst v3;
	v3 =	vcvt.f32.s32 v30  }
0xff: {  	s8 =	sld [smem:$0x7F6];
	v38 =	vld [tilespmem:$0x5A60];
	v39 =	vtrunc.f32 v29;
	v34 =	vcvt.f32.s32 v32;
	[tilespmem:$0x5C50] =	vst v2  }
0x100: {  	s26 =	sld [smem:$0x7F7];
	v40 =	vld [tilespmem:$0x5A70];
	v2 =	vcvt.f32.s32 v35;
	[tilespmem:$0x5C60] =	vst v3;
	v3 =	vcvt.f32.s32 v37  }
0x101: {  	p1 =	seq.s32 s7, $0x1;
	s7 =	sld [smem:$0x7F8];
	v42 =	vtrunc.f32 v31;
	v43 =	vld [tilespmem:$0x5A80];
	[tilespmem:$0x5C70] =	vst v34;
	v41 =	vcvt.f32.s32 v39  }
0x102: {  	v44 =	vtrunc.f32 v33;
	v45 =	vld [tilespmem:$0x5A90];
	[tilespmem:$0x5C80] =	vst v2;
	v2 =	vpsel !p1, $0x4FFFF, v3;
	v3 =	vcvt.f32.s32 v42;
	p1 =	seq.s32 s8, $0x1;
	s8 =	sld [smem:$0x7F9]  }
0x103: {  	v47 =	vtrunc.f32 v36;
	v46 =	vcvt.f32.s32 v44;
	v48 =	vld [tilespmem:$0x5AA0];
	[tilespmem:$0x5C90] =	vst v2;
	v2 =	vpsel !p1, $0x4FFFF, v41;
	p1 =	seq.s32 s26, $0x1;
	s26 =	sld [smem:$0x7FA]  }
0x104: {  	v49 =	vtrunc.f32 v38;
	v50 =	vld [tilespmem:$0x5AB0];
	[tilespmem:$0x5CA0] =	vst v2;
	v2 =	vpsel !p1, $0x4FFFF, v3;
	v3 =	vcvt.f32.s32 v47;
	p1 =	seq.s32 s7, $0x1;
	s7 =	sld [smem:$0x7FB]  }
0x105: {  	v51 =	vcvt.f32.s32 v49;
	v52 =	vtrunc.f32 v40;
	v53 =	vld [tilespmem:$0x5AC0];
	[tilespmem:$0x5CB0] =	vst v2;
	v2 =	vpsel !p1, $0x4FFFF, v46;
	p1 =	seq.s32 s8, $0x1;
	s8 =	sld [smem:$0x7FC]  }
0x106: {  	v54 =	vtrunc.f32 v43;
	v55 =	vld [tilespmem:$0x5AD0];
	[tilespmem:$0x5CC0] =	vst v2;
	v2 =	vpsel !p1, $0x4FFFF, v3;
	v3 =	vcvt.f32.s32 v52;
	p1 =	seq.s32 s26, $0x1;
	s26 =	sld [smem:$0x7FD]  }
0x107: {  	v58 =	vld [tilespmem:$0x5AE0];
	v56 =	vcvt.f32.s32 v54;
	v57 =	vtrunc.f32 v45;
	[tilespmem:$0x5CD0] =	vst v2;
	v2 =	vpsel !p1, $0x4FFFF, v51;
	p1 =	seq.s32 s7, $0x1  }
0x108: {  	v60 =	vld [tilespmem:$0x5AF0];
	v59 =	vtrunc.f32 v48;
	[tilespmem:$0x5CE0] =	vst v2;
	v2 =	vpsel !p1, $0x4FFFF, v3;
	v3 =	vcvt.f32.s32 v57;
	p1 =	seq.s32 s8, $0x1  }
0x109: {  	v62 =	vtrunc.f32 v50;
	v61 =	vcvt.f32.s32 v59;
	[tilespmem:$0x5CF0] =	vst v2;
	v2 =	vpsel !p1, $0x4FFFF, v56;
	p1 =	seq.s32 s26, $0x1  }
0x10a: {  	v63 =	vtrunc.f32 v53;
	[tilespmem:$0x5D00] =	vst v2;
	v2 =	vpsel !p1, $0x4FFFF, v3;
	v3 =	vcvt.f32.s32 v62  }
0x10b: {  	v9 =	vtrunc.f32 v55;
	v8 =	vcvt.f32.s32 v63;
	[tilespmem:$0x5D10] =	vst v2;
	v2 =	vpsel !p2, $0x4FFFF, v61  }
0x10c: {  	v10 =	vtrunc.f32 v58;
	[tilespmem:$0x5D20] =	vst v2;
	v2 =	vpsel !p3, $0x4FFFF, v3;
	v3 =	vcvt.f32.s32 v9  }
0x10d: {  	v11 =	vcvt.f32.s32 v10;
	v12 =	vtrunc.f32 v60;
	[tilespmem:$0x5D30] =	vst v2;
	v2 =	vpsel !p4, $0x4FFFF, v8  }
0x10e: {  	[tilespmem:$0x5D40] =	vst v2;
	v2 =	vpsel !p5, $0x4FFFF, v3;
	v3 =	vcvt.f32.s32 v12  }
0x10f: {  	[tilespmem:$0x5D50] =	vst v2;
	v2 =	vpsel !p6, $0x4FFFF, v11  }
0x110: {  	[tilespmem:$0x5D60] =	vst v2;
	v2 =	vpsel !p0, $0x4FFFF, v3  }
0x111: {  	[tilespmem:$0x5D70] =	vst v2  }
0x112: {  	[spmem:s1] =	stream.indirect.scatter.add.f32 [tilespmem:s24], [sflag:$0x1], $0x1, s28, s23, $0xb8;
	[tilespmem:$0xB680] =	vst v63  }
0x113: {  	_ = 	snop  }
0x114: {  	[spmem:s1] =	stream.indirect.scatter.add.f32 [tilespmem:s24], [sflag:$0x1], $0x1, s29, s23, $0xb8;
	[tilespmem:$0xB680] =	vst v63  }
0x115: {  	_ = 	snop  }
0x116: {  	[spmem:s1] =	stream.indirect.scatter.add.f32 [tilespmem:s24], [sflag:$0x1], $0x1, s30, s23, $0xb8;
	[tilespmem:$0xB680] =	vst v63  }
0x117: {  	_ = 	snop  }
0x118: {  	[spmem:s1] =	stream.indirect.scatter.add.f32 [tilespmem:s24], [sflag:$0x1], $0x1, s31, s23, $0xb8;
	[tilespmem:$0xB680] =	vst v63  }
0x119: {  	_ = 	snop  }
0x11a: {  	[spmem:s1] =	stream.indirect.scatter.add.f32 [tilespmem:s24], [sflag:$0x1], $0x1, s0, s23, $0xb8;
	[tilespmem:$0xB680] =	vst v63  }
0x11b: {  	_ =	swait.ge [sflag:s25], $0x80  }
0x11c: {  	[sflag:s25] =	ssyncset.done $0x0  }
0x11d: {  	[sflag:s25] =	ssyncadd.s32 $0xFFFFFF80  }
0x11e: {  	_ =	swait.ge [sflag:s25], $0x80  }
0x11f: {  	[sflag:s25] =	ssyncset.done $0x0  }
0x120: {  	[sflag:s25] =	ssyncadd.s32 $0xFFFFFF80  }
0x121: {  	_ =	swait.ge [sflag:s25], $0x80  }
0x122: {  	[sflag:s25] =	ssyncset.done $0x0  }
0x123: {  	[sflag:s25] =	ssyncadd.s32 $0xFFFFFF80  }
0x124: {  	_ =	swait.ge [sflag:s25], $0x80  }
0x125: {  	[sflag:s25] =	ssyncset.done $0x0  }
0x126: {  	[sflag:s25] =	ssyncadd.s32 $0xFFFFFF80  }
0x127: {  	_ =	swait.ge [sflag:s25], $0x80  }
0x128: {  	s7 =	stileid.u32;
	[sflag:s25] =	ssyncset.done $0x0  }
0x129: {  	s2 =	sshll.u32 s7, $0x6;
	[sflag:s25] =	ssyncadd.s32 $0xFFFFFF80  }
0x12a: {  	s8 =	sshrl.u32 s6, $0x3;
	s2 =	sor.u32 $0x1C02, s2;
	[bflag:$0x0] =	sbarrier.arrive $0xFFFF  }
0x12b: {  	[hbm:s18], [sflag:s2] =	dma.local [spmem:s8], $0xA00  }
0x12c: {  	_ =	swait.ge [sflag:s22], $0xA00  }
0x12d: {  	[sflag:s22] =	ssyncset.done $0x0  }
0x12e: {  	[sflag:s22] =	ssyncadd.s32 $0xFFFFF600  }
0x12f: {  	s26 =	simm.s32 $0x5F00;
	[bflag:$0x0] =	sbarrier.arrive $0xFFFF  }
0x130: {  	[tilespmem:s26], [sflag:$0x1] =	stream.indirect.gather [hbm4b:s5+s23], $0x1, s28, s23, $0xb8;
	[tilespmem:$0xB680] =	vst v63  }
0x131: {  	s7 =	simm.s32 $0x5F80  }
0x132: {  	[tilespmem:s7], [sflag:$0x1] =	stream.indirect.gather [hbm4b:s5+s23], $0x1, s29, s23, $0xb8;
	[tilespmem:$0xB680] =	vst v63  }
0x133: {  	s8 =	simm.s32 $0x6000  }
0x134: {  	[tilespmem:s8], [sflag:$0x1] =	stream.indirect.gather [hbm4b:s5+s23], $0x1, s30, s23, $0xb8;
	[tilespmem:$0xB680] =	vst v63  }
0x135: {  	s26 =	simm.s32 $0x6080  }
0x136: {  	[tilespmem:s26], [sflag:$0x1] =	stream.indirect.gather [hbm4b:s5+s23], $0x1, s31, s23, $0xb8;
	[tilespmem:$0xB680] =	vst v63  }
0x137: {  	s7 =	simm.s32 $0x6100  }
0x138: {  	[tilespmem:s7], [sflag:$0x1] =	stream.indirect.gather [hbm4b:s5+s23], $0x1, s0, s23, $0xb8;
	[tilespmem:$0xB680] =	vst v63  }
0x139: {  	_ =	swait.ge [sflag:s25], $0x80  }
0x13a: {  	[sflag:s25] =	ssyncset.done $0x0  }
0x13b: {  	[sflag:s25] =	ssyncadd.s32 $0xFFFFFF80  }
0x13c: {  	_ =	swait.ge [sflag:s25], $0x80  }
0x13d: {  	[sflag:s25] =	ssyncset.done $0x0  }
0x13e: {  	[sflag:s25] =	ssyncadd.s32 $0xFFFFFF80  }
0x13f: {  	_ =	swait.ge [sflag:s25], $0x80  }
0x140: {  	[sflag:s25] =	ssyncset.done $0x0  }
0x141: {  	[sflag:s25] =	ssyncadd.s32 $0xFFFFFF80  }
0x142: {  	_ =	swait.ge [sflag:s25], $0x80  }
0x143: {  	[sflag:s25] =	ssyncset.done $0x0  }
0x144: {  	[sflag:s25] =	ssyncadd.s32 $0xFFFFFF80  }
0x145: {  	_ =	swait.ge [sflag:s25], $0x80  }
0x146: {  	[sflag:s25] =	ssyncset.done $0x0  }
0x147: {  	[sflag:s25] =	ssyncadd.s32 $0xFFFFFF80  }
0x148: {  	v2 =	vld [tilespmem:$0x5F00]  }
0x149: {  	v3 =	vld [tilespmem:$0x5F10]  }
0x14a: {  	v13 =	vld [tilespmem:$0x5F20]  }
0x14b: {  	v14 =	vld [tilespmem:$0x5F30]  }
0x14c: {  	v15 =	vld [tilespmem:$0x5F40]  }
0x14d: {  	(erf) = vrcp.f32 v2;
	v2 =	vld [tilespmem:$0x5F50]  }
0x14e: {  	(erf) = vrcp.f32 v3;
	v3 =	vld [tilespmem:$0x5F60]  }
0x14f: {  	v16 =	vld [tilespmem:$0x5F70];
	(erf) = vrcp.f32 v13  }
0x150: {  	v17 =	vld [tilespmem:$0x5F80];
	(erf) = vrcp.f32 v14  }
0x151: {  	v18 =	vld [tilespmem:$0x5F90];
	(erf) = vrcp.f32 v15  }
0x152: {  	(erf) = vrcp.f32 v2;
	v2 =	vld [tilespmem:$0x5FA0]  }
0x153: {  	(erf) = vrcp.f32 v3;
	v3 =	vld [tilespmem:$0x5FB0]  }
0x154: {  	v19 =	vld [tilespmem:$0x5FC0];
	(erf) = vrcp.f32 v16  }
0x155: {  	v20 =	vld [tilespmem:$0x5FD0];
	(erf) = vrcp.f32 v17  }
0x156: {  	v22 =	vld [tilespmem:$0x5FE0];
	v21 =	vpop (erf);
	(erf) = vrcp.f32 v18  }
0x157: {  	[tilespmem:$0x6180] =	vst v21;
	v23 =	vpop (erf);
	(erf) = vrcp.f32 v2;
	v2 =	vld [tilespmem:$0x5FF0]  }
0x158: {  	[tilespmem:$0x6190] =	vst v23;
	v24 =	vpop (erf);
	(erf) = vrcp.f32 v3;
	v3 =	vld [tilespmem:$0x6000]  }
0x159: {  	v26 =	vld [tilespmem:$0x6010];
	[tilespmem:$0x61A0] =	vst v24;
	v25 =	vpop (erf);
	(erf) = vrcp.f32 v19  }
0x15a: {  	v28 =	vld [tilespmem:$0x6020];
	[tilespmem:$0x61B0] =	vst v25;
	v27 =	vpop (erf);
	(erf) = vrcp.f32 v20  }
0x15b: {  	v30 =	vld [tilespmem:$0x6030];
	[tilespmem:$0x61C0] =	vst v27;
	v29 =	vpop (erf);
	(erf) = vrcp.f32 v22  }
0x15c: {  	[tilespmem:$0x61D0] =	vst v29;
	v31 =	vpop (erf);
	(erf) = vrcp.f32 v2;
	v2 =	vld [tilespmem:$0x6040]  }
0x15d: {  	[tilespmem:$0x61E0] =	vst v31;
	v32 =	vpop (erf);
	(erf) = vrcp.f32 v3;
	v3 =	vld [tilespmem:$0x6050]  }
0x15e: {  	v34 =	vld [tilespmem:$0x6060];
	[tilespmem:$0x61F0] =	vst v32;
	v33 =	vpop (erf);
	(erf) = vrcp.f32 v26  }
0x15f: {  	v36 =	vld [tilespmem:$0x6070];
	[tilespmem:$0x6200] =	vst v33;
	v35 =	vpop (erf);
	(erf) = vrcp.f32 v28  }
0x160: {  	v38 =	vld [tilespmem:$0x6080];
	[tilespmem:$0x6210] =	vst v35;
	v37 =	vpop (erf);
	(erf) = vrcp.f32 v30  }
0x161: {  	[tilespmem:$0x6220] =	vst v37;
	v39 =	vpop (erf);
	(erf) = vrcp.f32 v2;
	v2 =	vld [tilespmem:$0x6090]  }
0x162: {  	[tilespmem:$0x6230] =	vst v39;
	v40 =	vpop (erf);
	(erf) = vrcp.f32 v3;
	v3 =	vld [tilespmem:$0x60A0]  }
0x163: {  	v42 =	vld [tilespmem:$0x60B0];
	[tilespmem:$0x6240] =	vst v40;
	v41 =	vpop (erf);
	(erf) = vrcp.f32 v34  }
0x164: {  	v44 =	vld [tilespmem:$0x60C0];
	[tilespmem:$0x6250] =	vst v41;
	v43 =	vpop (erf);
	(erf) = vrcp.f32 v36  }
0x165: {  	v46 =	vld [tilespmem:$0x60D0];
	[tilespmem:$0x6260] =	vst v43;
	v45 =	vpop (erf);
	(erf) = vrcp.f32 v38  }
0x166: {  	[tilespmem:$0x6270] =	vst v45;
	v47 =	vpop (erf);
	(erf) = vrcp.f32 v2;
	v2 =	vld [tilespmem:$0x60E0]  }
0x167: {  	[tilespmem:$0x6280] =	vst v47;
	v48 =	vpop (erf);
	(erf) = vrcp.f32 v3;
	v3 =	vld [tilespmem:$0x60F0]  }
0x168: {  	v50 =	vld [tilespmem:$0x6100];
	[tilespmem:$0x6290] =	vst v48;
	v49 =	vpop (erf);
	(erf) = vrcp.f32 v42  }
0x169: {  	v52 =	vld [tilespmem:$0x6110];
	[tilespmem:$0x62A0] =	vst v49;
	v51 =	vpop (erf);
	(erf) = vrcp.f32 v44  }
0x16a: {  	v54 =	vld [tilespmem:$0x6120];
	[tilespmem:$0x62B0] =	vst v51;
	v53 =	vpop (erf);
	(erf) = vrcp.f32 v46  }
0x16b: {  	[tilespmem:$0x62C0] =	vst v53;
	v55 =	vpop (erf);
	(erf) = vrcp.f32 v2;
	v2 =	vld [tilespmem:$0x6130]  }
0x16c: {  	[tilespmem:$0x62D0] =	vst v55;
	v56 =	vpop (erf);
	(erf) = vrcp.f32 v3;
	v3 =	vld [tilespmem:$0x6140]  }
0x16d: {  	v58 =	vld [tilespmem:$0x6150];
	[tilespmem:$0x62E0] =	vst v56;
	v57 =	vpop (erf);
	(erf) = vrcp.f32 v50  }
0x16e: {  	v60 =	vld [tilespmem:$0x6160];
	[tilespmem:$0x62F0] =	vst v57;
	v59 =	vpop (erf);
	(erf) = vrcp.f32 v52  }
0x16f: {  	v62 =	vld [tilespmem:$0x6170];
	[tilespmem:$0x6300] =	vst v59;
	v61 =	vpop (erf);
	(erf) = vrcp.f32 v54  }
0x170: {  	[tilespmem:$0x6310] =	vst v61;
	v63 =	vpop (erf);
	(erf) = vrcp.f32 v2  }
0x171: {  	[tilespmem:$0x6320] =	vst v63;
	v2 =	vpop (erf);
	(erf) = vrcp.f32 v3  }
0x172: {  	[tilespmem:$0x6330] =	vst v2;
	v2 =	vpop (erf);
	(erf) = vrcp.f32 v58  }
0x173: {  	[tilespmem:$0x6340] =	vst v2;
	v2 =	vpop (erf);
	(erf) = vrcp.f32 v60  }
0x174: {  	[tilespmem:$0x6350] =	vst v2;
	v2 =	vpop (erf);
	(erf) = vrcp.f32 v62  }
0x175: {  	v3 =	vpop (erf);
	[tilespmem:$0x6360] =	vst v2  }
0x176: {  	v2 =	vpop (erf);
	[tilespmem:$0x6370] =	vst v3  }
0x177: {  	v3 =	vpop (erf);
	[tilespmem:$0x6380] =	vst v2  }
0x178: {  	v2 =	vpop (erf);
	[tilespmem:$0x6390] =	vst v3  }
0x179: {  	v3 =	vpop (erf);
	[tilespmem:$0x63A0] =	vst v2  }
0x17a: {  	v2 =	vpop (erf);
	[tilespmem:$0x63B0] =	vst v3  }
0x17b: {  	v3 =	vpop (erf);
	[tilespmem:$0x63C0] =	vst v2  }
0x17c: {  	s4 =	sadd.s32 $0x1, s4;
	v2 =	vpop (erf);
	[tilespmem:$0x63D0] =	vst v3  }
0x17d: {  	p1 =	sne.s32 s4, s20;
	[tilespmem:$0x63E0] =	vst v2;
	v2 =	vpop (erf)  }
.Ltmp2:
0x17e: {  	s8 =	simm.s32 $0x0;
	s26 =	simm.s32 $0x6180;
	[tilespmem:$0x63F0] =	vst v2;
	(pc) =	sbr.rel @p1 .LBB2_1-.Ltmp2, $4  }
0x17f: {  	[hbm4b:s19+s8] =	stream.linear.scatter [tilespmem:s26], [sflag:$0x2], $0x280, $0x38;
	[tilespmem:$0xB680] =	vst v63  }
0x180: {  	_ =	swait.ge [sflag:s22], $0x280  }
0x181: {  	[sflag:s22] =	ssyncset.done $0x0  }
0x182: {  	[sflag:s22] =	ssyncadd.s32 $0xFFFFFD80  }
0x183: {  	_ =	sfence.sel $0x180000  }
0x184: {  	[bflag:$0x0] =	sbarrier.arrive $0xFFFF  }
0x185: {  	_ =	strace $0x9000004A  }
0x186: {  	s0 =	stileid.u32;
	[bflag:$0x2] =	sbarrier.arrive $0xFFFF  }
0x187: {  	p0 =	sne.s32 s0, $0x0;
	s0 =	rddreg [dreg:$0x3]  }
0x188: {  	s0 =	sadd.s32 @!p0 $0x100000, s0  }
0x189: {  	[sflag:s0] =	ssyncadd.tile.s32 @!p0 $0x1;
	_ =	shalt  }
.Lfunc_end2:
_tile_overlayer_lowered:
.L_overlay_start_2:
0x18a: {  	(tag) =	ssettag $0x2  }
0x18b: {  	s0 =	rddreg [dreg:$0x0];
	s2 =	stileid.u32  }
0x18c: {  	s1 =	rddreg [dreg:$0x1];
	p0 =	sne.s32 s2, $0x0  }
0x18d: {  	s3 =	rddreg [dreg:$0x2];
	[bflag:$0x3] =	sbarrier.arrive $0xFFFF;
	s2 =	simm.s32 @!p0 $0x1C02  }
0x18e: {  	[timem:s3], [sflag:s2] =	dma.local @!p0 [hbm:s0], s1  }
0x18f: {  	s0 =	simm.s32 @!p0 $0x2  }
0x190: {  	_ =	swait.ge @!p0 [sflag:s0], s1  }
0x191: {  	s1 =	ssub.s32 @!p0 $0x0, s1;
	[sflag:s0] =	ssyncset.done @!p0 $0x0  }
0x192: {  	[sflag:s0] =	ssyncadd.s32 @!p0 s1  }
0x193: {  	[bflag:$0x3] =	sbarrier.arrive $0xFFFF  }
0x194: {  	_ =	shalt  }

</sc_bundles>
